<compile_context>
chip_gen: v7x
topology: tpu7x:2x2x1
jax: 0.10.2.dev20260603
libtpu: 0.0.44.dev20260713+nightly
codegen_flags: <defaults>
</compile_context>

<pallas_src>
import functools

import jax
import jax.numpy as jnp
from jax import lax
from jax.experimental import pallas as pl
from jax.experimental.pallas import tpu as pltpu
from jax.experimental.pallas import tpu_sc as plsc

N_NODES = 10000
N_EDGES = 320000
H = 8
D = 16
HD = H * D
EXW = 16
ALPHA = 0.2

NC = 2
NS = 16
EPT = N_EDGES // (NC * NS)
C = 40
NCH = EPT // C
RPT = 624
STAGE = (80, 80, 80, 80, 80, 80, 80, 64)
TAIL = N_NODES - NS * RPT



def _k1_body(x_ref, w_ref, ex_ref):
    x = x_ref[...]
    w = w_ref[...]
    a = jnp.dot(x, w, preferred_element_type=jnp.float32)
    a = jnp.where(a >= 0, a, ALPHA * a)
    ex_ref[...] = jnp.exp(a)


def _edge_logits(edge_emb, w_blockdiag):
    B = 2000
    grid = (N_EDGES // B,)
    return pl.pallas_call(
        _k1_body,
        grid=grid,
        in_specs=[
            pl.BlockSpec((B, HD), lambda i: (i, 0)),
            pl.BlockSpec((HD, EXW), lambda i: (0, 0)),
        ],
        out_specs=pl.BlockSpec((B, EXW), lambda i: (i, 0)),
        out_shape=jax.ShapeDtypeStruct((N_EDGES, EXW), jnp.float32),
    )(edge_emb, w_blockdiag)



def _k2_body(node_h, ee_h, exf_h, src_h, dst_h,
             acc_out, smb_out,
             ee_v0, ee_v1, nd_v0, nd_v1, exf_v0, exf_v1,
             src_v0, src_v1, dst_v0, dst_v1,
             acc_s, lsem0, lsem1, gsem0, gsem1, ssem0, ssem1):
    c = lax.axis_index("c")
    s = lax.axis_index("s")
    row0 = s * RPT
    zvec = jnp.zeros((D,), jnp.float32)
    ones = jnp.ones((D,), jnp.float32)
    edge0 = c * (NS * EPT) + s * EPT

    ee_v = (ee_v0, ee_v1)
    nd_v = (nd_v0, nd_v1)
    exf_v = (exf_v0, exf_v1)
    src_v = (src_v0, src_v1)
    dst_v = (dst_v0, dst_v1)
    lsem = (lsem0, lsem1)
    gsem = (gsem0, gsem1)
    ssem = (ssem0, ssem1)

    def chunk_base(i):
        return edge0 + (i % NCH) * C

    def issue_loads_a(i, b):
        base = chunk_base(i)
        pltpu.async_copy(src_h.at[pl.ds(base, C)], src_v[b], lsem[b])
        pltpu.async_copy(dst_h.at[pl.ds(base, C)], dst_v[b], lsem[b])
        pltpu.async_copy(ee_h.at[pl.ds(base, C), :], ee_v[b], lsem[b])
        pltpu.async_copy(exf_h.at[pl.ds(base * EXW, C * EXW)], exf_v[b], lsem[b])

    def wait_loads_a(i, b):
        base = chunk_base(i)
        pltpu.make_async_copy(src_h.at[pl.ds(base, C)], src_v[b], lsem[b]).wait()
        pltpu.make_async_copy(dst_h.at[pl.ds(base, C)], dst_v[b], lsem[b]).wait()
        pltpu.make_async_copy(ee_h.at[pl.ds(base, C), :], ee_v[b], lsem[b]).wait()
        pltpu.make_async_copy(exf_h.at[pl.ds(base * EXW, C * EXW)], exf_v[b],
                              lsem[b]).wait()

    def issue_loads_b(i, b):
        base = chunk_base(i)
        pltpu.async_copy(dst_h.at[pl.ds(base, C)], dst_v[b], lsem[b])
        pltpu.async_copy(exf_h.at[pl.ds(base * EXW, C * EXW)], exf_v[b], lsem[b])

    def wait_loads_b(i, b):
        base = chunk_base(i)
        pltpu.make_async_copy(dst_h.at[pl.ds(base, C)], dst_v[b], lsem[b]).wait()
        pltpu.make_async_copy(exf_h.at[pl.ds(base * EXW, C * EXW)], exf_v[b],
                              lsem[b]).wait()

    def wait_scatter(b):
        pltpu.make_async_copy(ee_v[b], acc_s.at[dst_v[b]], ssem[b]).wait()

    def zero_acc():
        @pl.loop(0, C)
        def _zrow(r):
            for h in range(H):
                ee_v0[r, pl.ds(h * D, D)] = zvec
                ee_v1[r, pl.ds(h * D, D)] = zvec

        r0 = row0
        for zch in STAGE:
            hlf = zch // 2
            pltpu.sync_copy(ee_v0.at[pl.ds(0, hlf), :], acc_s.at[pl.ds(r0, hlf), :])
            pltpu.sync_copy(ee_v1.at[pl.ds(0, hlf), :],
                            acc_s.at[pl.ds(r0 + hlf, hlf), :])
            r0 = r0 + zch

        @pl.when(s == NS - 1)
        def _zero_tail():
            t0 = NS * RPT
            pltpu.sync_copy(ee_v0.at[pl.ds(0, TAIL), :], acc_s.at[pl.ds(t0, TAIL), :])

    def write_acc(out_ref):
        r0 = row0
        for zch in STAGE:
            hlf = zch // 2
            pltpu.sync_copy(acc_s.at[pl.ds(r0, hlf), :], ee_v0.at[pl.ds(0, hlf), :])
            pltpu.sync_copy(acc_s.at[pl.ds(r0 + hlf, hlf), :],
                            ee_v1.at[pl.ds(0, hlf), :])
            pltpu.sync_copy(ee_v0.at[pl.ds(0, hlf), :],
                            out_ref.at[c, pl.ds(r0, hlf), :])
            pltpu.sync_copy(ee_v1.at[pl.ds(0, hlf), :],
                            out_ref.at[c, pl.ds(r0 + hlf, hlf), :])
            r0 = r0 + zch

        @pl.when(s == NS - 1)
        def _write_tail():
            t0 = NS * RPT
            pltpu.sync_copy(acc_s.at[pl.ds(t0, TAIL), :], ee_v0.at[pl.ds(0, TAIL), :])
            pltpu.sync_copy(ee_v0.at[pl.ds(0, TAIL), :],
                            out_ref.at[c, pl.ds(t0, TAIL), :])

    zero_acc()
    plsc.subcore_barrier()

    issue_loads_a(0, 0)

    @pl.loop(0, NCH, step=2)
    def _chunk(i0):
        for b in (0, 1):
            i = i0 + b
            wait_loads_a(i, b)
            pltpu.async_copy(node_h.at[src_v[b]], nd_v[b], gsem[b])
            if b == 0:
                @pl.when(i0 >= 1)
                def _ws():
                    wait_scatter(1)
            else:
                wait_scatter(0)
            issue_loads_a(i + 1, b ^ 1)
            pltpu.make_async_copy(node_h.at[src_v[b]], nd_v[b], gsem[b]).wait()

            @pl.loop(0, C)
            def _edge(e):
                exv = exf_v[b][pl.ds(e * EXW, EXW)]
                for h in range(H):
                    sl = pl.ds(h * D, D)
                    ee_v[b][e, sl] = exv[h] * (ee_v[b][e, sl] * nd_v[b][e, sl])

            pltpu.async_copy(ee_v[b], acc_s.at[dst_v[b]], ssem[b], add=True)

    wait_scatter(1)
    wait_loads_a(0, 0)

    plsc.subcore_barrier()
    write_acc(acc_out)
    plsc.subcore_barrier()

    zero_acc()
    plsc.subcore_barrier()

    issue_loads_b(0, 0)

    @pl.loop(0, NCH, step=2)
    def _chunk_b(i0):
        for b in (0, 1):
            i = i0 + b
            wait_loads_b(i, b)
            if b == 0:
                @pl.when(i0 >= 1)
                def _ws():
                    wait_scatter(1)
            else:
                wait_scatter(0)
            issue_loads_b(i + 1, b ^ 1)

            @pl.loop(0, C)
            def _edge_b(e):
                exv = exf_v[b][pl.ds(e * EXW, EXW)]
                for h in range(H):
                    ee_v[b][e, pl.ds(h * D, D)] = exv[h] * ones

            pltpu.async_copy(ee_v[b], acc_s.at[dst_v[b]], ssem[b], add=True)

    wait_scatter(1)
    wait_loads_b(0, 0)

    plsc.subcore_barrier()
    write_acc(smb_out)


def _aggregate(node_emb, edge_emb, exf, src, dst):
    mesh = plsc.VectorSubcoreMesh(
        core_axis_name="c", subcore_axis_name="s", num_cores=NC, num_subcores=NS)
    k = functools.partial(
        pl.kernel,
        out_type=(
            jax.ShapeDtypeStruct((NC, N_NODES, HD), jnp.float32),
            jax.ShapeDtypeStruct((NC, N_NODES, HD), jnp.float32),
        ),
        mesh=mesh,
        scratch_types=[
            pltpu.VMEM((C, HD), jnp.float32),
            pltpu.VMEM((C, HD), jnp.float32),
            pltpu.VMEM((C, HD), jnp.float32),
            pltpu.VMEM((C, HD), jnp.float32),
            pltpu.VMEM((C * EXW,), jnp.float32),
            pltpu.VMEM((C * EXW,), jnp.float32),
            pltpu.VMEM((C,), jnp.int32),
            pltpu.VMEM((C,), jnp.int32),
            pltpu.VMEM((C,), jnp.int32),
            pltpu.VMEM((C,), jnp.int32),
            pltpu.VMEM_SHARED((N_NODES, HD), jnp.float32),
            pltpu.SemaphoreType.DMA,
            pltpu.SemaphoreType.DMA,
            pltpu.SemaphoreType.DMA,
            pltpu.SemaphoreType.DMA,
            pltpu.SemaphoreType.DMA,
            pltpu.SemaphoreType.DMA,
        ],
    )(_k2_body)
    return k(node_emb, edge_emb, exf, src, dst)



def _k3_body(acc_ref, smb_ref, out_ref):
    a = acc_ref[0] + acc_ref[1]
    sm = smb_ref[0] + smb_ref[1] + jnp.float32(1e-16)
    out_ref[...] = a / sm


def _normalize(acc_p, smb_p):
    B = 2000
    grid = (N_NODES // B,)
    return pl.pallas_call(
        _k3_body,
        grid=grid,
        in_specs=[
            pl.BlockSpec((NC, B, HD), lambda i: (0, i, 0)),
            pl.BlockSpec((NC, B, HD), lambda i: (0, i, 0)),
        ],
        out_specs=pl.BlockSpec((B, HD), lambda i: (i, 0)),
        out_shape=jax.ShapeDtypeStruct((N_NODES, HD), jnp.float32),
    )(acc_p, smb_p)



def kernel(node_emb, edge_emb, attn_w, edge_index):
    src = edge_index[0].astype(jnp.int32)
    dst = edge_index[1].astype(jnp.int32)
    w2 = attn_w[:, :, 0]
    wbd = (jnp.eye(H, dtype=jnp.float32)[:, None, :]
           * w2[:, :, None]).reshape(HD, H)
    w16 = jnp.concatenate([wbd, jnp.zeros((HD, EXW - H), jnp.float32)], axis=1)

    ex = _edge_logits(edge_emb, w16)
    exf = ex.reshape(N_EDGES * EXW)
    acc_p, smb_p = _aggregate(node_emb, edge_emb, exf, src, dst)
    return _normalize(acc_p, smb_p)

# --- scband reference (transcript-rebuilt; emitter-appended) ---
"""Pipeline reference for scband-magic-attn-56478819943055 (READ-ONLY COPY).

The authoritative reference and input builder live on the scoring server;
editing this copy changes nothing except your own understanding.
"""

import jax, jax.numpy as jnp
import numpy as np

N_NODES = 10000
N_EDGES = 320000
N_HEADS = 8
EDGE_DIM = 16  # per-head
NODE_DIM = 128
ALPHA = 0.2


def setup_inputs(seed: int = 0) -> dict:
    key = jax.random.key(seed)
    k1, k2, k3, k4 = jax.random.split(key, 4)
    node_emb = jax.random.normal(k1, (N_NODES, NODE_DIM), dtype=jnp.float32)
    edge_emb = jax.random.normal(k2, (N_EDGES, N_HEADS * EDGE_DIM), dtype=jnp.float32)
    edge_index = jax.random.randint(k3, (2, N_EDGES), 0, N_NODES, dtype=jnp.int64)
    # MultiLinear weight: [n_linears, in_features, out_features] = [n_heads, edge_dim, 1]
    # xavier_normal with leaky_relu gain
    gain = float(np.sqrt(2.0 / (1.0 + ALPHA ** 2)))
    std = gain * float(np.sqrt(2.0 / (EDGE_DIM + 1)))
    attn_w = jax.random.normal(k4, (N_HEADS, EDGE_DIM, 1), dtype=jnp.float32) * std
    return {"node_emb": node_emb, "edge_emb": edge_emb, "attn_w": attn_w, "edge_index": edge_index}


def reference(node_emb, edge_emb, attn_w, edge_index):
    src = edge_index[0]
    dst = edge_index[1]
    E = edge_emb.shape[0]
    N = node_emb.shape[0]
    H, D = N_HEADS, EDGE_DIM
    x = edge_emb.reshape(E, H, D)
    # MultiLinear: per-head linear edge_dim -> 1 (no bias)
    alpha = jnp.einsum('ehd,hdo->eho', x, attn_w)  # [E, H, 1]
    # LeakyReLU
    alpha = jnp.where(alpha >= 0, alpha, ALPHA * alpha)
    a = alpha[..., 0]  # [E, H]
    # edge_softmax over incoming edges per dst node, per head
    mx = jax.ops.segment_max(a, dst, num_segments=N)  # [N, H]
    mx = jnp.where(jnp.isfinite(mx), mx, 0.0)
    mx = jax.lax.stop_gradient(mx)
    ex = jnp.exp(a - mx[dst])  # [E, H]
    sm = jax.ops.segment_sum(ex, dst, num_segments=N)  # [N, H]
    att = ex / (sm[dst] + 1e-16)  # [E, H]
    # a_edge = softmax * edge emb per head
    a_edge = att[..., None] * x  # [E, H, D]
    # message = src node emb (per-head) * a_edge; sum into dst
    src_feat = node_emb.reshape(N, H, D)[src]  # [E, H, D]
    msg = src_feat * a_edge  # [E, H, D]
    out = jax.ops.segment_sum(msg, dst, num_segments=N)  # [N, H, D]
    return out.reshape(N, H * D)

if __name__ == "__main__":
    import jax
    _d = setup_inputs()
    print(jax.jit(kernel)(*tuple(_d.values())))

</pallas_src>

<mosaic_0001>
#map = affine_map<(d0, d1) -> (0, 0)>
#map1 = affine_map<(d0, d1) -> (0)>
#map2 = affine_map<(d0, d1) -> (0, 0, 0)>
module attributes {stable_mosaic.version = 14 : i64} {
  func.func @_k2_body(%arg0: i32, %arg1: i32, %arg2: memref<10000x128xf32, #tpu.memory_space<hbm>>, %arg3: memref<320000x128xf32, #tpu.memory_space<hbm>>, %arg4: memref<5120000xf32, #tpu.memory_space<hbm>>, %arg5: memref<320000xi32, #tpu.memory_space<hbm>>, %arg6: memref<320000xi32, #tpu.memory_space<hbm>>, %arg7: memref<2x10000x128xf32, #tpu.memory_space<hbm>>, %arg8: memref<2x10000x128xf32, #tpu.memory_space<hbm>>, %arg9: memref<40x128xf32, #tpu.memory_space<vmem>>, %arg10: memref<40x128xf32, #tpu.memory_space<vmem>>, %arg11: memref<40x128xf32, #tpu.memory_space<vmem>>, %arg12: memref<40x128xf32, #tpu.memory_space<vmem>>, %arg13: memref<640xf32, #tpu.memory_space<vmem>>, %arg14: memref<640xf32, #tpu.memory_space<vmem>>, %arg15: memref<40xi32, #tpu.memory_space<vmem>>, %arg16: memref<40xi32, #tpu.memory_space<vmem>>, %arg17: memref<40xi32, #tpu.memory_space<vmem>>, %arg18: memref<40xi32, #tpu.memory_space<vmem>>, %arg19: memref<10000x128xf32, #tpu.memory_space<vmem_shared>>, %arg20: memref<!tpu.dma_semaphore, #tpu.memory_space<semaphore_mem>>, %arg21: memref<!tpu.dma_semaphore, #tpu.memory_space<semaphore_mem>>, %arg22: memref<!tpu.dma_semaphore, #tpu.memory_space<semaphore_mem>>, %arg23: memref<!tpu.dma_semaphore, #tpu.memory_space<semaphore_mem>>, %arg24: memref<!tpu.dma_semaphore, #tpu.memory_space<semaphore_mem>>, %arg25: memref<!tpu.dma_semaphore, #tpu.memory_space<semaphore_mem>>) attributes {dimension_semantics = [#tpu.dimension_semantics<core_parallel>, #tpu.dimension_semantics<subcore_parallel>], iteration_bounds = array<i64: 2, 16>, scalar_prefetch = 0 : i64, scratch_operands = 17 : i64, tpu.core_type = #tpu.core_type<sc_vector_subcore>, window_params = [{transform_indices = #map}, {transform_indices = #map}, {transform_indices = #map1}, {transform_indices = #map1}, {transform_indices = #map1}, {transform_indices = #map2}, {transform_indices = #map2}]} {
    %mul3A = arith.constant 624 : i32
    %mul3A_0 = arith.muli %arg1, %mul3A : i32
    %broadcast_in_dim3A = arith.constant 0.000000e+00 : f32
    %broadcast_in_dim3A_1 = vector.broadcast %broadcast_in_dim3A : f32 to vector<16xf32>
    %broadcast_in_dim3A_2 = arith.constant 1.000000e+00 : f32
    %broadcast_in_dim3A_3 = vector.broadcast %broadcast_in_dim3A_2 : f32 to vector<16xf32>
    %mul3A_4 = arith.constant 160000 : i32
    %mul3A_5 = arith.muli %arg0, %mul3A_4 : i32
    %mul3A_6 = arith.constant 10000 : i32
    %mul3A_7 = arith.muli %arg1, %mul3A_6 : i32
    %add3A = arith.addi %mul3A_5, %mul3A_7 : i32
    %scan3A = arith.constant 0 : i32
    %scan3A_8 = arith.constant 40 : i32
    %scan3A_9 = arith.addi %scan3A, %scan3A_8 : i32
    %scan3A_10 = arith.constant 1 : i32
    scf.for %scan3A_256 = %scan3A to %scan3A_9 step %scan3A_10  : i32 {
      %mul3A_257 = arith.constant 1 : i32
      %mul3A_258 = arith.muli %scan3A_256, %mul3A_257 : i32
      %add3A_259 = arith.constant 0 : i32
      %add3A_260 = arith.addi %add3A_259, %mul3A_258 : i32
      %swap3A = arith.index_cast %add3A_260 : i32 to index
      %swap3A_261 = arith.constant 0 : index
      %swap3A_262 = tpu.vector_load %arg9[%swap3A, %swap3A_261] {strides = array<i32>} : memref<40x128xf32, #tpu.memory_space<vmem>>, vector<1x16xf32>,
      %swap3A_263 = vector.shape_cast %swap3A_262 : vector<1x16xf32> to vector<16xf32>
      %swap3A_264 = vector.shape_cast %broadcast_in_dim3A_1 : vector<16xf32> to vector<1x16xf32>
      tpu.vector_store %arg9[%swap3A, %swap3A_261], %swap3A_264 {strides = array<i32>} : memref<40x128xf32, #tpu.memory_space<vmem>>, vector<1x16xf32>,
      %swap3A_265 = arith.index_cast %add3A_260 : i32 to index
      %swap3A_266 = arith.constant 0 : index
      %swap3A_267 = tpu.vector_load %arg10[%swap3A_265, %swap3A_266] {strides = array<i32>} : memref<40x128xf32, #tpu.memory_space<vmem>>, vector<1x16xf32>,
      %swap3A_268 = vector.shape_cast %swap3A_267 : vector<1x16xf32> to vector<16xf32>
      %swap3A_269 = vector.shape_cast %broadcast_in_dim3A_1 : vector<16xf32> to vector<1x16xf32>
      tpu.vector_store %arg10[%swap3A_265, %swap3A_266], %swap3A_269 {strides = array<i32>} : memref<40x128xf32, #tpu.memory_space<vmem>>, vector<1x16xf32>,
      %swap3A_270 = arith.index_cast %add3A_260 : i32 to index
      %swap3A_271 = arith.constant 16 : index
      %swap3A_272 = tpu.vector_load %arg9[%swap3A_270, %swap3A_271] {strides = array<i32>} : memref<40x128xf32, #tpu.memory_space<vmem>>, vector<1x16xf32>,
      %swap3A_273 = vector.shape_cast %swap3A_272 : vector<1x16xf32> to vector<16xf32>
      %swap3A_274 = vector.shape_cast %broadcast_in_dim3A_1 : vector<16xf32> to vector<1x16xf32>
      tpu.vector_store %arg9[%swap3A_270, %swap3A_271], %swap3A_274 {strides = array<i32>} : memref<40x128xf32, #tpu.memory_space<vmem>>, vector<1x16xf32>,
      %swap3A_275 = arith.index_cast %add3A_260 : i32 to index
      %swap3A_276 = arith.constant 16 : index
      %swap3A_277 = tpu.vector_load %arg10[%swap3A_275, %swap3A_276] {strides = array<i32>} : memref<40x128xf32, #tpu.memory_space<vmem>>, vector<1x16xf32>,
      %swap3A_278 = vector.shape_cast %swap3A_277 : vector<1x16xf32> to vector<16xf32>
      %swap3A_279 = vector.shape_cast %broadcast_in_dim3A_1 : vector<16xf32> to vector<1x16xf32>
      tpu.vector_store %arg10[%swap3A_275, %swap3A_276], %swap3A_279 {strides = array<i32>} : memref<40x128xf32, #tpu.memory_space<vmem>>, vector<1x16xf32>,
      %swap3A_280 = arith.index_cast %add3A_260 : i32 to index
      %swap3A_281 = arith.constant 32 : index
      %swap3A_282 = tpu.vector_load %arg9[%swap3A_280, %swap3A_281] {strides = array<i32>} : memref<40x128xf32, #tpu.memory_space<vmem>>, vector<1x16xf32>,
      %swap3A_283 = vector.shape_cast %swap3A_282 : vector<1x16xf32> to vector<16xf32>
      %swap3A_284 = vector.shape_cast %broadcast_in_dim3A_1 : vector<16xf32> to vector<1x16xf32>
      tpu.vector_store %arg9[%swap3A_280, %swap3A_281], %swap3A_284 {strides = array<i32>} : memref<40x128xf32, #tpu.memory_space<vmem>>, vector<1x16xf32>,
      %swap3A_285 = arith.index_cast %add3A_260 : i32 to index
      %swap3A_286 = arith.constant 32 : index
      %swap3A_287 = tpu.vector_load %arg10[%swap3A_285, %swap3A_286] {strides = array<i32>} : memref<40x128xf32, #tpu.memory_space<vmem>>, vector<1x16xf32>,
      %swap3A_288 = vector.shape_cast %swap3A_287 : vector<1x16xf32> to vector<16xf32>
      %swap3A_289 = vector.shape_cast %broadcast_in_dim3A_1 : vector<16xf32> to vector<1x16xf32>
      tpu.vector_store %arg10[%swap3A_285, %swap3A_286], %swap3A_289 {strides = array<i32>} : memref<40x128xf32, #tpu.memory_space<vmem>>, vector<1x16xf32>,
      %swap3A_290 = arith.index_cast %add3A_260 : i32 to index
      %swap3A_291 = arith.constant 48 : index
      %swap3A_292 = tpu.vector_load %arg9[%swap3A_290, %swap3A_291] {strides = array<i32>} : memref<40x128xf32, #tpu.memory_space<vmem>>, vector<1x16xf32>,
      %swap3A_293 = vector.shape_cast %swap3A_292 : vector<1x16xf32> to vector<16xf32>
      %swap3A_294 = vector.shape_cast %broadcast_in_dim3A_1 : vector<16xf32> to vector<1x16xf32>
      tpu.vector_store %arg9[%swap3A_290, %swap3A_291], %swap3A_294 {strides = array<i32>} : memref<40x128xf32, #tpu.memory_space<vmem>>, vector<1x16xf32>,
      %swap3A_295 = arith.index_cast %add3A_260 : i32 to index
      %swap3A_296 = arith.constant 48 : index
      %swap3A_297 = tpu.vector_load %arg10[%swap3A_295, %swap3A_296] {strides = array<i32>} : memref<40x128xf32, #tpu.memory_space<vmem>>, vector<1x16xf32>,
      %swap3A_298 = vector.shape_cast %swap3A_297 : vector<1x16xf32> to vector<16xf32>
      %swap3A_299 = vector.shape_cast %broadcast_in_dim3A_1 : vector<16xf32> to vector<1x16xf32>
      tpu.vector_store %arg10[%swap3A_295, %swap3A_296], %swap3A_299 {strides = array<i32>} : memref<40x128xf32, #tpu.memory_space<vmem>>, vector<1x16xf32>,
      %swap3A_300 = arith.index_cast %add3A_260 : i32 to index
      %swap3A_301 = arith.constant 64 : index
      %swap3A_302 = tpu.vector_load %arg9[%swap3A_300, %swap3A_301] {strides = array<i32>} : memref<40x128xf32, #tpu.memory_space<vmem>>, vector<1x16xf32>,
      %swap3A_303 = vector.shape_cast %swap3A_302 : vector<1x16xf32> to vector<16xf32>
      %swap3A_304 = vector.shape_cast %broadcast_in_dim3A_1 : vector<16xf32> to vector<1x16xf32>
      tpu.vector_store %arg9[%swap3A_300, %swap3A_301], %swap3A_304 {strides = array<i32>} : memref<40x128xf32, #tpu.memory_space<vmem>>, vector<1x16xf32>,
      %swap3A_305 = arith.index_cast %add3A_260 : i32 to index
      %swap3A_306 = arith.constant 64 : index
      %swap3A_307 = tpu.vector_load %arg10[%swap3A_305, %swap3A_306] {strides = array<i32>} : memref<40x128xf32, #tpu.memory_space<vmem>>, vector<1x16xf32>,
      %swap3A_308 = vector.shape_cast %swap3A_307 : vector<1x16xf32> to vector<16xf32>
      %swap3A_309 = vector.shape_cast %broadcast_in_dim3A_1 : vector<16xf32> to vector<1x16xf32>
      tpu.vector_store %arg10[%swap3A_305, %swap3A_306], %swap3A_309 {strides = array<i32>} : memref<40x128xf32, #tpu.memory_space<vmem>>, vector<1x16xf32>,
      %swap3A_310 = arith.index_cast %add3A_260 : i32 to index
      %swap3A_311 = arith.constant 80 : index
      %swap3A_312 = tpu.vector_load %arg9[%swap3A_310, %swap3A_311] {strides = array<i32>} : memref<40x128xf32, #tpu.memory_space<vmem>>, vector<1x16xf32>,
      %swap3A_313 = vector.shape_cast %swap3A_312 : vector<1x16xf32> to vector<16xf32>
      %swap3A_314 = vector.shape_cast %broadcast_in_dim3A_1 : vector<16xf32> to vector<1x16xf32>
      tpu.vector_store %arg9[%swap3A_310, %swap3A_311], %swap3A_314 {strides = array<i32>} : memref<40x128xf32, #tpu.memory_space<vmem>>, vector<1x16xf32>,
      %swap3A_315 = arith.index_cast %add3A_260 : i32 to index
      %swap3A_316 = arith.constant 80 : index
      %swap3A_317 = tpu.vector_load %arg10[%swap3A_315, %swap3A_316] {strides = array<i32>} : memref<40x128xf32, #tpu.memory_space<vmem>>, vector<1x16xf32>,
      %swap3A_318 = vector.shape_cast %swap3A_317 : vector<1x16xf32> to vector<16xf32>
      %swap3A_319 = vector.shape_cast %broadcast_in_dim3A_1 : vector<16xf32> to vector<1x16xf32>
      tpu.vector_store %arg10[%swap3A_315, %swap3A_316], %swap3A_319 {strides = array<i32>} : memref<40x128xf32, #tpu.memory_space<vmem>>, vector<1x16xf32>,
      %swap3A_320 = arith.index_cast %add3A_260 : i32 to index
      %swap3A_321 = arith.constant 96 : index
      %swap3A_322 = tpu.vector_load %arg9[%swap3A_320, %swap3A_321] {strides = array<i32>} : memref<40x128xf32, #tpu.memory_space<vmem>>, vector<1x16xf32>,
      %swap3A_323 = vector.shape_cast %swap3A_322 : vector<1x16xf32> to vector<16xf32>
      %swap3A_324 = vector.shape_cast %broadcast_in_dim3A_1 : vector<16xf32> to vector<1x16xf32>
      tpu.vector_store %arg9[%swap3A_320, %swap3A_321], %swap3A_324 {strides = array<i32>} : memref<40x128xf32, #tpu.memory_space<vmem>>, vector<1x16xf32>,
      %swap3A_325 = arith.index_cast %add3A_260 : i32 to index
      %swap3A_326 = arith.constant 96 : index
      %swap3A_327 = tpu.vector_load %arg10[%swap3A_325, %swap3A_326] {strides = array<i32>} : memref<40x128xf32, #tpu.memory_space<vmem>>, vector<1x16xf32>,
      %swap3A_328 = vector.shape_cast %swap3A_327 : vector<1x16xf32> to vector<16xf32>
      %swap3A_329 = vector.shape_cast %broadcast_in_dim3A_1 : vector<16xf32> to vector<1x16xf32>
      tpu.vector_store %arg10[%swap3A_325, %swap3A_326], %swap3A_329 {strides = array<i32>} : memref<40x128xf32, #tpu.memory_space<vmem>>, vector<1x16xf32>,
      %swap3A_330 = arith.index_cast %add3A_260 : i32 to index
      %swap3A_331 = arith.constant 112 : index
      %swap3A_332 = tpu.vector_load %arg9[%swap3A_330, %swap3A_331] {strides = array<i32>} : memref<40x128xf32, #tpu.memory_space<vmem>>, vector<1x16xf32>,
      %swap3A_333 = vector.shape_cast %swap3A_332 : vector<1x16xf32> to vector<16xf32>
      %swap3A_334 = vector.shape_cast %broadcast_in_dim3A_1 : vector<16xf32> to vector<1x16xf32>
      tpu.vector_store %arg9[%swap3A_330, %swap3A_331], %swap3A_334 {strides = array<i32>} : memref<40x128xf32, #tpu.memory_space<vmem>>, vector<1x16xf32>,
      %swap3A_335 = arith.index_cast %add3A_260 : i32 to index
      %swap3A_336 = arith.constant 112 : index
      %swap3A_337 = tpu.vector_load %arg10[%swap3A_335, %swap3A_336] {strides = array<i32>} : memref<40x128xf32, #tpu.memory_space<vmem>>, vector<1x16xf32>,
      %swap3A_338 = vector.shape_cast %swap3A_337 : vector<1x16xf32> to vector<16xf32>
      %swap3A_339 = vector.shape_cast %broadcast_in_dim3A_1 : vector<16xf32> to vector<1x16xf32>
      tpu.vector_store %arg10[%swap3A_335, %swap3A_336], %swap3A_339 {strides = array<i32>} : memref<40x128xf32, #tpu.memory_space<vmem>>, vector<1x16xf32>,
    }
    %scan3A_11 = arith.constant 40 : i32
    "tpu.region"() ({
      %run_scoped3A = tpu.sem_alloc : memref<!tpu.dma_semaphore, #tpu.memory_space<semaphore_mem>>
      %dma_start3A_256 = arith.constant 0 : i32
      %dma_start3A_257 = arith.constant 0 : i32
      %dma_start3A_258 = tpu.memref_slice %arg9[%dma_start3A_256, %dma_start3A_257] : memref<40x128xf32, #tpu.memory_space<vmem>> -> memref<40x128xf32, #tpu.memory_space<vmem>>
      %dma_start3A_259 = arith.constant 0 : i32
      %dma_start3A_260 = tpu.memref_slice %arg19[%mul3A_0, %dma_start3A_259] : memref<10000x128xf32, #tpu.memory_space<vmem_shared>> -> memref<40x128xf32, #tpu.memory_space<vmem_shared>>
      %dma_start3A_261 = arith.constant 0 : i32
      %dma_start3A_262 = tpu.memref_slice %arg19[%mul3A_0, %dma_start3A_261] : memref<10000x128xf32, #tpu.memory_space<vmem_shared>> -> memref<40x128xf32, #tpu.memory_space<vmem_shared>>
      %dma_start3A_263 = arith.constant 0 : i32
      %dma_start3A_264 = arith.constant 0 : i32
      %dma_start3A_265 = tpu.memref_slice %arg9[%dma_start3A_263, %dma_start3A_264] : memref<40x128xf32, #tpu.memory_space<vmem>> -> memref<40x128xf32, #tpu.memory_space<vmem>>
      tpu.enqueue_dma source(%dma_start3A_265 : memref<40x128xf32, #tpu.memory_space<vmem>>) target(%dma_start3A_262 : memref<40x128xf32, #tpu.memory_space<vmem_shared>>) target_semaphore(%run_scoped3A : memref<!tpu.dma_semaphore, #tpu.memory_space<semaphore_mem>>)
      %dma_wait3A_266 = arith.constant 0 : i32
      %dma_wait3A_267 = arith.constant 0 : i32
      %dma_wait3A_268 = tpu.memref_slice %arg9[%dma_wait3A_266, %dma_wait3A_267] : memref<40x128xf32, #tpu.memory_space<vmem>> -> memref<40x128xf32, #tpu.memory_space<vmem>>
      %dma_wait3A_269 = arith.constant 0 : i32
      %dma_wait3A_270 = tpu.memref_slice %arg19[%mul3A_0, %dma_wait3A_269] : memref<10000x128xf32, #tpu.memory_space<vmem_shared>> -> memref<40x128xf32, #tpu.memory_space<vmem_shared>>
      %dma_wait3A_271 = arith.constant 0 : i32
      %dma_wait3A_272 = tpu.memref_slice %arg19[%mul3A_0, %dma_wait3A_271] : memref<10000x128xf32, #tpu.memory_space<vmem_shared>> -> memref<40x128xf32, #tpu.memory_space<vmem_shared>>
      %dma_wait3A_273 = arith.constant 0 : i32
      %dma_wait3A_274 = arith.constant 0 : i32
      %dma_wait3A_275 = tpu.memref_slice %arg9[%dma_wait3A_273, %dma_wait3A_274] : memref<40x128xf32, #tpu.memory_space<vmem>> -> memref<40x128xf32, #tpu.memory_space<vmem>>
      tpu.wait_dma2 semaphore(%run_scoped3A : memref<!tpu.dma_semaphore, #tpu.memory_space<semaphore_mem>>) src(%dma_wait3A_275 : memref<40x128xf32, #tpu.memory_space<vmem>>) dst(%dma_wait3A_272 : memref<40x128xf32, #tpu.memory_space<vmem_shared>>)
      tpu.yield
    }) : () -> ()
    %add3A_12 = arith.constant 40 : i32
    %add3A_13 = arith.addi %mul3A_0, %add3A_12 : i32
    "tpu.region"() ({
      %run_scoped3A = tpu.sem_alloc : memref<!tpu.dma_semaphore, #tpu.memory_space<semaphore_mem>>
      %dma_start3A_256 = arith.constant 0 : i32
      %dma_start3A_257 = arith.constant 0 : i32
      %dma_start3A_258 = tpu.memref_slice %arg10[%dma_start3A_256, %dma_start3A_257] : memref<40x128xf32, #tpu.memory_space<vmem>> -> memref<40x128xf32, #tpu.memory_space<vmem>>
      %dma_start3A_259 = arith.constant 0 : i32
      %dma_start3A_260 = tpu.memref_slice %arg19[%add3A_13, %dma_start3A_259] : memref<10000x128xf32, #tpu.memory_space<vmem_shared>> -> memref<40x128xf32, #tpu.memory_space<vmem_shared>>
      %dma_start3A_261 = arith.constant 0 : i32
      %dma_start3A_262 = tpu.memref_slice %arg19[%add3A_13, %dma_start3A_261] : memref<10000x128xf32, #tpu.memory_space<vmem_shared>> -> memref<40x128xf32, #tpu.memory_space<vmem_shared>>
      %dma_start3A_263 = arith.constant 0 : i32
      %dma_start3A_264 = arith.constant 0 : i32
      %dma_start3A_265 = tpu.memref_slice %arg10[%dma_start3A_263, %dma_start3A_264] : memref<40x128xf32, #tpu.memory_space<vmem>> -> memref<40x128xf32, #tpu.memory_space<vmem>>
      tpu.enqueue_dma source(%dma_start3A_265 : memref<40x128xf32, #tpu.memory_space<vmem>>) target(%dma_start3A_262 : memref<40x128xf32, #tpu.memory_space<vmem_shared>>) target_semaphore(%run_scoped3A : memref<!tpu.dma_semaphore, #tpu.memory_space<semaphore_mem>>)
      %dma_wait3A_266 = arith.constant 0 : i32
      %dma_wait3A_267 = arith.constant 0 : i32
      %dma_wait3A_268 = tpu.memref_slice %arg10[%dma_wait3A_266, %dma_wait3A_267] : memref<40x128xf32, #tpu.memory_space<vmem>> -> memref<40x128xf32, #tpu.memory_space<vmem>>
      %dma_wait3A_269 = arith.constant 0 : i32
      %dma_wait3A_270 = tpu.memref_slice %arg19[%add3A_13, %dma_wait3A_269] : memref<10000x128xf32, #tpu.memory_space<vmem_shared>> -> memref<40x128xf32, #tpu.memory_space<vmem_shared>>
      %dma_wait3A_271 = arith.constant 0 : i32
      %dma_wait3A_272 = tpu.memref_slice %arg19[%add3A_13, %dma_wait3A_271] : memref<10000x128xf32, #tpu.memory_space<vmem_shared>> -> memref<40x128xf32, #tpu.memory_space<vmem_shared>>
      %dma_wait3A_273 = arith.constant 0 : i32
      %dma_wait3A_274 = arith.constant 0 : i32
      %dma_wait3A_275 = tpu.memref_slice %arg10[%dma_wait3A_273, %dma_wait3A_274] : memref<40x128xf32, #tpu.memory_space<vmem>> -> memref<40x128xf32, #tpu.memory_space<vmem>>
      tpu.wait_dma2 semaphore(%run_scoped3A : memref<!tpu.dma_semaphore, #tpu.memory_space<semaphore_mem>>) src(%dma_wait3A_275 : memref<40x128xf32, #tpu.memory_space<vmem>>) dst(%dma_wait3A_272 : memref<40x128xf32, #tpu.memory_space<vmem_shared>>)
      tpu.yield
    }) : () -> ()
    %add3A_14 = arith.constant 80 : i32
    %add3A_15 = arith.addi %mul3A_0, %add3A_14 : i32
    "tpu.region"() ({
      %run_scoped3A = tpu.sem_alloc : memref<!tpu.dma_semaphore, #tpu.memory_space<semaphore_mem>>
      %dma_start3A_256 = arith.constant 0 : i32
      %dma_start3A_257 = arith.constant 0 : i32
      %dma_start3A_258 = tpu.memref_slice %arg9[%dma_start3A_256, %dma_start3A_257] : memref<40x128xf32, #tpu.memory_space<vmem>> -> memref<40x128xf32, #tpu.memory_space<vmem>>
      %dma_start3A_259 = arith.constant 0 : i32
      %dma_start3A_260 = tpu.memref_slice %arg19[%add3A_15, %dma_start3A_259] : memref<10000x128xf32, #tpu.memory_space<vmem_shared>> -> memref<40x128xf32, #tpu.memory_space<vmem_shared>>
      %dma_start3A_261 = arith.constant 0 : i32
      %dma_start3A_262 = tpu.memref_slice %arg19[%add3A_15, %dma_start3A_261] : memref<10000x128xf32, #tpu.memory_space<vmem_shared>> -> memref<40x128xf32, #tpu.memory_space<vmem_shared>>
      %dma_start3A_263 = arith.constant 0 : i32
      %dma_start3A_264 = arith.constant 0 : i32
      %dma_start3A_265 = tpu.memref_slice %arg9[%dma_start3A_263, %dma_start3A_264] : memref<40x128xf32, #tpu.memory_space<vmem>> -> memref<40x128xf32, #tpu.memory_space<vmem>>
      tpu.enqueue_dma source(%dma_start3A_265 : memref<40x128xf32, #tpu.memory_space<vmem>>) target(%dma_start3A_262 : memref<40x128xf32, #tpu.memory_space<vmem_shared>>) target_semaphore(%run_scoped3A : memref<!tpu.dma_semaphore, #tpu.memory_space<semaphore_mem>>)
      %dma_wait3A_266 = arith.constant 0 : i32
      %dma_wait3A_267 = arith.constant 0 : i32
      %dma_wait3A_268 = tpu.memref_slice %arg9[%dma_wait3A_266, %dma_wait3A_267] : memref<40x128xf32, #tpu.memory_space<vmem>> -> memref<40x128xf32, #tpu.memory_space<vmem>>
      %dma_wait3A_269 = arith.constant 0 : i32
      %dma_wait3A_270 = tpu.memref_slice %arg19[%add3A_15, %dma_wait3A_269] : memref<10000x128xf32, #tpu.memory_space<vmem_shared>> -> memref<40x128xf32, #tpu.memory_space<vmem_shared>>
      %dma_wait3A_271 = arith.constant 0 : i32
      %dma_wait3A_272 = tpu.memref_slice %arg19[%add3A_15, %dma_wait3A_271] : memref<10000x128xf32, #tpu.memory_space<vmem_shared>> -> memref<40x128xf32, #tpu.memory_space<vmem_shared>>
      %dma_wait3A_273 = arith.constant 0 : i32
      %dma_wait3A_274 = arith.constant 0 : i32
      %dma_wait3A_275 = tpu.memref_slice %arg9[%dma_wait3A_273, %dma_wait3A_274] : memref<40x128xf32, #tpu.memory_space<vmem>> -> memref<40x128xf32, #tpu.memory_space<vmem>>
      tpu.wait_dma2 semaphore(%run_scoped3A : memref<!tpu.dma_semaphore, #tpu.memory_space<semaphore_mem>>) src(%dma_wait3A_275 : memref<40x128xf32, #tpu.memory_space<vmem>>) dst(%dma_wait3A_272 : memref<40x128xf32, #tpu.memory_space<vmem_shared>>)
      tpu.yield
    }) : () -> ()
    %add3A_16 = arith.constant 40 : i32
    %add3A_17 = arith.addi %add3A_15, %add3A_16 : i32
    "tpu.region"() ({
      %run_scoped3A = tpu.sem_alloc : memref<!tpu.dma_semaphore, #tpu.memory_space<semaphore_mem>>
      %dma_start3A_256 = arith.constant 0 : i32
      %dma_start3A_257 = arith.constant 0 : i32
      %dma_start3A_258 = tpu.memref_slice %arg10[%dma_start3A_256, %dma_start3A_257] : memref<40x128xf32, #tpu.memory_space<vmem>> -> memref<40x128xf32, #tpu.memory_space<vmem>>
      %dma_start3A_259 = arith.constant 0 : i32
      %dma_start3A_260 = tpu.memref_slice %arg19[%add3A_17, %dma_start3A_259] : memref<10000x128xf32, #tpu.memory_space<vmem_shared>> -> memref<40x128xf32, #tpu.memory_space<vmem_shared>>
      %dma_start3A_261 = arith.constant 0 : i32
      %dma_start3A_262 = tpu.memref_slice %arg19[%add3A_17, %dma_start3A_261] : memref<10000x128xf32, #tpu.memory_space<vmem_shared>> -> memref<40x128xf32, #tpu.memory_space<vmem_shared>>
      %dma_start3A_263 = arith.constant 0 : i32
      %dma_start3A_264 = arith.constant 0 : i32
      %dma_start3A_265 = tpu.memref_slice %arg10[%dma_start3A_263, %dma_start3A_264] : memref<40x128xf32, #tpu.memory_space<vmem>> -> memref<40x128xf32, #tpu.memory_space<vmem>>
      tpu.enqueue_dma source(%dma_start3A_265 : memref<40x128xf32, #tpu.memory_space<vmem>>) target(%dma_start3A_262 : memref<40x128xf32, #tpu.memory_space<vmem_shared>>) target_semaphore(%run_scoped3A : memref<!tpu.dma_semaphore, #tpu.memory_space<semaphore_mem>>)
      %dma_wait3A_266 = arith.constant 0 : i32
      %dma_wait3A_267 = arith.constant 0 : i32
      %dma_wait3A_268 = tpu.memref_slice %arg10[%dma_wait3A_266, %dma_wait3A_267] : memref<40x128xf32, #tpu.memory_space<vmem>> -> memref<40x128xf32, #tpu.memory_space<vmem>>
      %dma_wait3A_269 = arith.constant 0 : i32
      %dma_wait3A_270 = tpu.memref_slice %arg19[%add3A_17, %dma_wait3A_269] : memref<10000x128xf32, #tpu.memory_space<vmem_shared>> -> memref<40x128xf32, #tpu.memory_space<vmem_shared>>
      %dma_wait3A_271 = arith.constant 0 : i32
      %dma_wait3A_272 = tpu.memref_slice %arg19[%add3A_17, %dma_wait3A_271] : memref<10000x128xf32, #tpu.memory_space<vmem_shared>> -> memref<40x128xf32, #tpu.memory_space<vmem_shared>>
      %dma_wait3A_273 = arith.constant 0 : i32
      %dma_wait3A_274 = arith.constant 0 : i32
      %dma_wait3A_275 = tpu.memref_slice %arg10[%dma_wait3A_273, %dma_wait3A_274] : memref<40x128xf32, #tpu.memory_space<vmem>> -> memref<40x128xf32, #tpu.memory_space<vmem>>
      tpu.wait_dma2 semaphore(%run_scoped3A : memref<!tpu.dma_semaphore, #tpu.memory_space<semaphore_mem>>) src(%dma_wait3A_275 : memref<40x128xf32, #tpu.memory_space<vmem>>) dst(%dma_wait3A_272 : memref<40x128xf32, #tpu.memory_space<vmem_shared>>)
      tpu.yield
    }) : () -> ()
    %add3A_18 = arith.constant 80 : i32
    %add3A_19 = arith.addi %add3A_15, %add3A_18 : i32
    "tpu.region"() ({
      %run_scoped3A = tpu.sem_alloc : memref<!tpu.dma_semaphore, #tpu.memory_space<semaphore_mem>>
      %dma_start3A_256 = arith.constant 0 : i32
      %dma_start3A_257 = arith.constant 0 : i32
      %dma_start3A_258 = tpu.memref_slice %arg9[%dma_start3A_256, %dma_start3A_257] : memref<40x128xf32, #tpu.memory_space<vmem>> -> memref<40x128xf32, #tpu.memory_space<vmem>>
      %dma_start3A_259 = arith.constant 0 : i32
      %dma_start3A_260 = tpu.memref_slice %arg19[%add3A_19, %dma_start3A_259] : memref<10000x128xf32, #tpu.memory_space<vmem_shared>> -> memref<40x128xf32, #tpu.memory_space<vmem_shared>>
      %dma_start3A_261 = arith.constant 0 : i32
      %dma_start3A_262 = tpu.memref_slice %arg19[%add3A_19, %dma_start3A_261] : memref<10000x128xf32, #tpu.memory_space<vmem_shared>> -> memref<40x128xf32, #tpu.memory_space<vmem_shared>>
      %dma_start3A_263 = arith.constant 0 : i32
      %dma_start3A_264 = arith.constant 0 : i32
      %dma_start3A_265 = tpu.memref_slice %arg9[%dma_start3A_263, %dma_start3A_264] : memref<40x128xf32, #tpu.memory_space<vmem>> -> memref<40x128xf32, #tpu.memory_space<vmem>>
      tpu.enqueue_dma source(%dma_start3A_265 : memref<40x128xf32, #tpu.memory_space<vmem>>) target(%dma_start3A_262 : memref<40x128xf32, #tpu.memory_space<vmem_shared>>) target_semaphore(%run_scoped3A : memref<!tpu.dma_semaphore, #tpu.memory_space<semaphore_mem>>)
      %dma_wait3A_266 = arith.constant 0 : i32
      %dma_wait3A_267 = arith.constant 0 : i32
      %dma_wait3A_268 = tpu.memref_slice %arg9[%dma_wait3A_266, %dma_wait3A_267] : memref<40x128xf32, #tpu.memory_space<vmem>> -> memref<40x128xf32, #tpu.memory_space<vmem>>
      %dma_wait3A_269 = arith.constant 0 : i32
      %dma_wait3A_270 = tpu.memref_slice %arg19[%add3A_19, %dma_wait3A_269] : memref<10000x128xf32, #tpu.memory_space<vmem_shared>> -> memref<40x128xf32, #tpu.memory_space<vmem_shared>>
      %dma_wait3A_271 = arith.constant 0 : i32
      %dma_wait3A_272 = tpu.memref_slice %arg19[%add3A_19, %dma_wait3A_271] : memref<10000x128xf32, #tpu.memory_space<vmem_shared>> -> memref<40x128xf32, #tpu.memory_space<vmem_shared>>
      %dma_wait3A_273 = arith.constant 0 : i32
      %dma_wait3A_274 = arith.constant 0 : i32
      %dma_wait3A_275 = tpu.memref_slice %arg9[%dma_wait3A_273, %dma_wait3A_274] : memref<40x128xf32, #tpu.memory_space<vmem>> -> memref<40x128xf32, #tpu.memory_space<vmem>>
      tpu.wait_dma2 semaphore(%run_scoped3A : memref<!tpu.dma_semaphore, #tpu.memory_space<semaphore_mem>>) src(%dma_wait3A_275 : memref<40x128xf32, #tpu.memory_space<vmem>>) dst(%dma_wait3A_272 : memref<40x128xf32, #tpu.memory_space<vmem_shared>>)
      tpu.yield
    }) : () -> ()
    %add3A_20 = arith.constant 40 : i32
    %add3A_21 = arith.addi %add3A_19, %add3A_20 : i32
    "tpu.region"() ({
      %run_scoped3A = tpu.sem_alloc : memref<!tpu.dma_semaphore, #tpu.memory_space<semaphore_mem>>
      %dma_start3A_256 = arith.constant 0 : i32
      %dma_start3A_257 = arith.constant 0 : i32
      %dma_start3A_258 = tpu.memref_slice %arg10[%dma_start3A_256, %dma_start3A_257] : memref<40x128xf32, #tpu.memory_space<vmem>> -> memref<40x128xf32, #tpu.memory_space<vmem>>
      %dma_start3A_259 = arith.constant 0 : i32
      %dma_start3A_260 = tpu.memref_slice %arg19[%add3A_21, %dma_start3A_259] : memref<10000x128xf32, #tpu.memory_space<vmem_shared>> -> memref<40x128xf32, #tpu.memory_space<vmem_shared>>
      %dma_start3A_261 = arith.constant 0 : i32
      %dma_start3A_262 = tpu.memref_slice %arg19[%add3A_21, %dma_start3A_261] : memref<10000x128xf32, #tpu.memory_space<vmem_shared>> -> memref<40x128xf32, #tpu.memory_space<vmem_shared>>
      %dma_start3A_263 = arith.constant 0 : i32
      %dma_start3A_264 = arith.constant 0 : i32
      %dma_start3A_265 = tpu.memref_slice %arg10[%dma_start3A_263, %dma_start3A_264] : memref<40x128xf32, #tpu.memory_space<vmem>> -> memref<40x128xf32, #tpu.memory_space<vmem>>
      tpu.enqueue_dma source(%dma_start3A_265 : memref<40x128xf32, #tpu.memory_space<vmem>>) target(%dma_start3A_262 : memref<40x128xf32, #tpu.memory_space<vmem_shared>>) target_semaphore(%run_scoped3A : memref<!tpu.dma_semaphore, #tpu.memory_space<semaphore_mem>>)
      %dma_wait3A_266 = arith.constant 0 : i32
      %dma_wait3A_267 = arith.constant 0 : i32
      %dma_wait3A_268 = tpu.memref_slice %arg10[%dma_wait3A_266, %dma_wait3A_267] : memref<40x128xf32, #tpu.memory_space<vmem>> -> memref<40x128xf32, #tpu.memory_space<vmem>>
      %dma_wait3A_269 = arith.constant 0 : i32
      %dma_wait3A_270 = tpu.memref_slice %arg19[%add3A_21, %dma_wait3A_269] : memref<10000x128xf32, #tpu.memory_space<vmem_shared>> -> memref<40x128xf32, #tpu.memory_space<vmem_shared>>
      %dma_wait3A_271 = arith.constant 0 : i32
      %dma_wait3A_272 = tpu.memref_slice %arg19[%add3A_21, %dma_wait3A_271] : memref<10000x128xf32, #tpu.memory_space<vmem_shared>> -> memref<40x128xf32, #tpu.memory_space<vmem_shared>>
      %dma_wait3A_273 = arith.constant 0 : i32
      %dma_wait3A_274 = arith.constant 0 : i32
      %dma_wait3A_275 = tpu.memref_slice %arg10[%dma_wait3A_273, %dma_wait3A_274] : memref<40x128xf32, #tpu.memory_space<vmem>> -> memref<40x128xf32, #tpu.memory_space<vmem>>
      tpu.wait_dma2 semaphore(%run_scoped3A : memref<!tpu.dma_semaphore, #tpu.memory_space<semaphore_mem>>) src(%dma_wait3A_275 : memref<40x128xf32, #tpu.memory_space<vmem>>) dst(%dma_wait3A_272 : memref<40x128xf32, #tpu.memory_space<vmem_shared>>)
      tpu.yield
    }) : () -> ()
    %add3A_22 = arith.constant 80 : i32
    %add3A_23 = arith.addi %add3A_19, %add3A_22 : i32
    "tpu.region"() ({
      %run_scoped3A = tpu.sem_alloc : memref<!tpu.dma_semaphore, #tpu.memory_space<semaphore_mem>>
      %dma_start3A_256 = arith.constant 0 : i32
      %dma_start3A_257 = arith.constant 0 : i32
      %dma_start3A_258 = tpu.memref_slice %arg9[%dma_start3A_256, %dma_start3A_257] : memref<40x128xf32, #tpu.memory_space<vmem>> -> memref<40x128xf32, #tpu.memory_space<vmem>>
      %dma_start3A_259 = arith.constant 0 : i32
      %dma_start3A_260 = tpu.memref_slice %arg19[%add3A_23, %dma_start3A_259] : memref<10000x128xf32, #tpu.memory_space<vmem_shared>> -> memref<40x128xf32, #tpu.memory_space<vmem_shared>>
      %dma_start3A_261 = arith.constant 0 : i32
      %dma_start3A_262 = tpu.memref_slice %arg19[%add3A_23, %dma_start3A_261] : memref<10000x128xf32, #tpu.memory_space<vmem_shared>> -> memref<40x128xf32, #tpu.memory_space<vmem_shared>>
      %dma_start3A_263 = arith.constant 0 : i32
      %dma_start3A_264 = arith.constant 0 : i32
      %dma_start3A_265 = tpu.memref_slice %arg9[%dma_start3A_263, %dma_start3A_264] : memref<40x128xf32, #tpu.memory_space<vmem>> -> memref<40x128xf32, #tpu.memory_space<vmem>>
      tpu.enqueue_dma source(%dma_start3A_265 : memref<40x128xf32, #tpu.memory_space<vmem>>) target(%dma_start3A_262 : memref<40x128xf32, #tpu.memory_space<vmem_shared>>) target_semaphore(%run_scoped3A : memref<!tpu.dma_semaphore, #tpu.memory_space<semaphore_mem>>)
      %dma_wait3A_266 = arith.constant 0 : i32
      %dma_wait3A_267 = arith.constant 0 : i32
      %dma_wait3A_268 = tpu.memref_slice %arg9[%dma_wait3A_266, %dma_wait3A_267] : memref<40x128xf32, #tpu.memory_space<vmem>> -> memref<40x128xf32, #tpu.memory_space<vmem>>
      %dma_wait3A_269 = arith.constant 0 : i32
      %dma_wait3A_270 = tpu.memref_slice %arg19[%add3A_23, %dma_wait3A_269] : memref<10000x128xf32, #tpu.memory_space<vmem_shared>> -> memref<40x128xf32, #tpu.memory_space<vmem_shared>>
      %dma_wait3A_271 = arith.constant 0 : i32
      %dma_wait3A_272 = tpu.memref_slice %arg19[%add3A_23, %dma_wait3A_271] : memref<10000x128xf32, #tpu.memory_space<vmem_shared>> -> memref<40x128xf32, #tpu.memory_space<vmem_shared>>
      %dma_wait3A_273 = arith.constant 0 : i32
      %dma_wait3A_274 = arith.constant 0 : i32
      %dma_wait3A_275 = tpu.memref_slice %arg9[%dma_wait3A_273, %dma_wait3A_274] : memref<40x128xf32, #tpu.memory_space<vmem>> -> memref<40x128xf32, #tpu.memory_space<vmem>>
      tpu.wait_dma2 semaphore(%run_scoped3A : memref<!tpu.dma_semaphore, #tpu.memory_space<semaphore_mem>>) src(%dma_wait3A_275 : memref<40x128xf32, #tpu.memory_space<vmem>>) dst(%dma_wait3A_272 : memref<40x128xf32, #tpu.memory_space<vmem_shared>>)
      tpu.yield
    }) : () -> ()
    %add3A_24 = arith.constant 40 : i32
    %add3A_25 = arith.addi %add3A_23, %add3A_24 : i32
    "tpu.region"() ({
      %run_scoped3A = tpu.sem_alloc : memref<!tpu.dma_semaphore, #tpu.memory_space<semaphore_mem>>
      %dma_start3A_256 = arith.constant 0 : i32
      %dma_start3A_257 = arith.constant 0 : i32
      %dma_start3A_258 = tpu.memref_slice %arg10[%dma_start3A_256, %dma_start3A_257] : memref<40x128xf32, #tpu.memory_space<vmem>> -> memref<40x128xf32, #tpu.memory_space<vmem>>
      %dma_start3A_259 = arith.constant 0 : i32
      %dma_start3A_260 = tpu.memref_slice %arg19[%add3A_25, %dma_start3A_259] : memref<10000x128xf32, #tpu.memory_space<vmem_shared>> -> memref<40x128xf32, #tpu.memory_space<vmem_shared>>
      %dma_start3A_261 = arith.constant 0 : i32
      %dma_start3A_262 = tpu.memref_slice %arg19[%add3A_25, %dma_start3A_261] : memref<10000x128xf32, #tpu.memory_space<vmem_shared>> -> memref<40x128xf32, #tpu.memory_space<vmem_shared>>
      %dma_start3A_263 = arith.constant 0 : i32
      %dma_start3A_264 = arith.constant 0 : i32
      %dma_start3A_265 = tpu.memref_slice %arg10[%dma_start3A_263, %dma_start3A_264] : memref<40x128xf32, #tpu.memory_space<vmem>> -> memref<40x128xf32, #tpu.memory_space<vmem>>
      tpu.enqueue_dma source(%dma_start3A_265 : memref<40x128xf32, #tpu.memory_space<vmem>>) target(%dma_start3A_262 : memref<40x128xf32, #tpu.memory_space<vmem_shared>>) target_semaphore(%run_scoped3A : memref<!tpu.dma_semaphore, #tpu.memory_space<semaphore_mem>>)
      %dma_wait3A_266 = arith.constant 0 : i32
      %dma_wait3A_267 = arith.constant 0 : i32
      %dma_wait3A_268 = tpu.memref_slice %arg10[%dma_wait3A_266, %dma_wait3A_267] : memref<40x128xf32, #tpu.memory_space<vmem>> -> memref<40x128xf32, #tpu.memory_space<vmem>>
      %dma_wait3A_269 = arith.constant 0 : i32
      %dma_wait3A_270 = tpu.memref_slice %arg19[%add3A_25, %dma_wait3A_269] : memref<10000x128xf32, #tpu.memory_space<vmem_shared>> -> memref<40x128xf32, #tpu.memory_space<vmem_shared>>
      %dma_wait3A_271 = arith.constant 0 : i32
      %dma_wait3A_272 = tpu.memref_slice %arg19[%add3A_25, %dma_wait3A_271] : memref<10000x128xf32, #tpu.memory_space<vmem_shared>> -> memref<40x128xf32, #tpu.memory_space<vmem_shared>>
      %dma_wait3A_273 = arith.constant 0 : i32
      %dma_wait3A_274 = arith.constant 0 : i32
      %dma_wait3A_275 = tpu.memref_slice %arg10[%dma_wait3A_273, %dma_wait3A_274] : memref<40x128xf32, #tpu.memory_space<vmem>> -> memref<40x128xf32, #tpu.memory_space<vmem>>
      tpu.wait_dma2 semaphore(%run_scoped3A : memref<!tpu.dma_semaphore, #tpu.memory_space<semaphore_mem>>) src(%dma_wait3A_275 : memref<40x128xf32, #tpu.memory_space<vmem>>) dst(%dma_wait3A_272 : memref<40x128xf32, #tpu.memory_space<vmem_shared>>)
      tpu.yield
    }) : () -> ()
    %add3A_26 = arith.constant 80 : i32
    %add3A_27 = arith.addi %add3A_23, %add3A_26 : i32
    "tpu.region"() ({
      %run_scoped3A = tpu.sem_alloc : memref<!tpu.dma_semaphore, #tpu.memory_space<semaphore_mem>>
      %dma_start3A_256 = arith.constant 0 : i32
      %dma_start3A_257 = arith.constant 0 : i32
      %dma_start3A_258 = tpu.memref_slice %arg9[%dma_start3A_256, %dma_start3A_257] : memref<40x128xf32, #tpu.memory_space<vmem>> -> memref<40x128xf32, #tpu.memory_space<vmem>>
      %dma_start3A_259 = arith.constant 0 : i32
      %dma_start3A_260 = tpu.memref_slice %arg19[%add3A_27, %dma_start3A_259] : memref<10000x128xf32, #tpu.memory_space<vmem_shared>> -> memref<40x128xf32, #tpu.memory_space<vmem_shared>>
      %dma_start3A_261 = arith.constant 0 : i32
      %dma_start3A_262 = tpu.memref_slice %arg19[%add3A_27, %dma_start3A_261] : memref<10000x128xf32, #tpu.memory_space<vmem_shared>> -> memref<40x128xf32, #tpu.memory_space<vmem_shared>>
      %dma_start3A_263 = arith.constant 0 : i32
      %dma_start3A_264 = arith.constant 0 : i32
      %dma_start3A_265 = tpu.memref_slice %arg9[%dma_start3A_263, %dma_start3A_264] : memref<40x128xf32, #tpu.memory_space<vmem>> -> memref<40x128xf32, #tpu.memory_space<vmem>>
      tpu.enqueue_dma source(%dma_start3A_265 : memref<40x128xf32, #tpu.memory_space<vmem>>) target(%dma_start3A_262 : memref<40x128xf32, #tpu.memory_space<vmem_shared>>) target_semaphore(%run_scoped3A : memref<!tpu.dma_semaphore, #tpu.memory_space<semaphore_mem>>)
      %dma_wait3A_266 = arith.constant 0 : i32
      %dma_wait3A_267 = arith.constant 0 : i32
      %dma_wait3A_268 = tpu.memref_slice %arg9[%dma_wait3A_266, %dma_wait3A_267] : memref<40x128xf32, #tpu.memory_space<vmem>> -> memref<40x128xf32, #tpu.memory_space<vmem>>
      %dma_wait3A_269 = arith.constant 0 : i32
      %dma_wait3A_270 = tpu.memref_slice %arg19[%add3A_27, %dma_wait3A_269] : memref<10000x128xf32, #tpu.memory_space<vmem_shared>> -> memref<40x128xf32, #tpu.memory_space<vmem_shared>>
      %dma_wait3A_271 = arith.constant 0 : i32
      %dma_wait3A_272 = tpu.memref_slice %arg19[%add3A_27, %dma_wait3A_271] : memref<10000x128xf32, #tpu.memory_space<vmem_shared>> -> memref<40x128xf32, #tpu.memory_space<vmem_shared>>
      %dma_wait3A_273 = arith.constant 0 : i32
      %dma_wait3A_274 = arith.constant 0 : i32
      %dma_wait3A_275 = tpu.memref_slice %arg9[%dma_wait3A_273, %dma_wait3A_274] : memref<40x128xf32, #tpu.memory_space<vmem>> -> memref<40x128xf32, #tpu.memory_space<vmem>>
      tpu.wait_dma2 semaphore(%run_scoped3A : memref<!tpu.dma_semaphore, #tpu.memory_space<semaphore_mem>>) src(%dma_wait3A_275 : memref<40x128xf32, #tpu.memory_space<vmem>>) dst(%dma_wait3A_272 : memref<40x128xf32, #tpu.memory_space<vmem_shared>>)
      tpu.yield
    }) : () -> ()
    %add3A_28 = arith.constant 40 : i32
    %add3A_29 = arith.addi %add3A_27, %add3A_28 : i32
    "tpu.region"() ({
      %run_scoped3A = tpu.sem_alloc : memref<!tpu.dma_semaphore, #tpu.memory_space<semaphore_mem>>
      %dma_start3A_256 = arith.constant 0 : i32
      %dma_start3A_257 = arith.constant 0 : i32
      %dma_start3A_258 = tpu.memref_slice %arg10[%dma_start3A_256, %dma_start3A_257] : memref<40x128xf32, #tpu.memory_space<vmem>> -> memref<40x128xf32, #tpu.memory_space<vmem>>
      %dma_start3A_259 = arith.constant 0 : i32
      %dma_start3A_260 = tpu.memref_slice %arg19[%add3A_29, %dma_start3A_259] : memref<10000x128xf32, #tpu.memory_space<vmem_shared>> -> memref<40x128xf32, #tpu.memory_space<vmem_shared>>
      %dma_start3A_261 = arith.constant 0 : i32
      %dma_start3A_262 = tpu.memref_slice %arg19[%add3A_29, %dma_start3A_261] : memref<10000x128xf32, #tpu.memory_space<vmem_shared>> -> memref<40x128xf32, #tpu.memory_space<vmem_shared>>
      %dma_start3A_263 = arith.constant 0 : i32
      %dma_start3A_264 = arith.constant 0 : i32
      %dma_start3A_265 = tpu.memref_slice %arg10[%dma_start3A_263, %dma_start3A_264] : memref<40x128xf32, #tpu.memory_space<vmem>> -> memref<40x128xf32, #tpu.memory_space<vmem>>
      tpu.enqueue_dma source(%dma_start3A_265 : memref<40x128xf32, #tpu.memory_space<vmem>>) target(%dma_start3A_262 : memref<40x128xf32, #tpu.memory_space<vmem_shared>>) target_semaphore(%run_scoped3A : memref<!tpu.dma_semaphore, #tpu.memory_space<semaphore_mem>>)
      %dma_wait3A_266 = arith.constant 0 : i32
      %dma_wait3A_267 = arith.constant 0 : i32
      %dma_wait3A_268 = tpu.memref_slice %arg10[%dma_wait3A_266, %dma_wait3A_267] : memref<40x128xf32, #tpu.memory_space<vmem>> -> memref<40x128xf32, #tpu.memory_space<vmem>>
      %dma_wait3A_269 = arith.constant 0 : i32
      %dma_wait3A_270 = tpu.memref_slice %arg19[%add3A_29, %dma_wait3A_269] : memref<10000x128xf32, #tpu.memory_space<vmem_shared>> -> memref<40x128xf32, #tpu.memory_space<vmem_shared>>
      %dma_wait3A_271 = arith.constant 0 : i32
      %dma_wait3A_272 = tpu.memref_slice %arg19[%add3A_29, %dma_wait3A_271] : memref<10000x128xf32, #tpu.memory_space<vmem_shared>> -> memref<40x128xf32, #tpu.memory_space<vmem_shared>>
      %dma_wait3A_273 = arith.constant 0 : i32
      %dma_wait3A_274 = arith.constant 0 : i32
      %dma_wait3A_275 = tpu.memref_slice %arg10[%dma_wait3A_273, %dma_wait3A_274] : memref<40x128xf32, #tpu.memory_space<vmem>> -> memref<40x128xf32, #tpu.memory_space<vmem>>
      tpu.wait_dma2 semaphore(%run_scoped3A : memref<!tpu.dma_semaphore, #tpu.memory_space<semaphore_mem>>) src(%dma_wait3A_275 : memref<40x128xf32, #tpu.memory_space<vmem>>) dst(%dma_wait3A_272 : memref<40x128xf32, #tpu.memory_space<vmem_shared>>)
      tpu.yield
    }) : () -> ()
    %add3A_30 = arith.constant 80 : i32
    %add3A_31 = arith.addi %add3A_27, %add3A_30 : i32
    "tpu.region"() ({
      %run_scoped3A = tpu.sem_alloc : memref<!tpu.dma_semaphore, #tpu.memory_space<semaphore_mem>>
      %dma_start3A_256 = arith.constant 0 : i32
      %dma_start3A_257 = arith.constant 0 : i32
      %dma_start3A_258 = tpu.memref_slice %arg9[%dma_start3A_256, %dma_start3A_257] : memref<40x128xf32, #tpu.memory_space<vmem>> -> memref<40x128xf32, #tpu.memory_space<vmem>>
      %dma_start3A_259 = arith.constant 0 : i32
      %dma_start3A_260 = tpu.memref_slice %arg19[%add3A_31, %dma_start3A_259] : memref<10000x128xf32, #tpu.memory_space<vmem_shared>> -> memref<40x128xf32, #tpu.memory_space<vmem_shared>>
      %dma_start3A_261 = arith.constant 0 : i32
      %dma_start3A_262 = tpu.memref_slice %arg19[%add3A_31, %dma_start3A_261] : memref<10000x128xf32, #tpu.memory_space<vmem_shared>> -> memref<40x128xf32, #tpu.memory_space<vmem_shared>>
      %dma_start3A_263 = arith.constant 0 : i32
      %dma_start3A_264 = arith.constant 0 : i32
      %dma_start3A_265 = tpu.memref_slice %arg9[%dma_start3A_263, %dma_start3A_264] : memref<40x128xf32, #tpu.memory_space<vmem>> -> memref<40x128xf32, #tpu.memory_space<vmem>>
      tpu.enqueue_dma source(%dma_start3A_265 : memref<40x128xf32, #tpu.memory_space<vmem>>) target(%dma_start3A_262 : memref<40x128xf32, #tpu.memory_space<vmem_shared>>) target_semaphore(%run_scoped3A : memref<!tpu.dma_semaphore, #tpu.memory_space<semaphore_mem>>)
      %dma_wait3A_266 = arith.constant 0 : i32
      %dma_wait3A_267 = arith.constant 0 : i32
      %dma_wait3A_268 = tpu.memref_slice %arg9[%dma_wait3A_266, %dma_wait3A_267] : memref<40x128xf32, #tpu.memory_space<vmem>> -> memref<40x128xf32, #tpu.memory_space<vmem>>
      %dma_wait3A_269 = arith.constant 0 : i32
      %dma_wait3A_270 = tpu.memref_slice %arg19[%add3A_31, %dma_wait3A_269] : memref<10000x128xf32, #tpu.memory_space<vmem_shared>> -> memref<40x128xf32, #tpu.memory_space<vmem_shared>>
      %dma_wait3A_271 = arith.constant 0 : i32
      %dma_wait3A_272 = tpu.memref_slice %arg19[%add3A_31, %dma_wait3A_271] : memref<10000x128xf32, #tpu.memory_space<vmem_shared>> -> memref<40x128xf32, #tpu.memory_space<vmem_shared>>
      %dma_wait3A_273 = arith.constant 0 : i32
      %dma_wait3A_274 = arith.constant 0 : i32
      %dma_wait3A_275 = tpu.memref_slice %arg9[%dma_wait3A_273, %dma_wait3A_274] : memref<40x128xf32, #tpu.memory_space<vmem>> -> memref<40x128xf32, #tpu.memory_space<vmem>>
      tpu.wait_dma2 semaphore(%run_scoped3A : memref<!tpu.dma_semaphore, #tpu.memory_space<semaphore_mem>>) src(%dma_wait3A_275 : memref<40x128xf32, #tpu.memory_space<vmem>>) dst(%dma_wait3A_272 : memref<40x128xf32, #tpu.memory_space<vmem_shared>>)
      tpu.yield
    }) : () -> ()
    %add3A_32 = arith.constant 40 : i32
    %add3A_33 = arith.addi %add3A_31, %add3A_32 : i32
    "tpu.region"() ({
      %run_scoped3A = tpu.sem_alloc : memref<!tpu.dma_semaphore, #tpu.memory_space<semaphore_mem>>
      %dma_start3A_256 = arith.constant 0 : i32
      %dma_start3A_257 = arith.constant 0 : i32
      %dma_start3A_258 = tpu.memref_slice %arg10[%dma_start3A_256, %dma_start3A_257] : memref<40x128xf32, #tpu.memory_space<vmem>> -> memref<40x128xf32, #tpu.memory_space<vmem>>
      %dma_start3A_259 = arith.constant 0 : i32
      %dma_start3A_260 = tpu.memref_slice %arg19[%add3A_33, %dma_start3A_259] : memref<10000x128xf32, #tpu.memory_space<vmem_shared>> -> memref<40x128xf32, #tpu.memory_space<vmem_shared>>
      %dma_start3A_261 = arith.constant 0 : i32
      %dma_start3A_262 = tpu.memref_slice %arg19[%add3A_33, %dma_start3A_261] : memref<10000x128xf32, #tpu.memory_space<vmem_shared>> -> memref<40x128xf32, #tpu.memory_space<vmem_shared>>
      %dma_start3A_263 = arith.constant 0 : i32
      %dma_start3A_264 = arith.constant 0 : i32
      %dma_start3A_265 = tpu.memref_slice %arg10[%dma_start3A_263, %dma_start3A_264] : memref<40x128xf32, #tpu.memory_space<vmem>> -> memref<40x128xf32, #tpu.memory_space<vmem>>
      tpu.enqueue_dma source(%dma_start3A_265 : memref<40x128xf32, #tpu.memory_space<vmem>>) target(%dma_start3A_262 : memref<40x128xf32, #tpu.memory_space<vmem_shared>>) target_semaphore(%run_scoped3A : memref<!tpu.dma_semaphore, #tpu.memory_space<semaphore_mem>>)
      %dma_wait3A_266 = arith.constant 0 : i32
      %dma_wait3A_267 = arith.constant 0 : i32
      %dma_wait3A_268 = tpu.memref_slice %arg10[%dma_wait3A_266, %dma_wait3A_267] : memref<40x128xf32, #tpu.memory_space<vmem>> -> memref<40x128xf32, #tpu.memory_space<vmem>>
      %dma_wait3A_269 = arith.constant 0 : i32
      %dma_wait3A_270 = tpu.memref_slice %arg19[%add3A_33, %dma_wait3A_269] : memref<10000x128xf32, #tpu.memory_space<vmem_shared>> -> memref<40x128xf32, #tpu.memory_space<vmem_shared>>
      %dma_wait3A_271 = arith.constant 0 : i32
      %dma_wait3A_272 = tpu.memref_slice %arg19[%add3A_33, %dma_wait3A_271] : memref<10000x128xf32, #tpu.memory_space<vmem_shared>> -> memref<40x128xf32, #tpu.memory_space<vmem_shared>>
      %dma_wait3A_273 = arith.constant 0 : i32
      %dma_wait3A_274 = arith.constant 0 : i32
      %dma_wait3A_275 = tpu.memref_slice %arg10[%dma_wait3A_273, %dma_wait3A_274] : memref<40x128xf32, #tpu.memory_space<vmem>> -> memref<40x128xf32, #tpu.memory_space<vmem>>
      tpu.wait_dma2 semaphore(%run_scoped3A : memref<!tpu.dma_semaphore, #tpu.memory_space<semaphore_mem>>) src(%dma_wait3A_275 : memref<40x128xf32, #tpu.memory_space<vmem>>) dst(%dma_wait3A_272 : memref<40x128xf32, #tpu.memory_space<vmem_shared>>)
      tpu.yield
    }) : () -> ()
    %add3A_34 = arith.constant 80 : i32
    %add3A_35 = arith.addi %add3A_31, %add3A_34 : i32
    "tpu.region"() ({
      %run_scoped3A = tpu.sem_alloc : memref<!tpu.dma_semaphore, #tpu.memory_space<semaphore_mem>>
      %dma_start3A_256 = arith.constant 0 : i32
      %dma_start3A_257 = arith.constant 0 : i32
      %dma_start3A_258 = tpu.memref_slice %arg9[%dma_start3A_256, %dma_start3A_257] : memref<40x128xf32, #tpu.memory_space<vmem>> -> memref<40x128xf32, #tpu.memory_space<vmem>>
      %dma_start3A_259 = arith.constant 0 : i32
      %dma_start3A_260 = tpu.memref_slice %arg19[%add3A_35, %dma_start3A_259] : memref<10000x128xf32, #tpu.memory_space<vmem_shared>> -> memref<40x128xf32, #tpu.memory_space<vmem_shared>>
      %dma_start3A_261 = arith.constant 0 : i32
      %dma_start3A_262 = tpu.memref_slice %arg19[%add3A_35, %dma_start3A_261] : memref<10000x128xf32, #tpu.memory_space<vmem_shared>> -> memref<40x128xf32, #tpu.memory_space<vmem_shared>>
      %dma_start3A_263 = arith.constant 0 : i32
      %dma_start3A_264 = arith.constant 0 : i32
      %dma_start3A_265 = tpu.memref_slice %arg9[%dma_start3A_263, %dma_start3A_264] : memref<40x128xf32, #tpu.memory_space<vmem>> -> memref<40x128xf32, #tpu.memory_space<vmem>>
      tpu.enqueue_dma source(%dma_start3A_265 : memref<40x128xf32, #tpu.memory_space<vmem>>) target(%dma_start3A_262 : memref<40x128xf32, #tpu.memory_space<vmem_shared>>) target_semaphore(%run_scoped3A : memref<!tpu.dma_semaphore, #tpu.memory_space<semaphore_mem>>)
      %dma_wait3A_266 = arith.constant 0 : i32
      %dma_wait3A_267 = arith.constant 0 : i32
      %dma_wait3A_268 = tpu.memref_slice %arg9[%dma_wait3A_266, %dma_wait3A_267] : memref<40x128xf32, #tpu.memory_space<vmem>> -> memref<40x128xf32, #tpu.memory_space<vmem>>
      %dma_wait3A_269 = arith.constant 0 : i32
      %dma_wait3A_270 = tpu.memref_slice %arg19[%add3A_35, %dma_wait3A_269] : memref<10000x128xf32, #tpu.memory_space<vmem_shared>> -> memref<40x128xf32, #tpu.memory_space<vmem_shared>>
      %dma_wait3A_271 = arith.constant 0 : i32
      %dma_wait3A_272 = tpu.memref_slice %arg19[%add3A_35, %dma_wait3A_271] : memref<10000x128xf32, #tpu.memory_space<vmem_shared>> -> memref<40x128xf32, #tpu.memory_space<vmem_shared>>
      %dma_wait3A_273 = arith.constant 0 : i32
      %dma_wait3A_274 = arith.constant 0 : i32
      %dma_wait3A_275 = tpu.memref_slice %arg9[%dma_wait3A_273, %dma_wait3A_274] : memref<40x128xf32, #tpu.memory_space<vmem>> -> memref<40x128xf32, #tpu.memory_space<vmem>>
      tpu.wait_dma2 semaphore(%run_scoped3A : memref<!tpu.dma_semaphore, #tpu.memory_space<semaphore_mem>>) src(%dma_wait3A_275 : memref<40x128xf32, #tpu.memory_space<vmem>>) dst(%dma_wait3A_272 : memref<40x128xf32, #tpu.memory_space<vmem_shared>>)
      tpu.yield
    }) : () -> ()
    %add3A_36 = arith.constant 40 : i32
    %add3A_37 = arith.addi %add3A_35, %add3A_36 : i32
    "tpu.region"() ({
      %run_scoped3A = tpu.sem_alloc : memref<!tpu.dma_semaphore, #tpu.memory_space<semaphore_mem>>
      %dma_start3A_256 = arith.constant 0 : i32
      %dma_start3A_257 = arith.constant 0 : i32
      %dma_start3A_258 = tpu.memref_slice %arg10[%dma_start3A_256, %dma_start3A_257] : memref<40x128xf32, #tpu.memory_space<vmem>> -> memref<40x128xf32, #tpu.memory_space<vmem>>
      %dma_start3A_259 = arith.constant 0 : i32
      %dma_start3A_260 = tpu.memref_slice %arg19[%add3A_37, %dma_start3A_259] : memref<10000x128xf32, #tpu.memory_space<vmem_shared>> -> memref<40x128xf32, #tpu.memory_space<vmem_shared>>
      %dma_start3A_261 = arith.constant 0 : i32
      %dma_start3A_262 = tpu.memref_slice %arg19[%add3A_37, %dma_start3A_261] : memref<10000x128xf32, #tpu.memory_space<vmem_shared>> -> memref<40x128xf32, #tpu.memory_space<vmem_shared>>
      %dma_start3A_263 = arith.constant 0 : i32
      %dma_start3A_264 = arith.constant 0 : i32
      %dma_start3A_265 = tpu.memref_slice %arg10[%dma_start3A_263, %dma_start3A_264] : memref<40x128xf32, #tpu.memory_space<vmem>> -> memref<40x128xf32, #tpu.memory_space<vmem>>
      tpu.enqueue_dma source(%dma_start3A_265 : memref<40x128xf32, #tpu.memory_space<vmem>>) target(%dma_start3A_262 : memref<40x128xf32, #tpu.memory_space<vmem_shared>>) target_semaphore(%run_scoped3A : memref<!tpu.dma_semaphore, #tpu.memory_space<semaphore_mem>>)
      %dma_wait3A_266 = arith.constant 0 : i32
      %dma_wait3A_267 = arith.constant 0 : i32
      %dma_wait3A_268 = tpu.memref_slice %arg10[%dma_wait3A_266, %dma_wait3A_267] : memref<40x128xf32, #tpu.memory_space<vmem>> -> memref<40x128xf32, #tpu.memory_space<vmem>>
      %dma_wait3A_269 = arith.constant 0 : i32
      %dma_wait3A_270 = tpu.memref_slice %arg19[%add3A_37, %dma_wait3A_269] : memref<10000x128xf32, #tpu.memory_space<vmem_shared>> -> memref<40x128xf32, #tpu.memory_space<vmem_shared>>
      %dma_wait3A_271 = arith.constant 0 : i32
      %dma_wait3A_272 = tpu.memref_slice %arg19[%add3A_37, %dma_wait3A_271] : memref<10000x128xf32, #tpu.memory_space<vmem_shared>> -> memref<40x128xf32, #tpu.memory_space<vmem_shared>>
      %dma_wait3A_273 = arith.constant 0 : i32
      %dma_wait3A_274 = arith.constant 0 : i32
      %dma_wait3A_275 = tpu.memref_slice %arg10[%dma_wait3A_273, %dma_wait3A_274] : memref<40x128xf32, #tpu.memory_space<vmem>> -> memref<40x128xf32, #tpu.memory_space<vmem>>
      tpu.wait_dma2 semaphore(%run_scoped3A : memref<!tpu.dma_semaphore, #tpu.memory_space<semaphore_mem>>) src(%dma_wait3A_275 : memref<40x128xf32, #tpu.memory_space<vmem>>) dst(%dma_wait3A_272 : memref<40x128xf32, #tpu.memory_space<vmem_shared>>)
      tpu.yield
    }) : () -> ()
    %add3A_38 = arith.constant 80 : i32
    %add3A_39 = arith.addi %add3A_35, %add3A_38 : i32
    "tpu.region"() ({
      %run_scoped3A = tpu.sem_alloc : memref<!tpu.dma_semaphore, #tpu.memory_space<semaphore_mem>>
      %dma_start3A_256 = arith.constant 0 : i32
      %dma_start3A_257 = arith.constant 0 : i32
      %dma_start3A_258 = tpu.memref_slice %arg9[%dma_start3A_256, %dma_start3A_257] : memref<40x128xf32, #tpu.memory_space<vmem>> -> memref<32x128xf32, #tpu.memory_space<vmem>>
      %dma_start3A_259 = arith.constant 0 : i32
      %dma_start3A_260 = tpu.memref_slice %arg19[%add3A_39, %dma_start3A_259] : memref<10000x128xf32, #tpu.memory_space<vmem_shared>> -> memref<32x128xf32, #tpu.memory_space<vmem_shared>>
      %dma_start3A_261 = arith.constant 0 : i32
      %dma_start3A_262 = tpu.memref_slice %arg19[%add3A_39, %dma_start3A_261] : memref<10000x128xf32, #tpu.memory_space<vmem_shared>> -> memref<32x128xf32, #tpu.memory_space<vmem_shared>>
      %dma_start3A_263 = arith.constant 0 : i32
      %dma_start3A_264 = arith.constant 0 : i32
      %dma_start3A_265 = tpu.memref_slice %arg9[%dma_start3A_263, %dma_start3A_264] : memref<40x128xf32, #tpu.memory_space<vmem>> -> memref<32x128xf32, #tpu.memory_space<vmem>>
      tpu.enqueue_dma source(%dma_start3A_265 : memref<32x128xf32, #tpu.memory_space<vmem>>) target(%dma_start3A_262 : memref<32x128xf32, #tpu.memory_space<vmem_shared>>) target_semaphore(%run_scoped3A : memref<!tpu.dma_semaphore, #tpu.memory_space<semaphore_mem>>)
      %dma_wait3A_266 = arith.constant 0 : i32
      %dma_wait3A_267 = arith.constant 0 : i32
      %dma_wait3A_268 = tpu.memref_slice %arg9[%dma_wait3A_266, %dma_wait3A_267] : memref<40x128xf32, #tpu.memory_space<vmem>> -> memref<32x128xf32, #tpu.memory_space<vmem>>
      %dma_wait3A_269 = arith.constant 0 : i32
      %dma_wait3A_270 = tpu.memref_slice %arg19[%add3A_39, %dma_wait3A_269] : memref<10000x128xf32, #tpu.memory_space<vmem_shared>> -> memref<32x128xf32, #tpu.memory_space<vmem_shared>>
      %dma_wait3A_271 = arith.constant 0 : i32
      %dma_wait3A_272 = tpu.memref_slice %arg19[%add3A_39, %dma_wait3A_271] : memref<10000x128xf32, #tpu.memory_space<vmem_shared>> -> memref<32x128xf32, #tpu.memory_space<vmem_shared>>
      %dma_wait3A_273 = arith.constant 0 : i32
      %dma_wait3A_274 = arith.constant 0 : i32
      %dma_wait3A_275 = tpu.memref_slice %arg9[%dma_wait3A_273, %dma_wait3A_274] : memref<40x128xf32, #tpu.memory_space<vmem>> -> memref<32x128xf32, #tpu.memory_space<vmem>>
      tpu.wait_dma2 semaphore(%run_scoped3A : memref<!tpu.dma_semaphore, #tpu.memory_space<semaphore_mem>>) src(%dma_wait3A_275 : memref<32x128xf32, #tpu.memory_space<vmem>>) dst(%dma_wait3A_272 : memref<32x128xf32, #tpu.memory_space<vmem_shared>>)
      tpu.yield
    }) : () -> ()
    %add3A_40 = arith.constant 32 : i32
    %add3A_41 = arith.addi %add3A_39, %add3A_40 : i32
    "tpu.region"() ({
      %run_scoped3A = tpu.sem_alloc : memref<!tpu.dma_semaphore, #tpu.memory_space<semaphore_mem>>
      %dma_start3A_256 = arith.constant 0 : i32
      %dma_start3A_257 = arith.constant 0 : i32
      %dma_start3A_258 = tpu.memref_slice %arg10[%dma_start3A_256, %dma_start3A_257] : memref<40x128xf32, #tpu.memory_space<vmem>> -> memref<32x128xf32, #tpu.memory_space<vmem>>
      %dma_start3A_259 = arith.constant 0 : i32
      %dma_start3A_260 = tpu.memref_slice %arg19[%add3A_41, %dma_start3A_259] : memref<10000x128xf32, #tpu.memory_space<vmem_shared>> -> memref<32x128xf32, #tpu.memory_space<vmem_shared>>
      %dma_start3A_261 = arith.constant 0 : i32
      %dma_start3A_262 = tpu.memref_slice %arg19[%add3A_41, %dma_start3A_261] : memref<10000x128xf32, #tpu.memory_space<vmem_shared>> -> memref<32x128xf32, #tpu.memory_space<vmem_shared>>
      %dma_start3A_263 = arith.constant 0 : i32
      %dma_start3A_264 = arith.constant 0 : i32
      %dma_start3A_265 = tpu.memref_slice %arg10[%dma_start3A_263, %dma_start3A_264] : memref<40x128xf32, #tpu.memory_space<vmem>> -> memref<32x128xf32, #tpu.memory_space<vmem>>
      tpu.enqueue_dma source(%dma_start3A_265 : memref<32x128xf32, #tpu.memory_space<vmem>>) target(%dma_start3A_262 : memref<32x128xf32, #tpu.memory_space<vmem_shared>>) target_semaphore(%run_scoped3A : memref<!tpu.dma_semaphore, #tpu.memory_space<semaphore_mem>>)
      %dma_wait3A_266 = arith.constant 0 : i32
      %dma_wait3A_267 = arith.constant 0 : i32
      %dma_wait3A_268 = tpu.memref_slice %arg10[%dma_wait3A_266, %dma_wait3A_267] : memref<40x128xf32, #tpu.memory_space<vmem>> -> memref<32x128xf32, #tpu.memory_space<vmem>>
      %dma_wait3A_269 = arith.constant 0 : i32
      %dma_wait3A_270 = tpu.memref_slice %arg19[%add3A_41, %dma_wait3A_269] : memref<10000x128xf32, #tpu.memory_space<vmem_shared>> -> memref<32x128xf32, #tpu.memory_space<vmem_shared>>
      %dma_wait3A_271 = arith.constant 0 : i32
      %dma_wait3A_272 = tpu.memref_slice %arg19[%add3A_41, %dma_wait3A_271] : memref<10000x128xf32, #tpu.memory_space<vmem_shared>> -> memref<32x128xf32, #tpu.memory_space<vmem_shared>>
      %dma_wait3A_273 = arith.constant 0 : i32
      %dma_wait3A_274 = arith.constant 0 : i32
      %dma_wait3A_275 = tpu.memref_slice %arg10[%dma_wait3A_273, %dma_wait3A_274] : memref<40x128xf32, #tpu.memory_space<vmem>> -> memref<32x128xf32, #tpu.memory_space<vmem>>
      tpu.wait_dma2 semaphore(%run_scoped3A : memref<!tpu.dma_semaphore, #tpu.memory_space<semaphore_mem>>) src(%dma_wait3A_275 : memref<32x128xf32, #tpu.memory_space<vmem>>) dst(%dma_wait3A_272 : memref<32x128xf32, #tpu.memory_space<vmem_shared>>)
      tpu.yield
    }) : () -> ()
    %add3A_42 = arith.constant 64 : i32
    %add3A_43 = arith.addi %add3A_39, %add3A_42 : i32
    %eq3A = arith.constant 15 : i32
    %eq3A_44 = arith.cmpi eq, %arg1, %eq3A : i32
    %convert_element_type3A = arith.extui %eq3A_44 : i1 to i32
    %cond3A = arith.constant 0 : i32
    %cond3A_45 = arith.cmpi ne, %convert_element_type3A, %cond3A : i32
    scf.if %cond3A_45 {
      "tpu.region"() ({
        %run_scoped3A = tpu.sem_alloc : memref<!tpu.dma_semaphore, #tpu.memory_space<semaphore_mem>>
        %dma_start3A_256 = arith.constant 0 : i32
        %dma_start3A_257 = arith.constant 0 : i32
        %dma_start3A_258 = tpu.memref_slice %arg9[%dma_start3A_256, %dma_start3A_257] : memref<40x128xf32, #tpu.memory_space<vmem>> -> memref<16x128xf32, #tpu.memory_space<vmem>>
        %dma_start3A_259 = arith.constant 9984 : i32
        %dma_start3A_260 = arith.constant 0 : i32
        %dma_start3A_261 = tpu.memref_slice %arg19[%dma_start3A_259, %dma_start3A_260] : memref<10000x128xf32, #tpu.memory_space<vmem_shared>> -> memref<16x128xf32, #tpu.memory_space<vmem_shared>>
        %dma_start3A_262 = arith.constant 9984 : i32
        %dma_start3A_263 = arith.constant 0 : i32
        %dma_start3A_264 = tpu.memref_slice %arg19[%dma_start3A_262, %dma_start3A_263] : memref<10000x128xf32, #tpu.memory_space<vmem_shared>> -> memref<16x128xf32, #tpu.memory_space<vmem_shared>>
        %dma_start3A_265 = arith.constant 0 : i32
        %dma_start3A_266 = arith.constant 0 : i32
        %dma_start3A_267 = tpu.memref_slice %arg9[%dma_start3A_265, %dma_start3A_266] : memref<40x128xf32, #tpu.memory_space<vmem>> -> memref<16x128xf32, #tpu.memory_space<vmem>>
        tpu.enqueue_dma source(%dma_start3A_267 : memref<16x128xf32, #tpu.memory_space<vmem>>) target(%dma_start3A_264 : memref<16x128xf32, #tpu.memory_space<vmem_shared>>) target_semaphore(%run_scoped3A : memref<!tpu.dma_semaphore, #tpu.memory_space<semaphore_mem>>)
        %dma_wait3A_268 = arith.constant 0 : i32
        %dma_wait3A_269 = arith.constant 0 : i32
        %dma_wait3A_270 = tpu.memref_slice %arg9[%dma_wait3A_268, %dma_wait3A_269] : memref<40x128xf32, #tpu.memory_space<vmem>> -> memref<16x128xf32, #tpu.memory_space<vmem>>
        %dma_wait3A_271 = arith.constant 9984 : i32
        %dma_wait3A_272 = arith.constant 0 : i32
        %dma_wait3A_273 = tpu.memref_slice %arg19[%dma_wait3A_271, %dma_wait3A_272] : memref<10000x128xf32, #tpu.memory_space<vmem_shared>> -> memref<16x128xf32, #tpu.memory_space<vmem_shared>>
        %dma_wait3A_274 = arith.constant 9984 : i32
        %dma_wait3A_275 = arith.constant 0 : i32
        %dma_wait3A_276 = tpu.memref_slice %arg19[%dma_wait3A_274, %dma_wait3A_275] : memref<10000x128xf32, #tpu.memory_space<vmem_shared>> -> memref<16x128xf32, #tpu.memory_space<vmem_shared>>
        %dma_wait3A_277 = arith.constant 0 : i32
        %dma_wait3A_278 = arith.constant 0 : i32
        %dma_wait3A_279 = tpu.memref_slice %arg9[%dma_wait3A_277, %dma_wait3A_278] : memref<40x128xf32, #tpu.memory_space<vmem>> -> memref<16x128xf32, #tpu.memory_space<vmem>>
        tpu.wait_dma2 semaphore(%run_scoped3A : memref<!tpu.dma_semaphore, #tpu.memory_space<semaphore_mem>>) src(%dma_wait3A_279 : memref<16x128xf32, #tpu.memory_space<vmem>>) dst(%dma_wait3A_276 : memref<16x128xf32, #tpu.memory_space<vmem_shared>>)
        tpu.yield
      }) : () -> ()
    } else {
    }
    %barrier3A = arith.constant 0 : index
    tpu.barrier barrier_id(%barrier3A)
    %add3A_46 = arith.constant 0 : i32
    %add3A_47 = arith.addi %add3A, %add3A_46 : i32
    %dma_start3A = tpu.memref_slice %arg5[%add3A_47] : memref<320000xi32, #tpu.memory_space<hbm>> -> memref<40xi32, #tpu.memory_space<hbm>>
    %dma_start3A_48 = tpu.memref_slice %arg5[%add3A_47] : memref<320000xi32, #tpu.memory_space<hbm>> -> memref<40xi32, #tpu.memory_space<hbm>>
    tpu.enqueue_dma source(%dma_start3A_48 : memref<40xi32, #tpu.memory_space<hbm>>) target(%arg15 : memref<40xi32, #tpu.memory_space<vmem>>) target_semaphore(%arg20 : memref<!tpu.dma_semaphore, #tpu.memory_space<semaphore_mem>>)
    %dma_start3A_49 = tpu.memref_slice %arg6[%add3A_47] : memref<320000xi32, #tpu.memory_space<hbm>> -> memref<40xi32, #tpu.memory_space<hbm>>
    %dma_start3A_50 = tpu.memref_slice %arg6[%add3A_47] : memref<320000xi32, #tpu.memory_space<hbm>> -> memref<40xi32, #tpu.memory_space<hbm>>
    tpu.enqueue_dma source(%dma_start3A_50 : memref<40xi32, #tpu.memory_space<hbm>>) target(%arg17 : memref<40xi32, #tpu.memory_space<vmem>>) target_semaphore(%arg20 : memref<!tpu.dma_semaphore, #tpu.memory_space<semaphore_mem>>)
    %dma_start3A_51 = arith.constant 0 : i32
    %dma_start3A_52 = tpu.memref_slice %arg3[%add3A_47, %dma_start3A_51] : memref<320000x128xf32, #tpu.memory_space<hbm>> -> memref<40x128xf32, #tpu.memory_space<hbm>>
    %dma_start3A_53 = arith.constant 0 : i32
    %dma_start3A_54 = tpu.memref_slice %arg3[%add3A_47, %dma_start3A_53] : memref<320000x128xf32, #tpu.memory_space<hbm>> -> memref<40x128xf32, #tpu.memory_space<hbm>>
    tpu.enqueue_dma source(%dma_start3A_54 : memref<40x128xf32, #tpu.memory_space<hbm>>) target(%arg9 : memref<40x128xf32, #tpu.memory_space<vmem>>) target_semaphore(%arg20 : memref<!tpu.dma_semaphore, #tpu.memory_space<semaphore_mem>>)
    %mul3A_55 = arith.constant 16 : i32
    %mul3A_56 = arith.muli %add3A_47, %mul3A_55 : i32
    %dma_start3A_57 = tpu.memref_slice %arg4[%mul3A_56] : memref<5120000xf32, #tpu.memory_space<hbm>> -> memref<640xf32, #tpu.memory_space<hbm>>
    %dma_start3A_58 = tpu.memref_slice %arg4[%mul3A_56] : memref<5120000xf32, #tpu.memory_space<hbm>> -> memref<640xf32, #tpu.memory_space<hbm>>
    tpu.enqueue_dma source(%dma_start3A_58 : memref<640xf32, #tpu.memory_space<hbm>>) target(%arg13 : memref<640xf32, #tpu.memory_space<vmem>>) target_semaphore(%arg20 : memref<!tpu.dma_semaphore, #tpu.memory_space<semaphore_mem>>)
    %scan3A_59 = arith.constant 0 : i32
    %scan3A_60 = arith.constant 125 : i32
    %scan3A_61 = arith.addi %scan3A_59, %scan3A_60 : i32
    %scan3A_62 = arith.constant 1 : i32
    scf.for %scan3A_256 = %scan3A_59 to %scan3A_61 step %scan3A_62  : i32 {
      %mul3A_257 = arith.constant 2 : i32
      %mul3A_258 = arith.muli %scan3A_256, %mul3A_257 : i32
      %add3A_259 = arith.constant 0 : i32
      %add3A_260 = arith.addi %add3A_259, %mul3A_258 : i32
      %add3A_261 = arith.constant 0 : i32
      %add3A_262 = arith.addi %add3A_260, %add3A_261 : i32
      %jit3A = arith.constant 250 : i32
      %eq3A_263 = arith.constant 0 : i32
      %eq3A_264 = arith.cmpi eq, %jit3A, %eq3A_263 : i32
      %jit3A_265 = arith.constant 1 : i32
      %select_n3A = arith.select %eq3A_264, %jit3A_265, %jit3A : i32
      %rem3A = arith.remsi %add3A_262, %select_n3A : i32
      %ne3A = arith.constant 0 : i32
      %ne3A_266 = arith.cmpi ne, %rem3A, %ne3A : i32
      %lt3A = arith.constant 0 : i32
      %lt3A_267 = arith.cmpi slt, %rem3A, %lt3A : i32
      %lt3A_268 = arith.constant 0 : i32
      %lt3A_269 = arith.cmpi slt, %select_n3A, %lt3A_268 : i32
      %ne3A_270 = arith.xori %lt3A_267, %lt3A_269 : i1
      %and3A = arith.andi %ne3A_270, %ne3A_266 : i1
      %add3A_271 = arith.addi %rem3A, %select_n3A : i32
      %select_n3A_272 = arith.select %and3A, %add3A_271, %rem3A : i32
      %mul3A_273 = arith.constant 40 : i32
      %mul3A_274 = arith.muli %select_n3A_272, %mul3A_273 : i32
      %add3A_275 = arith.addi %add3A, %mul3A_274 : i32
      %dma_wait3A_276 = tpu.memref_slice %arg5[%add3A_275] : memref<320000xi32, #tpu.memory_space<hbm>> -> memref<40xi32, #tpu.memory_space<hbm>>
      %dma_wait3A_277 = tpu.memref_slice %arg5[%add3A_275] : memref<320000xi32, #tpu.memory_space<hbm>> -> memref<40xi32, #tpu.memory_space<hbm>>
      tpu.wait_dma2 semaphore(%arg20 : memref<!tpu.dma_semaphore, #tpu.memory_space<semaphore_mem>>) src(%dma_wait3A_277 : memref<40xi32, #tpu.memory_space<hbm>>) dst(%arg15 : memref<40xi32, #tpu.memory_space<vmem>>)
      %dma_wait3A_278 = tpu.memref_slice %arg6[%add3A_275] : memref<320000xi32, #tpu.memory_space<hbm>> -> memref<40xi32, #tpu.memory_space<hbm>>
      %dma_wait3A_279 = tpu.memref_slice %arg6[%add3A_275] : memref<320000xi32, #tpu.memory_space<hbm>> -> memref<40xi32, #tpu.memory_space<hbm>>
      tpu.wait_dma2 semaphore(%arg20 : memref<!tpu.dma_semaphore, #tpu.memory_space<semaphore_mem>>) src(%dma_wait3A_279 : memref<40xi32, #tpu.memory_space<hbm>>) dst(%arg17 : memref<40xi32, #tpu.memory_space<vmem>>)
      %dma_wait3A_280 = arith.constant 0 : i32
      %dma_wait3A_281 = tpu.memref_slice %arg3[%add3A_275, %dma_wait3A_280] : memref<320000x128xf32, #tpu.memory_space<hbm>> -> memref<40x128xf32, #tpu.memory_space<hbm>>
      %dma_wait3A_282 = arith.constant 0 : i32
      %dma_wait3A_283 = tpu.memref_slice %arg3[%add3A_275, %dma_wait3A_282] : memref<320000x128xf32, #tpu.memory_space<hbm>> -> memref<40x128xf32, #tpu.memory_space<hbm>>
      tpu.wait_dma2 semaphore(%arg20 : memref<!tpu.dma_semaphore, #tpu.memory_space<semaphore_mem>>) src(%dma_wait3A_283 : memref<40x128xf32, #tpu.memory_space<hbm>>) dst(%arg9 : memref<40x128xf32, #tpu.memory_space<vmem>>)
      %mul3A_284 = arith.constant 16 : i32
      %mul3A_285 = arith.muli %add3A_275, %mul3A_284 : i32
      %dma_wait3A_286 = tpu.memref_slice %arg4[%mul3A_285] : memref<5120000xf32, #tpu.memory_space<hbm>> -> memref<640xf32, #tpu.memory_space<hbm>>
      %dma_wait3A_287 = tpu.memref_slice %arg4[%mul3A_285] : memref<5120000xf32, #tpu.memory_space<hbm>> -> memref<640xf32, #tpu.memory_space<hbm>>
      tpu.wait_dma2 semaphore(%arg20 : memref<!tpu.dma_semaphore, #tpu.memory_space<semaphore_mem>>) src(%dma_wait3A_287 : memref<640xf32, #tpu.memory_space<hbm>>) dst(%arg13 : memref<640xf32, #tpu.memory_space<vmem>>)
      %dma_start3A_288 = arith.constant 0 : i32
      %dma_start3A_289 = arith.constant 0 : i32
      %dma_start3A_290 = tpu.memref_slice %arg2[%dma_start3A_288, %dma_start3A_289] : memref<10000x128xf32, #tpu.memory_space<hbm>> -> memref<10000x128xf32, #tpu.memory_space<hbm>>
      tpu.enqueue_indirect_dma source(%dma_start3A_290 : memref<10000x128xf32, #tpu.memory_space<hbm>>) target(%arg11 : memref<40x128xf32, #tpu.memory_space<vmem>>) offsets(%arg15 : memref<40xi32, #tpu.memory_space<vmem>>) semaphore(%arg22 : memref<!tpu.dma_semaphore, #tpu.memory_space<semaphore_mem>>)
      %ge3A = arith.constant 1 : i32
      %ge3A_291 = arith.cmpi sge, %add3A_260, %ge3A : i32
      %convert_element_type3A_292 = arith.extui %ge3A_291 : i1 to i32
      %cond3A_293 = arith.constant 0 : i32
      %cond3A_294 = arith.cmpi ne, %convert_element_type3A_292, %cond3A_293 : i32
      scf.if %cond3A_294 {
        %dma_wait3A_422 = arith.constant 0 : i32
        %dma_wait3A_423 = arith.constant 0 : i32
        %dma_wait3A_424 = tpu.memref_slice %arg19[%dma_wait3A_422, %dma_wait3A_423] : memref<10000x128xf32, #tpu.memory_space<vmem_shared>> -> memref<10000x128xf32, #tpu.memory_space<vmem_shared>>
        tpu.wait_indirect_dma semaphore(%arg25 : memref<!tpu.dma_semaphore, #tpu.memory_space<semaphore_mem>>) src(%arg10 : memref<40x128xf32, #tpu.memory_space<vmem>>) dst(%dma_wait3A_424 : memref<10000x128xf32, #tpu.memory_space<vmem_shared>>)
      } else {
      }
      %add3A_295 = arith.constant 1 : i32
      %add3A_296 = arith.addi %add3A_262, %add3A_295 : i32
      %jit3A_297 = arith.constant 250 : i32
      %eq3A_298 = arith.constant 0 : i32
      %eq3A_299 = arith.cmpi eq, %jit3A_297, %eq3A_298 : i32
      %jit3A_300 = arith.constant 1 : i32
      %select_n3A_301 = arith.select %eq3A_299, %jit3A_300, %jit3A_297 : i32
      %rem3A_302 = arith.remsi %add3A_296, %select_n3A_301 : i32
      %ne3A_303 = arith.constant 0 : i32
      %ne3A_304 = arith.cmpi ne, %rem3A_302, %ne3A_303 : i32
      %lt3A_305 = arith.constant 0 : i32
      %lt3A_306 = arith.cmpi slt, %rem3A_302, %lt3A_305 : i32
      %lt3A_307 = arith.constant 0 : i32
      %lt3A_308 = arith.cmpi slt, %select_n3A_301, %lt3A_307 : i32
      %ne3A_309 = arith.xori %lt3A_306, %lt3A_308 : i1
      %and3A_310 = arith.andi %ne3A_309, %ne3A_304 : i1
      %add3A_311 = arith.addi %rem3A_302, %select_n3A_301 : i32
      %select_n3A_312 = arith.select %and3A_310, %add3A_311, %rem3A_302 : i32
      %mul3A_313 = arith.constant 40 : i32
      %mul3A_314 = arith.muli %select_n3A_312, %mul3A_313 : i32
      %add3A_315 = arith.addi %add3A, %mul3A_314 : i32
      %dma_start3A_316 = tpu.memref_slice %arg5[%add3A_315] : memref<320000xi32, #tpu.memory_space<hbm>> -> memref<40xi32, #tpu.memory_space<hbm>>
      %dma_start3A_317 = tpu.memref_slice %arg5[%add3A_315] : memref<320000xi32, #tpu.memory_space<hbm>> -> memref<40xi32, #tpu.memory_space<hbm>>
      tpu.enqueue_dma source(%dma_start3A_317 : memref<40xi32, #tpu.memory_space<hbm>>) target(%arg16 : memref<40xi32, #tpu.memory_space<vmem>>) target_semaphore(%arg21 : memref<!tpu.dma_semaphore, #tpu.memory_space<semaphore_mem>>)
      %dma_start3A_318 = tpu.memref_slice %arg6[%add3A_315] : memref<320000xi32, #tpu.memory_space<hbm>> -> memref<40xi32, #tpu.memory_space<hbm>>
      %dma_start3A_319 = tpu.memref_slice %arg6[%add3A_315] : memref<320000xi32, #tpu.memory_space<hbm>> -> memref<40xi32, #tpu.memory_space<hbm>>
      tpu.enqueue_dma source(%dma_start3A_319 : memref<40xi32, #tpu.memory_space<hbm>>) target(%arg18 : memref<40xi32, #tpu.memory_space<vmem>>) target_semaphore(%arg21 : memref<!tpu.dma_semaphore, #tpu.memory_space<semaphore_mem>>)
      %dma_start3A_320 = arith.constant 0 : i32
      %dma_start3A_321 = tpu.memref_slice %arg3[%add3A_315, %dma_start3A_320] : memref<320000x128xf32, #tpu.memory_space<hbm>> -> memref<40x128xf32, #tpu.memory_space<hbm>>
      %dma_start3A_322 = arith.constant 0 : i32
      %dma_start3A_323 = tpu.memref_slice %arg3[%add3A_315, %dma_start3A_322] : memref<320000x128xf32, #tpu.memory_space<hbm>> -> memref<40x128xf32, #tpu.memory_space<hbm>>
      tpu.enqueue_dma source(%dma_start3A_323 : memref<40x128xf32, #tpu.memory_space<hbm>>) target(%arg10 : memref<40x128xf32, #tpu.memory_space<vmem>>) target_semaphore(%arg21 : memref<!tpu.dma_semaphore, #tpu.memory_space<semaphore_mem>>)
      %mul3A_324 = arith.constant 16 : i32
      %mul3A_325 = arith.muli %add3A_315, %mul3A_324 : i32
      %dma_start3A_326 = tpu.memref_slice %arg4[%mul3A_325] : memref<5120000xf32, #tpu.memory_space<hbm>> -> memref<640xf32, #tpu.memory_space<hbm>>
      %dma_start3A_327 = tpu.memref_slice %arg4[%mul3A_325] : memref<5120000xf32, #tpu.memory_space<hbm>> -> memref<640xf32, #tpu.memory_space<hbm>>
      tpu.enqueue_dma source(%dma_start3A_327 : memref<640xf32, #tpu.memory_space<hbm>>) target(%arg14 : memref<640xf32, #tpu.memory_space<vmem>>) target_semaphore(%arg21 : memref<!tpu.dma_semaphore, #tpu.memory_space<semaphore_mem>>)
      %dma_wait3A_328 = arith.constant 0 : i32
      %dma_wait3A_329 = arith.constant 0 : i32
      %dma_wait3A_330 = tpu.memref_slice %arg2[%dma_wait3A_328, %dma_wait3A_329] : memref<10000x128xf32, #tpu.memory_space<hbm>> -> memref<10000x128xf32, #tpu.memory_space<hbm>>
      tpu.wait_indirect_dma semaphore(%arg22 : memref<!tpu.dma_semaphore, #tpu.memory_space<semaphore_mem>>) src(%dma_wait3A_330 : memref<10000x128xf32, #tpu.memory_space<hbm>>) dst(%arg11 : memref<40x128xf32, #tpu.memory_space<vmem>>)
      %scan3A_331 = arith.constant 0 : i32
      %scan3A_332 = arith.constant 40 : i32
      %scan3A_333 = arith.addi %scan3A_331, %scan3A_332 : i32
      %scan3A_334 = arith.constant 1 : i32
      scf.for %scan3A_422 = %scan3A_331 to %scan3A_333 step %scan3A_334  : i32 {
        %mul3A_423 = arith.constant 1 : i32
        %mul3A_424 = arith.muli %scan3A_422, %mul3A_423 : i32
        %add3A_425 = arith.constant 0 : i32
        %add3A_426 = arith.addi %add3A_425, %mul3A_424 : i32
        %mul3A_427 = arith.constant 16 : i32
        %mul3A_428 = arith.muli %add3A_426, %mul3A_427 : i32
        %get3A = arith.index_cast %mul3A_428 : i32 to index
        %get3A_429 = tpu.vector_load %arg13[%get3A] {strides = array<i32>} : memref<640xf32, #tpu.memory_space<vmem>>, vector<16xf32>,
        %get3A_430 = vector.shape_cast %get3A_429 : vector<16xf32> to vector<16xf32>
        %slice3A = vector.extract_strided_slice %get3A_430 {offsets = [0], sizes = [1], strides = [1]} : vector<16xf32> to vector<1xf32>
        %squeeze3A = vector.extract %slice3A[0] : f32 from vector<1xf32>
        %get3A_431 = arith.index_cast %add3A_426 : i32 to index
        %get3A_432 = arith.constant 0 : index
        %get3A_433 = tpu.vector_load %arg9[%get3A_431, %get3A_432] {strides = array<i32>} : memref<40x128xf32, #tpu.memory_space<vmem>>, vector<1x16xf32>,
        %get3A_434 = vector.shape_cast %get3A_433 : vector<1x16xf32> to vector<16xf32>
        %get3A_435 = arith.index_cast %add3A_426 : i32 to index
        %get3A_436 = arith.constant 0 : index
        %get3A_437 = tpu.vector_load %arg11[%get3A_435, %get3A_436] {strides = array<i32>} : memref<40x128xf32, #tpu.memory_space<vmem>>, vector<1x16xf32>,
        %get3A_438 = vector.shape_cast %get3A_437 : vector<1x16xf32> to vector<16xf32>
        %mul3A_439 = arith.mulf %get3A_434, %get3A_438 : vector<16xf32>
        %mul3A_440 = vector.broadcast %squeeze3A : f32 to vector<16xf32>
        %mul3A_441 = arith.mulf %mul3A_440, %mul3A_439 : vector<16xf32>
        %swap3A = arith.index_cast %add3A_426 : i32 to index
        %swap3A_442 = arith.constant 0 : index
        %swap3A_443 = tpu.vector_load %arg9[%swap3A, %swap3A_442] {strides = array<i32>} : memref<40x128xf32, #tpu.memory_space<vmem>>, vector<1x16xf32>,
        %swap3A_444 = vector.shape_cast %swap3A_443 : vector<1x16xf32> to vector<16xf32>
        %swap3A_445 = vector.shape_cast %mul3A_441 : vector<16xf32> to vector<1x16xf32>
        tpu.vector_store %arg9[%swap3A, %swap3A_442], %swap3A_445 {strides = array<i32>} : memref<40x128xf32, #tpu.memory_space<vmem>>, vector<1x16xf32>,
        %slice3A_446 = vector.extract_strided_slice %get3A_430 {offsets = [1], sizes = [1], strides = [1]} : vector<16xf32> to vector<1xf32>
        %squeeze3A_447 = vector.extract %slice3A_446[0] : f32 from vector<1xf32>
        %get3A_448 = arith.index_cast %add3A_426 : i32 to index
        %get3A_449 = arith.constant 16 : index
        %get3A_450 = tpu.vector_load %arg9[%get3A_448, %get3A_449] {strides = array<i32>} : memref<40x128xf32, #tpu.memory_space<vmem>>, vector<1x16xf32>,
        %get3A_451 = vector.shape_cast %get3A_450 : vector<1x16xf32> to vector<16xf32>
        %get3A_452 = arith.index_cast %add3A_426 : i32 to index
        %get3A_453 = arith.constant 16 : index
        %get3A_454 = tpu.vector_load %arg11[%get3A_452, %get3A_453] {strides = array<i32>} : memref<40x128xf32, #tpu.memory_space<vmem>>, vector<1x16xf32>,
        %get3A_455 = vector.shape_cast %get3A_454 : vector<1x16xf32> to vector<16xf32>
        %mul3A_456 = arith.mulf %get3A_451, %get3A_455 : vector<16xf32>
        %mul3A_457 = vector.broadcast %squeeze3A_447 : f32 to vector<16xf32>
        %mul3A_458 = arith.mulf %mul3A_457, %mul3A_456 : vector<16xf32>
        %swap3A_459 = arith.index_cast %add3A_426 : i32 to index
        %swap3A_460 = arith.constant 16 : index
        %swap3A_461 = tpu.vector_load %arg9[%swap3A_459, %swap3A_460] {strides = array<i32>} : memref<40x128xf32, #tpu.memory_space<vmem>>, vector<1x16xf32>,
        %swap3A_462 = vector.shape_cast %swap3A_461 : vector<1x16xf32> to vector<16xf32>
        %swap3A_463 = vector.shape_cast %mul3A_458 : vector<16xf32> to vector<1x16xf32>
        tpu.vector_store %arg9[%swap3A_459, %swap3A_460], %swap3A_463 {strides = array<i32>} : memref<40x128xf32, #tpu.memory_space<vmem>>, vector<1x16xf32>,
        %slice3A_464 = vector.extract_strided_slice %get3A_430 {offsets = [2], sizes = [1], strides = [1]} : vector<16xf32> to vector<1xf32>
        %squeeze3A_465 = vector.extract %slice3A_464[0] : f32 from vector<1xf32>
        %get3A_466 = arith.index_cast %add3A_426 : i32 to index
        %get3A_467 = arith.constant 32 : index
        %get3A_468 = tpu.vector_load %arg9[%get3A_466, %get3A_467] {strides = array<i32>} : memref<40x128xf32, #tpu.memory_space<vmem>>, vector<1x16xf32>,
        %get3A_469 = vector.shape_cast %get3A_468 : vector<1x16xf32> to vector<16xf32>
        %get3A_470 = arith.index_cast %add3A_426 : i32 to index
        %get3A_471 = arith.constant 32 : index
        %get3A_472 = tpu.vector_load %arg11[%get3A_470, %get3A_471] {strides = array<i32>} : memref<40x128xf32, #tpu.memory_space<vmem>>, vector<1x16xf32>,
        %get3A_473 = vector.shape_cast %get3A_472 : vector<1x16xf32> to vector<16xf32>
        %mul3A_474 = arith.mulf %get3A_469, %get3A_473 : vector<16xf32>
        %mul3A_475 = vector.broadcast %squeeze3A_465 : f32 to vector<16xf32>
        %mul3A_476 = arith.mulf %mul3A_475, %mul3A_474 : vector<16xf32>
        %swap3A_477 = arith.index_cast %add3A_426 : i32 to index
        %swap3A_478 = arith.constant 32 : index
        %swap3A_479 = tpu.vector_load %arg9[%swap3A_477, %swap3A_478] {strides = array<i32>} : memref<40x128xf32, #tpu.memory_space<vmem>>, vector<1x16xf32>,
        %swap3A_480 = vector.shape_cast %swap3A_479 : vector<1x16xf32> to vector<16xf32>
        %swap3A_481 = vector.shape_cast %mul3A_476 : vector<16xf32> to vector<1x16xf32>
        tpu.vector_store %arg9[%swap3A_477, %swap3A_478], %swap3A_481 {strides = array<i32>} : memref<40x128xf32, #tpu.memory_space<vmem>>, vector<1x16xf32>,
        %slice3A_482 = vector.extract_strided_slice %get3A_430 {offsets = [3], sizes = [1], strides = [1]} : vector<16xf32> to vector<1xf32>
        %squeeze3A_483 = vector.extract %slice3A_482[0] : f32 from vector<1xf32>
        %get3A_484 = arith.index_cast %add3A_426 : i32 to index
        %get3A_485 = arith.constant 48 : index
        %get3A_486 = tpu.vector_load %arg9[%get3A_484, %get3A_485] {strides = array<i32>} : memref<40x128xf32, #tpu.memory_space<vmem>>, vector<1x16xf32>,
        %get3A_487 = vector.shape_cast %get3A_486 : vector<1x16xf32> to vector<16xf32>
        %get3A_488 = arith.index_cast %add3A_426 : i32 to index
        %get3A_489 = arith.constant 48 : index
        %get3A_490 = tpu.vector_load %arg11[%get3A_488, %get3A_489] {strides = array<i32>} : memref<40x128xf32, #tpu.memory_space<vmem>>, vector<1x16xf32>,
        %get3A_491 = vector.shape_cast %get3A_490 : vector<1x16xf32> to vector<16xf32>
        %mul3A_492 = arith.mulf %get3A_487, %get3A_491 : vector<16xf32>
        %mul3A_493 = vector.broadcast %squeeze3A_483 : f32 to vector<16xf32>
        %mul3A_494 = arith.mulf %mul3A_493, %mul3A_492 : vector<16xf32>
        %swap3A_495 = arith.index_cast %add3A_426 : i32 to index
        %swap3A_496 = arith.constant 48 : index
        %swap3A_497 = tpu.vector_load %arg9[%swap3A_495, %swap3A_496] {strides = array<i32>} : memref<40x128xf32, #tpu.memory_space<vmem>>, vector<1x16xf32>,
        %swap3A_498 = vector.shape_cast %swap3A_497 : vector<1x16xf32> to vector<16xf32>
        %swap3A_499 = vector.shape_cast %mul3A_494 : vector<16xf32> to vector<1x16xf32>
        tpu.vector_store %arg9[%swap3A_495, %swap3A_496], %swap3A_499 {strides = array<i32>} : memref<40x128xf32, #tpu.memory_space<vmem>>, vector<1x16xf32>,
        %slice3A_500 = vector.extract_strided_slice %get3A_430 {offsets = [4], sizes = [1], strides = [1]} : vector<16xf32> to vector<1xf32>
        %squeeze3A_501 = vector.extract %slice3A_500[0] : f32 from vector<1xf32>
        %get3A_502 = arith.index_cast %add3A_426 : i32 to index
        %get3A_503 = arith.constant 64 : index
        %get3A_504 = tpu.vector_load %arg9[%get3A_502, %get3A_503] {strides = array<i32>} : memref<40x128xf32, #tpu.memory_space<vmem>>, vector<1x16xf32>,
        %get3A_505 = vector.shape_cast %get3A_504 : vector<1x16xf32> to vector<16xf32>
        %get3A_506 = arith.index_cast %add3A_426 : i32 to index
        %get3A_507 = arith.constant 64 : index
        %get3A_508 = tpu.vector_load %arg11[%get3A_506, %get3A_507] {strides = array<i32>} : memref<40x128xf32, #tpu.memory_space<vmem>>, vector<1x16xf32>,
        %get3A_509 = vector.shape_cast %get3A_508 : vector<1x16xf32> to vector<16xf32>
        %mul3A_510 = arith.mulf %get3A_505, %get3A_509 : vector<16xf32>
        %mul3A_511 = vector.broadcast %squeeze3A_501 : f32 to vector<16xf32>
        %mul3A_512 = arith.mulf %mul3A_511, %mul3A_510 : vector<16xf32>
        %swap3A_513 = arith.index_cast %add3A_426 : i32 to index
        %swap3A_514 = arith.constant 64 : index
        %swap3A_515 = tpu.vector_load %arg9[%swap3A_513, %swap3A_514] {strides = array<i32>} : memref<40x128xf32, #tpu.memory_space<vmem>>, vector<1x16xf32>,
        %swap3A_516 = vector.shape_cast %swap3A_515 : vector<1x16xf32> to vector<16xf32>
        %swap3A_517 = vector.shape_cast %mul3A_512 : vector<16xf32> to vector<1x16xf32>
        tpu.vector_store %arg9[%swap3A_513, %swap3A_514], %swap3A_517 {strides = array<i32>} : memref<40x128xf32, #tpu.memory_space<vmem>>, vector<1x16xf32>,
        %slice3A_518 = vector.extract_strided_slice %get3A_430 {offsets = [5], sizes = [1], strides = [1]} : vector<16xf32> to vector<1xf32>
        %squeeze3A_519 = vector.extract %slice3A_518[0] : f32 from vector<1xf32>
        %get3A_520 = arith.index_cast %add3A_426 : i32 to index
        %get3A_521 = arith.constant 80 : index
        %get3A_522 = tpu.vector_load %arg9[%get3A_520, %get3A_521] {strides = array<i32>} : memref<40x128xf32, #tpu.memory_space<vmem>>, vector<1x16xf32>,
        %get3A_523 = vector.shape_cast %get3A_522 : vector<1x16xf32> to vector<16xf32>
        %get3A_524 = arith.index_cast %add3A_426 : i32 to index
        %get3A_525 = arith.constant 80 : index
        %get3A_526 = tpu.vector_load %arg11[%get3A_524, %get3A_525] {strides = array<i32>} : memref<40x128xf32, #tpu.memory_space<vmem>>, vector<1x16xf32>,
        %get3A_527 = vector.shape_cast %get3A_526 : vector<1x16xf32> to vector<16xf32>
        %mul3A_528 = arith.mulf %get3A_523, %get3A_527 : vector<16xf32>
        %mul3A_529 = vector.broadcast %squeeze3A_519 : f32 to vector<16xf32>
        %mul3A_530 = arith.mulf %mul3A_529, %mul3A_528 : vector<16xf32>
        %swap3A_531 = arith.index_cast %add3A_426 : i32 to index
        %swap3A_532 = arith.constant 80 : index
        %swap3A_533 = tpu.vector_load %arg9[%swap3A_531, %swap3A_532] {strides = array<i32>} : memref<40x128xf32, #tpu.memory_space<vmem>>, vector<1x16xf32>,
        %swap3A_534 = vector.shape_cast %swap3A_533 : vector<1x16xf32> to vector<16xf32>
        %swap3A_535 = vector.shape_cast %mul3A_530 : vector<16xf32> to vector<1x16xf32>
        tpu.vector_store %arg9[%swap3A_531, %swap3A_532], %swap3A_535 {strides = array<i32>} : memref<40x128xf32, #tpu.memory_space<vmem>>, vector<1x16xf32>,
        %slice3A_536 = vector.extract_strided_slice %get3A_430 {offsets = [6], sizes = [1], strides = [1]} : vector<16xf32> to vector<1xf32>
        %squeeze3A_537 = vector.extract %slice3A_536[0] : f32 from vector<1xf32>
        %get3A_538 = arith.index_cast %add3A_426 : i32 to index
        %get3A_539 = arith.constant 96 : index
        %get3A_540 = tpu.vector_load %arg9[%get3A_538, %get3A_539] {strides = array<i32>} : memref<40x128xf32, #tpu.memory_space<vmem>>, vector<1x16xf32>,
        %get3A_541 = vector.shape_cast %get3A_540 : vector<1x16xf32> to vector<16xf32>
        %get3A_542 = arith.index_cast %add3A_426 : i32 to index
        %get3A_543 = arith.constant 96 : index
        %get3A_544 = tpu.vector_load %arg11[%get3A_542, %get3A_543] {strides = array<i32>} : memref<40x128xf32, #tpu.memory_space<vmem>>, vector<1x16xf32>,
        %get3A_545 = vector.shape_cast %get3A_544 : vector<1x16xf32> to vector<16xf32>
        %mul3A_546 = arith.mulf %get3A_541, %get3A_545 : vector<16xf32>
        %mul3A_547 = vector.broadcast %squeeze3A_537 : f32 to vector<16xf32>
        %mul3A_548 = arith.mulf %mul3A_547, %mul3A_546 : vector<16xf32>
        %swap3A_549 = arith.index_cast %add3A_426 : i32 to index
        %swap3A_550 = arith.constant 96 : index
        %swap3A_551 = tpu.vector_load %arg9[%swap3A_549, %swap3A_550] {strides = array<i32>} : memref<40x128xf32, #tpu.memory_space<vmem>>, vector<1x16xf32>,
        %swap3A_552 = vector.shape_cast %swap3A_551 : vector<1x16xf32> to vector<16xf32>
        %swap3A_553 = vector.shape_cast %mul3A_548 : vector<16xf32> to vector<1x16xf32>
        tpu.vector_store %arg9[%swap3A_549, %swap3A_550], %swap3A_553 {strides = array<i32>} : memref<40x128xf32, #tpu.memory_space<vmem>>, vector<1x16xf32>,
        %slice3A_554 = vector.extract_strided_slice %get3A_430 {offsets = [7], sizes = [1], strides = [1]} : vector<16xf32> to vector<1xf32>
        %squeeze3A_555 = vector.extract %slice3A_554[0] : f32 from vector<1xf32>
        %get3A_556 = arith.index_cast %add3A_426 : i32 to index
        %get3A_557 = arith.constant 112 : index
        %get3A_558 = tpu.vector_load %arg9[%get3A_556, %get3A_557] {strides = array<i32>} : memref<40x128xf32, #tpu.memory_space<vmem>>, vector<1x16xf32>,
        %get3A_559 = vector.shape_cast %get3A_558 : vector<1x16xf32> to vector<16xf32>
        %get3A_560 = arith.index_cast %add3A_426 : i32 to index
        %get3A_561 = arith.constant 112 : index
        %get3A_562 = tpu.vector_load %arg11[%get3A_560, %get3A_561] {strides = array<i32>} : memref<40x128xf32, #tpu.memory_space<vmem>>, vector<1x16xf32>,
        %get3A_563 = vector.shape_cast %get3A_562 : vector<1x16xf32> to vector<16xf32>
        %mul3A_564 = arith.mulf %get3A_559, %get3A_563 : vector<16xf32>
        %mul3A_565 = vector.broadcast %squeeze3A_555 : f32 to vector<16xf32>
        %mul3A_566 = arith.mulf %mul3A_565, %mul3A_564 : vector<16xf32>
        %swap3A_567 = arith.index_cast %add3A_426 : i32 to index
        %swap3A_568 = arith.constant 112 : index
        %swap3A_569 = tpu.vector_load %arg9[%swap3A_567, %swap3A_568] {strides = array<i32>} : memref<40x128xf32, #tpu.memory_space<vmem>>, vector<1x16xf32>,
        %swap3A_570 = vector.shape_cast %swap3A_569 : vector<1x16xf32> to vector<16xf32>
        %swap3A_571 = vector.shape_cast %mul3A_566 : vector<16xf32> to vector<1x16xf32>
        tpu.vector_store %arg9[%swap3A_567, %swap3A_568], %swap3A_571 {strides = array<i32>} : memref<40x128xf32, #tpu.memory_space<vmem>>, vector<1x16xf32>,
      }
      %scan3A_335 = arith.constant 40 : i32
      %dma_start3A_336 = arith.constant 0 : i32
      %dma_start3A_337 = arith.constant 0 : i32
      %dma_start3A_338 = tpu.memref_slice %arg19[%dma_start3A_336, %dma_start3A_337] : memref<10000x128xf32, #tpu.memory_space<vmem_shared>> -> memref<10000x128xf32, #tpu.memory_space<vmem_shared>>
      tpu.enqueue_indirect_dma source(%arg9 : memref<40x128xf32, #tpu.memory_space<vmem>>) target(%dma_start3A_338 : memref<10000x128xf32, #tpu.memory_space<vmem_shared>>) offsets(%arg17 : memref<40xi32, #tpu.memory_space<vmem>>) semaphore(%arg24 : memref<!tpu.dma_semaphore, #tpu.memory_space<semaphore_mem>>) {add = true}
      %add3A_339 = arith.constant 1 : i32
      %add3A_340 = arith.addi %add3A_260, %add3A_339 : i32
      %jit3A_341 = arith.constant 250 : i32
      %eq3A_342 = arith.constant 0 : i32
      %eq3A_343 = arith.cmpi eq, %jit3A_341, %eq3A_342 : i32
      %jit3A_344 = arith.constant 1 : i32
      %select_n3A_345 = arith.select %eq3A_343, %jit3A_344, %jit3A_341 : i32
      %rem3A_346 = arith.remsi %add3A_340, %select_n3A_345 : i32
      %ne3A_347 = arith.constant 0 : i32
      %ne3A_348 = arith.cmpi ne, %rem3A_346, %ne3A_347 : i32
      %lt3A_349 = arith.constant 0 : i32
      %lt3A_350 = arith.cmpi slt, %rem3A_346, %lt3A_349 : i32
      %lt3A_351 = arith.constant 0 : i32
      %lt3A_352 = arith.cmpi slt, %select_n3A_345, %lt3A_351 : i32
      %ne3A_353 = arith.xori %lt3A_350, %lt3A_352 : i1
      %and3A_354 = arith.andi %ne3A_353, %ne3A_348 : i1
      %add3A_355 = arith.addi %rem3A_346, %select_n3A_345 : i32
      %select_n3A_356 = arith.select %and3A_354, %add3A_355, %rem3A_346 : i32
      %mul3A_357 = arith.constant 40 : i32
      %mul3A_358 = arith.muli %select_n3A_356, %mul3A_357 : i32
      %add3A_359 = arith.addi %add3A, %mul3A_358 : i32
      %dma_wait3A_360 = tpu.memref_slice %arg5[%add3A_359] : memref<320000xi32, #tpu.memory_space<hbm>> -> memref<40xi32, #tpu.memory_space<hbm>>
      %dma_wait3A_361 = tpu.memref_slice %arg5[%add3A_359] : memref<320000xi32, #tpu.memory_space<hbm>> -> memref<40xi32, #tpu.memory_space<hbm>>
      tpu.wait_dma2 semaphore(%arg21 : memref<!tpu.dma_semaphore, #tpu.memory_space<semaphore_mem>>) src(%dma_wait3A_361 : memref<40xi32, #tpu.memory_space<hbm>>) dst(%arg16 : memref<40xi32, #tpu.memory_space<vmem>>)
      %dma_wait3A_362 = tpu.memref_slice %arg6[%add3A_359] : memref<320000xi32, #tpu.memory_space<hbm>> -> memref<40xi32, #tpu.memory_space<hbm>>
      %dma_wait3A_363 = tpu.memref_slice %arg6[%add3A_359] : memref<320000xi32, #tpu.memory_space<hbm>> -> memref<40xi32, #tpu.memory_space<hbm>>
      tpu.wait_dma2 semaphore(%arg21 : memref<!tpu.dma_semaphore, #tpu.memory_space<semaphore_mem>>) src(%dma_wait3A_363 : memref<40xi32, #tpu.memory_space<hbm>>) dst(%arg18 : memref<40xi32, #tpu.memory_space<vmem>>)
      %dma_wait3A_364 = arith.constant 0 : i32
      %dma_wait3A_365 = tpu.memref_slice %arg3[%add3A_359, %dma_wait3A_364] : memref<320000x128xf32, #tpu.memory_space<hbm>> -> memref<40x128xf32, #tpu.memory_space<hbm>>
      %dma_wait3A_366 = arith.constant 0 : i32
      %dma_wait3A_367 = tpu.memref_slice %arg3[%add3A_359, %dma_wait3A_366] : memref<320000x128xf32, #tpu.memory_space<hbm>> -> memref<40x128xf32, #tpu.memory_space<hbm>>
      tpu.wait_dma2 semaphore(%arg21 : memref<!tpu.dma_semaphore, #tpu.memory_space<semaphore_mem>>) src(%dma_wait3A_367 : memref<40x128xf32, #tpu.memory_space<hbm>>) dst(%arg10 : memref<40x128xf32, #tpu.memory_space<vmem>>)
      %mul3A_368 = arith.constant 16 : i32
      %mul3A_369 = arith.muli %add3A_359, %mul3A_368 : i32
      %dma_wait3A_370 = tpu.memref_slice %arg4[%mul3A_369] : memref<5120000xf32, #tpu.memory_space<hbm>> -> memref<640xf32, #tpu.memory_space<hbm>>
      %dma_wait3A_371 = tpu.memref_slice %arg4[%mul3A_369] : memref<5120000xf32, #tpu.memory_space<hbm>> -> memref<640xf32, #tpu.memory_space<hbm>>
      tpu.wait_dma2 semaphore(%arg21 : memref<!tpu.dma_semaphore, #tpu.memory_space<semaphore_mem>>) src(%dma_wait3A_371 : memref<640xf32, #tpu.memory_space<hbm>>) dst(%arg14 : memref<640xf32, #tpu.memory_space<vmem>>)
      %dma_start3A_372 = arith.constant 0 : i32
      %dma_start3A_373 = arith.constant 0 : i32
      %dma_start3A_374 = tpu.memref_slice %arg2[%dma_start3A_372, %dma_start3A_373] : memref<10000x128xf32, #tpu.memory_space<hbm>> -> memref<10000x128xf32, #tpu.memory_space<hbm>>
      tpu.enqueue_indirect_dma source(%dma_start3A_374 : memref<10000x128xf32, #tpu.memory_space<hbm>>) target(%arg12 : memref<40x128xf32, #tpu.memory_space<vmem>>) offsets(%arg16 : memref<40xi32, #tpu.memory_space<vmem>>) semaphore(%arg23 : memref<!tpu.dma_semaphore, #tpu.memory_space<semaphore_mem>>)
      %dma_wait3A_375 = arith.constant 0 : i32
      %dma_wait3A_376 = arith.constant 0 : i32
      %dma_wait3A_377 = tpu.memref_slice %arg19[%dma_wait3A_375, %dma_wait3A_376] : memref<10000x128xf32, #tpu.memory_space<vmem_shared>> -> memref<10000x128xf32, #tpu.memory_space<vmem_shared>>
      tpu.wait_indirect_dma semaphore(%arg24 : memref<!tpu.dma_semaphore, #tpu.memory_space<semaphore_mem>>) src(%arg9 : memref<40x128xf32, #tpu.memory_space<vmem>>) dst(%dma_wait3A_377 : memref<10000x128xf32, #tpu.memory_space<vmem_shared>>)
      %add3A_378 = arith.constant 1 : i32
      %add3A_379 = arith.addi %add3A_340, %add3A_378 : i32
      %jit3A_380 = arith.constant 250 : i32
      %eq3A_381 = arith.constant 0 : i32
      %eq3A_382 = arith.cmpi eq, %jit3A_380, %eq3A_381 : i32
      %jit3A_383 = arith.constant 1 : i32
      %select_n3A_384 = arith.select %eq3A_382, %jit3A_383, %jit3A_380 : i32
      %rem3A_385 = arith.remsi %add3A_379, %select_n3A_384 : i32
      %ne3A_386 = arith.constant 0 : i32
      %ne3A_387 = arith.cmpi ne, %rem3A_385, %ne3A_386 : i32
      %lt3A_388 = arith.constant 0 : i32
      %lt3A_389 = arith.cmpi slt, %rem3A_385, %lt3A_388 : i32
      %lt3A_390 = arith.constant 0 : i32
      %lt3A_391 = arith.cmpi slt, %select_n3A_384, %lt3A_390 : i32
      %ne3A_392 = arith.xori %lt3A_389, %lt3A_391 : i1
      %and3A_393 = arith.andi %ne3A_392, %ne3A_387 : i1
      %add3A_394 = arith.addi %rem3A_385, %select_n3A_384 : i32
      %select_n3A_395 = arith.select %and3A_393, %add3A_394, %rem3A_385 : i32
      %mul3A_396 = arith.constant 40 : i32
      %mul3A_397 = arith.muli %select_n3A_395, %mul3A_396 : i32
      %add3A_398 = arith.addi %add3A, %mul3A_397 : i32
      %dma_start3A_399 = tpu.memref_slice %arg5[%add3A_398] : memref<320000xi32, #tpu.memory_space<hbm>> -> memref<40xi32, #tpu.memory_space<hbm>>
      %dma_start3A_400 = tpu.memref_slice %arg5[%add3A_398] : memref<320000xi32, #tpu.memory_space<hbm>> -> memref<40xi32, #tpu.memory_space<hbm>>
      tpu.enqueue_dma source(%dma_start3A_400 : memref<40xi32, #tpu.memory_space<hbm>>) target(%arg15 : memref<40xi32, #tpu.memory_space<vmem>>) target_semaphore(%arg20 : memref<!tpu.dma_semaphore, #tpu.memory_space<semaphore_mem>>)
      %dma_start3A_401 = tpu.memref_slice %arg6[%add3A_398] : memref<320000xi32, #tpu.memory_space<hbm>> -> memref<40xi32, #tpu.memory_space<hbm>>
      %dma_start3A_402 = tpu.memref_slice %arg6[%add3A_398] : memref<320000xi32, #tpu.memory_space<hbm>> -> memref<40xi32, #tpu.memory_space<hbm>>
      tpu.enqueue_dma source(%dma_start3A_402 : memref<40xi32, #tpu.memory_space<hbm>>) target(%arg17 : memref<40xi32, #tpu.memory_space<vmem>>) target_semaphore(%arg20 : memref<!tpu.dma_semaphore, #tpu.memory_space<semaphore_mem>>)
      %dma_start3A_403 = arith.constant 0 : i32
      %dma_start3A_404 = tpu.memref_slice %arg3[%add3A_398, %dma_start3A_403] : memref<320000x128xf32, #tpu.memory_space<hbm>> -> memref<40x128xf32, #tpu.memory_space<hbm>>
      %dma_start3A_405 = arith.constant 0 : i32
      %dma_start3A_406 = tpu.memref_slice %arg3[%add3A_398, %dma_start3A_405] : memref<320000x128xf32, #tpu.memory_space<hbm>> -> memref<40x128xf32, #tpu.memory_space<hbm>>
      tpu.enqueue_dma source(%dma_start3A_406 : memref<40x128xf32, #tpu.memory_space<hbm>>) target(%arg9 : memref<40x128xf32, #tpu.memory_space<vmem>>) target_semaphore(%arg20 : memref<!tpu.dma_semaphore, #tpu.memory_space<semaphore_mem>>)
      %mul3A_407 = arith.constant 16 : i32
      %mul3A_408 = arith.muli %add3A_398, %mul3A_407 : i32
      %dma_start3A_409 = tpu.memref_slice %arg4[%mul3A_408] : memref<5120000xf32, #tpu.memory_space<hbm>> -> memref<640xf32, #tpu.memory_space<hbm>>
      %dma_start3A_410 = tpu.memref_slice %arg4[%mul3A_408] : memref<5120000xf32, #tpu.memory_space<hbm>> -> memref<640xf32, #tpu.memory_space<hbm>>
      tpu.enqueue_dma source(%dma_start3A_410 : memref<640xf32, #tpu.memory_space<hbm>>) target(%arg13 : memref<640xf32, #tpu.memory_space<vmem>>) target_semaphore(%arg20 : memref<!tpu.dma_semaphore, #tpu.memory_space<semaphore_mem>>)
      %dma_wait3A_411 = arith.constant 0 : i32
      %dma_wait3A_412 = arith.constant 0 : i32
      %dma_wait3A_413 = tpu.memref_slice %arg2[%dma_wait3A_411, %dma_wait3A_412] : memref<10000x128xf32, #tpu.memory_space<hbm>> -> memref<10000x128xf32, #tpu.memory_space<hbm>>
      tpu.wait_indirect_dma semaphore(%arg23 : memref<!tpu.dma_semaphore, #tpu.memory_space<semaphore_mem>>) src(%dma_wait3A_413 : memref<10000x128xf32, #tpu.memory_space<hbm>>) dst(%arg12 : memref<40x128xf32, #tpu.memory_space<vmem>>)
      %scan3A_414 = arith.constant 0 : i32
      %scan3A_415 = arith.constant 40 : i32
      %scan3A_416 = arith.addi %scan3A_414, %scan3A_415 : i32
      %scan3A_417 = arith.constant 1 : i32
      scf.for %scan3A_422 = %scan3A_414 to %scan3A_416 step %scan3A_417  : i32 {
        %mul3A_423 = arith.constant 1 : i32
        %mul3A_424 = arith.muli %scan3A_422, %mul3A_423 : i32
        %add3A_425 = arith.constant 0 : i32
        %add3A_426 = arith.addi %add3A_425, %mul3A_424 : i32
        %mul3A_427 = arith.constant 16 : i32
        %mul3A_428 = arith.muli %add3A_426, %mul3A_427 : i32
        %get3A = arith.index_cast %mul3A_428 : i32 to index
        %get3A_429 = tpu.vector_load %arg14[%get3A] {strides = array<i32>} : memref<640xf32, #tpu.memory_space<vmem>>, vector<16xf32>,
        %get3A_430 = vector.shape_cast %get3A_429 : vector<16xf32> to vector<16xf32>
        %slice3A = vector.extract_strided_slice %get3A_430 {offsets = [0], sizes = [1], strides = [1]} : vector<16xf32> to vector<1xf32>
        %squeeze3A = vector.extract %slice3A[0] : f32 from vector<1xf32>
        %get3A_431 = arith.index_cast %add3A_426 : i32 to index
        %get3A_432 = arith.constant 0 : index
        %get3A_433 = tpu.vector_load %arg10[%get3A_431, %get3A_432] {strides = array<i32>} : memref<40x128xf32, #tpu.memory_space<vmem>>, vector<1x16xf32>,
        %get3A_434 = vector.shape_cast %get3A_433 : vector<1x16xf32> to vector<16xf32>
        %get3A_435 = arith.index_cast %add3A_426 : i32 to index
        %get3A_436 = arith.constant 0 : index
        %get3A_437 = tpu.vector_load %arg12[%get3A_435, %get3A_436] {strides = array<i32>} : memref<40x128xf32, #tpu.memory_space<vmem>>, vector<1x16xf32>,
        %get3A_438 = vector.shape_cast %get3A_437 : vector<1x16xf32> to vector<16xf32>
        %mul3A_439 = arith.mulf %get3A_434, %get3A_438 : vector<16xf32>
        %mul3A_440 = vector.broadcast %squeeze3A : f32 to vector<16xf32>
        %mul3A_441 = arith.mulf %mul3A_440, %mul3A_439 : vector<16xf32>
        %swap3A = arith.index_cast %add3A_426 : i32 to index
        %swap3A_442 = arith.constant 0 : index
        %swap3A_443 = tpu.vector_load %arg10[%swap3A, %swap3A_442] {strides = array<i32>} : memref<40x128xf32, #tpu.memory_space<vmem>>, vector<1x16xf32>,
        %swap3A_444 = vector.shape_cast %swap3A_443 : vector<1x16xf32> to vector<16xf32>
        %swap3A_445 = vector.shape_cast %mul3A_441 : vector<16xf32> to vector<1x16xf32>
        tpu.vector_store %arg10[%swap3A, %swap3A_442], %swap3A_445 {strides = array<i32>} : memref<40x128xf32, #tpu.memory_space<vmem>>, vector<1x16xf32>,
        %slice3A_446 = vector.extract_strided_slice %get3A_430 {offsets = [1], sizes = [1], strides = [1]} : vector<16xf32> to vector<1xf32>
        %squeeze3A_447 = vector.extract %slice3A_446[0] : f32 from vector<1xf32>
        %get3A_448 = arith.index_cast %add3A_426 : i32 to index
        %get3A_449 = arith.constant 16 : index
        %get3A_450 = tpu.vector_load %arg10[%get3A_448, %get3A_449] {strides = array<i32>} : memref<40x128xf32, #tpu.memory_space<vmem>>, vector<1x16xf32>,
        %get3A_451 = vector.shape_cast %get3A_450 : vector<1x16xf32> to vector<16xf32>
        %get3A_452 = arith.index_cast %add3A_426 : i32 to index
        %get3A_453 = arith.constant 16 : index
        %get3A_454 = tpu.vector_load %arg12[%get3A_452, %get3A_453] {strides = array<i32>} : memref<40x128xf32, #tpu.memory_space<vmem>>, vector<1x16xf32>,
        %get3A_455 = vector.shape_cast %get3A_454 : vector<1x16xf32> to vector<16xf32>
        %mul3A_456 = arith.mulf %get3A_451, %get3A_455 : vector<16xf32>
        %mul3A_457 = vector.broadcast %squeeze3A_447 : f32 to vector<16xf32>
        %mul3A_458 = arith.mulf %mul3A_457, %mul3A_456 : vector<16xf32>
        %swap3A_459 = arith.index_cast %add3A_426 : i32 to index
        %swap3A_460 = arith.constant 16 : index
        %swap3A_461 = tpu.vector_load %arg10[%swap3A_459, %swap3A_460] {strides = array<i32>} : memref<40x128xf32, #tpu.memory_space<vmem>>, vector<1x16xf32>,
        %swap3A_462 = vector.shape_cast %swap3A_461 : vector<1x16xf32> to vector<16xf32>
        %swap3A_463 = vector.shape_cast %mul3A_458 : vector<16xf32> to vector<1x16xf32>
        tpu.vector_store %arg10[%swap3A_459, %swap3A_460], %swap3A_463 {strides = array<i32>} : memref<40x128xf32, #tpu.memory_space<vmem>>, vector<1x16xf32>,
        %slice3A_464 = vector.extract_strided_slice %get3A_430 {offsets = [2], sizes = [1], strides = [1]} : vector<16xf32> to vector<1xf32>
        %squeeze3A_465 = vector.extract %slice3A_464[0] : f32 from vector<1xf32>
        %get3A_466 = arith.index_cast %add3A_426 : i32 to index
        %get3A_467 = arith.constant 32 : index
        %get3A_468 = tpu.vector_load %arg10[%get3A_466, %get3A_467] {strides = array<i32>} : memref<40x128xf32, #tpu.memory_space<vmem>>, vector<1x16xf32>,
        %get3A_469 = vector.shape_cast %get3A_468 : vector<1x16xf32> to vector<16xf32>
        %get3A_470 = arith.index_cast %add3A_426 : i32 to index
        %get3A_471 = arith.constant 32 : index
        %get3A_472 = tpu.vector_load %arg12[%get3A_470, %get3A_471] {strides = array<i32>} : memref<40x128xf32, #tpu.memory_space<vmem>>, vector<1x16xf32>,
        %get3A_473 = vector.shape_cast %get3A_472 : vector<1x16xf32> to vector<16xf32>
        %mul3A_474 = arith.mulf %get3A_469, %get3A_473 : vector<16xf32>
        %mul3A_475 = vector.broadcast %squeeze3A_465 : f32 to vector<16xf32>
        %mul3A_476 = arith.mulf %mul3A_475, %mul3A_474 : vector<16xf32>
        %swap3A_477 = arith.index_cast %add3A_426 : i32 to index
        %swap3A_478 = arith.constant 32 : index
        %swap3A_479 = tpu.vector_load %arg10[%swap3A_477, %swap3A_478] {strides = array<i32>} : memref<40x128xf32, #tpu.memory_space<vmem>>, vector<1x16xf32>,
        %swap3A_480 = vector.shape_cast %swap3A_479 : vector<1x16xf32> to vector<16xf32>
        %swap3A_481 = vector.shape_cast %mul3A_476 : vector<16xf32> to vector<1x16xf32>
        tpu.vector_store %arg10[%swap3A_477, %swap3A_478], %swap3A_481 {strides = array<i32>} : memref<40x128xf32, #tpu.memory_space<vmem>>, vector<1x16xf32>,
        %slice3A_482 = vector.extract_strided_slice %get3A_430 {offsets = [3], sizes = [1], strides = [1]} : vector<16xf32> to vector<1xf32>
        %squeeze3A_483 = vector.extract %slice3A_482[0] : f32 from vector<1xf32>
        %get3A_484 = arith.index_cast %add3A_426 : i32 to index
        %get3A_485 = arith.constant 48 : index
        %get3A_486 = tpu.vector_load %arg10[%get3A_484, %get3A_485] {strides = array<i32>} : memref<40x128xf32, #tpu.memory_space<vmem>>, vector<1x16xf32>,
        %get3A_487 = vector.shape_cast %get3A_486 : vector<1x16xf32> to vector<16xf32>
        %get3A_488 = arith.index_cast %add3A_426 : i32 to index
        %get3A_489 = arith.constant 48 : index
        %get3A_490 = tpu.vector_load %arg12[%get3A_488, %get3A_489] {strides = array<i32>} : memref<40x128xf32, #tpu.memory_space<vmem>>, vector<1x16xf32>,
        %get3A_491 = vector.shape_cast %get3A_490 : vector<1x16xf32> to vector<16xf32>
        %mul3A_492 = arith.mulf %get3A_487, %get3A_491 : vector<16xf32>
        %mul3A_493 = vector.broadcast %squeeze3A_483 : f32 to vector<16xf32>
        %mul3A_494 = arith.mulf %mul3A_493, %mul3A_492 : vector<16xf32>
        %swap3A_495 = arith.index_cast %add3A_426 : i32 to index
        %swap3A_496 = arith.constant 48 : index
        %swap3A_497 = tpu.vector_load %arg10[%swap3A_495, %swap3A_496] {strides = array<i32>} : memref<40x128xf32, #tpu.memory_space<vmem>>, vector<1x16xf32>,
        %swap3A_498 = vector.shape_cast %swap3A_497 : vector<1x16xf32> to vector<16xf32>
        %swap3A_499 = vector.shape_cast %mul3A_494 : vector<16xf32> to vector<1x16xf32>
        tpu.vector_store %arg10[%swap3A_495, %swap3A_496], %swap3A_499 {strides = array<i32>} : memref<40x128xf32, #tpu.memory_space<vmem>>, vector<1x16xf32>,
        %slice3A_500 = vector.extract_strided_slice %get3A_430 {offsets = [4], sizes = [1], strides = [1]} : vector<16xf32> to vector<1xf32>
        %squeeze3A_501 = vector.extract %slice3A_500[0] : f32 from vector<1xf32>
        %get3A_502 = arith.index_cast %add3A_426 : i32 to index
        %get3A_503 = arith.constant 64 : index
        %get3A_504 = tpu.vector_load %arg10[%get3A_502, %get3A_503] {strides = array<i32>} : memref<40x128xf32, #tpu.memory_space<vmem>>, vector<1x16xf32>,
        %get3A_505 = vector.shape_cast %get3A_504 : vector<1x16xf32> to vector<16xf32>
        %get3A_506 = arith.index_cast %add3A_426 : i32 to index
        %get3A_507 = arith.constant 64 : index
        %get3A_508 = tpu.vector_load %arg12[%get3A_506, %get3A_507] {strides = array<i32>} : memref<40x128xf32, #tpu.memory_space<vmem>>, vector<1x16xf32>,
        %get3A_509 = vector.shape_cast %get3A_508 : vector<1x16xf32> to vector<16xf32>
        %mul3A_510 = arith.mulf %get3A_505, %get3A_509 : vector<16xf32>
        %mul3A_511 = vector.broadcast %squeeze3A_501 : f32 to vector<16xf32>
        %mul3A_512 = arith.mulf %mul3A_511, %mul3A_510 : vector<16xf32>
        %swap3A_513 = arith.index_cast %add3A_426 : i32 to index
        %swap3A_514 = arith.constant 64 : index
        %swap3A_515 = tpu.vector_load %arg10[%swap3A_513, %swap3A_514] {strides = array<i32>} : memref<40x128xf32, #tpu.memory_space<vmem>>, vector<1x16xf32>,
        %swap3A_516 = vector.shape_cast %swap3A_515 : vector<1x16xf32> to vector<16xf32>
        %swap3A_517 = vector.shape_cast %mul3A_512 : vector<16xf32> to vector<1x16xf32>
        tpu.vector_store %arg10[%swap3A_513, %swap3A_514], %swap3A_517 {strides = array<i32>} : memref<40x128xf32, #tpu.memory_space<vmem>>, vector<1x16xf32>,
        %slice3A_518 = vector.extract_strided_slice %get3A_430 {offsets = [5], sizes = [1], strides = [1]} : vector<16xf32> to vector<1xf32>
        %squeeze3A_519 = vector.extract %slice3A_518[0] : f32 from vector<1xf32>
        %get3A_520 = arith.index_cast %add3A_426 : i32 to index
        %get3A_521 = arith.constant 80 : index
        %get3A_522 = tpu.vector_load %arg10[%get3A_520, %get3A_521] {strides = array<i32>} : memref<40x128xf32, #tpu.memory_space<vmem>>, vector<1x16xf32>,
        %get3A_523 = vector.shape_cast %get3A_522 : vector<1x16xf32> to vector<16xf32>
        %get3A_524 = arith.index_cast %add3A_426 : i32 to index
        %get3A_525 = arith.constant 80 : index
        %get3A_526 = tpu.vector_load %arg12[%get3A_524, %get3A_525] {strides = array<i32>} : memref<40x128xf32, #tpu.memory_space<vmem>>, vector<1x16xf32>,
        %get3A_527 = vector.shape_cast %get3A_526 : vector<1x16xf32> to vector<16xf32>
        %mul3A_528 = arith.mulf %get3A_523, %get3A_527 : vector<16xf32>
        %mul3A_529 = vector.broadcast %squeeze3A_519 : f32 to vector<16xf32>
        %mul3A_530 = arith.mulf %mul3A_529, %mul3A_528 : vector<16xf32>
        %swap3A_531 = arith.index_cast %add3A_426 : i32 to index
        %swap3A_532 = arith.constant 80 : index
        %swap3A_533 = tpu.vector_load %arg10[%swap3A_531, %swap3A_532] {strides = array<i32>} : memref<40x128xf32, #tpu.memory_space<vmem>>, vector<1x16xf32>,
        %swap3A_534 = vector.shape_cast %swap3A_533 : vector<1x16xf32> to vector<16xf32>
        %swap3A_535 = vector.shape_cast %mul3A_530 : vector<16xf32> to vector<1x16xf32>
        tpu.vector_store %arg10[%swap3A_531, %swap3A_532], %swap3A_535 {strides = array<i32>} : memref<40x128xf32, #tpu.memory_space<vmem>>, vector<1x16xf32>,
        %slice3A_536 = vector.extract_strided_slice %get3A_430 {offsets = [6], sizes = [1], strides = [1]} : vector<16xf32> to vector<1xf32>
        %squeeze3A_537 = vector.extract %slice3A_536[0] : f32 from vector<1xf32>
        %get3A_538 = arith.index_cast %add3A_426 : i32 to index
        %get3A_539 = arith.constant 96 : index
        %get3A_540 = tpu.vector_load %arg10[%get3A_538, %get3A_539] {strides = array<i32>} : memref<40x128xf32, #tpu.memory_space<vmem>>, vector<1x16xf32>,
        %get3A_541 = vector.shape_cast %get3A_540 : vector<1x16xf32> to vector<16xf32>
        %get3A_542 = arith.index_cast %add3A_426 : i32 to index
        %get3A_543 = arith.constant 96 : index
        %get3A_544 = tpu.vector_load %arg12[%get3A_542, %get3A_543] {strides = array<i32>} : memref<40x128xf32, #tpu.memory_space<vmem>>, vector<1x16xf32>,
        %get3A_545 = vector.shape_cast %get3A_544 : vector<1x16xf32> to vector<16xf32>
        %mul3A_546 = arith.mulf %get3A_541, %get3A_545 : vector<16xf32>
        %mul3A_547 = vector.broadcast %squeeze3A_537 : f32 to vector<16xf32>
        %mul3A_548 = arith.mulf %mul3A_547, %mul3A_546 : vector<16xf32>
        %swap3A_549 = arith.index_cast %add3A_426 : i32 to index
        %swap3A_550 = arith.constant 96 : index
        %swap3A_551 = tpu.vector_load %arg10[%swap3A_549, %swap3A_550] {strides = array<i32>} : memref<40x128xf32, #tpu.memory_space<vmem>>, vector<1x16xf32>,
        %swap3A_552 = vector.shape_cast %swap3A_551 : vector<1x16xf32> to vector<16xf32>
        %swap3A_553 = vector.shape_cast %mul3A_548 : vector<16xf32> to vector<1x16xf32>
        tpu.vector_store %arg10[%swap3A_549, %swap3A_550], %swap3A_553 {strides = array<i32>} : memref<40x128xf32, #tpu.memory_space<vmem>>, vector<1x16xf32>,
        %slice3A_554 = vector.extract_strided_slice %get3A_430 {offsets = [7], sizes = [1], strides = [1]} : vector<16xf32> to vector<1xf32>
        %squeeze3A_555 = vector.extract %slice3A_554[0] : f32 from vector<1xf32>
        %get3A_556 = arith.index_cast %add3A_426 : i32 to index
        %get3A_557 = arith.constant 112 : index
        %get3A_558 = tpu.vector_load %arg10[%get3A_556, %get3A_557] {strides = array<i32>} : memref<40x128xf32, #tpu.memory_space<vmem>>, vector<1x16xf32>,
        %get3A_559 = vector.shape_cast %get3A_558 : vector<1x16xf32> to vector<16xf32>
        %get3A_560 = arith.index_cast %add3A_426 : i32 to index
        %get3A_561 = arith.constant 112 : index
        %get3A_562 = tpu.vector_load %arg12[%get3A_560, %get3A_561] {strides = array<i32>} : memref<40x128xf32, #tpu.memory_space<vmem>>, vector<1x16xf32>,
        %get3A_563 = vector.shape_cast %get3A_562 : vector<1x16xf32> to vector<16xf32>
        %mul3A_564 = arith.mulf %get3A_559, %get3A_563 : vector<16xf32>
        %mul3A_565 = vector.broadcast %squeeze3A_555 : f32 to vector<16xf32>
        %mul3A_566 = arith.mulf %mul3A_565, %mul3A_564 : vector<16xf32>
        %swap3A_567 = arith.index_cast %add3A_426 : i32 to index
        %swap3A_568 = arith.constant 112 : index
        %swap3A_569 = tpu.vector_load %arg10[%swap3A_567, %swap3A_568] {strides = array<i32>} : memref<40x128xf32, #tpu.memory_space<vmem>>, vector<1x16xf32>,
        %swap3A_570 = vector.shape_cast %swap3A_569 : vector<1x16xf32> to vector<16xf32>
        %swap3A_571 = vector.shape_cast %mul3A_566 : vector<16xf32> to vector<1x16xf32>
        tpu.vector_store %arg10[%swap3A_567, %swap3A_568], %swap3A_571 {strides = array<i32>} : memref<40x128xf32, #tpu.memory_space<vmem>>, vector<1x16xf32>,
      }
      %scan3A_418 = arith.constant 40 : i32
      %dma_start3A_419 = arith.constant 0 : i32
      %dma_start3A_420 = arith.constant 0 : i32
      %dma_start3A_421 = tpu.memref_slice %arg19[%dma_start3A_419, %dma_start3A_420] : memref<10000x128xf32, #tpu.memory_space<vmem_shared>> -> memref<10000x128xf32, #tpu.memory_space<vmem_shared>>
      tpu.enqueue_indirect_dma source(%arg10 : memref<40x128xf32, #tpu.memory_space<vmem>>) target(%dma_start3A_421 : memref<10000x128xf32, #tpu.memory_space<vmem_shared>>) offsets(%arg18 : memref<40xi32, #tpu.memory_space<vmem>>) semaphore(%arg25 : memref<!tpu.dma_semaphore, #tpu.memory_space<semaphore_mem>>) {add = true}
    }
    %scan3A_63 = arith.constant 125 : i32
    %dma_wait3A = arith.constant 0 : i32
    %dma_wait3A_64 = arith.constant 0 : i32
    %dma_wait3A_65 = tpu.memref_slice %arg19[%dma_wait3A, %dma_wait3A_64] : memref<10000x128xf32, #tpu.memory_space<vmem_shared>> -> memref<10000x128xf32, #tpu.memory_space<vmem_shared>>
    tpu.wait_indirect_dma semaphore(%arg25 : memref<!tpu.dma_semaphore, #tpu.memory_space<semaphore_mem>>) src(%arg10 : memref<40x128xf32, #tpu.memory_space<vmem>>) dst(%dma_wait3A_65 : memref<10000x128xf32, #tpu.memory_space<vmem_shared>>)
    %add3A_66 = arith.constant 0 : i32
    %add3A_67 = arith.addi %add3A, %add3A_66 : i32
    %dma_wait3A_68 = tpu.memref_slice %arg5[%add3A_67] : memref<320000xi32, #tpu.memory_space<hbm>> -> memref<40xi32, #tpu.memory_space<hbm>>
    %dma_wait3A_69 = tpu.memref_slice %arg5[%add3A_67] : memref<320000xi32, #tpu.memory_space<hbm>> -> memref<40xi32, #tpu.memory_space<hbm>>
    tpu.wait_dma2 semaphore(%arg20 : memref<!tpu.dma_semaphore, #tpu.memory_space<semaphore_mem>>) src(%dma_wait3A_69 : memref<40xi32, #tpu.memory_space<hbm>>) dst(%arg15 : memref<40xi32, #tpu.memory_space<vmem>>)
    %dma_wait3A_70 = tpu.memref_slice %arg6[%add3A_67] : memref<320000xi32, #tpu.memory_space<hbm>> -> memref<40xi32, #tpu.memory_space<hbm>>
    %dma_wait3A_71 = tpu.memref_slice %arg6[%add3A_67] : memref<320000xi32, #tpu.memory_space<hbm>> -> memref<40xi32, #tpu.memory_space<hbm>>
    tpu.wait_dma2 semaphore(%arg20 : memref<!tpu.dma_semaphore, #tpu.memory_space<semaphore_mem>>) src(%dma_wait3A_71 : memref<40xi32, #tpu.memory_space<hbm>>) dst(%arg17 : memref<40xi32, #tpu.memory_space<vmem>>)
    %dma_wait3A_72 = arith.constant 0 : i32
    %dma_wait3A_73 = tpu.memref_slice %arg3[%add3A_67, %dma_wait3A_72] : memref<320000x128xf32, #tpu.memory_space<hbm>> -> memref<40x128xf32, #tpu.memory_space<hbm>>
    %dma_wait3A_74 = arith.constant 0 : i32
    %dma_wait3A_75 = tpu.memref_slice %arg3[%add3A_67, %dma_wait3A_74] : memref<320000x128xf32, #tpu.memory_space<hbm>> -> memref<40x128xf32, #tpu.memory_space<hbm>>
    tpu.wait_dma2 semaphore(%arg20 : memref<!tpu.dma_semaphore, #tpu.memory_space<semaphore_mem>>) src(%dma_wait3A_75 : memref<40x128xf32, #tpu.memory_space<hbm>>) dst(%arg9 : memref<40x128xf32, #tpu.memory_space<vmem>>)
    %mul3A_76 = arith.constant 16 : i32
    %mul3A_77 = arith.muli %add3A_67, %mul3A_76 : i32
    %dma_wait3A_78 = tpu.memref_slice %arg4[%mul3A_77] : memref<5120000xf32, #tpu.memory_space<hbm>> -> memref<640xf32, #tpu.memory_space<hbm>>
    %dma_wait3A_79 = tpu.memref_slice %arg4[%mul3A_77] : memref<5120000xf32, #tpu.memory_space<hbm>> -> memref<640xf32, #tpu.memory_space<hbm>>
    tpu.wait_dma2 semaphore(%arg20 : memref<!tpu.dma_semaphore, #tpu.memory_space<semaphore_mem>>) src(%dma_wait3A_79 : memref<640xf32, #tpu.memory_space<hbm>>) dst(%arg13 : memref<640xf32, #tpu.memory_space<vmem>>)
    %barrier3A_80 = arith.constant 0 : index
    tpu.barrier barrier_id(%barrier3A_80)
    "tpu.region"() ({
      %run_scoped3A = tpu.sem_alloc : memref<!tpu.dma_semaphore, #tpu.memory_space<semaphore_mem>>
      %dma_start3A_256 = arith.constant 0 : i32
      %dma_start3A_257 = arith.constant 0 : i32
      %dma_start3A_258 = tpu.memref_slice %arg9[%dma_start3A_256, %dma_start3A_257] : memref<40x128xf32, #tpu.memory_space<vmem>> -> memref<40x128xf32, #tpu.memory_space<vmem>>
      %dma_start3A_259 = arith.constant 0 : i32
      %dma_start3A_260 = tpu.memref_slice %arg19[%mul3A_0, %dma_start3A_259] : memref<10000x128xf32, #tpu.memory_space<vmem_shared>> -> memref<40x128xf32, #tpu.memory_space<vmem_shared>>
      %dma_start3A_261 = arith.constant 0 : i32
      %dma_start3A_262 = arith.constant 0 : i32
      %dma_start3A_263 = tpu.memref_slice %arg9[%dma_start3A_261, %dma_start3A_262] : memref<40x128xf32, #tpu.memory_space<vmem>> -> memref<40x128xf32, #tpu.memory_space<vmem>>
      %dma_start3A_264 = arith.constant 0 : i32
      %dma_start3A_265 = tpu.memref_slice %arg19[%mul3A_0, %dma_start3A_264] : memref<10000x128xf32, #tpu.memory_space<vmem_shared>> -> memref<40x128xf32, #tpu.memory_space<vmem_shared>>
      tpu.enqueue_dma source(%dma_start3A_265 : memref<40x128xf32, #tpu.memory_space<vmem_shared>>) target(%dma_start3A_263 : memref<40x128xf32, #tpu.memory_space<vmem>>) target_semaphore(%run_scoped3A : memref<!tpu.dma_semaphore, #tpu.memory_space<semaphore_mem>>)
      %dma_wait3A_266 = arith.constant 0 : i32
      %dma_wait3A_267 = arith.constant 0 : i32
      %dma_wait3A_268 = tpu.memref_slice %arg9[%dma_wait3A_266, %dma_wait3A_267] : memref<40x128xf32, #tpu.memory_space<vmem>> -> memref<40x128xf32, #tpu.memory_space<vmem>>
      %dma_wait3A_269 = arith.constant 0 : i32
      %dma_wait3A_270 = tpu.memref_slice %arg19[%mul3A_0, %dma_wait3A_269] : memref<10000x128xf32, #tpu.memory_space<vmem_shared>> -> memref<40x128xf32, #tpu.memory_space<vmem_shared>>
      %dma_wait3A_271 = arith.constant 0 : i32
      %dma_wait3A_272 = arith.constant 0 : i32
      %dma_wait3A_273 = tpu.memref_slice %arg9[%dma_wait3A_271, %dma_wait3A_272] : memref<40x128xf32, #tpu.memory_space<vmem>> -> memref<40x128xf32, #tpu.memory_space<vmem>>
      %dma_wait3A_274 = arith.constant 0 : i32
      %dma_wait3A_275 = tpu.memref_slice %arg19[%mul3A_0, %dma_wait3A_274] : memref<10000x128xf32, #tpu.memory_space<vmem_shared>> -> memref<40x128xf32, #tpu.memory_space<vmem_shared>>
      tpu.wait_dma2 semaphore(%run_scoped3A : memref<!tpu.dma_semaphore, #tpu.memory_space<semaphore_mem>>) src(%dma_wait3A_275 : memref<40x128xf32, #tpu.memory_space<vmem_shared>>) dst(%dma_wait3A_273 : memref<40x128xf32, #tpu.memory_space<vmem>>)
      tpu.yield
    }) : () -> ()
    %add3A_81 = arith.constant 40 : i32
    %add3A_82 = arith.addi %mul3A_0, %add3A_81 : i32
    "tpu.region"() ({
      %run_scoped3A = tpu.sem_alloc : memref<!tpu.dma_semaphore, #tpu.memory_space<semaphore_mem>>
      %dma_start3A_256 = arith.constant 0 : i32
      %dma_start3A_257 = arith.constant 0 : i32
      %dma_start3A_258 = tpu.memref_slice %arg10[%dma_start3A_256, %dma_start3A_257] : memref<40x128xf32, #tpu.memory_space<vmem>> -> memref<40x128xf32, #tpu.memory_space<vmem>>
      %dma_start3A_259 = arith.constant 0 : i32
      %dma_start3A_260 = tpu.memref_slice %arg19[%add3A_82, %dma_start3A_259] : memref<10000x128xf32, #tpu.memory_space<vmem_shared>> -> memref<40x128xf32, #tpu.memory_space<vmem_shared>>
      %dma_start3A_261 = arith.constant 0 : i32
      %dma_start3A_262 = arith.constant 0 : i32
      %dma_start3A_263 = tpu.memref_slice %arg10[%dma_start3A_261, %dma_start3A_262] : memref<40x128xf32, #tpu.memory_space<vmem>> -> memref<40x128xf32, #tpu.memory_space<vmem>>
      %dma_start3A_264 = arith.constant 0 : i32
      %dma_start3A_265 = tpu.memref_slice %arg19[%add3A_82, %dma_start3A_264] : memref<10000x128xf32, #tpu.memory_space<vmem_shared>> -> memref<40x128xf32, #tpu.memory_space<vmem_shared>>
      tpu.enqueue_dma source(%dma_start3A_265 : memref<40x128xf32, #tpu.memory_space<vmem_shared>>) target(%dma_start3A_263 : memref<40x128xf32, #tpu.memory_space<vmem>>) target_semaphore(%run_scoped3A : memref<!tpu.dma_semaphore, #tpu.memory_space<semaphore_mem>>)
      %dma_wait3A_266 = arith.constant 0 : i32
      %dma_wait3A_267 = arith.constant 0 : i32
      %dma_wait3A_268 = tpu.memref_slice %arg10[%dma_wait3A_266, %dma_wait3A_267] : memref<40x128xf32, #tpu.memory_space<vmem>> -> memref<40x128xf32, #tpu.memory_space<vmem>>
      %dma_wait3A_269 = arith.constant 0 : i32
      %dma_wait3A_270 = tpu.memref_slice %arg19[%add3A_82, %dma_wait3A_269] : memref<10000x128xf32, #tpu.memory_space<vmem_shared>> -> memref<40x128xf32, #tpu.memory_space<vmem_shared>>
      %dma_wait3A_271 = arith.constant 0 : i32
      %dma_wait3A_272 = arith.constant 0 : i32
      %dma_wait3A_273 = tpu.memref_slice %arg10[%dma_wait3A_271, %dma_wait3A_272] : memref<40x128xf32, #tpu.memory_space<vmem>> -> memref<40x128xf32, #tpu.memory_space<vmem>>
      %dma_wait3A_274 = arith.constant 0 : i32
      %dma_wait3A_275 = tpu.memref_slice %arg19[%add3A_82, %dma_wait3A_274] : memref<10000x128xf32, #tpu.memory_space<vmem_shared>> -> memref<40x128xf32, #tpu.memory_space<vmem_shared>>
      tpu.wait_dma2 semaphore(%run_scoped3A : memref<!tpu.dma_semaphore, #tpu.memory_space<semaphore_mem>>) src(%dma_wait3A_275 : memref<40x128xf32, #tpu.memory_space<vmem_shared>>) dst(%dma_wait3A_273 : memref<40x128xf32, #tpu.memory_space<vmem>>)
      tpu.yield
    }) : () -> ()
    "tpu.region"() ({
      %run_scoped3A = tpu.sem_alloc : memref<!tpu.dma_semaphore, #tpu.memory_space<semaphore_mem>>
      %dma_start3A_256 = arith.constant 0 : i32
      %dma_start3A_257 = arith.constant 0 : i32
      %dma_start3A_258 = tpu.memref_slice %arg9[%dma_start3A_256, %dma_start3A_257] : memref<40x128xf32, #tpu.memory_space<vmem>> -> memref<40x128xf32, #tpu.memory_space<vmem>>
      %dma_start3A_259 = arith.constant 0 : i32
      %dma_start3A_260 = tpu.memref_slice %arg7[%arg0, %mul3A_0, %dma_start3A_259] : memref<2x10000x128xf32, #tpu.memory_space<hbm>> -> memref<1x40x128xf32, #tpu.memory_space<hbm>>
      %dma_start3A_261 = tpu.memref_squeeze %dma_start3A_260 : memref<1x40x128xf32, #tpu.memory_space<hbm>> -> memref<40x128xf32, #tpu.memory_space<hbm>>
      %dma_start3A_262 = arith.constant 0 : i32
      %dma_start3A_263 = tpu.memref_slice %arg7[%arg0, %mul3A_0, %dma_start3A_262] : memref<2x10000x128xf32, #tpu.memory_space<hbm>> -> memref<1x40x128xf32, #tpu.memory_space<hbm>>
      %dma_start3A_264 = tpu.memref_squeeze %dma_start3A_263 : memref<1x40x128xf32, #tpu.memory_space<hbm>> -> memref<40x128xf32, #tpu.memory_space<hbm>>
      %dma_start3A_265 = arith.constant 0 : i32
      %dma_start3A_266 = arith.constant 0 : i32
      %dma_start3A_267 = tpu.memref_slice %arg9[%dma_start3A_265, %dma_start3A_266] : memref<40x128xf32, #tpu.memory_space<vmem>> -> memref<40x128xf32, #tpu.memory_space<vmem>>
      tpu.enqueue_dma source(%dma_start3A_267 : memref<40x128xf32, #tpu.memory_space<vmem>>) target(%dma_start3A_264 : memref<40x128xf32, #tpu.memory_space<hbm>>) target_semaphore(%run_scoped3A : memref<!tpu.dma_semaphore, #tpu.memory_space<semaphore_mem>>)
      %dma_wait3A_268 = arith.constant 0 : i32
      %dma_wait3A_269 = arith.constant 0 : i32
      %dma_wait3A_270 = tpu.memref_slice %arg9[%dma_wait3A_268, %dma_wait3A_269] : memref<40x128xf32, #tpu.memory_space<vmem>> -> memref<40x128xf32, #tpu.memory_space<vmem>>
      %dma_wait3A_271 = arith.constant 0 : i32
      %dma_wait3A_272 = tpu.memref_slice %arg7[%arg0, %mul3A_0, %dma_wait3A_271] : memref<2x10000x128xf32, #tpu.memory_space<hbm>> -> memref<1x40x128xf32, #tpu.memory_space<hbm>>
      %dma_wait3A_273 = tpu.memref_squeeze %dma_wait3A_272 : memref<1x40x128xf32, #tpu.memory_space<hbm>> -> memref<40x128xf32, #tpu.memory_space<hbm>>
      %dma_wait3A_274 = arith.constant 0 : i32
      %dma_wait3A_275 = tpu.memref_slice %arg7[%arg0, %mul3A_0, %dma_wait3A_274] : memref<2x10000x128xf32, #tpu.memory_space<hbm>> -> memref<1x40x128xf32, #tpu.memory_space<hbm>>
      %dma_wait3A_276 = tpu.memref_squeeze %dma_wait3A_275 : memref<1x40x128xf32, #tpu.memory_space<hbm>> -> memref<40x128xf32, #tpu.memory_space<hbm>>
      %dma_wait3A_277 = arith.constant 0 : i32
      %dma_wait3A_278 = arith.constant 0 : i32
      %dma_wait3A_279 = tpu.memref_slice %arg9[%dma_wait3A_277, %dma_wait3A_278] : memref<40x128xf32, #tpu.memory_space<vmem>> -> memref<40x128xf32, #tpu.memory_space<vmem>>
      tpu.wait_dma2 semaphore(%run_scoped3A : memref<!tpu.dma_semaphore, #tpu.memory_space<semaphore_mem>>) src(%dma_wait3A_279 : memref<40x128xf32, #tpu.memory_space<vmem>>) dst(%dma_wait3A_276 : memref<40x128xf32, #tpu.memory_space<hbm>>)
      tpu.yield
    }) : () -> ()
    %add3A_83 = arith.constant 40 : i32
    %add3A_84 = arith.addi %mul3A_0, %add3A_83 : i32
    "tpu.region"() ({
      %run_scoped3A = tpu.sem_alloc : memref<!tpu.dma_semaphore, #tpu.memory_space<semaphore_mem>>
      %dma_start3A_256 = arith.constant 0 : i32
      %dma_start3A_257 = arith.constant 0 : i32
      %dma_start3A_258 = tpu.memref_slice %arg10[%dma_start3A_256, %dma_start3A_257] : memref<40x128xf32, #tpu.memory_space<vmem>> -> memref<40x128xf32, #tpu.memory_space<vmem>>
      %dma_start3A_259 = arith.constant 0 : i32
      %dma_start3A_260 = tpu.memref_slice %arg7[%arg0, %add3A_84, %dma_start3A_259] : memref<2x10000x128xf32, #tpu.memory_space<hbm>> -> memref<1x40x128xf32, #tpu.memory_space<hbm>>
      %dma_start3A_261 = tpu.memref_squeeze %dma_start3A_260 : memref<1x40x128xf32, #tpu.memory_space<hbm>> -> memref<40x128xf32, #tpu.memory_space<hbm>>
      %dma_start3A_262 = arith.constant 0 : i32
      %dma_start3A_263 = tpu.memref_slice %arg7[%arg0, %add3A_84, %dma_start3A_262] : memref<2x10000x128xf32, #tpu.memory_space<hbm>> -> memref<1x40x128xf32, #tpu.memory_space<hbm>>
      %dma_start3A_264 = tpu.memref_squeeze %dma_start3A_263 : memref<1x40x128xf32, #tpu.memory_space<hbm>> -> memref<40x128xf32, #tpu.memory_space<hbm>>
      %dma_start3A_265 = arith.constant 0 : i32
      %dma_start3A_266 = arith.constant 0 : i32
      %dma_start3A_267 = tpu.memref_slice %arg10[%dma_start3A_265, %dma_start3A_266] : memref<40x128xf32, #tpu.memory_space<vmem>> -> memref<40x128xf32, #tpu.memory_space<vmem>>
      tpu.enqueue_dma source(%dma_start3A_267 : memref<40x128xf32, #tpu.memory_space<vmem>>) target(%dma_start3A_264 : memref<40x128xf32, #tpu.memory_space<hbm>>) target_semaphore(%run_scoped3A : memref<!tpu.dma_semaphore, #tpu.memory_space<semaphore_mem>>)
      %dma_wait3A_268 = arith.constant 0 : i32
      %dma_wait3A_269 = arith.constant 0 : i32
      %dma_wait3A_270 = tpu.memref_slice %arg10[%dma_wait3A_268, %dma_wait3A_269] : memref<40x128xf32, #tpu.memory_space<vmem>> -> memref<40x128xf32, #tpu.memory_space<vmem>>
      %dma_wait3A_271 = arith.constant 0 : i32
      %dma_wait3A_272 = tpu.memref_slice %arg7[%arg0, %add3A_84, %dma_wait3A_271] : memref<2x10000x128xf32, #tpu.memory_space<hbm>> -> memref<1x40x128xf32, #tpu.memory_space<hbm>>
      %dma_wait3A_273 = tpu.memref_squeeze %dma_wait3A_272 : memref<1x40x128xf32, #tpu.memory_space<hbm>> -> memref<40x128xf32, #tpu.memory_space<hbm>>
      %dma_wait3A_274 = arith.constant 0 : i32
      %dma_wait3A_275 = tpu.memref_slice %arg7[%arg0, %add3A_84, %dma_wait3A_274] : memref<2x10000x128xf32, #tpu.memory_space<hbm>> -> memref<1x40x128xf32, #tpu.memory_space<hbm>>
      %dma_wait3A_276 = tpu.memref_squeeze %dma_wait3A_275 : memref<1x40x128xf32, #tpu.memory_space<hbm>> -> memref<40x128xf32, #tpu.memory_space<hbm>>
      %dma_wait3A_277 = arith.constant 0 : i32
      %dma_wait3A_278 = arith.constant 0 : i32
      %dma_wait3A_279 = tpu.memref_slice %arg10[%dma_wait3A_277, %dma_wait3A_278] : memref<40x128xf32, #tpu.memory_space<vmem>> -> memref<40x128xf32, #tpu.memory_space<vmem>>
      tpu.wait_dma2 semaphore(%run_scoped3A : memref<!tpu.dma_semaphore, #tpu.memory_space<semaphore_mem>>) src(%dma_wait3A_279 : memref<40x128xf32, #tpu.memory_space<vmem>>) dst(%dma_wait3A_276 : memref<40x128xf32, #tpu.memory_space<hbm>>)
      tpu.yield
    }) : () -> ()
    %add3A_85 = arith.constant 80 : i32
    %add3A_86 = arith.addi %mul3A_0, %add3A_85 : i32
    "tpu.region"() ({
      %run_scoped3A = tpu.sem_alloc : memref<!tpu.dma_semaphore, #tpu.memory_space<semaphore_mem>>
      %dma_start3A_256 = arith.constant 0 : i32
      %dma_start3A_257 = arith.constant 0 : i32
      %dma_start3A_258 = tpu.memref_slice %arg9[%dma_start3A_256, %dma_start3A_257] : memref<40x128xf32, #tpu.memory_space<vmem>> -> memref<40x128xf32, #tpu.memory_space<vmem>>
      %dma_start3A_259 = arith.constant 0 : i32
      %dma_start3A_260 = tpu.memref_slice %arg19[%add3A_86, %dma_start3A_259] : memref<10000x128xf32, #tpu.memory_space<vmem_shared>> -> memref<40x128xf32, #tpu.memory_space<vmem_shared>>
      %dma_start3A_261 = arith.constant 0 : i32
      %dma_start3A_262 = arith.constant 0 : i32
      %dma_start3A_263 = tpu.memref_slice %arg9[%dma_start3A_261, %dma_start3A_262] : memref<40x128xf32, #tpu.memory_space<vmem>> -> memref<40x128xf32, #tpu.memory_space<vmem>>
      %dma_start3A_264 = arith.constant 0 : i32
      %dma_start3A_265 = tpu.memref_slice %arg19[%add3A_86, %dma_start3A_264] : memref<10000x128xf32, #tpu.memory_space<vmem_shared>> -> memref<40x128xf32, #tpu.memory_space<vmem_shared>>
      tpu.enqueue_dma source(%dma_start3A_265 : memref<40x128xf32, #tpu.memory_space<vmem_shared>>) target(%dma_start3A_263 : memref<40x128xf32, #tpu.memory_space<vmem>>) target_semaphore(%run_scoped3A : memref<!tpu.dma_semaphore, #tpu.memory_space<semaphore_mem>>)
      %dma_wait3A_266 = arith.constant 0 : i32
      %dma_wait3A_267 = arith.constant 0 : i32
      %dma_wait3A_268 = tpu.memref_slice %arg9[%dma_wait3A_266, %dma_wait3A_267] : memref<40x128xf32, #tpu.memory_space<vmem>> -> memref<40x128xf32, #tpu.memory_space<vmem>>
      %dma_wait3A_269 = arith.constant 0 : i32
      %dma_wait3A_270 = tpu.memref_slice %arg19[%add3A_86, %dma_wait3A_269] : memref<10000x128xf32, #tpu.memory_space<vmem_shared>> -> memref<40x128xf32, #tpu.memory_space<vmem_shared>>
      %dma_wait3A_271 = arith.constant 0 : i32
      %dma_wait3A_272 = arith.constant 0 : i32
      %dma_wait3A_273 = tpu.memref_slice %arg9[%dma_wait3A_271, %dma_wait3A_272] : memref<40x128xf32, #tpu.memory_space<vmem>> -> memref<40x128xf32, #tpu.memory_space<vmem>>
      %dma_wait3A_274 = arith.constant 0 : i32
      %dma_wait3A_275 = tpu.memref_slice %arg19[%add3A_86, %dma_wait3A_274] : memref<10000x128xf32, #tpu.memory_space<vmem_shared>> -> memref<40x128xf32, #tpu.memory_space<vmem_shared>>
      tpu.wait_dma2 semaphore(%run_scoped3A : memref<!tpu.dma_semaphore, #tpu.memory_space<semaphore_mem>>) src(%dma_wait3A_275 : memref<40x128xf32, #tpu.memory_space<vmem_shared>>) dst(%dma_wait3A_273 : memref<40x128xf32, #tpu.memory_space<vmem>>)
      tpu.yield
    }) : () -> ()
    %add3A_87 = arith.constant 40 : i32
    %add3A_88 = arith.addi %add3A_86, %add3A_87 : i32
    "tpu.region"() ({
      %run_scoped3A = tpu.sem_alloc : memref<!tpu.dma_semaphore, #tpu.memory_space<semaphore_mem>>
      %dma_start3A_256 = arith.constant 0 : i32
      %dma_start3A_257 = arith.constant 0 : i32
      %dma_start3A_258 = tpu.memref_slice %arg10[%dma_start3A_256, %dma_start3A_257] : memref<40x128xf32, #tpu.memory_space<vmem>> -> memref<40x128xf32, #tpu.memory_space<vmem>>
      %dma_start3A_259 = arith.constant 0 : i32
      %dma_start3A_260 = tpu.memref_slice %arg19[%add3A_88, %dma_start3A_259] : memref<10000x128xf32, #tpu.memory_space<vmem_shared>> -> memref<40x128xf32, #tpu.memory_space<vmem_shared>>
      %dma_start3A_261 = arith.constant 0 : i32
      %dma_start3A_262 = arith.constant 0 : i32
      %dma_start3A_263 = tpu.memref_slice %arg10[%dma_start3A_261, %dma_start3A_262] : memref<40x128xf32, #tpu.memory_space<vmem>> -> memref<40x128xf32, #tpu.memory_space<vmem>>
      %dma_start3A_264 = arith.constant 0 : i32
      %dma_start3A_265 = tpu.memref_slice %arg19[%add3A_88, %dma_start3A_264] : memref<10000x128xf32, #tpu.memory_space<vmem_shared>> -> memref<40x128xf32, #tpu.memory_space<vmem_shared>>
      tpu.enqueue_dma source(%dma_start3A_265 : memref<40x128xf32, #tpu.memory_space<vmem_shared>>) target(%dma_start3A_263 : memref<40x128xf32, #tpu.memory_space<vmem>>) target_semaphore(%run_scoped3A : memref<!tpu.dma_semaphore, #tpu.memory_space<semaphore_mem>>)
      %dma_wait3A_266 = arith.constant 0 : i32
      %dma_wait3A_267 = arith.constant 0 : i32
      %dma_wait3A_268 = tpu.memref_slice %arg10[%dma_wait3A_266, %dma_wait3A_267] : memref<40x128xf32, #tpu.memory_space<vmem>> -> memref<40x128xf32, #tpu.memory_space<vmem>>
      %dma_wait3A_269 = arith.constant 0 : i32
      %dma_wait3A_270 = tpu.memref_slice %arg19[%add3A_88, %dma_wait3A_269] : memref<10000x128xf32, #tpu.memory_space<vmem_shared>> -> memref<40x128xf32, #tpu.memory_space<vmem_shared>>
      %dma_wait3A_271 = arith.constant 0 : i32
      %dma_wait3A_272 = arith.constant 0 : i32
      %dma_wait3A_273 = tpu.memref_slice %arg10[%dma_wait3A_271, %dma_wait3A_272] : memref<40x128xf32, #tpu.memory_space<vmem>> -> memref<40x128xf32, #tpu.memory_space<vmem>>
      %dma_wait3A_274 = arith.constant 0 : i32
      %dma_wait3A_275 = tpu.memref_slice %arg19[%add3A_88, %dma_wait3A_274] : memref<10000x128xf32, #tpu.memory_space<vmem_shared>> -> memref<40x128xf32, #tpu.memory_space<vmem_shared>>
      tpu.wait_dma2 semaphore(%run_scoped3A : memref<!tpu.dma_semaphore, #tpu.memory_space<semaphore_mem>>) src(%dma_wait3A_275 : memref<40x128xf32, #tpu.memory_space<vmem_shared>>) dst(%dma_wait3A_273 : memref<40x128xf32, #tpu.memory_space<vmem>>)
      tpu.yield
    }) : () -> ()
    "tpu.region"() ({
      %run_scoped3A = tpu.sem_alloc : memref<!tpu.dma_semaphore, #tpu.memory_space<semaphore_mem>>
      %dma_start3A_256 = arith.constant 0 : i32
      %dma_start3A_257 = arith.constant 0 : i32
      %dma_start3A_258 = tpu.memref_slice %arg9[%dma_start3A_256, %dma_start3A_257] : memref<40x128xf32, #tpu.memory_space<vmem>> -> memref<40x128xf32, #tpu.memory_space<vmem>>
      %dma_start3A_259 = arith.constant 0 : i32
      %dma_start3A_260 = tpu.memref_slice %arg7[%arg0, %add3A_86, %dma_start3A_259] : memref<2x10000x128xf32, #tpu.memory_space<hbm>> -> memref<1x40x128xf32, #tpu.memory_space<hbm>>
      %dma_start3A_261 = tpu.memref_squeeze %dma_start3A_260 : memref<1x40x128xf32, #tpu.memory_space<hbm>> -> memref<40x128xf32, #tpu.memory_space<hbm>>
      %dma_start3A_262 = arith.constant 0 : i32
      %dma_start3A_263 = tpu.memref_slice %arg7[%arg0, %add3A_86, %dma_start3A_262] : memref<2x10000x128xf32, #tpu.memory_space<hbm>> -> memref<1x40x128xf32, #tpu.memory_space<hbm>>
      %dma_start3A_264 = tpu.memref_squeeze %dma_start3A_263 : memref<1x40x128xf32, #tpu.memory_space<hbm>> -> memref<40x128xf32, #tpu.memory_space<hbm>>
      %dma_start3A_265 = arith.constant 0 : i32
      %dma_start3A_266 = arith.constant 0 : i32
      %dma_start3A_267 = tpu.memref_slice %arg9[%dma_start3A_265, %dma_start3A_266] : memref<40x128xf32, #tpu.memory_space<vmem>> -> memref<40x128xf32, #tpu.memory_space<vmem>>
      tpu.enqueue_dma source(%dma_start3A_267 : memref<40x128xf32, #tpu.memory_space<vmem>>) target(%dma_start3A_264 : memref<40x128xf32, #tpu.memory_space<hbm>>) target_semaphore(%run_scoped3A : memref<!tpu.dma_semaphore, #tpu.memory_space<semaphore_mem>>)
      %dma_wait3A_268 = arith.constant 0 : i32
      %dma_wait3A_269 = arith.constant 0 : i32
      %dma_wait3A_270 = tpu.memref_slice %arg9[%dma_wait3A_268, %dma_wait3A_269] : memref<40x128xf32, #tpu.memory_space<vmem>> -> memref<40x128xf32, #tpu.memory_space<vmem>>
      %dma_wait3A_271 = arith.constant 0 : i32
      %dma_wait3A_272 = tpu.memref_slice %arg7[%arg0, %add3A_86, %dma_wait3A_271] : memref<2x10000x128xf32, #tpu.memory_space<hbm>> -> memref<1x40x128xf32, #tpu.memory_space<hbm>>
      %dma_wait3A_273 = tpu.memref_squeeze %dma_wait3A_272 : memref<1x40x128xf32, #tpu.memory_space<hbm>> -> memref<40x128xf32, #tpu.memory_space<hbm>>
      %dma_wait3A_274 = arith.constant 0 : i32
      %dma_wait3A_275 = tpu.memref_slice %arg7[%arg0, %add3A_86, %dma_wait3A_274] : memref<2x10000x128xf32, #tpu.memory_space<hbm>> -> memref<1x40x128xf32, #tpu.memory_space<hbm>>
      %dma_wait3A_276 = tpu.memref_squeeze %dma_wait3A_275 : memref<1x40x128xf32, #tpu.memory_space<hbm>> -> memref<40x128xf32, #tpu.memory_space<hbm>>
      %dma_wait3A_277 = arith.constant 0 : i32
      %dma_wait3A_278 = arith.constant 0 : i32
      %dma_wait3A_279 = tpu.memref_slice %arg9[%dma_wait3A_277, %dma_wait3A_278] : memref<40x128xf32, #tpu.memory_space<vmem>> -> memref<40x128xf32, #tpu.memory_space<vmem>>
      tpu.wait_dma2 semaphore(%run_scoped3A : memref<!tpu.dma_semaphore, #tpu.memory_space<semaphore_mem>>) src(%dma_wait3A_279 : memref<40x128xf32, #tpu.memory_space<vmem>>) dst(%dma_wait3A_276 : memref<40x128xf32, #tpu.memory_space<hbm>>)
      tpu.yield
    }) : () -> ()
    %add3A_89 = arith.constant 40 : i32
    %add3A_90 = arith.addi %add3A_86, %add3A_89 : i32
    "tpu.region"() ({
      %run_scoped3A = tpu.sem_alloc : memref<!tpu.dma_semaphore, #tpu.memory_space<semaphore_mem>>
      %dma_start3A_256 = arith.constant 0 : i32
      %dma_start3A_257 = arith.constant 0 : i32
      %dma_start3A_258 = tpu.memref_slice %arg10[%dma_start3A_256, %dma_start3A_257] : memref<40x128xf32, #tpu.memory_space<vmem>> -> memref<40x128xf32, #tpu.memory_space<vmem>>
      %dma_start3A_259 = arith.constant 0 : i32
      %dma_start3A_260 = tpu.memref_slice %arg7[%arg0, %add3A_90, %dma_start3A_259] : memref<2x10000x128xf32, #tpu.memory_space<hbm>> -> memref<1x40x128xf32, #tpu.memory_space<hbm>>
      %dma_start3A_261 = tpu.memref_squeeze %dma_start3A_260 : memref<1x40x128xf32, #tpu.memory_space<hbm>> -> memref<40x128xf32, #tpu.memory_space<hbm>>
      %dma_start3A_262 = arith.constant 0 : i32
      %dma_start3A_263 = tpu.memref_slice %arg7[%arg0, %add3A_90, %dma_start3A_262] : memref<2x10000x128xf32, #tpu.memory_space<hbm>> -> memref<1x40x128xf32, #tpu.memory_space<hbm>>
      %dma_start3A_264 = tpu.memref_squeeze %dma_start3A_263 : memref<1x40x128xf32, #tpu.memory_space<hbm>> -> memref<40x128xf32, #tpu.memory_space<hbm>>
      %dma_start3A_265 = arith.constant 0 : i32
      %dma_start3A_266 = arith.constant 0 : i32
      %dma_start3A_267 = tpu.memref_slice %arg10[%dma_start3A_265, %dma_start3A_266] : memref<40x128xf32, #tpu.memory_space<vmem>> -> memref<40x128xf32, #tpu.memory_space<vmem>>
      tpu.enqueue_dma source(%dma_start3A_267 : memref<40x128xf32, #tpu.memory_space<vmem>>) target(%dma_start3A_264 : memref<40x128xf32, #tpu.memory_space<hbm>>) target_semaphore(%run_scoped3A : memref<!tpu.dma_semaphore, #tpu.memory_space<semaphore_mem>>)
      %dma_wait3A_268 = arith.constant 0 : i32
      %dma_wait3A_269 = arith.constant 0 : i32
      %dma_wait3A_270 = tpu.memref_slice %arg10[%dma_wait3A_268, %dma_wait3A_269] : memref<40x128xf32, #tpu.memory_space<vmem>> -> memref<40x128xf32, #tpu.memory_space<vmem>>
      %dma_wait3A_271 = arith.constant 0 : i32
      %dma_wait3A_272 = tpu.memref_slice %arg7[%arg0, %add3A_90, %dma_wait3A_271] : memref<2x10000x128xf32, #tpu.memory_space<hbm>> -> memref<1x40x128xf32, #tpu.memory_space<hbm>>
      %dma_wait3A_273 = tpu.memref_squeeze %dma_wait3A_272 : memref<1x40x128xf32, #tpu.memory_space<hbm>> -> memref<40x128xf32, #tpu.memory_space<hbm>>
      %dma_wait3A_274 = arith.constant 0 : i32
      %dma_wait3A_275 = tpu.memref_slice %arg7[%arg0, %add3A_90, %dma_wait3A_274] : memref<2x10000x128xf32, #tpu.memory_space<hbm>> -> memref<1x40x128xf32, #tpu.memory_space<hbm>>
      %dma_wait3A_276 = tpu.memref_squeeze %dma_wait3A_275 : memref<1x40x128xf32, #tpu.memory_space<hbm>> -> memref<40x128xf32, #tpu.memory_space<hbm>>
      %dma_wait3A_277 = arith.constant 0 : i32
      %dma_wait3A_278 = arith.constant 0 : i32
      %dma_wait3A_279 = tpu.memref_slice %arg10[%dma_wait3A_277, %dma_wait3A_278] : memref<40x128xf32, #tpu.memory_space<vmem>> -> memref<40x128xf32, #tpu.memory_space<vmem>>
      tpu.wait_dma2 semaphore(%run_scoped3A : memref<!tpu.dma_semaphore, #tpu.memory_space<semaphore_mem>>) src(%dma_wait3A_279 : memref<40x128xf32, #tpu.memory_space<vmem>>) dst(%dma_wait3A_276 : memref<40x128xf32, #tpu.memory_space<hbm>>)
      tpu.yield
    }) : () -> ()
    %add3A_91 = arith.constant 80 : i32
    %add3A_92 = arith.addi %add3A_86, %add3A_91 : i32
    "tpu.region"() ({
      %run_scoped3A = tpu.sem_alloc : memref<!tpu.dma_semaphore, #tpu.memory_space<semaphore_mem>>
      %dma_start3A_256 = arith.constant 0 : i32
      %dma_start3A_257 = arith.constant 0 : i32
      %dma_start3A_258 = tpu.memref_slice %arg9[%dma_start3A_256, %dma_start3A_257] : memref<40x128xf32, #tpu.memory_space<vmem>> -> memref<40x128xf32, #tpu.memory_space<vmem>>
      %dma_start3A_259 = arith.constant 0 : i32
      %dma_start3A_260 = tpu.memref_slice %arg19[%add3A_92, %dma_start3A_259] : memref<10000x128xf32, #tpu.memory_space<vmem_shared>> -> memref<40x128xf32, #tpu.memory_space<vmem_shared>>
      %dma_start3A_261 = arith.constant 0 : i32
      %dma_start3A_262 = arith.constant 0 : i32
      %dma_start3A_263 = tpu.memref_slice %arg9[%dma_start3A_261, %dma_start3A_262] : memref<40x128xf32, #tpu.memory_space<vmem>> -> memref<40x128xf32, #tpu.memory_space<vmem>>
      %dma_start3A_264 = arith.constant 0 : i32
      %dma_start3A_265 = tpu.memref_slice %arg19[%add3A_92, %dma_start3A_264] : memref<10000x128xf32, #tpu.memory_space<vmem_shared>> -> memref<40x128xf32, #tpu.memory_space<vmem_shared>>
      tpu.enqueue_dma source(%dma_start3A_265 : memref<40x128xf32, #tpu.memory_space<vmem_shared>>) target(%dma_start3A_263 : memref<40x128xf32, #tpu.memory_space<vmem>>) target_semaphore(%run_scoped3A : memref<!tpu.dma_semaphore, #tpu.memory_space<semaphore_mem>>)
      %dma_wait3A_266 = arith.constant 0 : i32
      %dma_wait3A_267 = arith.constant 0 : i32
      %dma_wait3A_268 = tpu.memref_slice %arg9[%dma_wait3A_266, %dma_wait3A_267] : memref<40x128xf32, #tpu.memory_space<vmem>> -> memref<40x128xf32, #tpu.memory_space<vmem>>
      %dma_wait3A_269 = arith.constant 0 : i32
      %dma_wait3A_270 = tpu.memref_slice %arg19[%add3A_92, %dma_wait3A_269] : memref<10000x128xf32, #tpu.memory_space<vmem_shared>> -> memref<40x128xf32, #tpu.memory_space<vmem_shared>>
      %dma_wait3A_271 = arith.constant 0 : i32
      %dma_wait3A_272 = arith.constant 0 : i32
      %dma_wait3A_273 = tpu.memref_slice %arg9[%dma_wait3A_271, %dma_wait3A_272] : memref<40x128xf32, #tpu.memory_space<vmem>> -> memref<40x128xf32, #tpu.memory_space<vmem>>
      %dma_wait3A_274 = arith.constant 0 : i32
      %dma_wait3A_275 = tpu.memref_slice %arg19[%add3A_92, %dma_wait3A_274] : memref<10000x128xf32, #tpu.memory_space<vmem_shared>> -> memref<40x128xf32, #tpu.memory_space<vmem_shared>>
      tpu.wait_dma2 semaphore(%run_scoped3A : memref<!tpu.dma_semaphore, #tpu.memory_space<semaphore_mem>>) src(%dma_wait3A_275 : memref<40x128xf32, #tpu.memory_space<vmem_shared>>) dst(%dma_wait3A_273 : memref<40x128xf32, #tpu.memory_space<vmem>>)
      tpu.yield
    }) : () -> ()
    %add3A_93 = arith.constant 40 : i32
    %add3A_94 = arith.addi %add3A_92, %add3A_93 : i32
    "tpu.region"() ({
      %run_scoped3A = tpu.sem_alloc : memref<!tpu.dma_semaphore, #tpu.memory_space<semaphore_mem>>
      %dma_start3A_256 = arith.constant 0 : i32
      %dma_start3A_257 = arith.constant 0 : i32
      %dma_start3A_258 = tpu.memref_slice %arg10[%dma_start3A_256, %dma_start3A_257] : memref<40x128xf32, #tpu.memory_space<vmem>> -> memref<40x128xf32, #tpu.memory_space<vmem>>
      %dma_start3A_259 = arith.constant 0 : i32
      %dma_start3A_260 = tpu.memref_slice %arg19[%add3A_94, %dma_start3A_259] : memref<10000x128xf32, #tpu.memory_space<vmem_shared>> -> memref<40x128xf32, #tpu.memory_space<vmem_shared>>
      %dma_start3A_261 = arith.constant 0 : i32
      %dma_start3A_262 = arith.constant 0 : i32
      %dma_start3A_263 = tpu.memref_slice %arg10[%dma_start3A_261, %dma_start3A_262] : memref<40x128xf32, #tpu.memory_space<vmem>> -> memref<40x128xf32, #tpu.memory_space<vmem>>
      %dma_start3A_264 = arith.constant 0 : i32
      %dma_start3A_265 = tpu.memref_slice %arg19[%add3A_94, %dma_start3A_264] : memref<10000x128xf32, #tpu.memory_space<vmem_shared>> -> memref<40x128xf32, #tpu.memory_space<vmem_shared>>
      tpu.enqueue_dma source(%dma_start3A_265 : memref<40x128xf32, #tpu.memory_space<vmem_shared>>) target(%dma_start3A_263 : memref<40x128xf32, #tpu.memory_space<vmem>>) target_semaphore(%run_scoped3A : memref<!tpu.dma_semaphore, #tpu.memory_space<semaphore_mem>>)
      %dma_wait3A_266 = arith.constant 0 : i32
      %dma_wait3A_267 = arith.constant 0 : i32
      %dma_wait3A_268 = tpu.memref_slice %arg10[%dma_wait3A_266, %dma_wait3A_267] : memref<40x128xf32, #tpu.memory_space<vmem>> -> memref<40x128xf32, #tpu.memory_space<vmem>>
      %dma_wait3A_269 = arith.constant 0 : i32
      %dma_wait3A_270 = tpu.memref_slice %arg19[%add3A_94, %dma_wait3A_269] : memref<10000x128xf32, #tpu.memory_space<vmem_shared>> -> memref<40x128xf32, #tpu.memory_space<vmem_shared>>
      %dma_wait3A_271 = arith.constant 0 : i32
      %dma_wait3A_272 = arith.constant 0 : i32
      %dma_wait3A_273 = tpu.memref_slice %arg10[%dma_wait3A_271, %dma_wait3A_272] : memref<40x128xf32, #tpu.memory_space<vmem>> -> memref<40x128xf32, #tpu.memory_space<vmem>>
      %dma_wait3A_274 = arith.constant 0 : i32
      %dma_wait3A_275 = tpu.memref_slice %arg19[%add3A_94, %dma_wait3A_274] : memref<10000x128xf32, #tpu.memory_space<vmem_shared>> -> memref<40x128xf32, #tpu.memory_space<vmem_shared>>
      tpu.wait_dma2 semaphore(%run_scoped3A : memref<!tpu.dma_semaphore, #tpu.memory_space<semaphore_mem>>) src(%dma_wait3A_275 : memref<40x128xf32, #tpu.memory_space<vmem_shared>>) dst(%dma_wait3A_273 : memref<40x128xf32, #tpu.memory_space<vmem>>)
      tpu.yield
    }) : () -> ()
    "tpu.region"() ({
      %run_scoped3A = tpu.sem_alloc : memref<!tpu.dma_semaphore, #tpu.memory_space<semaphore_mem>>
      %dma_start3A_256 = arith.constant 0 : i32
      %dma_start3A_257 = arith.constant 0 : i32
      %dma_start3A_258 = tpu.memref_slice %arg9[%dma_start3A_256, %dma_start3A_257] : memref<40x128xf32, #tpu.memory_space<vmem>> -> memref<40x128xf32, #tpu.memory_space<vmem>>
      %dma_start3A_259 = arith.constant 0 : i32
      %dma_start3A_260 = tpu.memref_slice %arg7[%arg0, %add3A_92, %dma_start3A_259] : memref<2x10000x128xf32, #tpu.memory_space<hbm>> -> memref<1x40x128xf32, #tpu.memory_space<hbm>>
      %dma_start3A_261 = tpu.memref_squeeze %dma_start3A_260 : memref<1x40x128xf32, #tpu.memory_space<hbm>> -> memref<40x128xf32, #tpu.memory_space<hbm>>
      %dma_start3A_262 = arith.constant 0 : i32
      %dma_start3A_263 = tpu.memref_slice %arg7[%arg0, %add3A_92, %dma_start3A_262] : memref<2x10000x128xf32, #tpu.memory_space<hbm>> -> memref<1x40x128xf32, #tpu.memory_space<hbm>>
      %dma_start3A_264 = tpu.memref_squeeze %dma_start3A_263 : memref<1x40x128xf32, #tpu.memory_space<hbm>> -> memref<40x128xf32, #tpu.memory_space<hbm>>
      %dma_start3A_265 = arith.constant 0 : i32
      %dma_start3A_266 = arith.constant 0 : i32
      %dma_start3A_267 = tpu.memref_slice %arg9[%dma_start3A_265, %dma_start3A_266] : memref<40x128xf32, #tpu.memory_space<vmem>> -> memref<40x128xf32, #tpu.memory_space<vmem>>
      tpu.enqueue_dma source(%dma_start3A_267 : memref<40x128xf32, #tpu.memory_space<vmem>>) target(%dma_start3A_264 : memref<40x128xf32, #tpu.memory_space<hbm>>) target_semaphore(%run_scoped3A : memref<!tpu.dma_semaphore, #tpu.memory_space<semaphore_mem>>)
      %dma_wait3A_268 = arith.constant 0 : i32
      %dma_wait3A_269 = arith.constant 0 : i32
      %dma_wait3A_270 = tpu.memref_slice %arg9[%dma_wait3A_268, %dma_wait3A_269] : memref<40x128xf32, #tpu.memory_space<vmem>> -> memref<40x128xf32, #tpu.memory_space<vmem>>
      %dma_wait3A_271 = arith.constant 0 : i32
      %dma_wait3A_272 = tpu.memref_slice %arg7[%arg0, %add3A_92, %dma_wait3A_271] : memref<2x10000x128xf32, #tpu.memory_space<hbm>> -> memref<1x40x128xf32, #tpu.memory_space<hbm>>
      %dma_wait3A_273 = tpu.memref_squeeze %dma_wait3A_272 : memref<1x40x128xf32, #tpu.memory_space<hbm>> -> memref<40x128xf32, #tpu.memory_space<hbm>>
      %dma_wait3A_274 = arith.constant 0 : i32
      %dma_wait3A_275 = tpu.memref_slice %arg7[%arg0, %add3A_92, %dma_wait3A_274] : memref<2x10000x128xf32, #tpu.memory_space<hbm>> -> memref<1x40x128xf32, #tpu.memory_space<hbm>>
      %dma_wait3A_276 = tpu.memref_squeeze %dma_wait3A_275 : memref<1x40x128xf32, #tpu.memory_space<hbm>> -> memref<40x128xf32, #tpu.memory_space<hbm>>
      %dma_wait3A_277 = arith.constant 0 : i32
      %dma_wait3A_278 = arith.constant 0 : i32
      %dma_wait3A_279 = tpu.memref_slice %arg9[%dma_wait3A_277, %dma_wait3A_278] : memref<40x128xf32, #tpu.memory_space<vmem>> -> memref<40x128xf32, #tpu.memory_space<vmem>>
      tpu.wait_dma2 semaphore(%run_scoped3A : memref<!tpu.dma_semaphore, #tpu.memory_space<semaphore_mem>>) src(%dma_wait3A_279 : memref<40x128xf32, #tpu.memory_space<vmem>>) dst(%dma_wait3A_276 : memref<40x128xf32, #tpu.memory_space<hbm>>)
      tpu.yield
    }) : () -> ()
    %add3A_95 = arith.constant 40 : i32
    %add3A_96 = arith.addi %add3A_92, %add3A_95 : i32
    "tpu.region"() ({
      %run_scoped3A = tpu.sem_alloc : memref<!tpu.dma_semaphore, #tpu.memory_space<semaphore_mem>>
      %dma_start3A_256 = arith.constant 0 : i32
      %dma_start3A_257 = arith.constant 0 : i32
      %dma_start3A_258 = tpu.memref_slice %arg10[%dma_start3A_256, %dma_start3A_257] : memref<40x128xf32, #tpu.memory_space<vmem>> -> memref<40x128xf32, #tpu.memory_space<vmem>>
      %dma_start3A_259 = arith.constant 0 : i32
      %dma_start3A_260 = tpu.memref_slice %arg7[%arg0, %add3A_96, %dma_start3A_259] : memref<2x10000x128xf32, #tpu.memory_space<hbm>> -> memref<1x40x128xf32, #tpu.memory_space<hbm>>
      %dma_start3A_261 = tpu.memref_squeeze %dma_start3A_260 : memref<1x40x128xf32, #tpu.memory_space<hbm>> -> memref<40x128xf32, #tpu.memory_space<hbm>>
      %dma_start3A_262 = arith.constant 0 : i32
      %dma_start3A_263 = tpu.memref_slice %arg7[%arg0, %add3A_96, %dma_start3A_262] : memref<2x10000x128xf32, #tpu.memory_space<hbm>> -> memref<1x40x128xf32, #tpu.memory_space<hbm>>
      %dma_start3A_264 = tpu.memref_squeeze %dma_start3A_263 : memref<1x40x128xf32, #tpu.memory_space<hbm>> -> memref<40x128xf32, #tpu.memory_space<hbm>>
      %dma_start3A_265 = arith.constant 0 : i32
      %dma_start3A_266 = arith.constant 0 : i32
      %dma_start3A_267 = tpu.memref_slice %arg10[%dma_start3A_265, %dma_start3A_266] : memref<40x128xf32, #tpu.memory_space<vmem>> -> memref<40x128xf32, #tpu.memory_space<vmem>>
      tpu.enqueue_dma source(%dma_start3A_267 : memref<40x128xf32, #tpu.memory_space<vmem>>) target(%dma_start3A_264 : memref<40x128xf32, #tpu.memory_space<hbm>>) target_semaphore(%run_scoped3A : memref<!tpu.dma_semaphore, #tpu.memory_space<semaphore_mem>>)
      %dma_wait3A_268 = arith.constant 0 : i32
      %dma_wait3A_269 = arith.constant 0 : i32
      %dma_wait3A_270 = tpu.memref_slice %arg10[%dma_wait3A_268, %dma_wait3A_269] : memref<40x128xf32, #tpu.memory_space<vmem>> -> memref<40x128xf32, #tpu.memory_space<vmem>>
      %dma_wait3A_271 = arith.constant 0 : i32
      %dma_wait3A_272 = tpu.memref_slice %arg7[%arg0, %add3A_96, %dma_wait3A_271] : memref<2x10000x128xf32, #tpu.memory_space<hbm>> -> memref<1x40x128xf32, #tpu.memory_space<hbm>>
      %dma_wait3A_273 = tpu.memref_squeeze %dma_wait3A_272 : memref<1x40x128xf32, #tpu.memory_space<hbm>> -> memref<40x128xf32, #tpu.memory_space<hbm>>
      %dma_wait3A_274 = arith.constant 0 : i32
      %dma_wait3A_275 = tpu.memref_slice %arg7[%arg0, %add3A_96, %dma_wait3A_274] : memref<2x10000x128xf32, #tpu.memory_space<hbm>> -> memref<1x40x128xf32, #tpu.memory_space<hbm>>
      %dma_wait3A_276 = tpu.memref_squeeze %dma_wait3A_275 : memref<1x40x128xf32, #tpu.memory_space<hbm>> -> memref<40x128xf32, #tpu.memory_space<hbm>>
      %dma_wait3A_277 = arith.constant 0 : i32
      %dma_wait3A_278 = arith.constant 0 : i32
      %dma_wait3A_279 = tpu.memref_slice %arg10[%dma_wait3A_277, %dma_wait3A_278] : memref<40x128xf32, #tpu.memory_space<vmem>> -> memref<40x128xf32, #tpu.memory_space<vmem>>
      tpu.wait_dma2 semaphore(%run_scoped3A : memref<!tpu.dma_semaphore, #tpu.memory_space<semaphore_mem>>) src(%dma_wait3A_279 : memref<40x128xf32, #tpu.memory_space<vmem>>) dst(%dma_wait3A_276 : memref<40x128xf32, #tpu.memory_space<hbm>>)
      tpu.yield
    }) : () -> ()
    %add3A_97 = arith.constant 80 : i32
    %add3A_98 = arith.addi %add3A_92, %add3A_97 : i32
    "tpu.region"() ({
      %run_scoped3A = tpu.sem_alloc : memref<!tpu.dma_semaphore, #tpu.memory_space<semaphore_mem>>
      %dma_start3A_256 = arith.constant 0 : i32
      %dma_start3A_257 = arith.constant 0 : i32
      %dma_start3A_258 = tpu.memref_slice %arg9[%dma_start3A_256, %dma_start3A_257] : memref<40x128xf32, #tpu.memory_space<vmem>> -> memref<40x128xf32, #tpu.memory_space<vmem>>
      %dma_start3A_259 = arith.constant 0 : i32
      %dma_start3A_260 = tpu.memref_slice %arg19[%add3A_98, %dma_start3A_259] : memref<10000x128xf32, #tpu.memory_space<vmem_shared>> -> memref<40x128xf32, #tpu.memory_space<vmem_shared>>
      %dma_start3A_261 = arith.constant 0 : i32
      %dma_start3A_262 = arith.constant 0 : i32
      %dma_start3A_263 = tpu.memref_slice %arg9[%dma_start3A_261, %dma_start3A_262] : memref<40x128xf32, #tpu.memory_space<vmem>> -> memref<40x128xf32, #tpu.memory_space<vmem>>
      %dma_start3A_264 = arith.constant 0 : i32
      %dma_start3A_265 = tpu.memref_slice %arg19[%add3A_98, %dma_start3A_264] : memref<10000x128xf32, #tpu.memory_space<vmem_shared>> -> memref<40x128xf32, #tpu.memory_space<vmem_shared>>
      tpu.enqueue_dma source(%dma_start3A_265 : memref<40x128xf32, #tpu.memory_space<vmem_shared>>) target(%dma_start3A_263 : memref<40x128xf32, #tpu.memory_space<vmem>>) target_semaphore(%run_scoped3A : memref<!tpu.dma_semaphore, #tpu.memory_space<semaphore_mem>>)
      %dma_wait3A_266 = arith.constant 0 : i32
      %dma_wait3A_267 = arith.constant 0 : i32
      %dma_wait3A_268 = tpu.memref_slice %arg9[%dma_wait3A_266, %dma_wait3A_267] : memref<40x128xf32, #tpu.memory_space<vmem>> -> memref<40x128xf32, #tpu.memory_space<vmem>>
      %dma_wait3A_269 = arith.constant 0 : i32
      %dma_wait3A_270 = tpu.memref_slice %arg19[%add3A_98, %dma_wait3A_269] : memref<10000x128xf32, #tpu.memory_space<vmem_shared>> -> memref<40x128xf32, #tpu.memory_space<vmem_shared>>
      %dma_wait3A_271 = arith.constant 0 : i32
      %dma_wait3A_272 = arith.constant 0 : i32
      %dma_wait3A_273 = tpu.memref_slice %arg9[%dma_wait3A_271, %dma_wait3A_272] : memref<40x128xf32, #tpu.memory_space<vmem>> -> memref<40x128xf32, #tpu.memory_space<vmem>>
      %dma_wait3A_274 = arith.constant 0 : i32
      %dma_wait3A_275 = tpu.memref_slice %arg19[%add3A_98, %dma_wait3A_274] : memref<10000x128xf32, #tpu.memory_space<vmem_shared>> -> memref<40x128xf32, #tpu.memory_space<vmem_shared>>
      tpu.wait_dma2 semaphore(%run_scoped3A : memref<!tpu.dma_semaphore, #tpu.memory_space<semaphore_mem>>) src(%dma_wait3A_275 : memref<40x128xf32, #tpu.memory_space<vmem_shared>>) dst(%dma_wait3A_273 : memref<40x128xf32, #tpu.memory_space<vmem>>)
      tpu.yield
    }) : () -> ()
    %add3A_99 = arith.constant 40 : i32
    %add3A_100 = arith.addi %add3A_98, %add3A_99 : i32
    "tpu.region"() ({
      %run_scoped3A = tpu.sem_alloc : memref<!tpu.dma_semaphore, #tpu.memory_space<semaphore_mem>>
      %dma_start3A_256 = arith.constant 0 : i32
      %dma_start3A_257 = arith.constant 0 : i32
      %dma_start3A_258 = tpu.memref_slice %arg10[%dma_start3A_256, %dma_start3A_257] : memref<40x128xf32, #tpu.memory_space<vmem>> -> memref<40x128xf32, #tpu.memory_space<vmem>>
      %dma_start3A_259 = arith.constant 0 : i32
      %dma_start3A_260 = tpu.memref_slice %arg19[%add3A_100, %dma_start3A_259] : memref<10000x128xf32, #tpu.memory_space<vmem_shared>> -> memref<40x128xf32, #tpu.memory_space<vmem_shared>>
      %dma_start3A_261 = arith.constant 0 : i32
      %dma_start3A_262 = arith.constant 0 : i32
      %dma_start3A_263 = tpu.memref_slice %arg10[%dma_start3A_261, %dma_start3A_262] : memref<40x128xf32, #tpu.memory_space<vmem>> -> memref<40x128xf32, #tpu.memory_space<vmem>>
      %dma_start3A_264 = arith.constant 0 : i32
      %dma_start3A_265 = tpu.memref_slice %arg19[%add3A_100, %dma_start3A_264] : memref<10000x128xf32, #tpu.memory_space<vmem_shared>> -> memref<40x128xf32, #tpu.memory_space<vmem_shared>>
      tpu.enqueue_dma source(%dma_start3A_265 : memref<40x128xf32, #tpu.memory_space<vmem_shared>>) target(%dma_start3A_263 : memref<40x128xf32, #tpu.memory_space<vmem>>) target_semaphore(%run_scoped3A : memref<!tpu.dma_semaphore, #tpu.memory_space<semaphore_mem>>)
      %dma_wait3A_266 = arith.constant 0 : i32
      %dma_wait3A_267 = arith.constant 0 : i32
      %dma_wait3A_268 = tpu.memref_slice %arg10[%dma_wait3A_266, %dma_wait3A_267] : memref<40x128xf32, #tpu.memory_space<vmem>> -> memref<40x128xf32, #tpu.memory_space<vmem>>
      %dma_wait3A_269 = arith.constant 0 : i32
      %dma_wait3A_270 = tpu.memref_slice %arg19[%add3A_100, %dma_wait3A_269] : memref<10000x128xf32, #tpu.memory_space<vmem_shared>> -> memref<40x128xf32, #tpu.memory_space<vmem_shared>>
      %dma_wait3A_271 = arith.constant 0 : i32
      %dma_wait3A_272 = arith.constant 0 : i32
      %dma_wait3A_273 = tpu.memref_slice %arg10[%dma_wait3A_271, %dma_wait3A_272] : memref<40x128xf32, #tpu.memory_space<vmem>> -> memref<40x128xf32, #tpu.memory_space<vmem>>
      %dma_wait3A_274 = arith.constant 0 : i32
      %dma_wait3A_275 = tpu.memref_slice %arg19[%add3A_100, %dma_wait3A_274] : memref<10000x128xf32, #tpu.memory_space<vmem_shared>> -> memref<40x128xf32, #tpu.memory_space<vmem_shared>>
      tpu.wait_dma2 semaphore(%run_scoped3A : memref<!tpu.dma_semaphore, #tpu.memory_space<semaphore_mem>>) src(%dma_wait3A_275 : memref<40x128xf32, #tpu.memory_space<vmem_shared>>) dst(%dma_wait3A_273 : memref<40x128xf32, #tpu.memory_space<vmem>>)
      tpu.yield
    }) : () -> ()
    "tpu.region"() ({
      %run_scoped3A = tpu.sem_alloc : memref<!tpu.dma_semaphore, #tpu.memory_space<semaphore_mem>>
      %dma_start3A_256 = arith.constant 0 : i32
      %dma_start3A_257 = arith.constant 0 : i32
      %dma_start3A_258 = tpu.memref_slice %arg9[%dma_start3A_256, %dma_start3A_257] : memref<40x128xf32, #tpu.memory_space<vmem>> -> memref<40x128xf32, #tpu.memory_space<vmem>>
      %dma_start3A_259 = arith.constant 0 : i32
      %dma_start3A_260 = tpu.memref_slice %arg7[%arg0, %add3A_98, %dma_start3A_259] : memref<2x10000x128xf32, #tpu.memory_space<hbm>> -> memref<1x40x128xf32, #tpu.memory_space<hbm>>
      %dma_start3A_261 = tpu.memref_squeeze %dma_start3A_260 : memref<1x40x128xf32, #tpu.memory_space<hbm>> -> memref<40x128xf32, #tpu.memory_space<hbm>>
      %dma_start3A_262 = arith.constant 0 : i32
      %dma_start3A_263 = tpu.memref_slice %arg7[%arg0, %add3A_98, %dma_start3A_262] : memref<2x10000x128xf32, #tpu.memory_space<hbm>> -> memref<1x40x128xf32, #tpu.memory_space<hbm>>
      %dma_start3A_264 = tpu.memref_squeeze %dma_start3A_263 : memref<1x40x128xf32, #tpu.memory_space<hbm>> -> memref<40x128xf32, #tpu.memory_space<hbm>>
      %dma_start3A_265 = arith.constant 0 : i32
      %dma_start3A_266 = arith.constant 0 : i32
      %dma_start3A_267 = tpu.memref_slice %arg9[%dma_start3A_265, %dma_start3A_266] : memref<40x128xf32, #tpu.memory_space<vmem>> -> memref<40x128xf32, #tpu.memory_space<vmem>>
      tpu.enqueue_dma source(%dma_start3A_267 : memref<40x128xf32, #tpu.memory_space<vmem>>) target(%dma_start3A_264 : memref<40x128xf32, #tpu.memory_space<hbm>>) target_semaphore(%run_scoped3A : memref<!tpu.dma_semaphore, #tpu.memory_space<semaphore_mem>>)
      %dma_wait3A_268 = arith.constant 0 : i32
      %dma_wait3A_269 = arith.constant 0 : i32
      %dma_wait3A_270 = tpu.memref_slice %arg9[%dma_wait3A_268, %dma_wait3A_269] : memref<40x128xf32, #tpu.memory_space<vmem>> -> memref<40x128xf32, #tpu.memory_space<vmem>>
      %dma_wait3A_271 = arith.constant 0 : i32
      %dma_wait3A_272 = tpu.memref_slice %arg7[%arg0, %add3A_98, %dma_wait3A_271] : memref<2x10000x128xf32, #tpu.memory_space<hbm>> -> memref<1x40x128xf32, #tpu.memory_space<hbm>>
      %dma_wait3A_273 = tpu.memref_squeeze %dma_wait3A_272 : memref<1x40x128xf32, #tpu.memory_space<hbm>> -> memref<40x128xf32, #tpu.memory_space<hbm>>
      %dma_wait3A_274 = arith.constant 0 : i32
      %dma_wait3A_275 = tpu.memref_slice %arg7[%arg0, %add3A_98, %dma_wait3A_274] : memref<2x10000x128xf32, #tpu.memory_space<hbm>> -> memref<1x40x128xf32, #tpu.memory_space<hbm>>
      %dma_wait3A_276 = tpu.memref_squeeze %dma_wait3A_275 : memref<1x40x128xf32, #tpu.memory_space<hbm>> -> memref<40x128xf32, #tpu.memory_space<hbm>>
      %dma_wait3A_277 = arith.constant 0 : i32
      %dma_wait3A_278 = arith.constant 0 : i32
      %dma_wait3A_279 = tpu.memref_slice %arg9[%dma_wait3A_277, %dma_wait3A_278] : memref<40x128xf32, #tpu.memory_space<vmem>> -> memref<40x128xf32, #tpu.memory_space<vmem>>
      tpu.wait_dma2 semaphore(%run_scoped3A : memref<!tpu.dma_semaphore, #tpu.memory_space<semaphore_mem>>) src(%dma_wait3A_279 : memref<40x128xf32, #tpu.memory_space<vmem>>) dst(%dma_wait3A_276 : memref<40x128xf32, #tpu.memory_space<hbm>>)
      tpu.yield
    }) : () -> ()
    %add3A_101 = arith.constant 40 : i32
    %add3A_102 = arith.addi %add3A_98, %add3A_101 : i32
    "tpu.region"() ({
      %run_scoped3A = tpu.sem_alloc : memref<!tpu.dma_semaphore, #tpu.memory_space<semaphore_mem>>
      %dma_start3A_256 = arith.constant 0 : i32
      %dma_start3A_257 = arith.constant 0 : i32
      %dma_start3A_258 = tpu.memref_slice %arg10[%dma_start3A_256, %dma_start3A_257] : memref<40x128xf32, #tpu.memory_space<vmem>> -> memref<40x128xf32, #tpu.memory_space<vmem>>
      %dma_start3A_259 = arith.constant 0 : i32
      %dma_start3A_260 = tpu.memref_slice %arg7[%arg0, %add3A_102, %dma_start3A_259] : memref<2x10000x128xf32, #tpu.memory_space<hbm>> -> memref<1x40x128xf32, #tpu.memory_space<hbm>>
      %dma_start3A_261 = tpu.memref_squeeze %dma_start3A_260 : memref<1x40x128xf32, #tpu.memory_space<hbm>> -> memref<40x128xf32, #tpu.memory_space<hbm>>
      %dma_start3A_262 = arith.constant 0 : i32
      %dma_start3A_263 = tpu.memref_slice %arg7[%arg0, %add3A_102, %dma_start3A_262] : memref<2x10000x128xf32, #tpu.memory_space<hbm>> -> memref<1x40x128xf32, #tpu.memory_space<hbm>>
      %dma_start3A_264 = tpu.memref_squeeze %dma_start3A_263 : memref<1x40x128xf32, #tpu.memory_space<hbm>> -> memref<40x128xf32, #tpu.memory_space<hbm>>
      %dma_start3A_265 = arith.constant 0 : i32
      %dma_start3A_266 = arith.constant 0 : i32
      %dma_start3A_267 = tpu.memref_slice %arg10[%dma_start3A_265, %dma_start3A_266] : memref<40x128xf32, #tpu.memory_space<vmem>> -> memref<40x128xf32, #tpu.memory_space<vmem>>
      tpu.enqueue_dma source(%dma_start3A_267 : memref<40x128xf32, #tpu.memory_space<vmem>>) target(%dma_start3A_264 : memref<40x128xf32, #tpu.memory_space<hbm>>) target_semaphore(%run_scoped3A : memref<!tpu.dma_semaphore, #tpu.memory_space<semaphore_mem>>)
      %dma_wait3A_268 = arith.constant 0 : i32
      %dma_wait3A_269 = arith.constant 0 : i32
      %dma_wait3A_270 = tpu.memref_slice %arg10[%dma_wait3A_268, %dma_wait3A_269] : memref<40x128xf32, #tpu.memory_space<vmem>> -> memref<40x128xf32, #tpu.memory_space<vmem>>
      %dma_wait3A_271 = arith.constant 0 : i32
      %dma_wait3A_272 = tpu.memref_slice %arg7[%arg0, %add3A_102, %dma_wait3A_271] : memref<2x10000x128xf32, #tpu.memory_space<hbm>> -> memref<1x40x128xf32, #tpu.memory_space<hbm>>
      %dma_wait3A_273 = tpu.memref_squeeze %dma_wait3A_272 : memref<1x40x128xf32, #tpu.memory_space<hbm>> -> memref<40x128xf32, #tpu.memory_space<hbm>>
      %dma_wait3A_274 = arith.constant 0 : i32
      %dma_wait3A_275 = tpu.memref_slice %arg7[%arg0, %add3A_102, %dma_wait3A_274] : memref<2x10000x128xf32, #tpu.memory_space<hbm>> -> memref<1x40x128xf32, #tpu.memory_space<hbm>>
      %dma_wait3A_276 = tpu.memref_squeeze %dma_wait3A_275 : memref<1x40x128xf32, #tpu.memory_space<hbm>> -> memref<40x128xf32, #tpu.memory_space<hbm>>
      %dma_wait3A_277 = arith.constant 0 : i32
      %dma_wait3A_278 = arith.constant 0 : i32
      %dma_wait3A_279 = tpu.memref_slice %arg10[%dma_wait3A_277, %dma_wait3A_278] : memref<40x128xf32, #tpu.memory_space<vmem>> -> memref<40x128xf32, #tpu.memory_space<vmem>>
      tpu.wait_dma2 semaphore(%run_scoped3A : memref<!tpu.dma_semaphore, #tpu.memory_space<semaphore_mem>>) src(%dma_wait3A_279 : memref<40x128xf32, #tpu.memory_space<vmem>>) dst(%dma_wait3A_276 : memref<40x128xf32, #tpu.memory_space<hbm>>)
      tpu.yield
    }) : () -> ()
    %add3A_103 = arith.constant 80 : i32
    %add3A_104 = arith.addi %add3A_98, %add3A_103 : i32
    "tpu.region"() ({
      %run_scoped3A = tpu.sem_alloc : memref<!tpu.dma_semaphore, #tpu.memory_space<semaphore_mem>>
      %dma_start3A_256 = arith.constant 0 : i32
      %dma_start3A_257 = arith.constant 0 : i32
      %dma_start3A_258 = tpu.memref_slice %arg9[%dma_start3A_256, %dma_start3A_257] : memref<40x128xf32, #tpu.memory_space<vmem>> -> memref<40x128xf32, #tpu.memory_space<vmem>>
      %dma_start3A_259 = arith.constant 0 : i32
      %dma_start3A_260 = tpu.memref_slice %arg19[%add3A_104, %dma_start3A_259] : memref<10000x128xf32, #tpu.memory_space<vmem_shared>> -> memref<40x128xf32, #tpu.memory_space<vmem_shared>>
      %dma_start3A_261 = arith.constant 0 : i32
      %dma_start3A_262 = arith.constant 0 : i32
      %dma_start3A_263 = tpu.memref_slice %arg9[%dma_start3A_261, %dma_start3A_262] : memref<40x128xf32, #tpu.memory_space<vmem>> -> memref<40x128xf32, #tpu.memory_space<vmem>>
      %dma_start3A_264 = arith.constant 0 : i32
      %dma_start3A_265 = tpu.memref_slice %arg19[%add3A_104, %dma_start3A_264] : memref<10000x128xf32, #tpu.memory_space<vmem_shared>> -> memref<40x128xf32, #tpu.memory_space<vmem_shared>>
      tpu.enqueue_dma source(%dma_start3A_265 : memref<40x128xf32, #tpu.memory_space<vmem_shared>>) target(%dma_start3A_263 : memref<40x128xf32, #tpu.memory_space<vmem>>) target_semaphore(%run_scoped3A : memref<!tpu.dma_semaphore, #tpu.memory_space<semaphore_mem>>)
      %dma_wait3A_266 = arith.constant 0 : i32
      %dma_wait3A_267 = arith.constant 0 : i32
      %dma_wait3A_268 = tpu.memref_slice %arg9[%dma_wait3A_266, %dma_wait3A_267] : memref<40x128xf32, #tpu.memory_space<vmem>> -> memref<40x128xf32, #tpu.memory_space<vmem>>
      %dma_wait3A_269 = arith.constant 0 : i32
      %dma_wait3A_270 = tpu.memref_slice %arg19[%add3A_104, %dma_wait3A_269] : memref<10000x128xf32, #tpu.memory_space<vmem_shared>> -> memref<40x128xf32, #tpu.memory_space<vmem_shared>>
      %dma_wait3A_271 = arith.constant 0 : i32
      %dma_wait3A_272 = arith.constant 0 : i32
      %dma_wait3A_273 = tpu.memref_slice %arg9[%dma_wait3A_271, %dma_wait3A_272] : memref<40x128xf32, #tpu.memory_space<vmem>> -> memref<40x128xf32, #tpu.memory_space<vmem>>
      %dma_wait3A_274 = arith.constant 0 : i32
      %dma_wait3A_275 = tpu.memref_slice %arg19[%add3A_104, %dma_wait3A_274] : memref<10000x128xf32, #tpu.memory_space<vmem_shared>> -> memref<40x128xf32, #tpu.memory_space<vmem_shared>>
      tpu.wait_dma2 semaphore(%run_scoped3A : memref<!tpu.dma_semaphore, #tpu.memory_space<semaphore_mem>>) src(%dma_wait3A_275 : memref<40x128xf32, #tpu.memory_space<vmem_shared>>) dst(%dma_wait3A_273 : memref<40x128xf32, #tpu.memory_space<vmem>>)
      tpu.yield
    }) : () -> ()
    %add3A_105 = arith.constant 40 : i32
    %add3A_106 = arith.addi %add3A_104, %add3A_105 : i32
    "tpu.region"() ({
      %run_scoped3A = tpu.sem_alloc : memref<!tpu.dma_semaphore, #tpu.memory_space<semaphore_mem>>
      %dma_start3A_256 = arith.constant 0 : i32
      %dma_start3A_257 = arith.constant 0 : i32
      %dma_start3A_258 = tpu.memref_slice %arg10[%dma_start3A_256, %dma_start3A_257] : memref<40x128xf32, #tpu.memory_space<vmem>> -> memref<40x128xf32, #tpu.memory_space<vmem>>
      %dma_start3A_259 = arith.constant 0 : i32
      %dma_start3A_260 = tpu.memref_slice %arg19[%add3A_106, %dma_start3A_259] : memref<10000x128xf32, #tpu.memory_space<vmem_shared>> -> memref<40x128xf32, #tpu.memory_space<vmem_shared>>
      %dma_start3A_261 = arith.constant 0 : i32
      %dma_start3A_262 = arith.constant 0 : i32
      %dma_start3A_263 = tpu.memref_slice %arg10[%dma_start3A_261, %dma_start3A_262] : memref<40x128xf32, #tpu.memory_space<vmem>> -> memref<40x128xf32, #tpu.memory_space<vmem>>
      %dma_start3A_264 = arith.constant 0 : i32
      %dma_start3A_265 = tpu.memref_slice %arg19[%add3A_106, %dma_start3A_264] : memref<10000x128xf32, #tpu.memory_space<vmem_shared>> -> memref<40x128xf32, #tpu.memory_space<vmem_shared>>
      tpu.enqueue_dma source(%dma_start3A_265 : memref<40x128xf32, #tpu.memory_space<vmem_shared>>) target(%dma_start3A_263 : memref<40x128xf32, #tpu.memory_space<vmem>>) target_semaphore(%run_scoped3A : memref<!tpu.dma_semaphore, #tpu.memory_space<semaphore_mem>>)
      %dma_wait3A_266 = arith.constant 0 : i32
      %dma_wait3A_267 = arith.constant 0 : i32
      %dma_wait3A_268 = tpu.memref_slice %arg10[%dma_wait3A_266, %dma_wait3A_267] : memref<40x128xf32, #tpu.memory_space<vmem>> -> memref<40x128xf32, #tpu.memory_space<vmem>>
      %dma_wait3A_269 = arith.constant 0 : i32
      %dma_wait3A_270 = tpu.memref_slice %arg19[%add3A_106, %dma_wait3A_269] : memref<10000x128xf32, #tpu.memory_space<vmem_shared>> -> memref<40x128xf32, #tpu.memory_space<vmem_shared>>
      %dma_wait3A_271 = arith.constant 0 : i32
      %dma_wait3A_272 = arith.constant 0 : i32
      %dma_wait3A_273 = tpu.memref_slice %arg10[%dma_wait3A_271, %dma_wait3A_272] : memref<40x128xf32, #tpu.memory_space<vmem>> -> memref<40x128xf32, #tpu.memory_space<vmem>>
      %dma_wait3A_274 = arith.constant 0 : i32
      %dma_wait3A_275 = tpu.memref_slice %arg19[%add3A_106, %dma_wait3A_274] : memref<10000x128xf32, #tpu.memory_space<vmem_shared>> -> memref<40x128xf32, #tpu.memory_space<vmem_shared>>
      tpu.wait_dma2 semaphore(%run_scoped3A : memref<!tpu.dma_semaphore, #tpu.memory_space<semaphore_mem>>) src(%dma_wait3A_275 : memref<40x128xf32, #tpu.memory_space<vmem_shared>>) dst(%dma_wait3A_273 : memref<40x128xf32, #tpu.memory_space<vmem>>)
      tpu.yield
    }) : () -> ()
    "tpu.region"() ({
      %run_scoped3A = tpu.sem_alloc : memref<!tpu.dma_semaphore, #tpu.memory_space<semaphore_mem>>
      %dma_start3A_256 = arith.constant 0 : i32
      %dma_start3A_257 = arith.constant 0 : i32
      %dma_start3A_258 = tpu.memref_slice %arg9[%dma_start3A_256, %dma_start3A_257] : memref<40x128xf32, #tpu.memory_space<vmem>> -> memref<40x128xf32, #tpu.memory_space<vmem>>
      %dma_start3A_259 = arith.constant 0 : i32
      %dma_start3A_260 = tpu.memref_slice %arg7[%arg0, %add3A_104, %dma_start3A_259] : memref<2x10000x128xf32, #tpu.memory_space<hbm>> -> memref<1x40x128xf32, #tpu.memory_space<hbm>>
      %dma_start3A_261 = tpu.memref_squeeze %dma_start3A_260 : memref<1x40x128xf32, #tpu.memory_space<hbm>> -> memref<40x128xf32, #tpu.memory_space<hbm>>
      %dma_start3A_262 = arith.constant 0 : i32
      %dma_start3A_263 = tpu.memref_slice %arg7[%arg0, %add3A_104, %dma_start3A_262] : memref<2x10000x128xf32, #tpu.memory_space<hbm>> -> memref<1x40x128xf32, #tpu.memory_space<hbm>>
      %dma_start3A_264 = tpu.memref_squeeze %dma_start3A_263 : memref<1x40x128xf32, #tpu.memory_space<hbm>> -> memref<40x128xf32, #tpu.memory_space<hbm>>
      %dma_start3A_265 = arith.constant 0 : i32
      %dma_start3A_266 = arith.constant 0 : i32
      %dma_start3A_267 = tpu.memref_slice %arg9[%dma_start3A_265, %dma_start3A_266] : memref<40x128xf32, #tpu.memory_space<vmem>> -> memref<40x128xf32, #tpu.memory_space<vmem>>
      tpu.enqueue_dma source(%dma_start3A_267 : memref<40x128xf32, #tpu.memory_space<vmem>>) target(%dma_start3A_264 : memref<40x128xf32, #tpu.memory_space<hbm>>) target_semaphore(%run_scoped3A : memref<!tpu.dma_semaphore, #tpu.memory_space<semaphore_mem>>)
      %dma_wait3A_268 = arith.constant 0 : i32
      %dma_wait3A_269 = arith.constant 0 : i32
      %dma_wait3A_270 = tpu.memref_slice %arg9[%dma_wait3A_268, %dma_wait3A_269] : memref<40x128xf32, #tpu.memory_space<vmem>> -> memref<40x128xf32, #tpu.memory_space<vmem>>
      %dma_wait3A_271 = arith.constant 0 : i32
      %dma_wait3A_272 = tpu.memref_slice %arg7[%arg0, %add3A_104, %dma_wait3A_271] : memref<2x10000x128xf32, #tpu.memory_space<hbm>> -> memref<1x40x128xf32, #tpu.memory_space<hbm>>
      %dma_wait3A_273 = tpu.memref_squeeze %dma_wait3A_272 : memref<1x40x128xf32, #tpu.memory_space<hbm>> -> memref<40x128xf32, #tpu.memory_space<hbm>>
      %dma_wait3A_274 = arith.constant 0 : i32
      %dma_wait3A_275 = tpu.memref_slice %arg7[%arg0, %add3A_104, %dma_wait3A_274] : memref<2x10000x128xf32, #tpu.memory_space<hbm>> -> memref<1x40x128xf32, #tpu.memory_space<hbm>>
      %dma_wait3A_276 = tpu.memref_squeeze %dma_wait3A_275 : memref<1x40x128xf32, #tpu.memory_space<hbm>> -> memref<40x128xf32, #tpu.memory_space<hbm>>
      %dma_wait3A_277 = arith.constant 0 : i32
      %dma_wait3A_278 = arith.constant 0 : i32
      %dma_wait3A_279 = tpu.memref_slice %arg9[%dma_wait3A_277, %dma_wait3A_278] : memref<40x128xf32, #tpu.memory_space<vmem>> -> memref<40x128xf32, #tpu.memory_space<vmem>>
      tpu.wait_dma2 semaphore(%run_scoped3A : memref<!tpu.dma_semaphore, #tpu.memory_space<semaphore_mem>>) src(%dma_wait3A_279 : memref<40x128xf32, #tpu.memory_space<vmem>>) dst(%dma_wait3A_276 : memref<40x128xf32, #tpu.memory_space<hbm>>)
      tpu.yield
    }) : () -> ()
    %add3A_107 = arith.constant 40 : i32
    %add3A_108 = arith.addi %add3A_104, %add3A_107 : i32
    "tpu.region"() ({
      %run_scoped3A = tpu.sem_alloc : memref<!tpu.dma_semaphore, #tpu.memory_space<semaphore_mem>>
      %dma_start3A_256 = arith.constant 0 : i32
      %dma_start3A_257 = arith.constant 0 : i32
      %dma_start3A_258 = tpu.memref_slice %arg10[%dma_start3A_256, %dma_start3A_257] : memref<40x128xf32, #tpu.memory_space<vmem>> -> memref<40x128xf32, #tpu.memory_space<vmem>>
      %dma_start3A_259 = arith.constant 0 : i32
      %dma_start3A_260 = tpu.memref_slice %arg7[%arg0, %add3A_108, %dma_start3A_259] : memref<2x10000x128xf32, #tpu.memory_space<hbm>> -> memref<1x40x128xf32, #tpu.memory_space<hbm>>
      %dma_start3A_261 = tpu.memref_squeeze %dma_start3A_260 : memref<1x40x128xf32, #tpu.memory_space<hbm>> -> memref<40x128xf32, #tpu.memory_space<hbm>>
      %dma_start3A_262 = arith.constant 0 : i32
      %dma_start3A_263 = tpu.memref_slice %arg7[%arg0, %add3A_108, %dma_start3A_262] : memref<2x10000x128xf32, #tpu.memory_space<hbm>> -> memref<1x40x128xf32, #tpu.memory_space<hbm>>
      %dma_start3A_264 = tpu.memref_squeeze %dma_start3A_263 : memref<1x40x128xf32, #tpu.memory_space<hbm>> -> memref<40x128xf32, #tpu.memory_space<hbm>>
      %dma_start3A_265 = arith.constant 0 : i32
      %dma_start3A_266 = arith.constant 0 : i32
      %dma_start3A_267 = tpu.memref_slice %arg10[%dma_start3A_265, %dma_start3A_266] : memref<40x128xf32, #tpu.memory_space<vmem>> -> memref<40x128xf32, #tpu.memory_space<vmem>>
      tpu.enqueue_dma source(%dma_start3A_267 : memref<40x128xf32, #tpu.memory_space<vmem>>) target(%dma_start3A_264 : memref<40x128xf32, #tpu.memory_space<hbm>>) target_semaphore(%run_scoped3A : memref<!tpu.dma_semaphore, #tpu.memory_space<semaphore_mem>>)
      %dma_wait3A_268 = arith.constant 0 : i32
      %dma_wait3A_269 = arith.constant 0 : i32
      %dma_wait3A_270 = tpu.memref_slice %arg10[%dma_wait3A_268, %dma_wait3A_269] : memref<40x128xf32, #tpu.memory_space<vmem>> -> memref<40x128xf32, #tpu.memory_space<vmem>>
      %dma_wait3A_271 = arith.constant 0 : i32
      %dma_wait3A_272 = tpu.memref_slice %arg7[%arg0, %add3A_108, %dma_wait3A_271] : memref<2x10000x128xf32, #tpu.memory_space<hbm>> -> memref<1x40x128xf32, #tpu.memory_space<hbm>>
      %dma_wait3A_273 = tpu.memref_squeeze %dma_wait3A_272 : memref<1x40x128xf32, #tpu.memory_space<hbm>> -> memref<40x128xf32, #tpu.memory_space<hbm>>
      %dma_wait3A_274 = arith.constant 0 : i32
      %dma_wait3A_275 = tpu.memref_slice %arg7[%arg0, %add3A_108, %dma_wait3A_274] : memref<2x10000x128xf32, #tpu.memory_space<hbm>> -> memref<1x40x128xf32, #tpu.memory_space<hbm>>
      %dma_wait3A_276 = tpu.memref_squeeze %dma_wait3A_275 : memref<1x40x128xf32, #tpu.memory_space<hbm>> -> memref<40x128xf32, #tpu.memory_space<hbm>>
      %dma_wait3A_277 = arith.constant 0 : i32
      %dma_wait3A_278 = arith.constant 0 : i32
      %dma_wait3A_279 = tpu.memref_slice %arg10[%dma_wait3A_277, %dma_wait3A_278] : memref<40x128xf32, #tpu.memory_space<vmem>> -> memref<40x128xf32, #tpu.memory_space<vmem>>
      tpu.wait_dma2 semaphore(%run_scoped3A : memref<!tpu.dma_semaphore, #tpu.memory_space<semaphore_mem>>) src(%dma_wait3A_279 : memref<40x128xf32, #tpu.memory_space<vmem>>) dst(%dma_wait3A_276 : memref<40x128xf32, #tpu.memory_space<hbm>>)
      tpu.yield
    }) : () -> ()
    %add3A_109 = arith.constant 80 : i32
    %add3A_110 = arith.addi %add3A_104, %add3A_109 : i32
    "tpu.region"() ({
      %run_scoped3A = tpu.sem_alloc : memref<!tpu.dma_semaphore, #tpu.memory_space<semaphore_mem>>
      %dma_start3A_256 = arith.constant 0 : i32
      %dma_start3A_257 = arith.constant 0 : i32
      %dma_start3A_258 = tpu.memref_slice %arg9[%dma_start3A_256, %dma_start3A_257] : memref<40x128xf32, #tpu.memory_space<vmem>> -> memref<40x128xf32, #tpu.memory_space<vmem>>
      %dma_start3A_259 = arith.constant 0 : i32
      %dma_start3A_260 = tpu.memref_slice %arg19[%add3A_110, %dma_start3A_259] : memref<10000x128xf32, #tpu.memory_space<vmem_shared>> -> memref<40x128xf32, #tpu.memory_space<vmem_shared>>
      %dma_start3A_261 = arith.constant 0 : i32
      %dma_start3A_262 = arith.constant 0 : i32
      %dma_start3A_263 = tpu.memref_slice %arg9[%dma_start3A_261, %dma_start3A_262] : memref<40x128xf32, #tpu.memory_space<vmem>> -> memref<40x128xf32, #tpu.memory_space<vmem>>
      %dma_start3A_264 = arith.constant 0 : i32
      %dma_start3A_265 = tpu.memref_slice %arg19[%add3A_110, %dma_start3A_264] : memref<10000x128xf32, #tpu.memory_space<vmem_shared>> -> memref<40x128xf32, #tpu.memory_space<vmem_shared>>
      tpu.enqueue_dma source(%dma_start3A_265 : memref<40x128xf32, #tpu.memory_space<vmem_shared>>) target(%dma_start3A_263 : memref<40x128xf32, #tpu.memory_space<vmem>>) target_semaphore(%run_scoped3A : memref<!tpu.dma_semaphore, #tpu.memory_space<semaphore_mem>>)
      %dma_wait3A_266 = arith.constant 0 : i32
      %dma_wait3A_267 = arith.constant 0 : i32
      %dma_wait3A_268 = tpu.memref_slice %arg9[%dma_wait3A_266, %dma_wait3A_267] : memref<40x128xf32, #tpu.memory_space<vmem>> -> memref<40x128xf32, #tpu.memory_space<vmem>>
      %dma_wait3A_269 = arith.constant 0 : i32
      %dma_wait3A_270 = tpu.memref_slice %arg19[%add3A_110, %dma_wait3A_269] : memref<10000x128xf32, #tpu.memory_space<vmem_shared>> -> memref<40x128xf32, #tpu.memory_space<vmem_shared>>
      %dma_wait3A_271 = arith.constant 0 : i32
      %dma_wait3A_272 = arith.constant 0 : i32
      %dma_wait3A_273 = tpu.memref_slice %arg9[%dma_wait3A_271, %dma_wait3A_272] : memref<40x128xf32, #tpu.memory_space<vmem>> -> memref<40x128xf32, #tpu.memory_space<vmem>>
      %dma_wait3A_274 = arith.constant 0 : i32
      %dma_wait3A_275 = tpu.memref_slice %arg19[%add3A_110, %dma_wait3A_274] : memref<10000x128xf32, #tpu.memory_space<vmem_shared>> -> memref<40x128xf32, #tpu.memory_space<vmem_shared>>
      tpu.wait_dma2 semaphore(%run_scoped3A : memref<!tpu.dma_semaphore, #tpu.memory_space<semaphore_mem>>) src(%dma_wait3A_275 : memref<40x128xf32, #tpu.memory_space<vmem_shared>>) dst(%dma_wait3A_273 : memref<40x128xf32, #tpu.memory_space<vmem>>)
      tpu.yield
    }) : () -> ()
    %add3A_111 = arith.constant 40 : i32
    %add3A_112 = arith.addi %add3A_110, %add3A_111 : i32
    "tpu.region"() ({
      %run_scoped3A = tpu.sem_alloc : memref<!tpu.dma_semaphore, #tpu.memory_space<semaphore_mem>>
      %dma_start3A_256 = arith.constant 0 : i32
      %dma_start3A_257 = arith.constant 0 : i32
      %dma_start3A_258 = tpu.memref_slice %arg10[%dma_start3A_256, %dma_start3A_257] : memref<40x128xf32, #tpu.memory_space<vmem>> -> memref<40x128xf32, #tpu.memory_space<vmem>>
      %dma_start3A_259 = arith.constant 0 : i32
      %dma_start3A_260 = tpu.memref_slice %arg19[%add3A_112, %dma_start3A_259] : memref<10000x128xf32, #tpu.memory_space<vmem_shared>> -> memref<40x128xf32, #tpu.memory_space<vmem_shared>>
      %dma_start3A_261 = arith.constant 0 : i32
      %dma_start3A_262 = arith.constant 0 : i32
      %dma_start3A_263 = tpu.memref_slice %arg10[%dma_start3A_261, %dma_start3A_262] : memref<40x128xf32, #tpu.memory_space<vmem>> -> memref<40x128xf32, #tpu.memory_space<vmem>>
      %dma_start3A_264 = arith.constant 0 : i32
      %dma_start3A_265 = tpu.memref_slice %arg19[%add3A_112, %dma_start3A_264] : memref<10000x128xf32, #tpu.memory_space<vmem_shared>> -> memref<40x128xf32, #tpu.memory_space<vmem_shared>>
      tpu.enqueue_dma source(%dma_start3A_265 : memref<40x128xf32, #tpu.memory_space<vmem_shared>>) target(%dma_start3A_263 : memref<40x128xf32, #tpu.memory_space<vmem>>) target_semaphore(%run_scoped3A : memref<!tpu.dma_semaphore, #tpu.memory_space<semaphore_mem>>)
      %dma_wait3A_266 = arith.constant 0 : i32
      %dma_wait3A_267 = arith.constant 0 : i32
      %dma_wait3A_268 = tpu.memref_slice %arg10[%dma_wait3A_266, %dma_wait3A_267] : memref<40x128xf32, #tpu.memory_space<vmem>> -> memref<40x128xf32, #tpu.memory_space<vmem>>
      %dma_wait3A_269 = arith.constant 0 : i32
      %dma_wait3A_270 = tpu.memref_slice %arg19[%add3A_112, %dma_wait3A_269] : memref<10000x128xf32, #tpu.memory_space<vmem_shared>> -> memref<40x128xf32, #tpu.memory_space<vmem_shared>>
      %dma_wait3A_271 = arith.constant 0 : i32
      %dma_wait3A_272 = arith.constant 0 : i32
      %dma_wait3A_273 = tpu.memref_slice %arg10[%dma_wait3A_271, %dma_wait3A_272] : memref<40x128xf32, #tpu.memory_space<vmem>> -> memref<40x128xf32, #tpu.memory_space<vmem>>
      %dma_wait3A_274 = arith.constant 0 : i32
      %dma_wait3A_275 = tpu.memref_slice %arg19[%add3A_112, %dma_wait3A_274] : memref<10000x128xf32, #tpu.memory_space<vmem_shared>> -> memref<40x128xf32, #tpu.memory_space<vmem_shared>>
      tpu.wait_dma2 semaphore(%run_scoped3A : memref<!tpu.dma_semaphore, #tpu.memory_space<semaphore_mem>>) src(%dma_wait3A_275 : memref<40x128xf32, #tpu.memory_space<vmem_shared>>) dst(%dma_wait3A_273 : memref<40x128xf32, #tpu.memory_space<vmem>>)
      tpu.yield
    }) : () -> ()
    "tpu.region"() ({
      %run_scoped3A = tpu.sem_alloc : memref<!tpu.dma_semaphore, #tpu.memory_space<semaphore_mem>>
      %dma_start3A_256 = arith.constant 0 : i32
      %dma_start3A_257 = arith.constant 0 : i32
      %dma_start3A_258 = tpu.memref_slice %arg9[%dma_start3A_256, %dma_start3A_257] : memref<40x128xf32, #tpu.memory_space<vmem>> -> memref<40x128xf32, #tpu.memory_space<vmem>>
      %dma_start3A_259 = arith.constant 0 : i32
      %dma_start3A_260 = tpu.memref_slice %arg7[%arg0, %add3A_110, %dma_start3A_259] : memref<2x10000x128xf32, #tpu.memory_space<hbm>> -> memref<1x40x128xf32, #tpu.memory_space<hbm>>
      %dma_start3A_261 = tpu.memref_squeeze %dma_start3A_260 : memref<1x40x128xf32, #tpu.memory_space<hbm>> -> memref<40x128xf32, #tpu.memory_space<hbm>>
      %dma_start3A_262 = arith.constant 0 : i32
      %dma_start3A_263 = tpu.memref_slice %arg7[%arg0, %add3A_110, %dma_start3A_262] : memref<2x10000x128xf32, #tpu.memory_space<hbm>> -> memref<1x40x128xf32, #tpu.memory_space<hbm>>
      %dma_start3A_264 = tpu.memref_squeeze %dma_start3A_263 : memref<1x40x128xf32, #tpu.memory_space<hbm>> -> memref<40x128xf32, #tpu.memory_space<hbm>>
      %dma_start3A_265 = arith.constant 0 : i32
      %dma_start3A_266 = arith.constant 0 : i32
      %dma_start3A_267 = tpu.memref_slice %arg9[%dma_start3A_265, %dma_start3A_266] : memref<40x128xf32, #tpu.memory_space<vmem>> -> memref<40x128xf32, #tpu.memory_space<vmem>>
      tpu.enqueue_dma source(%dma_start3A_267 : memref<40x128xf32, #tpu.memory_space<vmem>>) target(%dma_start3A_264 : memref<40x128xf32, #tpu.memory_space<hbm>>) target_semaphore(%run_scoped3A : memref<!tpu.dma_semaphore, #tpu.memory_space<semaphore_mem>>)
      %dma_wait3A_268 = arith.constant 0 : i32
      %dma_wait3A_269 = arith.constant 0 : i32
      %dma_wait3A_270 = tpu.memref_slice %arg9[%dma_wait3A_268, %dma_wait3A_269] : memref<40x128xf32, #tpu.memory_space<vmem>> -> memref<40x128xf32, #tpu.memory_space<vmem>>
      %dma_wait3A_271 = arith.constant 0 : i32
      %dma_wait3A_272 = tpu.memref_slice %arg7[%arg0, %add3A_110, %dma_wait3A_271] : memref<2x10000x128xf32, #tpu.memory_space<hbm>> -> memref<1x40x128xf32, #tpu.memory_space<hbm>>
      %dma_wait3A_273 = tpu.memref_squeeze %dma_wait3A_272 : memref<1x40x128xf32, #tpu.memory_space<hbm>> -> memref<40x128xf32, #tpu.memory_space<hbm>>
      %dma_wait3A_274 = arith.constant 0 : i32
      %dma_wait3A_275 = tpu.memref_slice %arg7[%arg0, %add3A_110, %dma_wait3A_274] : memref<2x10000x128xf32, #tpu.memory_space<hbm>> -> memref<1x40x128xf32, #tpu.memory_space<hbm>>
      %dma_wait3A_276 = tpu.memref_squeeze %dma_wait3A_275 : memref<1x40x128xf32, #tpu.memory_space<hbm>> -> memref<40x128xf32, #tpu.memory_space<hbm>>
      %dma_wait3A_277 = arith.constant 0 : i32
      %dma_wait3A_278 = arith.constant 0 : i32
      %dma_wait3A_279 = tpu.memref_slice %arg9[%dma_wait3A_277, %dma_wait3A_278] : memref<40x128xf32, #tpu.memory_space<vmem>> -> memref<40x128xf32, #tpu.memory_space<vmem>>
      tpu.wait_dma2 semaphore(%run_scoped3A : memref<!tpu.dma_semaphore, #tpu.memory_space<semaphore_mem>>) src(%dma_wait3A_279 : memref<40x128xf32, #tpu.memory_space<vmem>>) dst(%dma_wait3A_276 : memref<40x128xf32, #tpu.memory_space<hbm>>)
      tpu.yield
    }) : () -> ()
    %add3A_113 = arith.constant 40 : i32
    %add3A_114 = arith.addi %add3A_110, %add3A_113 : i32
    "tpu.region"() ({
      %run_scoped3A = tpu.sem_alloc : memref<!tpu.dma_semaphore, #tpu.memory_space<semaphore_mem>>
      %dma_start3A_256 = arith.constant 0 : i32
      %dma_start3A_257 = arith.constant 0 : i32
      %dma_start3A_258 = tpu.memref_slice %arg10[%dma_start3A_256, %dma_start3A_257] : memref<40x128xf32, #tpu.memory_space<vmem>> -> memref<40x128xf32, #tpu.memory_space<vmem>>
      %dma_start3A_259 = arith.constant 0 : i32
      %dma_start3A_260 = tpu.memref_slice %arg7[%arg0, %add3A_114, %dma_start3A_259] : memref<2x10000x128xf32, #tpu.memory_space<hbm>> -> memref<1x40x128xf32, #tpu.memory_space<hbm>>
      %dma_start3A_261 = tpu.memref_squeeze %dma_start3A_260 : memref<1x40x128xf32, #tpu.memory_space<hbm>> -> memref<40x128xf32, #tpu.memory_space<hbm>>
      %dma_start3A_262 = arith.constant 0 : i32
      %dma_start3A_263 = tpu.memref_slice %arg7[%arg0, %add3A_114, %dma_start3A_262] : memref<2x10000x128xf32, #tpu.memory_space<hbm>> -> memref<1x40x128xf32, #tpu.memory_space<hbm>>
      %dma_start3A_264 = tpu.memref_squeeze %dma_start3A_263 : memref<1x40x128xf32, #tpu.memory_space<hbm>> -> memref<40x128xf32, #tpu.memory_space<hbm>>
      %dma_start3A_265 = arith.constant 0 : i32
      %dma_start3A_266 = arith.constant 0 : i32
      %dma_start3A_267 = tpu.memref_slice %arg10[%dma_start3A_265, %dma_start3A_266] : memref<40x128xf32, #tpu.memory_space<vmem>> -> memref<40x128xf32, #tpu.memory_space<vmem>>
      tpu.enqueue_dma source(%dma_start3A_267 : memref<40x128xf32, #tpu.memory_space<vmem>>) target(%dma_start3A_264 : memref<40x128xf32, #tpu.memory_space<hbm>>) target_semaphore(%run_scoped3A : memref<!tpu.dma_semaphore, #tpu.memory_space<semaphore_mem>>)
      %dma_wait3A_268 = arith.constant 0 : i32
      %dma_wait3A_269 = arith.constant 0 : i32
      %dma_wait3A_270 = tpu.memref_slice %arg10[%dma_wait3A_268, %dma_wait3A_269] : memref<40x128xf32, #tpu.memory_space<vmem>> -> memref<40x128xf32, #tpu.memory_space<vmem>>
      %dma_wait3A_271 = arith.constant 0 : i32
      %dma_wait3A_272 = tpu.memref_slice %arg7[%arg0, %add3A_114, %dma_wait3A_271] : memref<2x10000x128xf32, #tpu.memory_space<hbm>> -> memref<1x40x128xf32, #tpu.memory_space<hbm>>
      %dma_wait3A_273 = tpu.memref_squeeze %dma_wait3A_272 : memref<1x40x128xf32, #tpu.memory_space<hbm>> -> memref<40x128xf32, #tpu.memory_space<hbm>>
      %dma_wait3A_274 = arith.constant 0 : i32
      %dma_wait3A_275 = tpu.memref_slice %arg7[%arg0, %add3A_114, %dma_wait3A_274] : memref<2x10000x128xf32, #tpu.memory_space<hbm>> -> memref<1x40x128xf32, #tpu.memory_space<hbm>>
      %dma_wait3A_276 = tpu.memref_squeeze %dma_wait3A_275 : memref<1x40x128xf32, #tpu.memory_space<hbm>> -> memref<40x128xf32, #tpu.memory_space<hbm>>
      %dma_wait3A_277 = arith.constant 0 : i32
      %dma_wait3A_278 = arith.constant 0 : i32
      %dma_wait3A_279 = tpu.memref_slice %arg10[%dma_wait3A_277, %dma_wait3A_278] : memref<40x128xf32, #tpu.memory_space<vmem>> -> memref<40x128xf32, #tpu.memory_space<vmem>>
      tpu.wait_dma2 semaphore(%run_scoped3A : memref<!tpu.dma_semaphore, #tpu.memory_space<semaphore_mem>>) src(%dma_wait3A_279 : memref<40x128xf32, #tpu.memory_space<vmem>>) dst(%dma_wait3A_276 : memref<40x128xf32, #tpu.memory_space<hbm>>)
      tpu.yield
    }) : () -> ()
    %add3A_115 = arith.constant 80 : i32
    %add3A_116 = arith.addi %add3A_110, %add3A_115 : i32
    "tpu.region"() ({
      %run_scoped3A = tpu.sem_alloc : memref<!tpu.dma_semaphore, #tpu.memory_space<semaphore_mem>>
      %dma_start3A_256 = arith.constant 0 : i32
      %dma_start3A_257 = arith.constant 0 : i32
      %dma_start3A_258 = tpu.memref_slice %arg9[%dma_start3A_256, %dma_start3A_257] : memref<40x128xf32, #tpu.memory_space<vmem>> -> memref<40x128xf32, #tpu.memory_space<vmem>>
      %dma_start3A_259 = arith.constant 0 : i32
      %dma_start3A_260 = tpu.memref_slice %arg19[%add3A_116, %dma_start3A_259] : memref<10000x128xf32, #tpu.memory_space<vmem_shared>> -> memref<40x128xf32, #tpu.memory_space<vmem_shared>>
      %dma_start3A_261 = arith.constant 0 : i32
      %dma_start3A_262 = arith.constant 0 : i32
      %dma_start3A_263 = tpu.memref_slice %arg9[%dma_start3A_261, %dma_start3A_262] : memref<40x128xf32, #tpu.memory_space<vmem>> -> memref<40x128xf32, #tpu.memory_space<vmem>>
      %dma_start3A_264 = arith.constant 0 : i32
      %dma_start3A_265 = tpu.memref_slice %arg19[%add3A_116, %dma_start3A_264] : memref<10000x128xf32, #tpu.memory_space<vmem_shared>> -> memref<40x128xf32, #tpu.memory_space<vmem_shared>>
      tpu.enqueue_dma source(%dma_start3A_265 : memref<40x128xf32, #tpu.memory_space<vmem_shared>>) target(%dma_start3A_263 : memref<40x128xf32, #tpu.memory_space<vmem>>) target_semaphore(%run_scoped3A : memref<!tpu.dma_semaphore, #tpu.memory_space<semaphore_mem>>)
      %dma_wait3A_266 = arith.constant 0 : i32
      %dma_wait3A_267 = arith.constant 0 : i32
      %dma_wait3A_268 = tpu.memref_slice %arg9[%dma_wait3A_266, %dma_wait3A_267] : memref<40x128xf32, #tpu.memory_space<vmem>> -> memref<40x128xf32, #tpu.memory_space<vmem>>
      %dma_wait3A_269 = arith.constant 0 : i32
      %dma_wait3A_270 = tpu.memref_slice %arg19[%add3A_116, %dma_wait3A_269] : memref<10000x128xf32, #tpu.memory_space<vmem_shared>> -> memref<40x128xf32, #tpu.memory_space<vmem_shared>>
      %dma_wait3A_271 = arith.constant 0 : i32
      %dma_wait3A_272 = arith.constant 0 : i32
      %dma_wait3A_273 = tpu.memref_slice %arg9[%dma_wait3A_271, %dma_wait3A_272] : memref<40x128xf32, #tpu.memory_space<vmem>> -> memref<40x128xf32, #tpu.memory_space<vmem>>
      %dma_wait3A_274 = arith.constant 0 : i32
      %dma_wait3A_275 = tpu.memref_slice %arg19[%add3A_116, %dma_wait3A_274] : memref<10000x128xf32, #tpu.memory_space<vmem_shared>> -> memref<40x128xf32, #tpu.memory_space<vmem_shared>>
      tpu.wait_dma2 semaphore(%run_scoped3A : memref<!tpu.dma_semaphore, #tpu.memory_space<semaphore_mem>>) src(%dma_wait3A_275 : memref<40x128xf32, #tpu.memory_space<vmem_shared>>) dst(%dma_wait3A_273 : memref<40x128xf32, #tpu.memory_space<vmem>>)
      tpu.yield
    }) : () -> ()
    %add3A_117 = arith.constant 40 : i32
    %add3A_118 = arith.addi %add3A_116, %add3A_117 : i32
    "tpu.region"() ({
      %run_scoped3A = tpu.sem_alloc : memref<!tpu.dma_semaphore, #tpu.memory_space<semaphore_mem>>
      %dma_start3A_256 = arith.constant 0 : i32
      %dma_start3A_257 = arith.constant 0 : i32
      %dma_start3A_258 = tpu.memref_slice %arg10[%dma_start3A_256, %dma_start3A_257] : memref<40x128xf32, #tpu.memory_space<vmem>> -> memref<40x128xf32, #tpu.memory_space<vmem>>
      %dma_start3A_259 = arith.constant 0 : i32
      %dma_start3A_260 = tpu.memref_slice %arg19[%add3A_118, %dma_start3A_259] : memref<10000x128xf32, #tpu.memory_space<vmem_shared>> -> memref<40x128xf32, #tpu.memory_space<vmem_shared>>
      %dma_start3A_261 = arith.constant 0 : i32
      %dma_start3A_262 = arith.constant 0 : i32
      %dma_start3A_263 = tpu.memref_slice %arg10[%dma_start3A_261, %dma_start3A_262] : memref<40x128xf32, #tpu.memory_space<vmem>> -> memref<40x128xf32, #tpu.memory_space<vmem>>
      %dma_start3A_264 = arith.constant 0 : i32
      %dma_start3A_265 = tpu.memref_slice %arg19[%add3A_118, %dma_start3A_264] : memref<10000x128xf32, #tpu.memory_space<vmem_shared>> -> memref<40x128xf32, #tpu.memory_space<vmem_shared>>
      tpu.enqueue_dma source(%dma_start3A_265 : memref<40x128xf32, #tpu.memory_space<vmem_shared>>) target(%dma_start3A_263 : memref<40x128xf32, #tpu.memory_space<vmem>>) target_semaphore(%run_scoped3A : memref<!tpu.dma_semaphore, #tpu.memory_space<semaphore_mem>>)
      %dma_wait3A_266 = arith.constant 0 : i32
      %dma_wait3A_267 = arith.constant 0 : i32
      %dma_wait3A_268 = tpu.memref_slice %arg10[%dma_wait3A_266, %dma_wait3A_267] : memref<40x128xf32, #tpu.memory_space<vmem>> -> memref<40x128xf32, #tpu.memory_space<vmem>>
      %dma_wait3A_269 = arith.constant 0 : i32
      %dma_wait3A_270 = tpu.memref_slice %arg19[%add3A_118, %dma_wait3A_269] : memref<10000x128xf32, #tpu.memory_space<vmem_shared>> -> memref<40x128xf32, #tpu.memory_space<vmem_shared>>
      %dma_wait3A_271 = arith.constant 0 : i32
      %dma_wait3A_272 = arith.constant 0 : i32
      %dma_wait3A_273 = tpu.memref_slice %arg10[%dma_wait3A_271, %dma_wait3A_272] : memref<40x128xf32, #tpu.memory_space<vmem>> -> memref<40x128xf32, #tpu.memory_space<vmem>>
      %dma_wait3A_274 = arith.constant 0 : i32
      %dma_wait3A_275 = tpu.memref_slice %arg19[%add3A_118, %dma_wait3A_274] : memref<10000x128xf32, #tpu.memory_space<vmem_shared>> -> memref<40x128xf32, #tpu.memory_space<vmem_shared>>
      tpu.wait_dma2 semaphore(%run_scoped3A : memref<!tpu.dma_semaphore, #tpu.memory_space<semaphore_mem>>) src(%dma_wait3A_275 : memref<40x128xf32, #tpu.memory_space<vmem_shared>>) dst(%dma_wait3A_273 : memref<40x128xf32, #tpu.memory_space<vmem>>)
      tpu.yield
    }) : () -> ()
    "tpu.region"() ({
      %run_scoped3A = tpu.sem_alloc : memref<!tpu.dma_semaphore, #tpu.memory_space<semaphore_mem>>
      %dma_start3A_256 = arith.constant 0 : i32
      %dma_start3A_257 = arith.constant 0 : i32
      %dma_start3A_258 = tpu.memref_slice %arg9[%dma_start3A_256, %dma_start3A_257] : memref<40x128xf32, #tpu.memory_space<vmem>> -> memref<40x128xf32, #tpu.memory_space<vmem>>
      %dma_start3A_259 = arith.constant 0 : i32
      %dma_start3A_260 = tpu.memref_slice %arg7[%arg0, %add3A_116, %dma_start3A_259] : memref<2x10000x128xf32, #tpu.memory_space<hbm>> -> memref<1x40x128xf32, #tpu.memory_space<hbm>>
      %dma_start3A_261 = tpu.memref_squeeze %dma_start3A_260 : memref<1x40x128xf32, #tpu.memory_space<hbm>> -> memref<40x128xf32, #tpu.memory_space<hbm>>
      %dma_start3A_262 = arith.constant 0 : i32
      %dma_start3A_263 = tpu.memref_slice %arg7[%arg0, %add3A_116, %dma_start3A_262] : memref<2x10000x128xf32, #tpu.memory_space<hbm>> -> memref<1x40x128xf32, #tpu.memory_space<hbm>>
      %dma_start3A_264 = tpu.memref_squeeze %dma_start3A_263 : memref<1x40x128xf32, #tpu.memory_space<hbm>> -> memref<40x128xf32, #tpu.memory_space<hbm>>
      %dma_start3A_265 = arith.constant 0 : i32
      %dma_start3A_266 = arith.constant 0 : i32
      %dma_start3A_267 = tpu.memref_slice %arg9[%dma_start3A_265, %dma_start3A_266] : memref<40x128xf32, #tpu.memory_space<vmem>> -> memref<40x128xf32, #tpu.memory_space<vmem>>
      tpu.enqueue_dma source(%dma_start3A_267 : memref<40x128xf32, #tpu.memory_space<vmem>>) target(%dma_start3A_264 : memref<40x128xf32, #tpu.memory_space<hbm>>) target_semaphore(%run_scoped3A : memref<!tpu.dma_semaphore, #tpu.memory_space<semaphore_mem>>)
      %dma_wait3A_268 = arith.constant 0 : i32
      %dma_wait3A_269 = arith.constant 0 : i32
      %dma_wait3A_270 = tpu.memref_slice %arg9[%dma_wait3A_268, %dma_wait3A_269] : memref<40x128xf32, #tpu.memory_space<vmem>> -> memref<40x128xf32, #tpu.memory_space<vmem>>
      %dma_wait3A_271 = arith.constant 0 : i32
      %dma_wait3A_272 = tpu.memref_slice %arg7[%arg0, %add3A_116, %dma_wait3A_271] : memref<2x10000x128xf32, #tpu.memory_space<hbm>> -> memref<1x40x128xf32, #tpu.memory_space<hbm>>
      %dma_wait3A_273 = tpu.memref_squeeze %dma_wait3A_272 : memref<1x40x128xf32, #tpu.memory_space<hbm>> -> memref<40x128xf32, #tpu.memory_space<hbm>>
      %dma_wait3A_274 = arith.constant 0 : i32
      %dma_wait3A_275 = tpu.memref_slice %arg7[%arg0, %add3A_116, %dma_wait3A_274] : memref<2x10000x128xf32, #tpu.memory_space<hbm>> -> memref<1x40x128xf32, #tpu.memory_space<hbm>>
      %dma_wait3A_276 = tpu.memref_squeeze %dma_wait3A_275 : memref<1x40x128xf32, #tpu.memory_space<hbm>> -> memref<40x128xf32, #tpu.memory_space<hbm>>
      %dma_wait3A_277 = arith.constant 0 : i32
      %dma_wait3A_278 = arith.constant 0 : i32
      %dma_wait3A_279 = tpu.memref_slice %arg9[%dma_wait3A_277, %dma_wait3A_278] : memref<40x128xf32, #tpu.memory_space<vmem>> -> memref<40x128xf32, #tpu.memory_space<vmem>>
      tpu.wait_dma2 semaphore(%run_scoped3A : memref<!tpu.dma_semaphore, #tpu.memory_space<semaphore_mem>>) src(%dma_wait3A_279 : memref<40x128xf32, #tpu.memory_space<vmem>>) dst(%dma_wait3A_276 : memref<40x128xf32, #tpu.memory_space<hbm>>)
      tpu.yield
    }) : () -> ()
    %add3A_119 = arith.constant 40 : i32
    %add3A_120 = arith.addi %add3A_116, %add3A_119 : i32
    "tpu.region"() ({
      %run_scoped3A = tpu.sem_alloc : memref<!tpu.dma_semaphore, #tpu.memory_space<semaphore_mem>>
      %dma_start3A_256 = arith.constant 0 : i32
      %dma_start3A_257 = arith.constant 0 : i32
      %dma_start3A_258 = tpu.memref_slice %arg10[%dma_start3A_256, %dma_start3A_257] : memref<40x128xf32, #tpu.memory_space<vmem>> -> memref<40x128xf32, #tpu.memory_space<vmem>>
      %dma_start3A_259 = arith.constant 0 : i32
      %dma_start3A_260 = tpu.memref_slice %arg7[%arg0, %add3A_120, %dma_start3A_259] : memref<2x10000x128xf32, #tpu.memory_space<hbm>> -> memref<1x40x128xf32, #tpu.memory_space<hbm>>
      %dma_start3A_261 = tpu.memref_squeeze %dma_start3A_260 : memref<1x40x128xf32, #tpu.memory_space<hbm>> -> memref<40x128xf32, #tpu.memory_space<hbm>>
      %dma_start3A_262 = arith.constant 0 : i32
      %dma_start3A_263 = tpu.memref_slice %arg7[%arg0, %add3A_120, %dma_start3A_262] : memref<2x10000x128xf32, #tpu.memory_space<hbm>> -> memref<1x40x128xf32, #tpu.memory_space<hbm>>
      %dma_start3A_264 = tpu.memref_squeeze %dma_start3A_263 : memref<1x40x128xf32, #tpu.memory_space<hbm>> -> memref<40x128xf32, #tpu.memory_space<hbm>>
      %dma_start3A_265 = arith.constant 0 : i32
      %dma_start3A_266 = arith.constant 0 : i32
      %dma_start3A_267 = tpu.memref_slice %arg10[%dma_start3A_265, %dma_start3A_266] : memref<40x128xf32, #tpu.memory_space<vmem>> -> memref<40x128xf32, #tpu.memory_space<vmem>>
      tpu.enqueue_dma source(%dma_start3A_267 : memref<40x128xf32, #tpu.memory_space<vmem>>) target(%dma_start3A_264 : memref<40x128xf32, #tpu.memory_space<hbm>>) target_semaphore(%run_scoped3A : memref<!tpu.dma_semaphore, #tpu.memory_space<semaphore_mem>>)
      %dma_wait3A_268 = arith.constant 0 : i32
      %dma_wait3A_269 = arith.constant 0 : i32
      %dma_wait3A_270 = tpu.memref_slice %arg10[%dma_wait3A_268, %dma_wait3A_269] : memref<40x128xf32, #tpu.memory_space<vmem>> -> memref<40x128xf32, #tpu.memory_space<vmem>>
      %dma_wait3A_271 = arith.constant 0 : i32
      %dma_wait3A_272 = tpu.memref_slice %arg7[%arg0, %add3A_120, %dma_wait3A_271] : memref<2x10000x128xf32, #tpu.memory_space<hbm>> -> memref<1x40x128xf32, #tpu.memory_space<hbm>>
      %dma_wait3A_273 = tpu.memref_squeeze %dma_wait3A_272 : memref<1x40x128xf32, #tpu.memory_space<hbm>> -> memref<40x128xf32, #tpu.memory_space<hbm>>
      %dma_wait3A_274 = arith.constant 0 : i32
      %dma_wait3A_275 = tpu.memref_slice %arg7[%arg0, %add3A_120, %dma_wait3A_274] : memref<2x10000x128xf32, #tpu.memory_space<hbm>> -> memref<1x40x128xf32, #tpu.memory_space<hbm>>
      %dma_wait3A_276 = tpu.memref_squeeze %dma_wait3A_275 : memref<1x40x128xf32, #tpu.memory_space<hbm>> -> memref<40x128xf32, #tpu.memory_space<hbm>>
      %dma_wait3A_277 = arith.constant 0 : i32
      %dma_wait3A_278 = arith.constant 0 : i32
      %dma_wait3A_279 = tpu.memref_slice %arg10[%dma_wait3A_277, %dma_wait3A_278] : memref<40x128xf32, #tpu.memory_space<vmem>> -> memref<40x128xf32, #tpu.memory_space<vmem>>
      tpu.wait_dma2 semaphore(%run_scoped3A : memref<!tpu.dma_semaphore, #tpu.memory_space<semaphore_mem>>) src(%dma_wait3A_279 : memref<40x128xf32, #tpu.memory_space<vmem>>) dst(%dma_wait3A_276 : memref<40x128xf32, #tpu.memory_space<hbm>>)
      tpu.yield
    }) : () -> ()
    %add3A_121 = arith.constant 80 : i32
    %add3A_122 = arith.addi %add3A_116, %add3A_121 : i32
    "tpu.region"() ({
      %run_scoped3A = tpu.sem_alloc : memref<!tpu.dma_semaphore, #tpu.memory_space<semaphore_mem>>
      %dma_start3A_256 = arith.constant 0 : i32
      %dma_start3A_257 = arith.constant 0 : i32
      %dma_start3A_258 = tpu.memref_slice %arg9[%dma_start3A_256, %dma_start3A_257] : memref<40x128xf32, #tpu.memory_space<vmem>> -> memref<32x128xf32, #tpu.memory_space<vmem>>
      %dma_start3A_259 = arith.constant 0 : i32
      %dma_start3A_260 = tpu.memref_slice %arg19[%add3A_122, %dma_start3A_259] : memref<10000x128xf32, #tpu.memory_space<vmem_shared>> -> memref<32x128xf32, #tpu.memory_space<vmem_shared>>
      %dma_start3A_261 = arith.constant 0 : i32
      %dma_start3A_262 = arith.constant 0 : i32
      %dma_start3A_263 = tpu.memref_slice %arg9[%dma_start3A_261, %dma_start3A_262] : memref<40x128xf32, #tpu.memory_space<vmem>> -> memref<32x128xf32, #tpu.memory_space<vmem>>
      %dma_start3A_264 = arith.constant 0 : i32
      %dma_start3A_265 = tpu.memref_slice %arg19[%add3A_122, %dma_start3A_264] : memref<10000x128xf32, #tpu.memory_space<vmem_shared>> -> memref<32x128xf32, #tpu.memory_space<vmem_shared>>
      tpu.enqueue_dma source(%dma_start3A_265 : memref<32x128xf32, #tpu.memory_space<vmem_shared>>) target(%dma_start3A_263 : memref<32x128xf32, #tpu.memory_space<vmem>>) target_semaphore(%run_scoped3A : memref<!tpu.dma_semaphore, #tpu.memory_space<semaphore_mem>>)
      %dma_wait3A_266 = arith.constant 0 : i32
      %dma_wait3A_267 = arith.constant 0 : i32
      %dma_wait3A_268 = tpu.memref_slice %arg9[%dma_wait3A_266, %dma_wait3A_267] : memref<40x128xf32, #tpu.memory_space<vmem>> -> memref<32x128xf32, #tpu.memory_space<vmem>>
      %dma_wait3A_269 = arith.constant 0 : i32
      %dma_wait3A_270 = tpu.memref_slice %arg19[%add3A_122, %dma_wait3A_269] : memref<10000x128xf32, #tpu.memory_space<vmem_shared>> -> memref<32x128xf32, #tpu.memory_space<vmem_shared>>
      %dma_wait3A_271 = arith.constant 0 : i32
      %dma_wait3A_272 = arith.constant 0 : i32
      %dma_wait3A_273 = tpu.memref_slice %arg9[%dma_wait3A_271, %dma_wait3A_272] : memref<40x128xf32, #tpu.memory_space<vmem>> -> memref<32x128xf32, #tpu.memory_space<vmem>>
      %dma_wait3A_274 = arith.constant 0 : i32
      %dma_wait3A_275 = tpu.memref_slice %arg19[%add3A_122, %dma_wait3A_274] : memref<10000x128xf32, #tpu.memory_space<vmem_shared>> -> memref<32x128xf32, #tpu.memory_space<vmem_shared>>
      tpu.wait_dma2 semaphore(%run_scoped3A : memref<!tpu.dma_semaphore, #tpu.memory_space<semaphore_mem>>) src(%dma_wait3A_275 : memref<32x128xf32, #tpu.memory_space<vmem_shared>>) dst(%dma_wait3A_273 : memref<32x128xf32, #tpu.memory_space<vmem>>)
      tpu.yield
    }) : () -> ()
    %add3A_123 = arith.constant 32 : i32
    %add3A_124 = arith.addi %add3A_122, %add3A_123 : i32
    "tpu.region"() ({
      %run_scoped3A = tpu.sem_alloc : memref<!tpu.dma_semaphore, #tpu.memory_space<semaphore_mem>>
      %dma_start3A_256 = arith.constant 0 : i32
      %dma_start3A_257 = arith.constant 0 : i32
      %dma_start3A_258 = tpu.memref_slice %arg10[%dma_start3A_256, %dma_start3A_257] : memref<40x128xf32, #tpu.memory_space<vmem>> -> memref<32x128xf32, #tpu.memory_space<vmem>>
      %dma_start3A_259 = arith.constant 0 : i32
      %dma_start3A_260 = tpu.memref_slice %arg19[%add3A_124, %dma_start3A_259] : memref<10000x128xf32, #tpu.memory_space<vmem_shared>> -> memref<32x128xf32, #tpu.memory_space<vmem_shared>>
      %dma_start3A_261 = arith.constant 0 : i32
      %dma_start3A_262 = arith.constant 0 : i32
      %dma_start3A_263 = tpu.memref_slice %arg10[%dma_start3A_261, %dma_start3A_262] : memref<40x128xf32, #tpu.memory_space<vmem>> -> memref<32x128xf32, #tpu.memory_space<vmem>>
      %dma_start3A_264 = arith.constant 0 : i32
      %dma_start3A_265 = tpu.memref_slice %arg19[%add3A_124, %dma_start3A_264] : memref<10000x128xf32, #tpu.memory_space<vmem_shared>> -> memref<32x128xf32, #tpu.memory_space<vmem_shared>>
      tpu.enqueue_dma source(%dma_start3A_265 : memref<32x128xf32, #tpu.memory_space<vmem_shared>>) target(%dma_start3A_263 : memref<32x128xf32, #tpu.memory_space<vmem>>) target_semaphore(%run_scoped3A : memref<!tpu.dma_semaphore, #tpu.memory_space<semaphore_mem>>)
      %dma_wait3A_266 = arith.constant 0 : i32
      %dma_wait3A_267 = arith.constant 0 : i32
      %dma_wait3A_268 = tpu.memref_slice %arg10[%dma_wait3A_266, %dma_wait3A_267] : memref<40x128xf32, #tpu.memory_space<vmem>> -> memref<32x128xf32, #tpu.memory_space<vmem>>
      %dma_wait3A_269 = arith.constant 0 : i32
      %dma_wait3A_270 = tpu.memref_slice %arg19[%add3A_124, %dma_wait3A_269] : memref<10000x128xf32, #tpu.memory_space<vmem_shared>> -> memref<32x128xf32, #tpu.memory_space<vmem_shared>>
      %dma_wait3A_271 = arith.constant 0 : i32
      %dma_wait3A_272 = arith.constant 0 : i32
      %dma_wait3A_273 = tpu.memref_slice %arg10[%dma_wait3A_271, %dma_wait3A_272] : memref<40x128xf32, #tpu.memory_space<vmem>> -> memref<32x128xf32, #tpu.memory_space<vmem>>
      %dma_wait3A_274 = arith.constant 0 : i32
      %dma_wait3A_275 = tpu.memref_slice %arg19[%add3A_124, %dma_wait3A_274] : memref<10000x128xf32, #tpu.memory_space<vmem_shared>> -> memref<32x128xf32, #tpu.memory_space<vmem_shared>>
      tpu.wait_dma2 semaphore(%run_scoped3A : memref<!tpu.dma_semaphore, #tpu.memory_space<semaphore_mem>>) src(%dma_wait3A_275 : memref<32x128xf32, #tpu.memory_space<vmem_shared>>) dst(%dma_wait3A_273 : memref<32x128xf32, #tpu.memory_space<vmem>>)
      tpu.yield
    }) : () -> ()
    "tpu.region"() ({
      %run_scoped3A = tpu.sem_alloc : memref<!tpu.dma_semaphore, #tpu.memory_space<semaphore_mem>>
      %dma_start3A_256 = arith.constant 0 : i32
      %dma_start3A_257 = arith.constant 0 : i32
      %dma_start3A_258 = tpu.memref_slice %arg9[%dma_start3A_256, %dma_start3A_257] : memref<40x128xf32, #tpu.memory_space<vmem>> -> memref<32x128xf32, #tpu.memory_space<vmem>>
      %dma_start3A_259 = arith.constant 0 : i32
      %dma_start3A_260 = tpu.memref_slice %arg7[%arg0, %add3A_122, %dma_start3A_259] : memref<2x10000x128xf32, #tpu.memory_space<hbm>> -> memref<1x32x128xf32, #tpu.memory_space<hbm>>
      %dma_start3A_261 = tpu.memref_squeeze %dma_start3A_260 : memref<1x32x128xf32, #tpu.memory_space<hbm>> -> memref<32x128xf32, #tpu.memory_space<hbm>>
      %dma_start3A_262 = arith.constant 0 : i32
      %dma_start3A_263 = tpu.memref_slice %arg7[%arg0, %add3A_122, %dma_start3A_262] : memref<2x10000x128xf32, #tpu.memory_space<hbm>> -> memref<1x32x128xf32, #tpu.memory_space<hbm>>
      %dma_start3A_264 = tpu.memref_squeeze %dma_start3A_263 : memref<1x32x128xf32, #tpu.memory_space<hbm>> -> memref<32x128xf32, #tpu.memory_space<hbm>>
      %dma_start3A_265 = arith.constant 0 : i32
      %dma_start3A_266 = arith.constant 0 : i32
      %dma_start3A_267 = tpu.memref_slice %arg9[%dma_start3A_265, %dma_start3A_266] : memref<40x128xf32, #tpu.memory_space<vmem>> -> memref<32x128xf32, #tpu.memory_space<vmem>>
      tpu.enqueue_dma source(%dma_start3A_267 : memref<32x128xf32, #tpu.memory_space<vmem>>) target(%dma_start3A_264 : memref<32x128xf32, #tpu.memory_space<hbm>>) target_semaphore(%run_scoped3A : memref<!tpu.dma_semaphore, #tpu.memory_space<semaphore_mem>>)
      %dma_wait3A_268 = arith.constant 0 : i32
      %dma_wait3A_269 = arith.constant 0 : i32
      %dma_wait3A_270 = tpu.memref_slice %arg9[%dma_wait3A_268, %dma_wait3A_269] : memref<40x128xf32, #tpu.memory_space<vmem>> -> memref<32x128xf32, #tpu.memory_space<vmem>>
      %dma_wait3A_271 = arith.constant 0 : i32
      %dma_wait3A_272 = tpu.memref_slice %arg7[%arg0, %add3A_122, %dma_wait3A_271] : memref<2x10000x128xf32, #tpu.memory_space<hbm>> -> memref<1x32x128xf32, #tpu.memory_space<hbm>>
      %dma_wait3A_273 = tpu.memref_squeeze %dma_wait3A_272 : memref<1x32x128xf32, #tpu.memory_space<hbm>> -> memref<32x128xf32, #tpu.memory_space<hbm>>
      %dma_wait3A_274 = arith.constant 0 : i32
      %dma_wait3A_275 = tpu.memref_slice %arg7[%arg0, %add3A_122, %dma_wait3A_274] : memref<2x10000x128xf32, #tpu.memory_space<hbm>> -> memref<1x32x128xf32, #tpu.memory_space<hbm>>
      %dma_wait3A_276 = tpu.memref_squeeze %dma_wait3A_275 : memref<1x32x128xf32, #tpu.memory_space<hbm>> -> memref<32x128xf32, #tpu.memory_space<hbm>>
      %dma_wait3A_277 = arith.constant 0 : i32
      %dma_wait3A_278 = arith.constant 0 : i32
      %dma_wait3A_279 = tpu.memref_slice %arg9[%dma_wait3A_277, %dma_wait3A_278] : memref<40x128xf32, #tpu.memory_space<vmem>> -> memref<32x128xf32, #tpu.memory_space<vmem>>
      tpu.wait_dma2 semaphore(%run_scoped3A : memref<!tpu.dma_semaphore, #tpu.memory_space<semaphore_mem>>) src(%dma_wait3A_279 : memref<32x128xf32, #tpu.memory_space<vmem>>) dst(%dma_wait3A_276 : memref<32x128xf32, #tpu.memory_space<hbm>>)
      tpu.yield
    }) : () -> ()
    %add3A_125 = arith.constant 32 : i32
    %add3A_126 = arith.addi %add3A_122, %add3A_125 : i32
    "tpu.region"() ({
      %run_scoped3A = tpu.sem_alloc : memref<!tpu.dma_semaphore, #tpu.memory_space<semaphore_mem>>
      %dma_start3A_256 = arith.constant 0 : i32
      %dma_start3A_257 = arith.constant 0 : i32
      %dma_start3A_258 = tpu.memref_slice %arg10[%dma_start3A_256, %dma_start3A_257] : memref<40x128xf32, #tpu.memory_space<vmem>> -> memref<32x128xf32, #tpu.memory_space<vmem>>
      %dma_start3A_259 = arith.constant 0 : i32
      %dma_start3A_260 = tpu.memref_slice %arg7[%arg0, %add3A_126, %dma_start3A_259] : memref<2x10000x128xf32, #tpu.memory_space<hbm>> -> memref<1x32x128xf32, #tpu.memory_space<hbm>>
      %dma_start3A_261 = tpu.memref_squeeze %dma_start3A_260 : memref<1x32x128xf32, #tpu.memory_space<hbm>> -> memref<32x128xf32, #tpu.memory_space<hbm>>
      %dma_start3A_262 = arith.constant 0 : i32
      %dma_start3A_263 = tpu.memref_slice %arg7[%arg0, %add3A_126, %dma_start3A_262] : memref<2x10000x128xf32, #tpu.memory_space<hbm>> -> memref<1x32x128xf32, #tpu.memory_space<hbm>>
      %dma_start3A_264 = tpu.memref_squeeze %dma_start3A_263 : memref<1x32x128xf32, #tpu.memory_space<hbm>> -> memref<32x128xf32, #tpu.memory_space<hbm>>
      %dma_start3A_265 = arith.constant 0 : i32
      %dma_start3A_266 = arith.constant 0 : i32
      %dma_start3A_267 = tpu.memref_slice %arg10[%dma_start3A_265, %dma_start3A_266] : memref<40x128xf32, #tpu.memory_space<vmem>> -> memref<32x128xf32, #tpu.memory_space<vmem>>
      tpu.enqueue_dma source(%dma_start3A_267 : memref<32x128xf32, #tpu.memory_space<vmem>>) target(%dma_start3A_264 : memref<32x128xf32, #tpu.memory_space<hbm>>) target_semaphore(%run_scoped3A : memref<!tpu.dma_semaphore, #tpu.memory_space<semaphore_mem>>)
      %dma_wait3A_268 = arith.constant 0 : i32
      %dma_wait3A_269 = arith.constant 0 : i32
      %dma_wait3A_270 = tpu.memref_slice %arg10[%dma_wait3A_268, %dma_wait3A_269] : memref<40x128xf32, #tpu.memory_space<vmem>> -> memref<32x128xf32, #tpu.memory_space<vmem>>
      %dma_wait3A_271 = arith.constant 0 : i32
      %dma_wait3A_272 = tpu.memref_slice %arg7[%arg0, %add3A_126, %dma_wait3A_271] : memref<2x10000x128xf32, #tpu.memory_space<hbm>> -> memref<1x32x128xf32, #tpu.memory_space<hbm>>
      %dma_wait3A_273 = tpu.memref_squeeze %dma_wait3A_272 : memref<1x32x128xf32, #tpu.memory_space<hbm>> -> memref<32x128xf32, #tpu.memory_space<hbm>>
      %dma_wait3A_274 = arith.constant 0 : i32
      %dma_wait3A_275 = tpu.memref_slice %arg7[%arg0, %add3A_126, %dma_wait3A_274] : memref<2x10000x128xf32, #tpu.memory_space<hbm>> -> memref<1x32x128xf32, #tpu.memory_space<hbm>>
      %dma_wait3A_276 = tpu.memref_squeeze %dma_wait3A_275 : memref<1x32x128xf32, #tpu.memory_space<hbm>> -> memref<32x128xf32, #tpu.memory_space<hbm>>
      %dma_wait3A_277 = arith.constant 0 : i32
      %dma_wait3A_278 = arith.constant 0 : i32
      %dma_wait3A_279 = tpu.memref_slice %arg10[%dma_wait3A_277, %dma_wait3A_278] : memref<40x128xf32, #tpu.memory_space<vmem>> -> memref<32x128xf32, #tpu.memory_space<vmem>>
      tpu.wait_dma2 semaphore(%run_scoped3A : memref<!tpu.dma_semaphore, #tpu.memory_space<semaphore_mem>>) src(%dma_wait3A_279 : memref<32x128xf32, #tpu.memory_space<vmem>>) dst(%dma_wait3A_276 : memref<32x128xf32, #tpu.memory_space<hbm>>)
      tpu.yield
    }) : () -> ()
    %add3A_127 = arith.constant 64 : i32
    %add3A_128 = arith.addi %add3A_122, %add3A_127 : i32
    %eq3A_129 = arith.constant 15 : i32
    %eq3A_130 = arith.cmpi eq, %arg1, %eq3A_129 : i32
    %convert_element_type3A_131 = arith.extui %eq3A_130 : i1 to i32
    %cond3A_132 = arith.constant 0 : i32
    %cond3A_133 = arith.cmpi ne, %convert_element_type3A_131, %cond3A_132 : i32
    scf.if %cond3A_133 {
      "tpu.region"() ({
        %run_scoped3A = tpu.sem_alloc : memref<!tpu.dma_semaphore, #tpu.memory_space<semaphore_mem>>
        %dma_start3A_256 = arith.constant 0 : i32
        %dma_start3A_257 = arith.constant 0 : i32
        %dma_start3A_258 = tpu.memref_slice %arg9[%dma_start3A_256, %dma_start3A_257] : memref<40x128xf32, #tpu.memory_space<vmem>> -> memref<16x128xf32, #tpu.memory_space<vmem>>
        %dma_start3A_259 = arith.constant 9984 : i32
        %dma_start3A_260 = arith.constant 0 : i32
        %dma_start3A_261 = tpu.memref_slice %arg19[%dma_start3A_259, %dma_start3A_260] : memref<10000x128xf32, #tpu.memory_space<vmem_shared>> -> memref<16x128xf32, #tpu.memory_space<vmem_shared>>
        %dma_start3A_262 = arith.constant 0 : i32
        %dma_start3A_263 = arith.constant 0 : i32
        %dma_start3A_264 = tpu.memref_slice %arg9[%dma_start3A_262, %dma_start3A_263] : memref<40x128xf32, #tpu.memory_space<vmem>> -> memref<16x128xf32, #tpu.memory_space<vmem>>
        %dma_start3A_265 = arith.constant 9984 : i32
        %dma_start3A_266 = arith.constant 0 : i32
        %dma_start3A_267 = tpu.memref_slice %arg19[%dma_start3A_265, %dma_start3A_266] : memref<10000x128xf32, #tpu.memory_space<vmem_shared>> -> memref<16x128xf32, #tpu.memory_space<vmem_shared>>
        tpu.enqueue_dma source(%dma_start3A_267 : memref<16x128xf32, #tpu.memory_space<vmem_shared>>) target(%dma_start3A_264 : memref<16x128xf32, #tpu.memory_space<vmem>>) target_semaphore(%run_scoped3A : memref<!tpu.dma_semaphore, #tpu.memory_space<semaphore_mem>>)
        %dma_wait3A_268 = arith.constant 0 : i32
        %dma_wait3A_269 = arith.constant 0 : i32
        %dma_wait3A_270 = tpu.memref_slice %arg9[%dma_wait3A_268, %dma_wait3A_269] : memref<40x128xf32, #tpu.memory_space<vmem>> -> memref<16x128xf32, #tpu.memory_space<vmem>>
        %dma_wait3A_271 = arith.constant 9984 : i32
        %dma_wait3A_272 = arith.constant 0 : i32
        %dma_wait3A_273 = tpu.memref_slice %arg19[%dma_wait3A_271, %dma_wait3A_272] : memref<10000x128xf32, #tpu.memory_space<vmem_shared>> -> memref<16x128xf32, #tpu.memory_space<vmem_shared>>
        %dma_wait3A_274 = arith.constant 0 : i32
        %dma_wait3A_275 = arith.constant 0 : i32
        %dma_wait3A_276 = tpu.memref_slice %arg9[%dma_wait3A_274, %dma_wait3A_275] : memref<40x128xf32, #tpu.memory_space<vmem>> -> memref<16x128xf32, #tpu.memory_space<vmem>>
        %dma_wait3A_277 = arith.constant 9984 : i32
        %dma_wait3A_278 = arith.constant 0 : i32
        %dma_wait3A_279 = tpu.memref_slice %arg19[%dma_wait3A_277, %dma_wait3A_278] : memref<10000x128xf32, #tpu.memory_space<vmem_shared>> -> memref<16x128xf32, #tpu.memory_space<vmem_shared>>
        tpu.wait_dma2 semaphore(%run_scoped3A : memref<!tpu.dma_semaphore, #tpu.memory_space<semaphore_mem>>) src(%dma_wait3A_279 : memref<16x128xf32, #tpu.memory_space<vmem_shared>>) dst(%dma_wait3A_276 : memref<16x128xf32, #tpu.memory_space<vmem>>)
        tpu.yield
      }) : () -> ()
      "tpu.region"() ({
        %run_scoped3A = tpu.sem_alloc : memref<!tpu.dma_semaphore, #tpu.memory_space<semaphore_mem>>
        %dma_start3A_256 = arith.constant 0 : i32
        %dma_start3A_257 = arith.constant 0 : i32
        %dma_start3A_258 = tpu.memref_slice %arg9[%dma_start3A_256, %dma_start3A_257] : memref<40x128xf32, #tpu.memory_space<vmem>> -> memref<16x128xf32, #tpu.memory_space<vmem>>
        %dma_start3A_259 = arith.constant 9984 : i32
        %dma_start3A_260 = arith.constant 0 : i32
        %dma_start3A_261 = tpu.memref_slice %arg7[%arg0, %dma_start3A_259, %dma_start3A_260] : memref<2x10000x128xf32, #tpu.memory_space<hbm>> -> memref<1x16x128xf32, #tpu.memory_space<hbm>>
        %dma_start3A_262 = tpu.memref_squeeze %dma_start3A_261 : memref<1x16x128xf32, #tpu.memory_space<hbm>> -> memref<16x128xf32, #tpu.memory_space<hbm>>
        %dma_start3A_263 = arith.constant 9984 : i32
        %dma_start3A_264 = arith.constant 0 : i32
        %dma_start3A_265 = tpu.memref_slice %arg7[%arg0, %dma_start3A_263, %dma_start3A_264] : memref<2x10000x128xf32, #tpu.memory_space<hbm>> -> memref<1x16x128xf32, #tpu.memory_space<hbm>>
        %dma_start3A_266 = tpu.memref_squeeze %dma_start3A_265 : memref<1x16x128xf32, #tpu.memory_space<hbm>> -> memref<16x128xf32, #tpu.memory_space<hbm>>
        %dma_start3A_267 = arith.constant 0 : i32
        %dma_start3A_268 = arith.constant 0 : i32
        %dma_start3A_269 = tpu.memref_slice %arg9[%dma_start3A_267, %dma_start3A_268] : memref<40x128xf32, #tpu.memory_space<vmem>> -> memref<16x128xf32, #tpu.memory_space<vmem>>
        tpu.enqueue_dma source(%dma_start3A_269 : memref<16x128xf32, #tpu.memory_space<vmem>>) target(%dma_start3A_266 : memref<16x128xf32, #tpu.memory_space<hbm>>) target_semaphore(%run_scoped3A : memref<!tpu.dma_semaphore, #tpu.memory_space<semaphore_mem>>)
        %dma_wait3A_270 = arith.constant 0 : i32
        %dma_wait3A_271 = arith.constant 0 : i32
        %dma_wait3A_272 = tpu.memref_slice %arg9[%dma_wait3A_270, %dma_wait3A_271] : memref<40x128xf32, #tpu.memory_space<vmem>> -> memref<16x128xf32, #tpu.memory_space<vmem>>
        %dma_wait3A_273 = arith.constant 9984 : i32
        %dma_wait3A_274 = arith.constant 0 : i32
        %dma_wait3A_275 = tpu.memref_slice %arg7[%arg0, %dma_wait3A_273, %dma_wait3A_274] : memref<2x10000x128xf32, #tpu.memory_space<hbm>> -> memref<1x16x128xf32, #tpu.memory_space<hbm>>
        %dma_wait3A_276 = tpu.memref_squeeze %dma_wait3A_275 : memref<1x16x128xf32, #tpu.memory_space<hbm>> -> memref<16x128xf32, #tpu.memory_space<hbm>>
        %dma_wait3A_277 = arith.constant 9984 : i32
        %dma_wait3A_278 = arith.constant 0 : i32
        %dma_wait3A_279 = tpu.memref_slice %arg7[%arg0, %dma_wait3A_277, %dma_wait3A_278] : memref<2x10000x128xf32, #tpu.memory_space<hbm>> -> memref<1x16x128xf32, #tpu.memory_space<hbm>>
        %dma_wait3A_280 = tpu.memref_squeeze %dma_wait3A_279 : memref<1x16x128xf32, #tpu.memory_space<hbm>> -> memref<16x128xf32, #tpu.memory_space<hbm>>
        %dma_wait3A_281 = arith.constant 0 : i32
        %dma_wait3A_282 = arith.constant 0 : i32
        %dma_wait3A_283 = tpu.memref_slice %arg9[%dma_wait3A_281, %dma_wait3A_282] : memref<40x128xf32, #tpu.memory_space<vmem>> -> memref<16x128xf32, #tpu.memory_space<vmem>>
        tpu.wait_dma2 semaphore(%run_scoped3A : memref<!tpu.dma_semaphore, #tpu.memory_space<semaphore_mem>>) src(%dma_wait3A_283 : memref<16x128xf32, #tpu.memory_space<vmem>>) dst(%dma_wait3A_280 : memref<16x128xf32, #tpu.memory_space<hbm>>)
        tpu.yield
      }) : () -> ()
    } else {
    }
    %barrier3A_134 = arith.constant 0 : index
    tpu.barrier barrier_id(%barrier3A_134)
    %scan3A_135 = arith.constant 0 : i32
    %scan3A_136 = arith.constant 40 : i32
    %scan3A_137 = arith.addi %scan3A_135, %scan3A_136 : i32
    %scan3A_138 = arith.constant 1 : i32
    scf.for %scan3A_256 = %scan3A_135 to %scan3A_137 step %scan3A_138  : i32 {
      %mul3A_257 = arith.constant 1 : i32
      %mul3A_258 = arith.muli %scan3A_256, %mul3A_257 : i32
      %add3A_259 = arith.constant 0 : i32
      %add3A_260 = arith.addi %add3A_259, %mul3A_258 : i32
      %swap3A = arith.index_cast %add3A_260 : i32 to index
      %swap3A_261 = arith.constant 0 : index
      %swap3A_262 = tpu.vector_load %arg9[%swap3A, %swap3A_261] {strides = array<i32>} : memref<40x128xf32, #tpu.memory_space<vmem>>, vector<1x16xf32>,
      %swap3A_263 = vector.shape_cast %swap3A_262 : vector<1x16xf32> to vector<16xf32>
      %swap3A_264 = vector.shape_cast %broadcast_in_dim3A_1 : vector<16xf32> to vector<1x16xf32>
      tpu.vector_store %arg9[%swap3A, %swap3A_261], %swap3A_264 {strides = array<i32>} : memref<40x128xf32, #tpu.memory_space<vmem>>, vector<1x16xf32>,
      %swap3A_265 = arith.index_cast %add3A_260 : i32 to index
      %swap3A_266 = arith.constant 0 : index
      %swap3A_267 = tpu.vector_load %arg10[%swap3A_265, %swap3A_266] {strides = array<i32>} : memref<40x128xf32, #tpu.memory_space<vmem>>, vector<1x16xf32>,
      %swap3A_268 = vector.shape_cast %swap3A_267 : vector<1x16xf32> to vector<16xf32>
      %swap3A_269 = vector.shape_cast %broadcast_in_dim3A_1 : vector<16xf32> to vector<1x16xf32>
      tpu.vector_store %arg10[%swap3A_265, %swap3A_266], %swap3A_269 {strides = array<i32>} : memref<40x128xf32, #tpu.memory_space<vmem>>, vector<1x16xf32>,
      %swap3A_270 = arith.index_cast %add3A_260 : i32 to index
      %swap3A_271 = arith.constant 16 : index
      %swap3A_272 = tpu.vector_load %arg9[%swap3A_270, %swap3A_271] {strides = array<i32>} : memref<40x128xf32, #tpu.memory_space<vmem>>, vector<1x16xf32>,
      %swap3A_273 = vector.shape_cast %swap3A_272 : vector<1x16xf32> to vector<16xf32>
      %swap3A_274 = vector.shape_cast %broadcast_in_dim3A_1 : vector<16xf32> to vector<1x16xf32>
      tpu.vector_store %arg9[%swap3A_270, %swap3A_271], %swap3A_274 {strides = array<i32>} : memref<40x128xf32, #tpu.memory_space<vmem>>, vector<1x16xf32>,
      %swap3A_275 = arith.index_cast %add3A_260 : i32 to index
      %swap3A_276 = arith.constant 16 : index
      %swap3A_277 = tpu.vector_load %arg10[%swap3A_275, %swap3A_276] {strides = array<i32>} : memref<40x128xf32, #tpu.memory_space<vmem>>, vector<1x16xf32>,
      %swap3A_278 = vector.shape_cast %swap3A_277 : vector<1x16xf32> to vector<16xf32>
      %swap3A_279 = vector.shape_cast %broadcast_in_dim3A_1 : vector<16xf32> to vector<1x16xf32>
      tpu.vector_store %arg10[%swap3A_275, %swap3A_276], %swap3A_279 {strides = array<i32>} : memref<40x128xf32, #tpu.memory_space<vmem>>, vector<1x16xf32>,
      %swap3A_280 = arith.index_cast %add3A_260 : i32 to index
      %swap3A_281 = arith.constant 32 : index
      %swap3A_282 = tpu.vector_load %arg9[%swap3A_280, %swap3A_281] {strides = array<i32>} : memref<40x128xf32, #tpu.memory_space<vmem>>, vector<1x16xf32>,
      %swap3A_283 = vector.shape_cast %swap3A_282 : vector<1x16xf32> to vector<16xf32>
      %swap3A_284 = vector.shape_cast %broadcast_in_dim3A_1 : vector<16xf32> to vector<1x16xf32>
      tpu.vector_store %arg9[%swap3A_280, %swap3A_281], %swap3A_284 {strides = array<i32>} : memref<40x128xf32, #tpu.memory_space<vmem>>, vector<1x16xf32>,
      %swap3A_285 = arith.index_cast %add3A_260 : i32 to index
      %swap3A_286 = arith.constant 32 : index
      %swap3A_287 = tpu.vector_load %arg10[%swap3A_285, %swap3A_286] {strides = array<i32>} : memref<40x128xf32, #tpu.memory_space<vmem>>, vector<1x16xf32>,
      %swap3A_288 = vector.shape_cast %swap3A_287 : vector<1x16xf32> to vector<16xf32>
      %swap3A_289 = vector.shape_cast %broadcast_in_dim3A_1 : vector<16xf32> to vector<1x16xf32>
      tpu.vector_store %arg10[%swap3A_285, %swap3A_286], %swap3A_289 {strides = array<i32>} : memref<40x128xf32, #tpu.memory_space<vmem>>, vector<1x16xf32>,
      %swap3A_290 = arith.index_cast %add3A_260 : i32 to index
      %swap3A_291 = arith.constant 48 : index
      %swap3A_292 = tpu.vector_load %arg9[%swap3A_290, %swap3A_291] {strides = array<i32>} : memref<40x128xf32, #tpu.memory_space<vmem>>, vector<1x16xf32>,
      %swap3A_293 = vector.shape_cast %swap3A_292 : vector<1x16xf32> to vector<16xf32>
      %swap3A_294 = vector.shape_cast %broadcast_in_dim3A_1 : vector<16xf32> to vector<1x16xf32>
      tpu.vector_store %arg9[%swap3A_290, %swap3A_291], %swap3A_294 {strides = array<i32>} : memref<40x128xf32, #tpu.memory_space<vmem>>, vector<1x16xf32>,
      %swap3A_295 = arith.index_cast %add3A_260 : i32 to index
      %swap3A_296 = arith.constant 48 : index
      %swap3A_297 = tpu.vector_load %arg10[%swap3A_295, %swap3A_296] {strides = array<i32>} : memref<40x128xf32, #tpu.memory_space<vmem>>, vector<1x16xf32>,
      %swap3A_298 = vector.shape_cast %swap3A_297 : vector<1x16xf32> to vector<16xf32>
      %swap3A_299 = vector.shape_cast %broadcast_in_dim3A_1 : vector<16xf32> to vector<1x16xf32>
      tpu.vector_store %arg10[%swap3A_295, %swap3A_296], %swap3A_299 {strides = array<i32>} : memref<40x128xf32, #tpu.memory_space<vmem>>, vector<1x16xf32>,
      %swap3A_300 = arith.index_cast %add3A_260 : i32 to index
      %swap3A_301 = arith.constant 64 : index
      %swap3A_302 = tpu.vector_load %arg9[%swap3A_300, %swap3A_301] {strides = array<i32>} : memref<40x128xf32, #tpu.memory_space<vmem>>, vector<1x16xf32>,
      %swap3A_303 = vector.shape_cast %swap3A_302 : vector<1x16xf32> to vector<16xf32>
      %swap3A_304 = vector.shape_cast %broadcast_in_dim3A_1 : vector<16xf32> to vector<1x16xf32>
      tpu.vector_store %arg9[%swap3A_300, %swap3A_301], %swap3A_304 {strides = array<i32>} : memref<40x128xf32, #tpu.memory_space<vmem>>, vector<1x16xf32>,
      %swap3A_305 = arith.index_cast %add3A_260 : i32 to index
      %swap3A_306 = arith.constant 64 : index
      %swap3A_307 = tpu.vector_load %arg10[%swap3A_305, %swap3A_306] {strides = array<i32>} : memref<40x128xf32, #tpu.memory_space<vmem>>, vector<1x16xf32>,
      %swap3A_308 = vector.shape_cast %swap3A_307 : vector<1x16xf32> to vector<16xf32>
      %swap3A_309 = vector.shape_cast %broadcast_in_dim3A_1 : vector<16xf32> to vector<1x16xf32>
      tpu.vector_store %arg10[%swap3A_305, %swap3A_306], %swap3A_309 {strides = array<i32>} : memref<40x128xf32, #tpu.memory_space<vmem>>, vector<1x16xf32>,
      %swap3A_310 = arith.index_cast %add3A_260 : i32 to index
      %swap3A_311 = arith.constant 80 : index
      %swap3A_312 = tpu.vector_load %arg9[%swap3A_310, %swap3A_311] {strides = array<i32>} : memref<40x128xf32, #tpu.memory_space<vmem>>, vector<1x16xf32>,
      %swap3A_313 = vector.shape_cast %swap3A_312 : vector<1x16xf32> to vector<16xf32>
      %swap3A_314 = vector.shape_cast %broadcast_in_dim3A_1 : vector<16xf32> to vector<1x16xf32>
      tpu.vector_store %arg9[%swap3A_310, %swap3A_311], %swap3A_314 {strides = array<i32>} : memref<40x128xf32, #tpu.memory_space<vmem>>, vector<1x16xf32>,
      %swap3A_315 = arith.index_cast %add3A_260 : i32 to index
      %swap3A_316 = arith.constant 80 : index
      %swap3A_317 = tpu.vector_load %arg10[%swap3A_315, %swap3A_316] {strides = array<i32>} : memref<40x128xf32, #tpu.memory_space<vmem>>, vector<1x16xf32>,
      %swap3A_318 = vector.shape_cast %swap3A_317 : vector<1x16xf32> to vector<16xf32>
      %swap3A_319 = vector.shape_cast %broadcast_in_dim3A_1 : vector<16xf32> to vector<1x16xf32>
      tpu.vector_store %arg10[%swap3A_315, %swap3A_316], %swap3A_319 {strides = array<i32>} : memref<40x128xf32, #tpu.memory_space<vmem>>, vector<1x16xf32>,
      %swap3A_320 = arith.index_cast %add3A_260 : i32 to index
      %swap3A_321 = arith.constant 96 : index
      %swap3A_322 = tpu.vector_load %arg9[%swap3A_320, %swap3A_321] {strides = array<i32>} : memref<40x128xf32, #tpu.memory_space<vmem>>, vector<1x16xf32>,
      %swap3A_323 = vector.shape_cast %swap3A_322 : vector<1x16xf32> to vector<16xf32>
      %swap3A_324 = vector.shape_cast %broadcast_in_dim3A_1 : vector<16xf32> to vector<1x16xf32>
      tpu.vector_store %arg9[%swap3A_320, %swap3A_321], %swap3A_324 {strides = array<i32>} : memref<40x128xf32, #tpu.memory_space<vmem>>, vector<1x16xf32>,
      %swap3A_325 = arith.index_cast %add3A_260 : i32 to index
      %swap3A_326 = arith.constant 96 : index
      %swap3A_327 = tpu.vector_load %arg10[%swap3A_325, %swap3A_326] {strides = array<i32>} : memref<40x128xf32, #tpu.memory_space<vmem>>, vector<1x16xf32>,
      %swap3A_328 = vector.shape_cast %swap3A_327 : vector<1x16xf32> to vector<16xf32>
      %swap3A_329 = vector.shape_cast %broadcast_in_dim3A_1 : vector<16xf32> to vector<1x16xf32>
      tpu.vector_store %arg10[%swap3A_325, %swap3A_326], %swap3A_329 {strides = array<i32>} : memref<40x128xf32, #tpu.memory_space<vmem>>, vector<1x16xf32>,
      %swap3A_330 = arith.index_cast %add3A_260 : i32 to index
      %swap3A_331 = arith.constant 112 : index
      %swap3A_332 = tpu.vector_load %arg9[%swap3A_330, %swap3A_331] {strides = array<i32>} : memref<40x128xf32, #tpu.memory_space<vmem>>, vector<1x16xf32>,
      %swap3A_333 = vector.shape_cast %swap3A_332 : vector<1x16xf32> to vector<16xf32>
      %swap3A_334 = vector.shape_cast %broadcast_in_dim3A_1 : vector<16xf32> to vector<1x16xf32>
      tpu.vector_store %arg9[%swap3A_330, %swap3A_331], %swap3A_334 {strides = array<i32>} : memref<40x128xf32, #tpu.memory_space<vmem>>, vector<1x16xf32>,
      %swap3A_335 = arith.index_cast %add3A_260 : i32 to index
      %swap3A_336 = arith.constant 112 : index
      %swap3A_337 = tpu.vector_load %arg10[%swap3A_335, %swap3A_336] {strides = array<i32>} : memref<40x128xf32, #tpu.memory_space<vmem>>, vector<1x16xf32>,
      %swap3A_338 = vector.shape_cast %swap3A_337 : vector<1x16xf32> to vector<16xf32>
      %swap3A_339 = vector.shape_cast %broadcast_in_dim3A_1 : vector<16xf32> to vector<1x16xf32>
      tpu.vector_store %arg10[%swap3A_335, %swap3A_336], %swap3A_339 {strides = array<i32>} : memref<40x128xf32, #tpu.memory_space<vmem>>, vector<1x16xf32>,
    }
    %scan3A_139 = arith.constant 40 : i32
    "tpu.region"() ({
      %run_scoped3A = tpu.sem_alloc : memref<!tpu.dma_semaphore, #tpu.memory_space<semaphore_mem>>
      %dma_start3A_256 = arith.constant 0 : i32
      %dma_start3A_257 = arith.constant 0 : i32
      %dma_start3A_258 = tpu.memref_slice %arg9[%dma_start3A_256, %dma_start3A_257] : memref<40x128xf32, #tpu.memory_space<vmem>> -> memref<40x128xf32, #tpu.memory_space<vmem>>
      %dma_start3A_259 = arith.constant 0 : i32
      %dma_start3A_260 = tpu.memref_slice %arg19[%mul3A_0, %dma_start3A_259] : memref<10000x128xf32, #tpu.memory_space<vmem_shared>> -> memref<40x128xf32, #tpu.memory_space<vmem_shared>>
      %dma_start3A_261 = arith.constant 0 : i32
      %dma_start3A_262 = tpu.memref_slice %arg19[%mul3A_0, %dma_start3A_261] : memref<10000x128xf32, #tpu.memory_space<vmem_shared>> -> memref<40x128xf32, #tpu.memory_space<vmem_shared>>
      %dma_start3A_263 = arith.constant 0 : i32
      %dma_start3A_264 = arith.constant 0 : i32
      %dma_start3A_265 = tpu.memref_slice %arg9[%dma_start3A_263, %dma_start3A_264] : memref<40x128xf32, #tpu.memory_space<vmem>> -> memref<40x128xf32, #tpu.memory_space<vmem>>
      tpu.enqueue_dma source(%dma_start3A_265 : memref<40x128xf32, #tpu.memory_space<vmem>>) target(%dma_start3A_262 : memref<40x128xf32, #tpu.memory_space<vmem_shared>>) target_semaphore(%run_scoped3A : memref<!tpu.dma_semaphore, #tpu.memory_space<semaphore_mem>>)
      %dma_wait3A_266 = arith.constant 0 : i32
      %dma_wait3A_267 = arith.constant 0 : i32
      %dma_wait3A_268 = tpu.memref_slice %arg9[%dma_wait3A_266, %dma_wait3A_267] : memref<40x128xf32, #tpu.memory_space<vmem>> -> memref<40x128xf32, #tpu.memory_space<vmem>>
      %dma_wait3A_269 = arith.constant 0 : i32
      %dma_wait3A_270 = tpu.memref_slice %arg19[%mul3A_0, %dma_wait3A_269] : memref<10000x128xf32, #tpu.memory_space<vmem_shared>> -> memref<40x128xf32, #tpu.memory_space<vmem_shared>>
      %dma_wait3A_271 = arith.constant 0 : i32
      %dma_wait3A_272 = tpu.memref_slice %arg19[%mul3A_0, %dma_wait3A_271] : memref<10000x128xf32, #tpu.memory_space<vmem_shared>> -> memref<40x128xf32, #tpu.memory_space<vmem_shared>>
      %dma_wait3A_273 = arith.constant 0 : i32
      %dma_wait3A_274 = arith.constant 0 : i32
      %dma_wait3A_275 = tpu.memref_slice %arg9[%dma_wait3A_273, %dma_wait3A_274] : memref<40x128xf32, #tpu.memory_space<vmem>> -> memref<40x128xf32, #tpu.memory_space<vmem>>
      tpu.wait_dma2 semaphore(%run_scoped3A : memref<!tpu.dma_semaphore, #tpu.memory_space<semaphore_mem>>) src(%dma_wait3A_275 : memref<40x128xf32, #tpu.memory_space<vmem>>) dst(%dma_wait3A_272 : memref<40x128xf32, #tpu.memory_space<vmem_shared>>)
      tpu.yield
    }) : () -> ()
    %add3A_140 = arith.constant 40 : i32
    %add3A_141 = arith.addi %mul3A_0, %add3A_140 : i32
    "tpu.region"() ({
      %run_scoped3A = tpu.sem_alloc : memref<!tpu.dma_semaphore, #tpu.memory_space<semaphore_mem>>
      %dma_start3A_256 = arith.constant 0 : i32
      %dma_start3A_257 = arith.constant 0 : i32
      %dma_start3A_258 = tpu.memref_slice %arg10[%dma_start3A_256, %dma_start3A_257] : memref<40x128xf32, #tpu.memory_space<vmem>> -> memref<40x128xf32, #tpu.memory_space<vmem>>
      %dma_start3A_259 = arith.constant 0 : i32
      %dma_start3A_260 = tpu.memref_slice %arg19[%add3A_141, %dma_start3A_259] : memref<10000x128xf32, #tpu.memory_space<vmem_shared>> -> memref<40x128xf32, #tpu.memory_space<vmem_shared>>
      %dma_start3A_261 = arith.constant 0 : i32
      %dma_start3A_262 = tpu.memref_slice %arg19[%add3A_141, %dma_start3A_261] : memref<10000x128xf32, #tpu.memory_space<vmem_shared>> -> memref<40x128xf32, #tpu.memory_space<vmem_shared>>
      %dma_start3A_263 = arith.constant 0 : i32
      %dma_start3A_264 = arith.constant 0 : i32
      %dma_start3A_265 = tpu.memref_slice %arg10[%dma_start3A_263, %dma_start3A_264] : memref<40x128xf32, #tpu.memory_space<vmem>> -> memref<40x128xf32, #tpu.memory_space<vmem>>
      tpu.enqueue_dma source(%dma_start3A_265 : memref<40x128xf32, #tpu.memory_space<vmem>>) target(%dma_start3A_262 : memref<40x128xf32, #tpu.memory_space<vmem_shared>>) target_semaphore(%run_scoped3A : memref<!tpu.dma_semaphore, #tpu.memory_space<semaphore_mem>>)
      %dma_wait3A_266 = arith.constant 0 : i32
      %dma_wait3A_267 = arith.constant 0 : i32
      %dma_wait3A_268 = tpu.memref_slice %arg10[%dma_wait3A_266, %dma_wait3A_267] : memref<40x128xf32, #tpu.memory_space<vmem>> -> memref<40x128xf32, #tpu.memory_space<vmem>>
      %dma_wait3A_269 = arith.constant 0 : i32
      %dma_wait3A_270 = tpu.memref_slice %arg19[%add3A_141, %dma_wait3A_269] : memref<10000x128xf32, #tpu.memory_space<vmem_shared>> -> memref<40x128xf32, #tpu.memory_space<vmem_shared>>
      %dma_wait3A_271 = arith.constant 0 : i32
      %dma_wait3A_272 = tpu.memref_slice %arg19[%add3A_141, %dma_wait3A_271] : memref<10000x128xf32, #tpu.memory_space<vmem_shared>> -> memref<40x128xf32, #tpu.memory_space<vmem_shared>>
      %dma_wait3A_273 = arith.constant 0 : i32
      %dma_wait3A_274 = arith.constant 0 : i32
      %dma_wait3A_275 = tpu.memref_slice %arg10[%dma_wait3A_273, %dma_wait3A_274] : memref<40x128xf32, #tpu.memory_space<vmem>> -> memref<40x128xf32, #tpu.memory_space<vmem>>
      tpu.wait_dma2 semaphore(%run_scoped3A : memref<!tpu.dma_semaphore, #tpu.memory_space<semaphore_mem>>) src(%dma_wait3A_275 : memref<40x128xf32, #tpu.memory_space<vmem>>) dst(%dma_wait3A_272 : memref<40x128xf32, #tpu.memory_space<vmem_shared>>)
      tpu.yield
    }) : () -> ()
    %add3A_142 = arith.constant 80 : i32
    %add3A_143 = arith.addi %mul3A_0, %add3A_142 : i32
    "tpu.region"() ({
      %run_scoped3A = tpu.sem_alloc : memref<!tpu.dma_semaphore, #tpu.memory_space<semaphore_mem>>
      %dma_start3A_256 = arith.constant 0 : i32
      %dma_start3A_257 = arith.constant 0 : i32
      %dma_start3A_258 = tpu.memref_slice %arg9[%dma_start3A_256, %dma_start3A_257] : memref<40x128xf32, #tpu.memory_space<vmem>> -> memref<40x128xf32, #tpu.memory_space<vmem>>
      %dma_start3A_259 = arith.constant 0 : i32
      %dma_start3A_260 = tpu.memref_slice %arg19[%add3A_143, %dma_start3A_259] : memref<10000x128xf32, #tpu.memory_space<vmem_shared>> -> memref<40x128xf32, #tpu.memory_space<vmem_shared>>
      %dma_start3A_261 = arith.constant 0 : i32
      %dma_start3A_262 = tpu.memref_slice %arg19[%add3A_143, %dma_start3A_261] : memref<10000x128xf32, #tpu.memory_space<vmem_shared>> -> memref<40x128xf32, #tpu.memory_space<vmem_shared>>
      %dma_start3A_263 = arith.constant 0 : i32
      %dma_start3A_264 = arith.constant 0 : i32
      %dma_start3A_265 = tpu.memref_slice %arg9[%dma_start3A_263, %dma_start3A_264] : memref<40x128xf32, #tpu.memory_space<vmem>> -> memref<40x128xf32, #tpu.memory_space<vmem>>
      tpu.enqueue_dma source(%dma_start3A_265 : memref<40x128xf32, #tpu.memory_space<vmem>>) target(%dma_start3A_262 : memref<40x128xf32, #tpu.memory_space<vmem_shared>>) target_semaphore(%run_scoped3A : memref<!tpu.dma_semaphore, #tpu.memory_space<semaphore_mem>>)
      %dma_wait3A_266 = arith.constant 0 : i32
      %dma_wait3A_267 = arith.constant 0 : i32
      %dma_wait3A_268 = tpu.memref_slice %arg9[%dma_wait3A_266, %dma_wait3A_267] : memref<40x128xf32, #tpu.memory_space<vmem>> -> memref<40x128xf32, #tpu.memory_space<vmem>>
      %dma_wait3A_269 = arith.constant 0 : i32
      %dma_wait3A_270 = tpu.memref_slice %arg19[%add3A_143, %dma_wait3A_269] : memref<10000x128xf32, #tpu.memory_space<vmem_shared>> -> memref<40x128xf32, #tpu.memory_space<vmem_shared>>
      %dma_wait3A_271 = arith.constant 0 : i32
      %dma_wait3A_272 = tpu.memref_slice %arg19[%add3A_143, %dma_wait3A_271] : memref<10000x128xf32, #tpu.memory_space<vmem_shared>> -> memref<40x128xf32, #tpu.memory_space<vmem_shared>>
      %dma_wait3A_273 = arith.constant 0 : i32
      %dma_wait3A_274 = arith.constant 0 : i32
      %dma_wait3A_275 = tpu.memref_slice %arg9[%dma_wait3A_273, %dma_wait3A_274] : memref<40x128xf32, #tpu.memory_space<vmem>> -> memref<40x128xf32, #tpu.memory_space<vmem>>
      tpu.wait_dma2 semaphore(%run_scoped3A : memref<!tpu.dma_semaphore, #tpu.memory_space<semaphore_mem>>) src(%dma_wait3A_275 : memref<40x128xf32, #tpu.memory_space<vmem>>) dst(%dma_wait3A_272 : memref<40x128xf32, #tpu.memory_space<vmem_shared>>)
      tpu.yield
    }) : () -> ()
    %add3A_144 = arith.constant 40 : i32
    %add3A_145 = arith.addi %add3A_143, %add3A_144 : i32
    "tpu.region"() ({
      %run_scoped3A = tpu.sem_alloc : memref<!tpu.dma_semaphore, #tpu.memory_space<semaphore_mem>>
      %dma_start3A_256 = arith.constant 0 : i32
      %dma_start3A_257 = arith.constant 0 : i32
      %dma_start3A_258 = tpu.memref_slice %arg10[%dma_start3A_256, %dma_start3A_257] : memref<40x128xf32, #tpu.memory_space<vmem>> -> memref<40x128xf32, #tpu.memory_space<vmem>>
      %dma_start3A_259 = arith.constant 0 : i32
      %dma_start3A_260 = tpu.memref_slice %arg19[%add3A_145, %dma_start3A_259] : memref<10000x128xf32, #tpu.memory_space<vmem_shared>> -> memref<40x128xf32, #tpu.memory_space<vmem_shared>>
      %dma_start3A_261 = arith.constant 0 : i32
      %dma_start3A_262 = tpu.memref_slice %arg19[%add3A_145, %dma_start3A_261] : memref<10000x128xf32, #tpu.memory_space<vmem_shared>> -> memref<40x128xf32, #tpu.memory_space<vmem_shared>>
      %dma_start3A_263 = arith.constant 0 : i32
      %dma_start3A_264 = arith.constant 0 : i32
      %dma_start3A_265 = tpu.memref_slice %arg10[%dma_start3A_263, %dma_start3A_264] : memref<40x128xf32, #tpu.memory_space<vmem>> -> memref<40x128xf32, #tpu.memory_space<vmem>>
      tpu.enqueue_dma source(%dma_start3A_265 : memref<40x128xf32, #tpu.memory_space<vmem>>) target(%dma_start3A_262 : memref<40x128xf32, #tpu.memory_space<vmem_shared>>) target_semaphore(%run_scoped3A : memref<!tpu.dma_semaphore, #tpu.memory_space<semaphore_mem>>)
      %dma_wait3A_266 = arith.constant 0 : i32
      %dma_wait3A_267 = arith.constant 0 : i32
      %dma_wait3A_268 = tpu.memref_slice %arg10[%dma_wait3A_266, %dma_wait3A_267] : memref<40x128xf32, #tpu.memory_space<vmem>> -> memref<40x128xf32, #tpu.memory_space<vmem>>
      %dma_wait3A_269 = arith.constant 0 : i32
      %dma_wait3A_270 = tpu.memref_slice %arg19[%add3A_145, %dma_wait3A_269] : memref<10000x128xf32, #tpu.memory_space<vmem_shared>> -> memref<40x128xf32, #tpu.memory_space<vmem_shared>>
      %dma_wait3A_271 = arith.constant 0 : i32
      %dma_wait3A_272 = tpu.memref_slice %arg19[%add3A_145, %dma_wait3A_271] : memref<10000x128xf32, #tpu.memory_space<vmem_shared>> -> memref<40x128xf32, #tpu.memory_space<vmem_shared>>
      %dma_wait3A_273 = arith.constant 0 : i32
      %dma_wait3A_274 = arith.constant 0 : i32
      %dma_wait3A_275 = tpu.memref_slice %arg10[%dma_wait3A_273, %dma_wait3A_274] : memref<40x128xf32, #tpu.memory_space<vmem>> -> memref<40x128xf32, #tpu.memory_space<vmem>>
      tpu.wait_dma2 semaphore(%run_scoped3A : memref<!tpu.dma_semaphore, #tpu.memory_space<semaphore_mem>>) src(%dma_wait3A_275 : memref<40x128xf32, #tpu.memory_space<vmem>>) dst(%dma_wait3A_272 : memref<40x128xf32, #tpu.memory_space<vmem_shared>>)
      tpu.yield
    }) : () -> ()
    %add3A_146 = arith.constant 80 : i32
    %add3A_147 = arith.addi %add3A_143, %add3A_146 : i32
    "tpu.region"() ({
      %run_scoped3A = tpu.sem_alloc : memref<!tpu.dma_semaphore, #tpu.memory_space<semaphore_mem>>
      %dma_start3A_256 = arith.constant 0 : i32
      %dma_start3A_257 = arith.constant 0 : i32
      %dma_start3A_258 = tpu.memref_slice %arg9[%dma_start3A_256, %dma_start3A_257] : memref<40x128xf32, #tpu.memory_space<vmem>> -> memref<40x128xf32, #tpu.memory_space<vmem>>
      %dma_start3A_259 = arith.constant 0 : i32
      %dma_start3A_260 = tpu.memref_slice %arg19[%add3A_147, %dma_start3A_259] : memref<10000x128xf32, #tpu.memory_space<vmem_shared>> -> memref<40x128xf32, #tpu.memory_space<vmem_shared>>
      %dma_start3A_261 = arith.constant 0 : i32
      %dma_start3A_262 = tpu.memref_slice %arg19[%add3A_147, %dma_start3A_261] : memref<10000x128xf32, #tpu.memory_space<vmem_shared>> -> memref<40x128xf32, #tpu.memory_space<vmem_shared>>
      %dma_start3A_263 = arith.constant 0 : i32
      %dma_start3A_264 = arith.constant 0 : i32
      %dma_start3A_265 = tpu.memref_slice %arg9[%dma_start3A_263, %dma_start3A_264] : memref<40x128xf32, #tpu.memory_space<vmem>> -> memref<40x128xf32, #tpu.memory_space<vmem>>
      tpu.enqueue_dma source(%dma_start3A_265 : memref<40x128xf32, #tpu.memory_space<vmem>>) target(%dma_start3A_262 : memref<40x128xf32, #tpu.memory_space<vmem_shared>>) target_semaphore(%run_scoped3A : memref<!tpu.dma_semaphore, #tpu.memory_space<semaphore_mem>>)
      %dma_wait3A_266 = arith.constant 0 : i32
      %dma_wait3A_267 = arith.constant 0 : i32
      %dma_wait3A_268 = tpu.memref_slice %arg9[%dma_wait3A_266, %dma_wait3A_267] : memref<40x128xf32, #tpu.memory_space<vmem>> -> memref<40x128xf32, #tpu.memory_space<vmem>>
      %dma_wait3A_269 = arith.constant 0 : i32
      %dma_wait3A_270 = tpu.memref_slice %arg19[%add3A_147, %dma_wait3A_269] : memref<10000x128xf32, #tpu.memory_space<vmem_shared>> -> memref<40x128xf32, #tpu.memory_space<vmem_shared>>
      %dma_wait3A_271 = arith.constant 0 : i32
      %dma_wait3A_272 = tpu.memref_slice %arg19[%add3A_147, %dma_wait3A_271] : memref<10000x128xf32, #tpu.memory_space<vmem_shared>> -> memref<40x128xf32, #tpu.memory_space<vmem_shared>>
      %dma_wait3A_273 = arith.constant 0 : i32
      %dma_wait3A_274 = arith.constant 0 : i32
      %dma_wait3A_275 = tpu.memref_slice %arg9[%dma_wait3A_273, %dma_wait3A_274] : memref<40x128xf32, #tpu.memory_space<vmem>> -> memref<40x128xf32, #tpu.memory_space<vmem>>
      tpu.wait_dma2 semaphore(%run_scoped3A : memref<!tpu.dma_semaphore, #tpu.memory_space<semaphore_mem>>) src(%dma_wait3A_275 : memref<40x128xf32, #tpu.memory_space<vmem>>) dst(%dma_wait3A_272 : memref<40x128xf32, #tpu.memory_space<vmem_shared>>)
      tpu.yield
    }) : () -> ()
    %add3A_148 = arith.constant 40 : i32
    %add3A_149 = arith.addi %add3A_147, %add3A_148 : i32
    "tpu.region"() ({
      %run_scoped3A = tpu.sem_alloc : memref<!tpu.dma_semaphore, #tpu.memory_space<semaphore_mem>>
      %dma_start3A_256 = arith.constant 0 : i32
      %dma_start3A_257 = arith.constant 0 : i32
      %dma_start3A_258 = tpu.memref_slice %arg10[%dma_start3A_256, %dma_start3A_257] : memref<40x128xf32, #tpu.memory_space<vmem>> -> memref<40x128xf32, #tpu.memory_space<vmem>>
      %dma_start3A_259 = arith.constant 0 : i32
      %dma_start3A_260 = tpu.memref_slice %arg19[%add3A_149, %dma_start3A_259] : memref<10000x128xf32, #tpu.memory_space<vmem_shared>> -> memref<40x128xf32, #tpu.memory_space<vmem_shared>>
      %dma_start3A_261 = arith.constant 0 : i32
      %dma_start3A_262 = tpu.memref_slice %arg19[%add3A_149, %dma_start3A_261] : memref<10000x128xf32, #tpu.memory_space<vmem_shared>> -> memref<40x128xf32, #tpu.memory_space<vmem_shared>>
      %dma_start3A_263 = arith.constant 0 : i32
      %dma_start3A_264 = arith.constant 0 : i32
      %dma_start3A_265 = tpu.memref_slice %arg10[%dma_start3A_263, %dma_start3A_264] : memref<40x128xf32, #tpu.memory_space<vmem>> -> memref<40x128xf32, #tpu.memory_space<vmem>>
      tpu.enqueue_dma source(%dma_start3A_265 : memref<40x128xf32, #tpu.memory_space<vmem>>) target(%dma_start3A_262 : memref<40x128xf32, #tpu.memory_space<vmem_shared>>) target_semaphore(%run_scoped3A : memref<!tpu.dma_semaphore, #tpu.memory_space<semaphore_mem>>)
      %dma_wait3A_266 = arith.constant 0 : i32
      %dma_wait3A_267 = arith.constant 0 : i32
      %dma_wait3A_268 = tpu.memref_slice %arg10[%dma_wait3A_266, %dma_wait3A_267] : memref<40x128xf32, #tpu.memory_space<vmem>> -> memref<40x128xf32, #tpu.memory_space<vmem>>
      %dma_wait3A_269 = arith.constant 0 : i32
      %dma_wait3A_270 = tpu.memref_slice %arg19[%add3A_149, %dma_wait3A_269] : memref<10000x128xf32, #tpu.memory_space<vmem_shared>> -> memref<40x128xf32, #tpu.memory_space<vmem_shared>>
      %dma_wait3A_271 = arith.constant 0 : i32
      %dma_wait3A_272 = tpu.memref_slice %arg19[%add3A_149, %dma_wait3A_271] : memref<10000x128xf32, #tpu.memory_space<vmem_shared>> -> memref<40x128xf32, #tpu.memory_space<vmem_shared>>
      %dma_wait3A_273 = arith.constant 0 : i32
      %dma_wait3A_274 = arith.constant 0 : i32
      %dma_wait3A_275 = tpu.memref_slice %arg10[%dma_wait3A_273, %dma_wait3A_274] : memref<40x128xf32, #tpu.memory_space<vmem>> -> memref<40x128xf32, #tpu.memory_space<vmem>>
      tpu.wait_dma2 semaphore(%run_scoped3A : memref<!tpu.dma_semaphore, #tpu.memory_space<semaphore_mem>>) src(%dma_wait3A_275 : memref<40x128xf32, #tpu.memory_space<vmem>>) dst(%dma_wait3A_272 : memref<40x128xf32, #tpu.memory_space<vmem_shared>>)
      tpu.yield
    }) : () -> ()
    %add3A_150 = arith.constant 80 : i32
    %add3A_151 = arith.addi %add3A_147, %add3A_150 : i32
    "tpu.region"() ({
      %run_scoped3A = tpu.sem_alloc : memref<!tpu.dma_semaphore, #tpu.memory_space<semaphore_mem>>
      %dma_start3A_256 = arith.constant 0 : i32
      %dma_start3A_257 = arith.constant 0 : i32
      %dma_start3A_258 = tpu.memref_slice %arg9[%dma_start3A_256, %dma_start3A_257] : memref<40x128xf32, #tpu.memory_space<vmem>> -> memref<40x128xf32, #tpu.memory_space<vmem>>
      %dma_start3A_259 = arith.constant 0 : i32
      %dma_start3A_260 = tpu.memref_slice %arg19[%add3A_151, %dma_start3A_259] : memref<10000x128xf32, #tpu.memory_space<vmem_shared>> -> memref<40x128xf32, #tpu.memory_space<vmem_shared>>
      %dma_start3A_261 = arith.constant 0 : i32
      %dma_start3A_262 = tpu.memref_slice %arg19[%add3A_151, %dma_start3A_261] : memref<10000x128xf32, #tpu.memory_space<vmem_shared>> -> memref<40x128xf32, #tpu.memory_space<vmem_shared>>
      %dma_start3A_263 = arith.constant 0 : i32
      %dma_start3A_264 = arith.constant 0 : i32
      %dma_start3A_265 = tpu.memref_slice %arg9[%dma_start3A_263, %dma_start3A_264] : memref<40x128xf32, #tpu.memory_space<vmem>> -> memref<40x128xf32, #tpu.memory_space<vmem>>
      tpu.enqueue_dma source(%dma_start3A_265 : memref<40x128xf32, #tpu.memory_space<vmem>>) target(%dma_start3A_262 : memref<40x128xf32, #tpu.memory_space<vmem_shared>>) target_semaphore(%run_scoped3A : memref<!tpu.dma_semaphore, #tpu.memory_space<semaphore_mem>>)
      %dma_wait3A_266 = arith.constant 0 : i32
      %dma_wait3A_267 = arith.constant 0 : i32
      %dma_wait3A_268 = tpu.memref_slice %arg9[%dma_wait3A_266, %dma_wait3A_267] : memref<40x128xf32, #tpu.memory_space<vmem>> -> memref<40x128xf32, #tpu.memory_space<vmem>>
      %dma_wait3A_269 = arith.constant 0 : i32
      %dma_wait3A_270 = tpu.memref_slice %arg19[%add3A_151, %dma_wait3A_269] : memref<10000x128xf32, #tpu.memory_space<vmem_shared>> -> memref<40x128xf32, #tpu.memory_space<vmem_shared>>
      %dma_wait3A_271 = arith.constant 0 : i32
      %dma_wait3A_272 = tpu.memref_slice %arg19[%add3A_151, %dma_wait3A_271] : memref<10000x128xf32, #tpu.memory_space<vmem_shared>> -> memref<40x128xf32, #tpu.memory_space<vmem_shared>>
      %dma_wait3A_273 = arith.constant 0 : i32
      %dma_wait3A_274 = arith.constant 0 : i32
      %dma_wait3A_275 = tpu.memref_slice %arg9[%dma_wait3A_273, %dma_wait3A_274] : memref<40x128xf32, #tpu.memory_space<vmem>> -> memref<40x128xf32, #tpu.memory_space<vmem>>
      tpu.wait_dma2 semaphore(%run_scoped3A : memref<!tpu.dma_semaphore, #tpu.memory_space<semaphore_mem>>) src(%dma_wait3A_275 : memref<40x128xf32, #tpu.memory_space<vmem>>) dst(%dma_wait3A_272 : memref<40x128xf32, #tpu.memory_space<vmem_shared>>)
      tpu.yield
    }) : () -> ()
    %add3A_152 = arith.constant 40 : i32
    %add3A_153 = arith.addi %add3A_151, %add3A_152 : i32
    "tpu.region"() ({
      %run_scoped3A = tpu.sem_alloc : memref<!tpu.dma_semaphore, #tpu.memory_space<semaphore_mem>>
      %dma_start3A_256 = arith.constant 0 : i32
      %dma_start3A_257 = arith.constant 0 : i32
      %dma_start3A_258 = tpu.memref_slice %arg10[%dma_start3A_256, %dma_start3A_257] : memref<40x128xf32, #tpu.memory_space<vmem>> -> memref<40x128xf32, #tpu.memory_space<vmem>>
      %dma_start3A_259 = arith.constant 0 : i32
      %dma_start3A_260 = tpu.memref_slice %arg19[%add3A_153, %dma_start3A_259] : memref<10000x128xf32, #tpu.memory_space<vmem_shared>> -> memref<40x128xf32, #tpu.memory_space<vmem_shared>>
      %dma_start3A_261 = arith.constant 0 : i32
      %dma_start3A_262 = tpu.memref_slice %arg19[%add3A_153, %dma_start3A_261] : memref<10000x128xf32, #tpu.memory_space<vmem_shared>> -> memref<40x128xf32, #tpu.memory_space<vmem_shared>>
      %dma_start3A_263 = arith.constant 0 : i32
      %dma_start3A_264 = arith.constant 0 : i32
      %dma_start3A_265 = tpu.memref_slice %arg10[%dma_start3A_263, %dma_start3A_264] : memref<40x128xf32, #tpu.memory_space<vmem>> -> memref<40x128xf32, #tpu.memory_space<vmem>>
      tpu.enqueue_dma source(%dma_start3A_265 : memref<40x128xf32, #tpu.memory_space<vmem>>) target(%dma_start3A_262 : memref<40x128xf32, #tpu.memory_space<vmem_shared>>) target_semaphore(%run_scoped3A : memref<!tpu.dma_semaphore, #tpu.memory_space<semaphore_mem>>)
      %dma_wait3A_266 = arith.constant 0 : i32
      %dma_wait3A_267 = arith.constant 0 : i32
      %dma_wait3A_268 = tpu.memref_slice %arg10[%dma_wait3A_266, %dma_wait3A_267] : memref<40x128xf32, #tpu.memory_space<vmem>> -> memref<40x128xf32, #tpu.memory_space<vmem>>
      %dma_wait3A_269 = arith.constant 0 : i32
      %dma_wait3A_270 = tpu.memref_slice %arg19[%add3A_153, %dma_wait3A_269] : memref<10000x128xf32, #tpu.memory_space<vmem_shared>> -> memref<40x128xf32, #tpu.memory_space<vmem_shared>>
      %dma_wait3A_271 = arith.constant 0 : i32
      %dma_wait3A_272 = tpu.memref_slice %arg19[%add3A_153, %dma_wait3A_271] : memref<10000x128xf32, #tpu.memory_space<vmem_shared>> -> memref<40x128xf32, #tpu.memory_space<vmem_shared>>
      %dma_wait3A_273 = arith.constant 0 : i32
      %dma_wait3A_274 = arith.constant 0 : i32
      %dma_wait3A_275 = tpu.memref_slice %arg10[%dma_wait3A_273, %dma_wait3A_274] : memref<40x128xf32, #tpu.memory_space<vmem>> -> memref<40x128xf32, #tpu.memory_space<vmem>>
      tpu.wait_dma2 semaphore(%run_scoped3A : memref<!tpu.dma_semaphore, #tpu.memory_space<semaphore_mem>>) src(%dma_wait3A_275 : memref<40x128xf32, #tpu.memory_space<vmem>>) dst(%dma_wait3A_272 : memref<40x128xf32, #tpu.memory_space<vmem_shared>>)
      tpu.yield
    }) : () -> ()
    %add3A_154 = arith.constant 80 : i32
    %add3A_155 = arith.addi %add3A_151, %add3A_154 : i32
    "tpu.region"() ({
      %run_scoped3A = tpu.sem_alloc : memref<!tpu.dma_semaphore, #tpu.memory_space<semaphore_mem>>
      %dma_start3A_256 = arith.constant 0 : i32
      %dma_start3A_257 = arith.constant 0 : i32
      %dma_start3A_258 = tpu.memref_slice %arg9[%dma_start3A_256, %dma_start3A_257] : memref<40x128xf32, #tpu.memory_space<vmem>> -> memref<40x128xf32, #tpu.memory_space<vmem>>
      %dma_start3A_259 = arith.constant 0 : i32
      %dma_start3A_260 = tpu.memref_slice %arg19[%add3A_155, %dma_start3A_259] : memref<10000x128xf32, #tpu.memory_space<vmem_shared>> -> memref<40x128xf32, #tpu.memory_space<vmem_shared>>
      %dma_start3A_261 = arith.constant 0 : i32
      %dma_start3A_262 = tpu.memref_slice %arg19[%add3A_155, %dma_start3A_261] : memref<10000x128xf32, #tpu.memory_space<vmem_shared>> -> memref<40x128xf32, #tpu.memory_space<vmem_shared>>
      %dma_start3A_263 = arith.constant 0 : i32
      %dma_start3A_264 = arith.constant 0 : i32
      %dma_start3A_265 = tpu.memref_slice %arg9[%dma_start3A_263, %dma_start3A_264] : memref<40x128xf32, #tpu.memory_space<vmem>> -> memref<40x128xf32, #tpu.memory_space<vmem>>
      tpu.enqueue_dma source(%dma_start3A_265 : memref<40x128xf32, #tpu.memory_space<vmem>>) target(%dma_start3A_262 : memref<40x128xf32, #tpu.memory_space<vmem_shared>>) target_semaphore(%run_scoped3A : memref<!tpu.dma_semaphore, #tpu.memory_space<semaphore_mem>>)
      %dma_wait3A_266 = arith.constant 0 : i32
      %dma_wait3A_267 = arith.constant 0 : i32
      %dma_wait3A_268 = tpu.memref_slice %arg9[%dma_wait3A_266, %dma_wait3A_267] : memref<40x128xf32, #tpu.memory_space<vmem>> -> memref<40x128xf32, #tpu.memory_space<vmem>>
      %dma_wait3A_269 = arith.constant 0 : i32
      %dma_wait3A_270 = tpu.memref_slice %arg19[%add3A_155, %dma_wait3A_269] : memref<10000x128xf32, #tpu.memory_space<vmem_shared>> -> memref<40x128xf32, #tpu.memory_space<vmem_shared>>
      %dma_wait3A_271 = arith.constant 0 : i32
      %dma_wait3A_272 = tpu.memref_slice %arg19[%add3A_155, %dma_wait3A_271] : memref<10000x128xf32, #tpu.memory_space<vmem_shared>> -> memref<40x128xf32, #tpu.memory_space<vmem_shared>>
      %dma_wait3A_273 = arith.constant 0 : i32
      %dma_wait3A_274 = arith.constant 0 : i32
      %dma_wait3A_275 = tpu.memref_slice %arg9[%dma_wait3A_273, %dma_wait3A_274] : memref<40x128xf32, #tpu.memory_space<vmem>> -> memref<40x128xf32, #tpu.memory_space<vmem>>
      tpu.wait_dma2 semaphore(%run_scoped3A : memref<!tpu.dma_semaphore, #tpu.memory_space<semaphore_mem>>) src(%dma_wait3A_275 : memref<40x128xf32, #tpu.memory_space<vmem>>) dst(%dma_wait3A_272 : memref<40x128xf32, #tpu.memory_space<vmem_shared>>)
      tpu.yield
    }) : () -> ()
    %add3A_156 = arith.constant 40 : i32
    %add3A_157 = arith.addi %add3A_155, %add3A_156 : i32
    "tpu.region"() ({
      %run_scoped3A = tpu.sem_alloc : memref<!tpu.dma_semaphore, #tpu.memory_space<semaphore_mem>>
      %dma_start3A_256 = arith.constant 0 : i32
      %dma_start3A_257 = arith.constant 0 : i32
      %dma_start3A_258 = tpu.memref_slice %arg10[%dma_start3A_256, %dma_start3A_257] : memref<40x128xf32, #tpu.memory_space<vmem>> -> memref<40x128xf32, #tpu.memory_space<vmem>>
      %dma_start3A_259 = arith.constant 0 : i32
      %dma_start3A_260 = tpu.memref_slice %arg19[%add3A_157, %dma_start3A_259] : memref<10000x128xf32, #tpu.memory_space<vmem_shared>> -> memref<40x128xf32, #tpu.memory_space<vmem_shared>>
      %dma_start3A_261 = arith.constant 0 : i32
      %dma_start3A_262 = tpu.memref_slice %arg19[%add3A_157, %dma_start3A_261] : memref<10000x128xf32, #tpu.memory_space<vmem_shared>> -> memref<40x128xf32, #tpu.memory_space<vmem_shared>>
      %dma_start3A_263 = arith.constant 0 : i32
      %dma_start3A_264 = arith.constant 0 : i32
      %dma_start3A_265 = tpu.memref_slice %arg10[%dma_start3A_263, %dma_start3A_264] : memref<40x128xf32, #tpu.memory_space<vmem>> -> memref<40x128xf32, #tpu.memory_space<vmem>>
      tpu.enqueue_dma source(%dma_start3A_265 : memref<40x128xf32, #tpu.memory_space<vmem>>) target(%dma_start3A_262 : memref<40x128xf32, #tpu.memory_space<vmem_shared>>) target_semaphore(%run_scoped3A : memref<!tpu.dma_semaphore, #tpu.memory_space<semaphore_mem>>)
      %dma_wait3A_266 = arith.constant 0 : i32
      %dma_wait3A_267 = arith.constant 0 : i32
      %dma_wait3A_268 = tpu.memref_slice %arg10[%dma_wait3A_266, %dma_wait3A_267] : memref<40x128xf32, #tpu.memory_space<vmem>> -> memref<40x128xf32, #tpu.memory_space<vmem>>
      %dma_wait3A_269 = arith.constant 0 : i32
      %dma_wait3A_270 = tpu.memref_slice %arg19[%add3A_157, %dma_wait3A_269] : memref<10000x128xf32, #tpu.memory_space<vmem_shared>> -> memref<40x128xf32, #tpu.memory_space<vmem_shared>>
      %dma_wait3A_271 = arith.constant 0 : i32
      %dma_wait3A_272 = tpu.memref_slice %arg19[%add3A_157, %dma_wait3A_271] : memref<10000x128xf32, #tpu.memory_space<vmem_shared>> -> memref<40x128xf32, #tpu.memory_space<vmem_shared>>
      %dma_wait3A_273 = arith.constant 0 : i32
      %dma_wait3A_274 = arith.constant 0 : i32
      %dma_wait3A_275 = tpu.memref_slice %arg10[%dma_wait3A_273, %dma_wait3A_274] : memref<40x128xf32, #tpu.memory_space<vmem>> -> memref<40x128xf32, #tpu.memory_space<vmem>>
      tpu.wait_dma2 semaphore(%run_scoped3A : memref<!tpu.dma_semaphore, #tpu.memory_space<semaphore_mem>>) src(%dma_wait3A_275 : memref<40x128xf32, #tpu.memory_space<vmem>>) dst(%dma_wait3A_272 : memref<40x128xf32, #tpu.memory_space<vmem_shared>>)
      tpu.yield
    }) : () -> ()
    %add3A_158 = arith.constant 80 : i32
    %add3A_159 = arith.addi %add3A_155, %add3A_158 : i32
    "tpu.region"() ({
      %run_scoped3A = tpu.sem_alloc : memref<!tpu.dma_semaphore, #tpu.memory_space<semaphore_mem>>
      %dma_start3A_256 = arith.constant 0 : i32
      %dma_start3A_257 = arith.constant 0 : i32
      %dma_start3A_258 = tpu.memref_slice %arg9[%dma_start3A_256, %dma_start3A_257] : memref<40x128xf32, #tpu.memory_space<vmem>> -> memref<40x128xf32, #tpu.memory_space<vmem>>
      %dma_start3A_259 = arith.constant 0 : i32
      %dma_start3A_260 = tpu.memref_slice %arg19[%add3A_159, %dma_start3A_259] : memref<10000x128xf32, #tpu.memory_space<vmem_shared>> -> memref<40x128xf32, #tpu.memory_space<vmem_shared>>
      %dma_start3A_261 = arith.constant 0 : i32
      %dma_start3A_262 = tpu.memref_slice %arg19[%add3A_159, %dma_start3A_261] : memref<10000x128xf32, #tpu.memory_space<vmem_shared>> -> memref<40x128xf32, #tpu.memory_space<vmem_shared>>
      %dma_start3A_263 = arith.constant 0 : i32
      %dma_start3A_264 = arith.constant 0 : i32
      %dma_start3A_265 = tpu.memref_slice %arg9[%dma_start3A_263, %dma_start3A_264] : memref<40x128xf32, #tpu.memory_space<vmem>> -> memref<40x128xf32, #tpu.memory_space<vmem>>
      tpu.enqueue_dma source(%dma_start3A_265 : memref<40x128xf32, #tpu.memory_space<vmem>>) target(%dma_start3A_262 : memref<40x128xf32, #tpu.memory_space<vmem_shared>>) target_semaphore(%run_scoped3A : memref<!tpu.dma_semaphore, #tpu.memory_space<semaphore_mem>>)
      %dma_wait3A_266 = arith.constant 0 : i32
      %dma_wait3A_267 = arith.constant 0 : i32
      %dma_wait3A_268 = tpu.memref_slice %arg9[%dma_wait3A_266, %dma_wait3A_267] : memref<40x128xf32, #tpu.memory_space<vmem>> -> memref<40x128xf32, #tpu.memory_space<vmem>>
      %dma_wait3A_269 = arith.constant 0 : i32
      %dma_wait3A_270 = tpu.memref_slice %arg19[%add3A_159, %dma_wait3A_269] : memref<10000x128xf32, #tpu.memory_space<vmem_shared>> -> memref<40x128xf32, #tpu.memory_space<vmem_shared>>
      %dma_wait3A_271 = arith.constant 0 : i32
      %dma_wait3A_272 = tpu.memref_slice %arg19[%add3A_159, %dma_wait3A_271] : memref<10000x128xf32, #tpu.memory_space<vmem_shared>> -> memref<40x128xf32, #tpu.memory_space<vmem_shared>>
      %dma_wait3A_273 = arith.constant 0 : i32
      %dma_wait3A_274 = arith.constant 0 : i32
      %dma_wait3A_275 = tpu.memref_slice %arg9[%dma_wait3A_273, %dma_wait3A_274] : memref<40x128xf32, #tpu.memory_space<vmem>> -> memref<40x128xf32, #tpu.memory_space<vmem>>
      tpu.wait_dma2 semaphore(%run_scoped3A : memref<!tpu.dma_semaphore, #tpu.memory_space<semaphore_mem>>) src(%dma_wait3A_275 : memref<40x128xf32, #tpu.memory_space<vmem>>) dst(%dma_wait3A_272 : memref<40x128xf32, #tpu.memory_space<vmem_shared>>)
      tpu.yield
    }) : () -> ()
    %add3A_160 = arith.constant 40 : i32
    %add3A_161 = arith.addi %add3A_159, %add3A_160 : i32
    "tpu.region"() ({
      %run_scoped3A = tpu.sem_alloc : memref<!tpu.dma_semaphore, #tpu.memory_space<semaphore_mem>>
      %dma_start3A_256 = arith.constant 0 : i32
      %dma_start3A_257 = arith.constant 0 : i32
      %dma_start3A_258 = tpu.memref_slice %arg10[%dma_start3A_256, %dma_start3A_257] : memref<40x128xf32, #tpu.memory_space<vmem>> -> memref<40x128xf32, #tpu.memory_space<vmem>>
      %dma_start3A_259 = arith.constant 0 : i32
      %dma_start3A_260 = tpu.memref_slice %arg19[%add3A_161, %dma_start3A_259] : memref<10000x128xf32, #tpu.memory_space<vmem_shared>> -> memref<40x128xf32, #tpu.memory_space<vmem_shared>>
      %dma_start3A_261 = arith.constant 0 : i32
      %dma_start3A_262 = tpu.memref_slice %arg19[%add3A_161, %dma_start3A_261] : memref<10000x128xf32, #tpu.memory_space<vmem_shared>> -> memref<40x128xf32, #tpu.memory_space<vmem_shared>>
      %dma_start3A_263 = arith.constant 0 : i32
      %dma_start3A_264 = arith.constant 0 : i32
      %dma_start3A_265 = tpu.memref_slice %arg10[%dma_start3A_263, %dma_start3A_264] : memref<40x128xf32, #tpu.memory_space<vmem>> -> memref<40x128xf32, #tpu.memory_space<vmem>>
      tpu.enqueue_dma source(%dma_start3A_265 : memref<40x128xf32, #tpu.memory_space<vmem>>) target(%dma_start3A_262 : memref<40x128xf32, #tpu.memory_space<vmem_shared>>) target_semaphore(%run_scoped3A : memref<!tpu.dma_semaphore, #tpu.memory_space<semaphore_mem>>)
      %dma_wait3A_266 = arith.constant 0 : i32
      %dma_wait3A_267 = arith.constant 0 : i32
      %dma_wait3A_268 = tpu.memref_slice %arg10[%dma_wait3A_266, %dma_wait3A_267] : memref<40x128xf32, #tpu.memory_space<vmem>> -> memref<40x128xf32, #tpu.memory_space<vmem>>
      %dma_wait3A_269 = arith.constant 0 : i32
      %dma_wait3A_270 = tpu.memref_slice %arg19[%add3A_161, %dma_wait3A_269] : memref<10000x128xf32, #tpu.memory_space<vmem_shared>> -> memref<40x128xf32, #tpu.memory_space<vmem_shared>>
      %dma_wait3A_271 = arith.constant 0 : i32
      %dma_wait3A_272 = tpu.memref_slice %arg19[%add3A_161, %dma_wait3A_271] : memref<10000x128xf32, #tpu.memory_space<vmem_shared>> -> memref<40x128xf32, #tpu.memory_space<vmem_shared>>
      %dma_wait3A_273 = arith.constant 0 : i32
      %dma_wait3A_274 = arith.constant 0 : i32
      %dma_wait3A_275 = tpu.memref_slice %arg10[%dma_wait3A_273, %dma_wait3A_274] : memref<40x128xf32, #tpu.memory_space<vmem>> -> memref<40x128xf32, #tpu.memory_space<vmem>>
      tpu.wait_dma2 semaphore(%run_scoped3A : memref<!tpu.dma_semaphore, #tpu.memory_space<semaphore_mem>>) src(%dma_wait3A_275 : memref<40x128xf32, #tpu.memory_space<vmem>>) dst(%dma_wait3A_272 : memref<40x128xf32, #tpu.memory_space<vmem_shared>>)
      tpu.yield
    }) : () -> ()
    %add3A_162 = arith.constant 80 : i32
    %add3A_163 = arith.addi %add3A_159, %add3A_162 : i32
    "tpu.region"() ({
      %run_scoped3A = tpu.sem_alloc : memref<!tpu.dma_semaphore, #tpu.memory_space<semaphore_mem>>
      %dma_start3A_256 = arith.constant 0 : i32
      %dma_start3A_257 = arith.constant 0 : i32
      %dma_start3A_258 = tpu.memref_slice %arg9[%dma_start3A_256, %dma_start3A_257] : memref<40x128xf32, #tpu.memory_space<vmem>> -> memref<40x128xf32, #tpu.memory_space<vmem>>
      %dma_start3A_259 = arith.constant 0 : i32
      %dma_start3A_260 = tpu.memref_slice %arg19[%add3A_163, %dma_start3A_259] : memref<10000x128xf32, #tpu.memory_space<vmem_shared>> -> memref<40x128xf32, #tpu.memory_space<vmem_shared>>
      %dma_start3A_261 = arith.constant 0 : i32
      %dma_start3A_262 = tpu.memref_slice %arg19[%add3A_163, %dma_start3A_261] : memref<10000x128xf32, #tpu.memory_space<vmem_shared>> -> memref<40x128xf32, #tpu.memory_space<vmem_shared>>
      %dma_start3A_263 = arith.constant 0 : i32
      %dma_start3A_264 = arith.constant 0 : i32
      %dma_start3A_265 = tpu.memref_slice %arg9[%dma_start3A_263, %dma_start3A_264] : memref<40x128xf32, #tpu.memory_space<vmem>> -> memref<40x128xf32, #tpu.memory_space<vmem>>
      tpu.enqueue_dma source(%dma_start3A_265 : memref<40x128xf32, #tpu.memory_space<vmem>>) target(%dma_start3A_262 : memref<40x128xf32, #tpu.memory_space<vmem_shared>>) target_semaphore(%run_scoped3A : memref<!tpu.dma_semaphore, #tpu.memory_space<semaphore_mem>>)
      %dma_wait3A_266 = arith.constant 0 : i32
      %dma_wait3A_267 = arith.constant 0 : i32
      %dma_wait3A_268 = tpu.memref_slice %arg9[%dma_wait3A_266, %dma_wait3A_267] : memref<40x128xf32, #tpu.memory_space<vmem>> -> memref<40x128xf32, #tpu.memory_space<vmem>>
      %dma_wait3A_269 = arith.constant 0 : i32
      %dma_wait3A_270 = tpu.memref_slice %arg19[%add3A_163, %dma_wait3A_269] : memref<10000x128xf32, #tpu.memory_space<vmem_shared>> -> memref<40x128xf32, #tpu.memory_space<vmem_shared>>
      %dma_wait3A_271 = arith.constant 0 : i32
      %dma_wait3A_272 = tpu.memref_slice %arg19[%add3A_163, %dma_wait3A_271] : memref<10000x128xf32, #tpu.memory_space<vmem_shared>> -> memref<40x128xf32, #tpu.memory_space<vmem_shared>>
      %dma_wait3A_273 = arith.constant 0 : i32
      %dma_wait3A_274 = arith.constant 0 : i32
      %dma_wait3A_275 = tpu.memref_slice %arg9[%dma_wait3A_273, %dma_wait3A_274] : memref<40x128xf32, #tpu.memory_space<vmem>> -> memref<40x128xf32, #tpu.memory_space<vmem>>
      tpu.wait_dma2 semaphore(%run_scoped3A : memref<!tpu.dma_semaphore, #tpu.memory_space<semaphore_mem>>) src(%dma_wait3A_275 : memref<40x128xf32, #tpu.memory_space<vmem>>) dst(%dma_wait3A_272 : memref<40x128xf32, #tpu.memory_space<vmem_shared>>)
      tpu.yield
    }) : () -> ()
    %add3A_164 = arith.constant 40 : i32
    %add3A_165 = arith.addi %add3A_163, %add3A_164 : i32
    "tpu.region"() ({
      %run_scoped3A = tpu.sem_alloc : memref<!tpu.dma_semaphore, #tpu.memory_space<semaphore_mem>>
      %dma_start3A_256 = arith.constant 0 : i32
      %dma_start3A_257 = arith.constant 0 : i32
      %dma_start3A_258 = tpu.memref_slice %arg10[%dma_start3A_256, %dma_start3A_257] : memref<40x128xf32, #tpu.memory_space<vmem>> -> memref<40x128xf32, #tpu.memory_space<vmem>>
      %dma_start3A_259 = arith.constant 0 : i32
      %dma_start3A_260 = tpu.memref_slice %arg19[%add3A_165, %dma_start3A_259] : memref<10000x128xf32, #tpu.memory_space<vmem_shared>> -> memref<40x128xf32, #tpu.memory_space<vmem_shared>>
      %dma_start3A_261 = arith.constant 0 : i32
      %dma_start3A_262 = tpu.memref_slice %arg19[%add3A_165, %dma_start3A_261] : memref<10000x128xf32, #tpu.memory_space<vmem_shared>> -> memref<40x128xf32, #tpu.memory_space<vmem_shared>>
      %dma_start3A_263 = arith.constant 0 : i32
      %dma_start3A_264 = arith.constant 0 : i32
      %dma_start3A_265 = tpu.memref_slice %arg10[%dma_start3A_263, %dma_start3A_264] : memref<40x128xf32, #tpu.memory_space<vmem>> -> memref<40x128xf32, #tpu.memory_space<vmem>>
      tpu.enqueue_dma source(%dma_start3A_265 : memref<40x128xf32, #tpu.memory_space<vmem>>) target(%dma_start3A_262 : memref<40x128xf32, #tpu.memory_space<vmem_shared>>) target_semaphore(%run_scoped3A : memref<!tpu.dma_semaphore, #tpu.memory_space<semaphore_mem>>)
      %dma_wait3A_266 = arith.constant 0 : i32
      %dma_wait3A_267 = arith.constant 0 : i32
      %dma_wait3A_268 = tpu.memref_slice %arg10[%dma_wait3A_266, %dma_wait3A_267] : memref<40x128xf32, #tpu.memory_space<vmem>> -> memref<40x128xf32, #tpu.memory_space<vmem>>
      %dma_wait3A_269 = arith.constant 0 : i32
      %dma_wait3A_270 = tpu.memref_slice %arg19[%add3A_165, %dma_wait3A_269] : memref<10000x128xf32, #tpu.memory_space<vmem_shared>> -> memref<40x128xf32, #tpu.memory_space<vmem_shared>>
      %dma_wait3A_271 = arith.constant 0 : i32
      %dma_wait3A_272 = tpu.memref_slice %arg19[%add3A_165, %dma_wait3A_271] : memref<10000x128xf32, #tpu.memory_space<vmem_shared>> -> memref<40x128xf32, #tpu.memory_space<vmem_shared>>
      %dma_wait3A_273 = arith.constant 0 : i32
      %dma_wait3A_274 = arith.constant 0 : i32
      %dma_wait3A_275 = tpu.memref_slice %arg10[%dma_wait3A_273, %dma_wait3A_274] : memref<40x128xf32, #tpu.memory_space<vmem>> -> memref<40x128xf32, #tpu.memory_space<vmem>>
      tpu.wait_dma2 semaphore(%run_scoped3A : memref<!tpu.dma_semaphore, #tpu.memory_space<semaphore_mem>>) src(%dma_wait3A_275 : memref<40x128xf32, #tpu.memory_space<vmem>>) dst(%dma_wait3A_272 : memref<40x128xf32, #tpu.memory_space<vmem_shared>>)
      tpu.yield
    }) : () -> ()
    %add3A_166 = arith.constant 80 : i32
    %add3A_167 = arith.addi %add3A_163, %add3A_166 : i32
    "tpu.region"() ({
      %run_scoped3A = tpu.sem_alloc : memref<!tpu.dma_semaphore, #tpu.memory_space<semaphore_mem>>
      %dma_start3A_256 = arith.constant 0 : i32
      %dma_start3A_257 = arith.constant 0 : i32
      %dma_start3A_258 = tpu.memref_slice %arg9[%dma_start3A_256, %dma_start3A_257] : memref<40x128xf32, #tpu.memory_space<vmem>> -> memref<32x128xf32, #tpu.memory_space<vmem>>
      %dma_start3A_259 = arith.constant 0 : i32
      %dma_start3A_260 = tpu.memref_slice %arg19[%add3A_167, %dma_start3A_259] : memref<10000x128xf32, #tpu.memory_space<vmem_shared>> -> memref<32x128xf32, #tpu.memory_space<vmem_shared>>
      %dma_start3A_261 = arith.constant 0 : i32
      %dma_start3A_262 = tpu.memref_slice %arg19[%add3A_167, %dma_start3A_261] : memref<10000x128xf32, #tpu.memory_space<vmem_shared>> -> memref<32x128xf32, #tpu.memory_space<vmem_shared>>
      %dma_start3A_263 = arith.constant 0 : i32
      %dma_start3A_264 = arith.constant 0 : i32
      %dma_start3A_265 = tpu.memref_slice %arg9[%dma_start3A_263, %dma_start3A_264] : memref<40x128xf32, #tpu.memory_space<vmem>> -> memref<32x128xf32, #tpu.memory_space<vmem>>
      tpu.enqueue_dma source(%dma_start3A_265 : memref<32x128xf32, #tpu.memory_space<vmem>>) target(%dma_start3A_262 : memref<32x128xf32, #tpu.memory_space<vmem_shared>>) target_semaphore(%run_scoped3A : memref<!tpu.dma_semaphore, #tpu.memory_space<semaphore_mem>>)
      %dma_wait3A_266 = arith.constant 0 : i32
      %dma_wait3A_267 = arith.constant 0 : i32
      %dma_wait3A_268 = tpu.memref_slice %arg9[%dma_wait3A_266, %dma_wait3A_267] : memref<40x128xf32, #tpu.memory_space<vmem>> -> memref<32x128xf32, #tpu.memory_space<vmem>>
      %dma_wait3A_269 = arith.constant 0 : i32
      %dma_wait3A_270 = tpu.memref_slice %arg19[%add3A_167, %dma_wait3A_269] : memref<10000x128xf32, #tpu.memory_space<vmem_shared>> -> memref<32x128xf32, #tpu.memory_space<vmem_shared>>
      %dma_wait3A_271 = arith.constant 0 : i32
      %dma_wait3A_272 = tpu.memref_slice %arg19[%add3A_167, %dma_wait3A_271] : memref<10000x128xf32, #tpu.memory_space<vmem_shared>> -> memref<32x128xf32, #tpu.memory_space<vmem_shared>>
      %dma_wait3A_273 = arith.constant 0 : i32
      %dma_wait3A_274 = arith.constant 0 : i32
      %dma_wait3A_275 = tpu.memref_slice %arg9[%dma_wait3A_273, %dma_wait3A_274] : memref<40x128xf32, #tpu.memory_space<vmem>> -> memref<32x128xf32, #tpu.memory_space<vmem>>
      tpu.wait_dma2 semaphore(%run_scoped3A : memref<!tpu.dma_semaphore, #tpu.memory_space<semaphore_mem>>) src(%dma_wait3A_275 : memref<32x128xf32, #tpu.memory_space<vmem>>) dst(%dma_wait3A_272 : memref<32x128xf32, #tpu.memory_space<vmem_shared>>)
      tpu.yield
    }) : () -> ()
    %add3A_168 = arith.constant 32 : i32
    %add3A_169 = arith.addi %add3A_167, %add3A_168 : i32
    "tpu.region"() ({
      %run_scoped3A = tpu.sem_alloc : memref<!tpu.dma_semaphore, #tpu.memory_space<semaphore_mem>>
      %dma_start3A_256 = arith.constant 0 : i32
      %dma_start3A_257 = arith.constant 0 : i32
      %dma_start3A_258 = tpu.memref_slice %arg10[%dma_start3A_256, %dma_start3A_257] : memref<40x128xf32, #tpu.memory_space<vmem>> -> memref<32x128xf32, #tpu.memory_space<vmem>>
      %dma_start3A_259 = arith.constant 0 : i32
      %dma_start3A_260 = tpu.memref_slice %arg19[%add3A_169, %dma_start3A_259] : memref<10000x128xf32, #tpu.memory_space<vmem_shared>> -> memref<32x128xf32, #tpu.memory_space<vmem_shared>>
      %dma_start3A_261 = arith.constant 0 : i32
      %dma_start3A_262 = tpu.memref_slice %arg19[%add3A_169, %dma_start3A_261] : memref<10000x128xf32, #tpu.memory_space<vmem_shared>> -> memref<32x128xf32, #tpu.memory_space<vmem_shared>>
      %dma_start3A_263 = arith.constant 0 : i32
      %dma_start3A_264 = arith.constant 0 : i32
      %dma_start3A_265 = tpu.memref_slice %arg10[%dma_start3A_263, %dma_start3A_264] : memref<40x128xf32, #tpu.memory_space<vmem>> -> memref<32x128xf32, #tpu.memory_space<vmem>>
      tpu.enqueue_dma source(%dma_start3A_265 : memref<32x128xf32, #tpu.memory_space<vmem>>) target(%dma_start3A_262 : memref<32x128xf32, #tpu.memory_space<vmem_shared>>) target_semaphore(%run_scoped3A : memref<!tpu.dma_semaphore, #tpu.memory_space<semaphore_mem>>)
      %dma_wait3A_266 = arith.constant 0 : i32
      %dma_wait3A_267 = arith.constant 0 : i32
      %dma_wait3A_268 = tpu.memref_slice %arg10[%dma_wait3A_266, %dma_wait3A_267] : memref<40x128xf32, #tpu.memory_space<vmem>> -> memref<32x128xf32, #tpu.memory_space<vmem>>
      %dma_wait3A_269 = arith.constant 0 : i32
      %dma_wait3A_270 = tpu.memref_slice %arg19[%add3A_169, %dma_wait3A_269] : memref<10000x128xf32, #tpu.memory_space<vmem_shared>> -> memref<32x128xf32, #tpu.memory_space<vmem_shared>>
      %dma_wait3A_271 = arith.constant 0 : i32
      %dma_wait3A_272 = tpu.memref_slice %arg19[%add3A_169, %dma_wait3A_271] : memref<10000x128xf32, #tpu.memory_space<vmem_shared>> -> memref<32x128xf32, #tpu.memory_space<vmem_shared>>
      %dma_wait3A_273 = arith.constant 0 : i32
      %dma_wait3A_274 = arith.constant 0 : i32
      %dma_wait3A_275 = tpu.memref_slice %arg10[%dma_wait3A_273, %dma_wait3A_274] : memref<40x128xf32, #tpu.memory_space<vmem>> -> memref<32x128xf32, #tpu.memory_space<vmem>>
      tpu.wait_dma2 semaphore(%run_scoped3A : memref<!tpu.dma_semaphore, #tpu.memory_space<semaphore_mem>>) src(%dma_wait3A_275 : memref<32x128xf32, #tpu.memory_space<vmem>>) dst(%dma_wait3A_272 : memref<32x128xf32, #tpu.memory_space<vmem_shared>>)
      tpu.yield
    }) : () -> ()
    %add3A_170 = arith.constant 64 : i32
    %add3A_171 = arith.addi %add3A_167, %add3A_170 : i32
    %eq3A_172 = arith.constant 15 : i32
    %eq3A_173 = arith.cmpi eq, %arg1, %eq3A_172 : i32
    %convert_element_type3A_174 = arith.extui %eq3A_173 : i1 to i32
    %cond3A_175 = arith.constant 0 : i32
    %cond3A_176 = arith.cmpi ne, %convert_element_type3A_174, %cond3A_175 : i32
    scf.if %cond3A_176 {
      "tpu.region"() ({
        %run_scoped3A = tpu.sem_alloc : memref<!tpu.dma_semaphore, #tpu.memory_space<semaphore_mem>>
        %dma_start3A_256 = arith.constant 0 : i32
        %dma_start3A_257 = arith.constant 0 : i32
        %dma_start3A_258 = tpu.memref_slice %arg9[%dma_start3A_256, %dma_start3A_257] : memref<40x128xf32, #tpu.memory_space<vmem>> -> memref<16x128xf32, #tpu.memory_space<vmem>>
        %dma_start3A_259 = arith.constant 9984 : i32
        %dma_start3A_260 = arith.constant 0 : i32
        %dma_start3A_261 = tpu.memref_slice %arg19[%dma_start3A_259, %dma_start3A_260] : memref<10000x128xf32, #tpu.memory_space<vmem_shared>> -> memref<16x128xf32, #tpu.memory_space<vmem_shared>>
        %dma_start3A_262 = arith.constant 9984 : i32
        %dma_start3A_263 = arith.constant 0 : i32
        %dma_start3A_264 = tpu.memref_slice %arg19[%dma_start3A_262, %dma_start3A_263] : memref<10000x128xf32, #tpu.memory_space<vmem_shared>> -> memref<16x128xf32, #tpu.memory_space<vmem_shared>>
        %dma_start3A_265 = arith.constant 0 : i32
        %dma_start3A_266 = arith.constant 0 : i32
        %dma_start3A_267 = tpu.memref_slice %arg9[%dma_start3A_265, %dma_start3A_266] : memref<40x128xf32, #tpu.memory_space<vmem>> -> memref<16x128xf32, #tpu.memory_space<vmem>>
        tpu.enqueue_dma source(%dma_start3A_267 : memref<16x128xf32, #tpu.memory_space<vmem>>) target(%dma_start3A_264 : memref<16x128xf32, #tpu.memory_space<vmem_shared>>) target_semaphore(%run_scoped3A : memref<!tpu.dma_semaphore, #tpu.memory_space<semaphore_mem>>)
        %dma_wait3A_268 = arith.constant 0 : i32
        %dma_wait3A_269 = arith.constant 0 : i32
        %dma_wait3A_270 = tpu.memref_slice %arg9[%dma_wait3A_268, %dma_wait3A_269] : memref<40x128xf32, #tpu.memory_space<vmem>> -> memref<16x128xf32, #tpu.memory_space<vmem>>
        %dma_wait3A_271 = arith.constant 9984 : i32
        %dma_wait3A_272 = arith.constant 0 : i32
        %dma_wait3A_273 = tpu.memref_slice %arg19[%dma_wait3A_271, %dma_wait3A_272] : memref<10000x128xf32, #tpu.memory_space<vmem_shared>> -> memref<16x128xf32, #tpu.memory_space<vmem_shared>>
        %dma_wait3A_274 = arith.constant 9984 : i32
        %dma_wait3A_275 = arith.constant 0 : i32
        %dma_wait3A_276 = tpu.memref_slice %arg19[%dma_wait3A_274, %dma_wait3A_275] : memref<10000x128xf32, #tpu.memory_space<vmem_shared>> -> memref<16x128xf32, #tpu.memory_space<vmem_shared>>
        %dma_wait3A_277 = arith.constant 0 : i32
        %dma_wait3A_278 = arith.constant 0 : i32
        %dma_wait3A_279 = tpu.memref_slice %arg9[%dma_wait3A_277, %dma_wait3A_278] : memref<40x128xf32, #tpu.memory_space<vmem>> -> memref<16x128xf32, #tpu.memory_space<vmem>>
        tpu.wait_dma2 semaphore(%run_scoped3A : memref<!tpu.dma_semaphore, #tpu.memory_space<semaphore_mem>>) src(%dma_wait3A_279 : memref<16x128xf32, #tpu.memory_space<vmem>>) dst(%dma_wait3A_276 : memref<16x128xf32, #tpu.memory_space<vmem_shared>>)
        tpu.yield
      }) : () -> ()
    } else {
    }
    %barrier3A_177 = arith.constant 0 : index
    tpu.barrier barrier_id(%barrier3A_177)
    %add3A_178 = arith.constant 0 : i32
    %add3A_179 = arith.addi %add3A, %add3A_178 : i32
    %dma_start3A_180 = tpu.memref_slice %arg6[%add3A_179] : memref<320000xi32, #tpu.memory_space<hbm>> -> memref<40xi32, #tpu.memory_space<hbm>>
    %dma_start3A_181 = tpu.memref_slice %arg6[%add3A_179] : memref<320000xi32, #tpu.memory_space<hbm>> -> memref<40xi32, #tpu.memory_space<hbm>>
    tpu.enqueue_dma source(%dma_start3A_181 : memref<40xi32, #tpu.memory_space<hbm>>) target(%arg17 : memref<40xi32, #tpu.memory_space<vmem>>) target_semaphore(%arg20 : memref<!tpu.dma_semaphore, #tpu.memory_space<semaphore_mem>>)
    %mul3A_182 = arith.constant 16 : i32
    %mul3A_183 = arith.muli %add3A_179, %mul3A_182 : i32
    %dma_start3A_184 = tpu.memref_slice %arg4[%mul3A_183] : memref<5120000xf32, #tpu.memory_space<hbm>> -> memref<640xf32, #tpu.memory_space<hbm>>
    %dma_start3A_185 = tpu.memref_slice %arg4[%mul3A_183] : memref<5120000xf32, #tpu.memory_space<hbm>> -> memref<640xf32, #tpu.memory_space<hbm>>
    tpu.enqueue_dma source(%dma_start3A_185 : memref<640xf32, #tpu.memory_space<hbm>>) target(%arg13 : memref<640xf32, #tpu.memory_space<vmem>>) target_semaphore(%arg20 : memref<!tpu.dma_semaphore, #tpu.memory_space<semaphore_mem>>)
    %scan3A_186 = arith.constant 0 : i32
    %scan3A_187 = arith.constant 125 : i32
    %scan3A_188 = arith.addi %scan3A_186, %scan3A_187 : i32
    %scan3A_189 = arith.constant 1 : i32
    scf.for %scan3A_256 = %scan3A_186 to %scan3A_188 step %scan3A_189  : i32 {
      %mul3A_257 = arith.constant 2 : i32
      %mul3A_258 = arith.muli %scan3A_256, %mul3A_257 : i32
      %add3A_259 = arith.constant 0 : i32
      %add3A_260 = arith.addi %add3A_259, %mul3A_258 : i32
      %add3A_261 = arith.constant 0 : i32
      %add3A_262 = arith.addi %add3A_260, %add3A_261 : i32
      %jit3A = arith.constant 250 : i32
      %eq3A_263 = arith.constant 0 : i32
      %eq3A_264 = arith.cmpi eq, %jit3A, %eq3A_263 : i32
      %jit3A_265 = arith.constant 1 : i32
      %select_n3A = arith.select %eq3A_264, %jit3A_265, %jit3A : i32
      %rem3A = arith.remsi %add3A_262, %select_n3A : i32
      %ne3A = arith.constant 0 : i32
      %ne3A_266 = arith.cmpi ne, %rem3A, %ne3A : i32
      %lt3A = arith.constant 0 : i32
      %lt3A_267 = arith.cmpi slt, %rem3A, %lt3A : i32
      %lt3A_268 = arith.constant 0 : i32
      %lt3A_269 = arith.cmpi slt, %select_n3A, %lt3A_268 : i32
      %ne3A_270 = arith.xori %lt3A_267, %lt3A_269 : i1
      %and3A = arith.andi %ne3A_270, %ne3A_266 : i1
      %add3A_271 = arith.addi %rem3A, %select_n3A : i32
      %select_n3A_272 = arith.select %and3A, %add3A_271, %rem3A : i32
      %mul3A_273 = arith.constant 40 : i32
      %mul3A_274 = arith.muli %select_n3A_272, %mul3A_273 : i32
      %add3A_275 = arith.addi %add3A, %mul3A_274 : i32
      %dma_wait3A_276 = tpu.memref_slice %arg6[%add3A_275] : memref<320000xi32, #tpu.memory_space<hbm>> -> memref<40xi32, #tpu.memory_space<hbm>>
      %dma_wait3A_277 = tpu.memref_slice %arg6[%add3A_275] : memref<320000xi32, #tpu.memory_space<hbm>> -> memref<40xi32, #tpu.memory_space<hbm>>
      tpu.wait_dma2 semaphore(%arg20 : memref<!tpu.dma_semaphore, #tpu.memory_space<semaphore_mem>>) src(%dma_wait3A_277 : memref<40xi32, #tpu.memory_space<hbm>>) dst(%arg17 : memref<40xi32, #tpu.memory_space<vmem>>)
      %mul3A_278 = arith.constant 16 : i32
      %mul3A_279 = arith.muli %add3A_275, %mul3A_278 : i32
      %dma_wait3A_280 = tpu.memref_slice %arg4[%mul3A_279] : memref<5120000xf32, #tpu.memory_space<hbm>> -> memref<640xf32, #tpu.memory_space<hbm>>
      %dma_wait3A_281 = tpu.memref_slice %arg4[%mul3A_279] : memref<5120000xf32, #tpu.memory_space<hbm>> -> memref<640xf32, #tpu.memory_space<hbm>>
      tpu.wait_dma2 semaphore(%arg20 : memref<!tpu.dma_semaphore, #tpu.memory_space<semaphore_mem>>) src(%dma_wait3A_281 : memref<640xf32, #tpu.memory_space<hbm>>) dst(%arg13 : memref<640xf32, #tpu.memory_space<vmem>>)
      %ge3A = arith.constant 1 : i32
      %ge3A_282 = arith.cmpi sge, %add3A_260, %ge3A : i32
      %convert_element_type3A_283 = arith.extui %ge3A_282 : i1 to i32
      %cond3A_284 = arith.constant 0 : i32
      %cond3A_285 = arith.cmpi ne, %convert_element_type3A_283, %cond3A_284 : i32
      scf.if %cond3A_285 {
        %dma_wait3A_386 = arith.constant 0 : i32
        %dma_wait3A_387 = arith.constant 0 : i32
        %dma_wait3A_388 = tpu.memref_slice %arg19[%dma_wait3A_386, %dma_wait3A_387] : memref<10000x128xf32, #tpu.memory_space<vmem_shared>> -> memref<10000x128xf32, #tpu.memory_space<vmem_shared>>
        tpu.wait_indirect_dma semaphore(%arg25 : memref<!tpu.dma_semaphore, #tpu.memory_space<semaphore_mem>>) src(%arg10 : memref<40x128xf32, #tpu.memory_space<vmem>>) dst(%dma_wait3A_388 : memref<10000x128xf32, #tpu.memory_space<vmem_shared>>)
      } else {
      }
      %add3A_286 = arith.constant 1 : i32
      %add3A_287 = arith.addi %add3A_262, %add3A_286 : i32
      %jit3A_288 = arith.constant 250 : i32
      %eq3A_289 = arith.constant 0 : i32
      %eq3A_290 = arith.cmpi eq, %jit3A_288, %eq3A_289 : i32
      %jit3A_291 = arith.constant 1 : i32
      %select_n3A_292 = arith.select %eq3A_290, %jit3A_291, %jit3A_288 : i32
      %rem3A_293 = arith.remsi %add3A_287, %select_n3A_292 : i32
      %ne3A_294 = arith.constant 0 : i32
      %ne3A_295 = arith.cmpi ne, %rem3A_293, %ne3A_294 : i32
      %lt3A_296 = arith.constant 0 : i32
      %lt3A_297 = arith.cmpi slt, %rem3A_293, %lt3A_296 : i32
      %lt3A_298 = arith.constant 0 : i32
      %lt3A_299 = arith.cmpi slt, %select_n3A_292, %lt3A_298 : i32
      %ne3A_300 = arith.xori %lt3A_297, %lt3A_299 : i1
      %and3A_301 = arith.andi %ne3A_300, %ne3A_295 : i1
      %add3A_302 = arith.addi %rem3A_293, %select_n3A_292 : i32
      %select_n3A_303 = arith.select %and3A_301, %add3A_302, %rem3A_293 : i32
      %mul3A_304 = arith.constant 40 : i32
      %mul3A_305 = arith.muli %select_n3A_303, %mul3A_304 : i32
      %add3A_306 = arith.addi %add3A, %mul3A_305 : i32
      %dma_start3A_307 = tpu.memref_slice %arg6[%add3A_306] : memref<320000xi32, #tpu.memory_space<hbm>> -> memref<40xi32, #tpu.memory_space<hbm>>
      %dma_start3A_308 = tpu.memref_slice %arg6[%add3A_306] : memref<320000xi32, #tpu.memory_space<hbm>> -> memref<40xi32, #tpu.memory_space<hbm>>
      tpu.enqueue_dma source(%dma_start3A_308 : memref<40xi32, #tpu.memory_space<hbm>>) target(%arg18 : memref<40xi32, #tpu.memory_space<vmem>>) target_semaphore(%arg21 : memref<!tpu.dma_semaphore, #tpu.memory_space<semaphore_mem>>)
      %mul3A_309 = arith.constant 16 : i32
      %mul3A_310 = arith.muli %add3A_306, %mul3A_309 : i32
      %dma_start3A_311 = tpu.memref_slice %arg4[%mul3A_310] : memref<5120000xf32, #tpu.memory_space<hbm>> -> memref<640xf32, #tpu.memory_space<hbm>>
      %dma_start3A_312 = tpu.memref_slice %arg4[%mul3A_310] : memref<5120000xf32, #tpu.memory_space<hbm>> -> memref<640xf32, #tpu.memory_space<hbm>>
      tpu.enqueue_dma source(%dma_start3A_312 : memref<640xf32, #tpu.memory_space<hbm>>) target(%arg14 : memref<640xf32, #tpu.memory_space<vmem>>) target_semaphore(%arg21 : memref<!tpu.dma_semaphore, #tpu.memory_space<semaphore_mem>>)
      %scan3A_313 = arith.constant 0 : i32
      %scan3A_314 = arith.constant 40 : i32
      %scan3A_315 = arith.addi %scan3A_313, %scan3A_314 : i32
      %scan3A_316 = arith.constant 1 : i32
      scf.for %scan3A_386 = %scan3A_313 to %scan3A_315 step %scan3A_316  : i32 {
        %mul3A_387 = arith.constant 1 : i32
        %mul3A_388 = arith.muli %scan3A_386, %mul3A_387 : i32
        %add3A_389 = arith.constant 0 : i32
        %add3A_390 = arith.addi %add3A_389, %mul3A_388 : i32
        %mul3A_391 = arith.constant 16 : i32
        %mul3A_392 = arith.muli %add3A_390, %mul3A_391 : i32
        %get3A = arith.index_cast %mul3A_392 : i32 to index
        %get3A_393 = tpu.vector_load %arg13[%get3A] {strides = array<i32>} : memref<640xf32, #tpu.memory_space<vmem>>, vector<16xf32>,
        %get3A_394 = vector.shape_cast %get3A_393 : vector<16xf32> to vector<16xf32>
        %slice3A = vector.extract_strided_slice %get3A_394 {offsets = [0], sizes = [1], strides = [1]} : vector<16xf32> to vector<1xf32>
        %squeeze3A = vector.extract %slice3A[0] : f32 from vector<1xf32>
        %mul3A_395 = vector.broadcast %squeeze3A : f32 to vector<16xf32>
        %mul3A_396 = arith.mulf %mul3A_395, %broadcast_in_dim3A_3 : vector<16xf32>
        %swap3A = arith.index_cast %add3A_390 : i32 to index
        %swap3A_397 = arith.constant 0 : index
        %swap3A_398 = tpu.vector_load %arg9[%swap3A, %swap3A_397] {strides = array<i32>} : memref<40x128xf32, #tpu.memory_space<vmem>>, vector<1x16xf32>,
        %swap3A_399 = vector.shape_cast %swap3A_398 : vector<1x16xf32> to vector<16xf32>
        %swap3A_400 = vector.shape_cast %mul3A_396 : vector<16xf32> to vector<1x16xf32>
        tpu.vector_store %arg9[%swap3A, %swap3A_397], %swap3A_400 {strides = array<i32>} : memref<40x128xf32, #tpu.memory_space<vmem>>, vector<1x16xf32>,
        %slice3A_401 = vector.extract_strided_slice %get3A_394 {offsets = [1], sizes = [1], strides = [1]} : vector<16xf32> to vector<1xf32>
        %squeeze3A_402 = vector.extract %slice3A_401[0] : f32 from vector<1xf32>
        %mul3A_403 = vector.broadcast %squeeze3A_402 : f32 to vector<16xf32>
        %mul3A_404 = arith.mulf %mul3A_403, %broadcast_in_dim3A_3 : vector<16xf32>
        %swap3A_405 = arith.index_cast %add3A_390 : i32 to index
        %swap3A_406 = arith.constant 16 : index
        %swap3A_407 = tpu.vector_load %arg9[%swap3A_405, %swap3A_406] {strides = array<i32>} : memref<40x128xf32, #tpu.memory_space<vmem>>, vector<1x16xf32>,
        %swap3A_408 = vector.shape_cast %swap3A_407 : vector<1x16xf32> to vector<16xf32>
        %swap3A_409 = vector.shape_cast %mul3A_404 : vector<16xf32> to vector<1x16xf32>
        tpu.vector_store %arg9[%swap3A_405, %swap3A_406], %swap3A_409 {strides = array<i32>} : memref<40x128xf32, #tpu.memory_space<vmem>>, vector<1x16xf32>,
        %slice3A_410 = vector.extract_strided_slice %get3A_394 {offsets = [2], sizes = [1], strides = [1]} : vector<16xf32> to vector<1xf32>
        %squeeze3A_411 = vector.extract %slice3A_410[0] : f32 from vector<1xf32>
        %mul3A_412 = vector.broadcast %squeeze3A_411 : f32 to vector<16xf32>
        %mul3A_413 = arith.mulf %mul3A_412, %broadcast_in_dim3A_3 : vector<16xf32>
        %swap3A_414 = arith.index_cast %add3A_390 : i32 to index
        %swap3A_415 = arith.constant 32 : index
        %swap3A_416 = tpu.vector_load %arg9[%swap3A_414, %swap3A_415] {strides = array<i32>} : memref<40x128xf32, #tpu.memory_space<vmem>>, vector<1x16xf32>,
        %swap3A_417 = vector.shape_cast %swap3A_416 : vector<1x16xf32> to vector<16xf32>
        %swap3A_418 = vector.shape_cast %mul3A_413 : vector<16xf32> to vector<1x16xf32>
        tpu.vector_store %arg9[%swap3A_414, %swap3A_415], %swap3A_418 {strides = array<i32>} : memref<40x128xf32, #tpu.memory_space<vmem>>, vector<1x16xf32>,
        %slice3A_419 = vector.extract_strided_slice %get3A_394 {offsets = [3], sizes = [1], strides = [1]} : vector<16xf32> to vector<1xf32>
        %squeeze3A_420 = vector.extract %slice3A_419[0] : f32 from vector<1xf32>
        %mul3A_421 = vector.broadcast %squeeze3A_420 : f32 to vector<16xf32>
        %mul3A_422 = arith.mulf %mul3A_421, %broadcast_in_dim3A_3 : vector<16xf32>
        %swap3A_423 = arith.index_cast %add3A_390 : i32 to index
        %swap3A_424 = arith.constant 48 : index
        %swap3A_425 = tpu.vector_load %arg9[%swap3A_423, %swap3A_424] {strides = array<i32>} : memref<40x128xf32, #tpu.memory_space<vmem>>, vector<1x16xf32>,
        %swap3A_426 = vector.shape_cast %swap3A_425 : vector<1x16xf32> to vector<16xf32>
        %swap3A_427 = vector.shape_cast %mul3A_422 : vector<16xf32> to vector<1x16xf32>
        tpu.vector_store %arg9[%swap3A_423, %swap3A_424], %swap3A_427 {strides = array<i32>} : memref<40x128xf32, #tpu.memory_space<vmem>>, vector<1x16xf32>,
        %slice3A_428 = vector.extract_strided_slice %get3A_394 {offsets = [4], sizes = [1], strides = [1]} : vector<16xf32> to vector<1xf32>
        %squeeze3A_429 = vector.extract %slice3A_428[0] : f32 from vector<1xf32>
        %mul3A_430 = vector.broadcast %squeeze3A_429 : f32 to vector<16xf32>
        %mul3A_431 = arith.mulf %mul3A_430, %broadcast_in_dim3A_3 : vector<16xf32>
        %swap3A_432 = arith.index_cast %add3A_390 : i32 to index
        %swap3A_433 = arith.constant 64 : index
        %swap3A_434 = tpu.vector_load %arg9[%swap3A_432, %swap3A_433] {strides = array<i32>} : memref<40x128xf32, #tpu.memory_space<vmem>>, vector<1x16xf32>,
        %swap3A_435 = vector.shape_cast %swap3A_434 : vector<1x16xf32> to vector<16xf32>
        %swap3A_436 = vector.shape_cast %mul3A_431 : vector<16xf32> to vector<1x16xf32>
        tpu.vector_store %arg9[%swap3A_432, %swap3A_433], %swap3A_436 {strides = array<i32>} : memref<40x128xf32, #tpu.memory_space<vmem>>, vector<1x16xf32>,
        %slice3A_437 = vector.extract_strided_slice %get3A_394 {offsets = [5], sizes = [1], strides = [1]} : vector<16xf32> to vector<1xf32>
        %squeeze3A_438 = vector.extract %slice3A_437[0] : f32 from vector<1xf32>
        %mul3A_439 = vector.broadcast %squeeze3A_438 : f32 to vector<16xf32>
        %mul3A_440 = arith.mulf %mul3A_439, %broadcast_in_dim3A_3 : vector<16xf32>
        %swap3A_441 = arith.index_cast %add3A_390 : i32 to index
        %swap3A_442 = arith.constant 80 : index
        %swap3A_443 = tpu.vector_load %arg9[%swap3A_441, %swap3A_442] {strides = array<i32>} : memref<40x128xf32, #tpu.memory_space<vmem>>, vector<1x16xf32>,
        %swap3A_444 = vector.shape_cast %swap3A_443 : vector<1x16xf32> to vector<16xf32>
        %swap3A_445 = vector.shape_cast %mul3A_440 : vector<16xf32> to vector<1x16xf32>
        tpu.vector_store %arg9[%swap3A_441, %swap3A_442], %swap3A_445 {strides = array<i32>} : memref<40x128xf32, #tpu.memory_space<vmem>>, vector<1x16xf32>,
        %slice3A_446 = vector.extract_strided_slice %get3A_394 {offsets = [6], sizes = [1], strides = [1]} : vector<16xf32> to vector<1xf32>
        %squeeze3A_447 = vector.extract %slice3A_446[0] : f32 from vector<1xf32>
        %mul3A_448 = vector.broadcast %squeeze3A_447 : f32 to vector<16xf32>
        %mul3A_449 = arith.mulf %mul3A_448, %broadcast_in_dim3A_3 : vector<16xf32>
        %swap3A_450 = arith.index_cast %add3A_390 : i32 to index
        %swap3A_451 = arith.constant 96 : index
        %swap3A_452 = tpu.vector_load %arg9[%swap3A_450, %swap3A_451] {strides = array<i32>} : memref<40x128xf32, #tpu.memory_space<vmem>>, vector<1x16xf32>,
        %swap3A_453 = vector.shape_cast %swap3A_452 : vector<1x16xf32> to vector<16xf32>
        %swap3A_454 = vector.shape_cast %mul3A_449 : vector<16xf32> to vector<1x16xf32>
        tpu.vector_store %arg9[%swap3A_450, %swap3A_451], %swap3A_454 {strides = array<i32>} : memref<40x128xf32, #tpu.memory_space<vmem>>, vector<1x16xf32>,
        %slice3A_455 = vector.extract_strided_slice %get3A_394 {offsets = [7], sizes = [1], strides = [1]} : vector<16xf32> to vector<1xf32>
        %squeeze3A_456 = vector.extract %slice3A_455[0] : f32 from vector<1xf32>
        %mul3A_457 = vector.broadcast %squeeze3A_456 : f32 to vector<16xf32>
        %mul3A_458 = arith.mulf %mul3A_457, %broadcast_in_dim3A_3 : vector<16xf32>
        %swap3A_459 = arith.index_cast %add3A_390 : i32 to index
        %swap3A_460 = arith.constant 112 : index
        %swap3A_461 = tpu.vector_load %arg9[%swap3A_459, %swap3A_460] {strides = array<i32>} : memref<40x128xf32, #tpu.memory_space<vmem>>, vector<1x16xf32>,
        %swap3A_462 = vector.shape_cast %swap3A_461 : vector<1x16xf32> to vector<16xf32>
        %swap3A_463 = vector.shape_cast %mul3A_458 : vector<16xf32> to vector<1x16xf32>
        tpu.vector_store %arg9[%swap3A_459, %swap3A_460], %swap3A_463 {strides = array<i32>} : memref<40x128xf32, #tpu.memory_space<vmem>>, vector<1x16xf32>,
      }
      %scan3A_317 = arith.constant 40 : i32
      %dma_start3A_318 = arith.constant 0 : i32
      %dma_start3A_319 = arith.constant 0 : i32
      %dma_start3A_320 = tpu.memref_slice %arg19[%dma_start3A_318, %dma_start3A_319] : memref<10000x128xf32, #tpu.memory_space<vmem_shared>> -> memref<10000x128xf32, #tpu.memory_space<vmem_shared>>
      tpu.enqueue_indirect_dma source(%arg9 : memref<40x128xf32, #tpu.memory_space<vmem>>) target(%dma_start3A_320 : memref<10000x128xf32, #tpu.memory_space<vmem_shared>>) offsets(%arg17 : memref<40xi32, #tpu.memory_space<vmem>>) semaphore(%arg24 : memref<!tpu.dma_semaphore, #tpu.memory_space<semaphore_mem>>) {add = true}
      %add3A_321 = arith.constant 1 : i32
      %add3A_322 = arith.addi %add3A_260, %add3A_321 : i32
      %jit3A_323 = arith.constant 250 : i32
      %eq3A_324 = arith.constant 0 : i32
      %eq3A_325 = arith.cmpi eq, %jit3A_323, %eq3A_324 : i32
      %jit3A_326 = arith.constant 1 : i32
      %select_n3A_327 = arith.select %eq3A_325, %jit3A_326, %jit3A_323 : i32
      %rem3A_328 = arith.remsi %add3A_322, %select_n3A_327 : i32
      %ne3A_329 = arith.constant 0 : i32
      %ne3A_330 = arith.cmpi ne, %rem3A_328, %ne3A_329 : i32
      %lt3A_331 = arith.constant 0 : i32
      %lt3A_332 = arith.cmpi slt, %rem3A_328, %lt3A_331 : i32
      %lt3A_333 = arith.constant 0 : i32
      %lt3A_334 = arith.cmpi slt, %select_n3A_327, %lt3A_333 : i32
      %ne3A_335 = arith.xori %lt3A_332, %lt3A_334 : i1
      %and3A_336 = arith.andi %ne3A_335, %ne3A_330 : i1
      %add3A_337 = arith.addi %rem3A_328, %select_n3A_327 : i32
      %select_n3A_338 = arith.select %and3A_336, %add3A_337, %rem3A_328 : i32
      %mul3A_339 = arith.constant 40 : i32
      %mul3A_340 = arith.muli %select_n3A_338, %mul3A_339 : i32
      %add3A_341 = arith.addi %add3A, %mul3A_340 : i32
      %dma_wait3A_342 = tpu.memref_slice %arg6[%add3A_341] : memref<320000xi32, #tpu.memory_space<hbm>> -> memref<40xi32, #tpu.memory_space<hbm>>
      %dma_wait3A_343 = tpu.memref_slice %arg6[%add3A_341] : memref<320000xi32, #tpu.memory_space<hbm>> -> memref<40xi32, #tpu.memory_space<hbm>>
      tpu.wait_dma2 semaphore(%arg21 : memref<!tpu.dma_semaphore, #tpu.memory_space<semaphore_mem>>) src(%dma_wait3A_343 : memref<40xi32, #tpu.memory_space<hbm>>) dst(%arg18 : memref<40xi32, #tpu.memory_space<vmem>>)
      %mul3A_344 = arith.constant 16 : i32
      %mul3A_345 = arith.muli %add3A_341, %mul3A_344 : i32
      %dma_wait3A_346 = tpu.memref_slice %arg4[%mul3A_345] : memref<5120000xf32, #tpu.memory_space<hbm>> -> memref<640xf32, #tpu.memory_space<hbm>>
      %dma_wait3A_347 = tpu.memref_slice %arg4[%mul3A_345] : memref<5120000xf32, #tpu.memory_space<hbm>> -> memref<640xf32, #tpu.memory_space<hbm>>
      tpu.wait_dma2 semaphore(%arg21 : memref<!tpu.dma_semaphore, #tpu.memory_space<semaphore_mem>>) src(%dma_wait3A_347 : memref<640xf32, #tpu.memory_space<hbm>>) dst(%arg14 : memref<640xf32, #tpu.memory_space<vmem>>)
      %dma_wait3A_348 = arith.constant 0 : i32
      %dma_wait3A_349 = arith.constant 0 : i32
      %dma_wait3A_350 = tpu.memref_slice %arg19[%dma_wait3A_348, %dma_wait3A_349] : memref<10000x128xf32, #tpu.memory_space<vmem_shared>> -> memref<10000x128xf32, #tpu.memory_space<vmem_shared>>
      tpu.wait_indirect_dma semaphore(%arg24 : memref<!tpu.dma_semaphore, #tpu.memory_space<semaphore_mem>>) src(%arg9 : memref<40x128xf32, #tpu.memory_space<vmem>>) dst(%dma_wait3A_350 : memref<10000x128xf32, #tpu.memory_space<vmem_shared>>)
      %add3A_351 = arith.constant 1 : i32
      %add3A_352 = arith.addi %add3A_322, %add3A_351 : i32
      %jit3A_353 = arith.constant 250 : i32
      %eq3A_354 = arith.constant 0 : i32
      %eq3A_355 = arith.cmpi eq, %jit3A_353, %eq3A_354 : i32
      %jit3A_356 = arith.constant 1 : i32
      %select_n3A_357 = arith.select %eq3A_355, %jit3A_356, %jit3A_353 : i32
      %rem3A_358 = arith.remsi %add3A_352, %select_n3A_357 : i32
      %ne3A_359 = arith.constant 0 : i32
      %ne3A_360 = arith.cmpi ne, %rem3A_358, %ne3A_359 : i32
      %lt3A_361 = arith.constant 0 : i32
      %lt3A_362 = arith.cmpi slt, %rem3A_358, %lt3A_361 : i32
      %lt3A_363 = arith.constant 0 : i32
      %lt3A_364 = arith.cmpi slt, %select_n3A_357, %lt3A_363 : i32
      %ne3A_365 = arith.xori %lt3A_362, %lt3A_364 : i1
      %and3A_366 = arith.andi %ne3A_365, %ne3A_360 : i1
      %add3A_367 = arith.addi %rem3A_358, %select_n3A_357 : i32
      %select_n3A_368 = arith.select %and3A_366, %add3A_367, %rem3A_358 : i32
      %mul3A_369 = arith.constant 40 : i32
      %mul3A_370 = arith.muli %select_n3A_368, %mul3A_369 : i32
      %add3A_371 = arith.addi %add3A, %mul3A_370 : i32
      %dma_start3A_372 = tpu.memref_slice %arg6[%add3A_371] : memref<320000xi32, #tpu.memory_space<hbm>> -> memref<40xi32, #tpu.memory_space<hbm>>
      %dma_start3A_373 = tpu.memref_slice %arg6[%add3A_371] : memref<320000xi32, #tpu.memory_space<hbm>> -> memref<40xi32, #tpu.memory_space<hbm>>
      tpu.enqueue_dma source(%dma_start3A_373 : memref<40xi32, #tpu.memory_space<hbm>>) target(%arg17 : memref<40xi32, #tpu.memory_space<vmem>>) target_semaphore(%arg20 : memref<!tpu.dma_semaphore, #tpu.memory_space<semaphore_mem>>)
      %mul3A_374 = arith.constant 16 : i32
      %mul3A_375 = arith.muli %add3A_371, %mul3A_374 : i32
      %dma_start3A_376 = tpu.memref_slice %arg4[%mul3A_375] : memref<5120000xf32, #tpu.memory_space<hbm>> -> memref<640xf32, #tpu.memory_space<hbm>>
      %dma_start3A_377 = tpu.memref_slice %arg4[%mul3A_375] : memref<5120000xf32, #tpu.memory_space<hbm>> -> memref<640xf32, #tpu.memory_space<hbm>>
      tpu.enqueue_dma source(%dma_start3A_377 : memref<640xf32, #tpu.memory_space<hbm>>) target(%arg13 : memref<640xf32, #tpu.memory_space<vmem>>) target_semaphore(%arg20 : memref<!tpu.dma_semaphore, #tpu.memory_space<semaphore_mem>>)
      %scan3A_378 = arith.constant 0 : i32
      %scan3A_379 = arith.constant 40 : i32
      %scan3A_380 = arith.addi %scan3A_378, %scan3A_379 : i32
      %scan3A_381 = arith.constant 1 : i32
      scf.for %scan3A_386 = %scan3A_378 to %scan3A_380 step %scan3A_381  : i32 {
        %mul3A_387 = arith.constant 1 : i32
        %mul3A_388 = arith.muli %scan3A_386, %mul3A_387 : i32
        %add3A_389 = arith.constant 0 : i32
        %add3A_390 = arith.addi %add3A_389, %mul3A_388 : i32
        %mul3A_391 = arith.constant 16 : i32
        %mul3A_392 = arith.muli %add3A_390, %mul3A_391 : i32
        %get3A = arith.index_cast %mul3A_392 : i32 to index
        %get3A_393 = tpu.vector_load %arg14[%get3A] {strides = array<i32>} : memref<640xf32, #tpu.memory_space<vmem>>, vector<16xf32>,
        %get3A_394 = vector.shape_cast %get3A_393 : vector<16xf32> to vector<16xf32>
        %slice3A = vector.extract_strided_slice %get3A_394 {offsets = [0], sizes = [1], strides = [1]} : vector<16xf32> to vector<1xf32>
        %squeeze3A = vector.extract %slice3A[0] : f32 from vector<1xf32>
        %mul3A_395 = vector.broadcast %squeeze3A : f32 to vector<16xf32>
        %mul3A_396 = arith.mulf %mul3A_395, %broadcast_in_dim3A_3 : vector<16xf32>
        %swap3A = arith.index_cast %add3A_390 : i32 to index
        %swap3A_397 = arith.constant 0 : index
        %swap3A_398 = tpu.vector_load %arg10[%swap3A, %swap3A_397] {strides = array<i32>} : memref<40x128xf32, #tpu.memory_space<vmem>>, vector<1x16xf32>,
        %swap3A_399 = vector.shape_cast %swap3A_398 : vector<1x16xf32> to vector<16xf32>
        %swap3A_400 = vector.shape_cast %mul3A_396 : vector<16xf32> to vector<1x16xf32>
        tpu.vector_store %arg10[%swap3A, %swap3A_397], %swap3A_400 {strides = array<i32>} : memref<40x128xf32, #tpu.memory_space<vmem>>, vector<1x16xf32>,
        %slice3A_401 = vector.extract_strided_slice %get3A_394 {offsets = [1], sizes = [1], strides = [1]} : vector<16xf32> to vector<1xf32>
        %squeeze3A_402 = vector.extract %slice3A_401[0] : f32 from vector<1xf32>
        %mul3A_403 = vector.broadcast %squeeze3A_402 : f32 to vector<16xf32>
        %mul3A_404 = arith.mulf %mul3A_403, %broadcast_in_dim3A_3 : vector<16xf32>
        %swap3A_405 = arith.index_cast %add3A_390 : i32 to index
        %swap3A_406 = arith.constant 16 : index
        %swap3A_407 = tpu.vector_load %arg10[%swap3A_405, %swap3A_406] {strides = array<i32>} : memref<40x128xf32, #tpu.memory_space<vmem>>, vector<1x16xf32>,
        %swap3A_408 = vector.shape_cast %swap3A_407 : vector<1x16xf32> to vector<16xf32>
        %swap3A_409 = vector.shape_cast %mul3A_404 : vector<16xf32> to vector<1x16xf32>
        tpu.vector_store %arg10[%swap3A_405, %swap3A_406], %swap3A_409 {strides = array<i32>} : memref<40x128xf32, #tpu.memory_space<vmem>>, vector<1x16xf32>,
        %slice3A_410 = vector.extract_strided_slice %get3A_394 {offsets = [2], sizes = [1], strides = [1]} : vector<16xf32> to vector<1xf32>
        %squeeze3A_411 = vector.extract %slice3A_410[0] : f32 from vector<1xf32>
        %mul3A_412 = vector.broadcast %squeeze3A_411 : f32 to vector<16xf32>
        %mul3A_413 = arith.mulf %mul3A_412, %broadcast_in_dim3A_3 : vector<16xf32>
        %swap3A_414 = arith.index_cast %add3A_390 : i32 to index
        %swap3A_415 = arith.constant 32 : index
        %swap3A_416 = tpu.vector_load %arg10[%swap3A_414, %swap3A_415] {strides = array<i32>} : memref<40x128xf32, #tpu.memory_space<vmem>>, vector<1x16xf32>,
        %swap3A_417 = vector.shape_cast %swap3A_416 : vector<1x16xf32> to vector<16xf32>
        %swap3A_418 = vector.shape_cast %mul3A_413 : vector<16xf32> to vector<1x16xf32>
        tpu.vector_store %arg10[%swap3A_414, %swap3A_415], %swap3A_418 {strides = array<i32>} : memref<40x128xf32, #tpu.memory_space<vmem>>, vector<1x16xf32>,
        %slice3A_419 = vector.extract_strided_slice %get3A_394 {offsets = [3], sizes = [1], strides = [1]} : vector<16xf32> to vector<1xf32>
        %squeeze3A_420 = vector.extract %slice3A_419[0] : f32 from vector<1xf32>
        %mul3A_421 = vector.broadcast %squeeze3A_420 : f32 to vector<16xf32>
        %mul3A_422 = arith.mulf %mul3A_421, %broadcast_in_dim3A_3 : vector<16xf32>
        %swap3A_423 = arith.index_cast %add3A_390 : i32 to index
        %swap3A_424 = arith.constant 48 : index
        %swap3A_425 = tpu.vector_load %arg10[%swap3A_423, %swap3A_424] {strides = array<i32>} : memref<40x128xf32, #tpu.memory_space<vmem>>, vector<1x16xf32>,
        %swap3A_426 = vector.shape_cast %swap3A_425 : vector<1x16xf32> to vector<16xf32>
        %swap3A_427 = vector.shape_cast %mul3A_422 : vector<16xf32> to vector<1x16xf32>
        tpu.vector_store %arg10[%swap3A_423, %swap3A_424], %swap3A_427 {strides = array<i32>} : memref<40x128xf32, #tpu.memory_space<vmem>>, vector<1x16xf32>,
        %slice3A_428 = vector.extract_strided_slice %get3A_394 {offsets = [4], sizes = [1], strides = [1]} : vector<16xf32> to vector<1xf32>
        %squeeze3A_429 = vector.extract %slice3A_428[0] : f32 from vector<1xf32>
        %mul3A_430 = vector.broadcast %squeeze3A_429 : f32 to vector<16xf32>
        %mul3A_431 = arith.mulf %mul3A_430, %broadcast_in_dim3A_3 : vector<16xf32>
        %swap3A_432 = arith.index_cast %add3A_390 : i32 to index
        %swap3A_433 = arith.constant 64 : index
        %swap3A_434 = tpu.vector_load %arg10[%swap3A_432, %swap3A_433] {strides = array<i32>} : memref<40x128xf32, #tpu.memory_space<vmem>>, vector<1x16xf32>,
        %swap3A_435 = vector.shape_cast %swap3A_434 : vector<1x16xf32> to vector<16xf32>
        %swap3A_436 = vector.shape_cast %mul3A_431 : vector<16xf32> to vector<1x16xf32>
        tpu.vector_store %arg10[%swap3A_432, %swap3A_433], %swap3A_436 {strides = array<i32>} : memref<40x128xf32, #tpu.memory_space<vmem>>, vector<1x16xf32>,
        %slice3A_437 = vector.extract_strided_slice %get3A_394 {offsets = [5], sizes = [1], strides = [1]} : vector<16xf32> to vector<1xf32>
        %squeeze3A_438 = vector.extract %slice3A_437[0] : f32 from vector<1xf32>
        %mul3A_439 = vector.broadcast %squeeze3A_438 : f32 to vector<16xf32>
        %mul3A_440 = arith.mulf %mul3A_439, %broadcast_in_dim3A_3 : vector<16xf32>
        %swap3A_441 = arith.index_cast %add3A_390 : i32 to index
        %swap3A_442 = arith.constant 80 : index
        %swap3A_443 = tpu.vector_load %arg10[%swap3A_441, %swap3A_442] {strides = array<i32>} : memref<40x128xf32, #tpu.memory_space<vmem>>, vector<1x16xf32>,
        %swap3A_444 = vector.shape_cast %swap3A_443 : vector<1x16xf32> to vector<16xf32>
        %swap3A_445 = vector.shape_cast %mul3A_440 : vector<16xf32> to vector<1x16xf32>
        tpu.vector_store %arg10[%swap3A_441, %swap3A_442], %swap3A_445 {strides = array<i32>} : memref<40x128xf32, #tpu.memory_space<vmem>>, vector<1x16xf32>,
        %slice3A_446 = vector.extract_strided_slice %get3A_394 {offsets = [6], sizes = [1], strides = [1]} : vector<16xf32> to vector<1xf32>
        %squeeze3A_447 = vector.extract %slice3A_446[0] : f32 from vector<1xf32>
        %mul3A_448 = vector.broadcast %squeeze3A_447 : f32 to vector<16xf32>
        %mul3A_449 = arith.mulf %mul3A_448, %broadcast_in_dim3A_3 : vector<16xf32>
        %swap3A_450 = arith.index_cast %add3A_390 : i32 to index
        %swap3A_451 = arith.constant 96 : index
        %swap3A_452 = tpu.vector_load %arg10[%swap3A_450, %swap3A_451] {strides = array<i32>} : memref<40x128xf32, #tpu.memory_space<vmem>>, vector<1x16xf32>,
        %swap3A_453 = vector.shape_cast %swap3A_452 : vector<1x16xf32> to vector<16xf32>
        %swap3A_454 = vector.shape_cast %mul3A_449 : vector<16xf32> to vector<1x16xf32>
        tpu.vector_store %arg10[%swap3A_450, %swap3A_451], %swap3A_454 {strides = array<i32>} : memref<40x128xf32, #tpu.memory_space<vmem>>, vector<1x16xf32>,
        %slice3A_455 = vector.extract_strided_slice %get3A_394 {offsets = [7], sizes = [1], strides = [1]} : vector<16xf32> to vector<1xf32>
        %squeeze3A_456 = vector.extract %slice3A_455[0] : f32 from vector<1xf32>
        %mul3A_457 = vector.broadcast %squeeze3A_456 : f32 to vector<16xf32>
        %mul3A_458 = arith.mulf %mul3A_457, %broadcast_in_dim3A_3 : vector<16xf32>
        %swap3A_459 = arith.index_cast %add3A_390 : i32 to index
        %swap3A_460 = arith.constant 112 : index
        %swap3A_461 = tpu.vector_load %arg10[%swap3A_459, %swap3A_460] {strides = array<i32>} : memref<40x128xf32, #tpu.memory_space<vmem>>, vector<1x16xf32>,
        %swap3A_462 = vector.shape_cast %swap3A_461 : vector<1x16xf32> to vector<16xf32>
        %swap3A_463 = vector.shape_cast %mul3A_458 : vector<16xf32> to vector<1x16xf32>
        tpu.vector_store %arg10[%swap3A_459, %swap3A_460], %swap3A_463 {strides = array<i32>} : memref<40x128xf32, #tpu.memory_space<vmem>>, vector<1x16xf32>,
      }
      %scan3A_382 = arith.constant 40 : i32
      %dma_start3A_383 = arith.constant 0 : i32
      %dma_start3A_384 = arith.constant 0 : i32
      %dma_start3A_385 = tpu.memref_slice %arg19[%dma_start3A_383, %dma_start3A_384] : memref<10000x128xf32, #tpu.memory_space<vmem_shared>> -> memref<10000x128xf32, #tpu.memory_space<vmem_shared>>
      tpu.enqueue_indirect_dma source(%arg10 : memref<40x128xf32, #tpu.memory_space<vmem>>) target(%dma_start3A_385 : memref<10000x128xf32, #tpu.memory_space<vmem_shared>>) offsets(%arg18 : memref<40xi32, #tpu.memory_space<vmem>>) semaphore(%arg25 : memref<!tpu.dma_semaphore, #tpu.memory_space<semaphore_mem>>) {add = true}
    }
    %scan3A_190 = arith.constant 125 : i32
    %dma_wait3A_191 = arith.constant 0 : i32
    %dma_wait3A_192 = arith.constant 0 : i32
    %dma_wait3A_193 = tpu.memref_slice %arg19[%dma_wait3A_191, %dma_wait3A_192] : memref<10000x128xf32, #tpu.memory_space<vmem_shared>> -> memref<10000x128xf32, #tpu.memory_space<vmem_shared>>
    tpu.wait_indirect_dma semaphore(%arg25 : memref<!tpu.dma_semaphore, #tpu.memory_space<semaphore_mem>>) src(%arg10 : memref<40x128xf32, #tpu.memory_space<vmem>>) dst(%dma_wait3A_193 : memref<10000x128xf32, #tpu.memory_space<vmem_shared>>)
    %add3A_194 = arith.constant 0 : i32
    %add3A_195 = arith.addi %add3A, %add3A_194 : i32
    %dma_wait3A_196 = tpu.memref_slice %arg6[%add3A_195] : memref<320000xi32, #tpu.memory_space<hbm>> -> memref<40xi32, #tpu.memory_space<hbm>>
    %dma_wait3A_197 = tpu.memref_slice %arg6[%add3A_195] : memref<320000xi32, #tpu.memory_space<hbm>> -> memref<40xi32, #tpu.memory_space<hbm>>
    tpu.wait_dma2 semaphore(%arg20 : memref<!tpu.dma_semaphore, #tpu.memory_space<semaphore_mem>>) src(%dma_wait3A_197 : memref<40xi32, #tpu.memory_space<hbm>>) dst(%arg17 : memref<40xi32, #tpu.memory_space<vmem>>)
    %mul3A_198 = arith.constant 16 : i32
    %mul3A_199 = arith.muli %add3A_195, %mul3A_198 : i32
    %dma_wait3A_200 = tpu.memref_slice %arg4[%mul3A_199] : memref<5120000xf32, #tpu.memory_space<hbm>> -> memref<640xf32, #tpu.memory_space<hbm>>
    %dma_wait3A_201 = tpu.memref_slice %arg4[%mul3A_199] : memref<5120000xf32, #tpu.memory_space<hbm>> -> memref<640xf32, #tpu.memory_space<hbm>>
    tpu.wait_dma2 semaphore(%arg20 : memref<!tpu.dma_semaphore, #tpu.memory_space<semaphore_mem>>) src(%dma_wait3A_201 : memref<640xf32, #tpu.memory_space<hbm>>) dst(%arg13 : memref<640xf32, #tpu.memory_space<vmem>>)
    %barrier3A_202 = arith.constant 0 : index
    tpu.barrier barrier_id(%barrier3A_202)
    "tpu.region"() ({
      %run_scoped3A = tpu.sem_alloc : memref<!tpu.dma_semaphore, #tpu.memory_space<semaphore_mem>>
      %dma_start3A_256 = arith.constant 0 : i32
      %dma_start3A_257 = arith.constant 0 : i32
      %dma_start3A_258 = tpu.memref_slice %arg9[%dma_start3A_256, %dma_start3A_257] : memref<40x128xf32, #tpu.memory_space<vmem>> -> memref<40x128xf32, #tpu.memory_space<vmem>>
      %dma_start3A_259 = arith.constant 0 : i32
      %dma_start3A_260 = tpu.memref_slice %arg19[%mul3A_0, %dma_start3A_259] : memref<10000x128xf32, #tpu.memory_space<vmem_shared>> -> memref<40x128xf32, #tpu.memory_space<vmem_shared>>
      %dma_start3A_261 = arith.constant 0 : i32
      %dma_start3A_262 = arith.constant 0 : i32
      %dma_start3A_263 = tpu.memref_slice %arg9[%dma_start3A_261, %dma_start3A_262] : memref<40x128xf32, #tpu.memory_space<vmem>> -> memref<40x128xf32, #tpu.memory_space<vmem>>
      %dma_start3A_264 = arith.constant 0 : i32
      %dma_start3A_265 = tpu.memref_slice %arg19[%mul3A_0, %dma_start3A_264] : memref<10000x128xf32, #tpu.memory_space<vmem_shared>> -> memref<40x128xf32, #tpu.memory_space<vmem_shared>>
      tpu.enqueue_dma source(%dma_start3A_265 : memref<40x128xf32, #tpu.memory_space<vmem_shared>>) target(%dma_start3A_263 : memref<40x128xf32, #tpu.memory_space<vmem>>) target_semaphore(%run_scoped3A : memref<!tpu.dma_semaphore, #tpu.memory_space<semaphore_mem>>)
      %dma_wait3A_266 = arith.constant 0 : i32
      %dma_wait3A_267 = arith.constant 0 : i32
      %dma_wait3A_268 = tpu.memref_slice %arg9[%dma_wait3A_266, %dma_wait3A_267] : memref<40x128xf32, #tpu.memory_space<vmem>> -> memref<40x128xf32, #tpu.memory_space<vmem>>
      %dma_wait3A_269 = arith.constant 0 : i32
      %dma_wait3A_270 = tpu.memref_slice %arg19[%mul3A_0, %dma_wait3A_269] : memref<10000x128xf32, #tpu.memory_space<vmem_shared>> -> memref<40x128xf32, #tpu.memory_space<vmem_shared>>
      %dma_wait3A_271 = arith.constant 0 : i32
      %dma_wait3A_272 = arith.constant 0 : i32
      %dma_wait3A_273 = tpu.memref_slice %arg9[%dma_wait3A_271, %dma_wait3A_272] : memref<40x128xf32, #tpu.memory_space<vmem>> -> memref<40x128xf32, #tpu.memory_space<vmem>>
      %dma_wait3A_274 = arith.constant 0 : i32
      %dma_wait3A_275 = tpu.memref_slice %arg19[%mul3A_0, %dma_wait3A_274] : memref<10000x128xf32, #tpu.memory_space<vmem_shared>> -> memref<40x128xf32, #tpu.memory_space<vmem_shared>>
      tpu.wait_dma2 semaphore(%run_scoped3A : memref<!tpu.dma_semaphore, #tpu.memory_space<semaphore_mem>>) src(%dma_wait3A_275 : memref<40x128xf32, #tpu.memory_space<vmem_shared>>) dst(%dma_wait3A_273 : memref<40x128xf32, #tpu.memory_space<vmem>>)
      tpu.yield
    }) : () -> ()
    %add3A_203 = arith.constant 40 : i32
    %add3A_204 = arith.addi %mul3A_0, %add3A_203 : i32
    "tpu.region"() ({
      %run_scoped3A = tpu.sem_alloc : memref<!tpu.dma_semaphore, #tpu.memory_space<semaphore_mem>>
      %dma_start3A_256 = arith.constant 0 : i32
      %dma_start3A_257 = arith.constant 0 : i32
      %dma_start3A_258 = tpu.memref_slice %arg10[%dma_start3A_256, %dma_start3A_257] : memref<40x128xf32, #tpu.memory_space<vmem>> -> memref<40x128xf32, #tpu.memory_space<vmem>>
      %dma_start3A_259 = arith.constant 0 : i32
      %dma_start3A_260 = tpu.memref_slice %arg19[%add3A_204, %dma_start3A_259] : memref<10000x128xf32, #tpu.memory_space<vmem_shared>> -> memref<40x128xf32, #tpu.memory_space<vmem_shared>>
      %dma_start3A_261 = arith.constant 0 : i32
      %dma_start3A_262 = arith.constant 0 : i32
      %dma_start3A_263 = tpu.memref_slice %arg10[%dma_start3A_261, %dma_start3A_262] : memref<40x128xf32, #tpu.memory_space<vmem>> -> memref<40x128xf32, #tpu.memory_space<vmem>>
      %dma_start3A_264 = arith.constant 0 : i32
      %dma_start3A_265 = tpu.memref_slice %arg19[%add3A_204, %dma_start3A_264] : memref<10000x128xf32, #tpu.memory_space<vmem_shared>> -> memref<40x128xf32, #tpu.memory_space<vmem_shared>>
      tpu.enqueue_dma source(%dma_start3A_265 : memref<40x128xf32, #tpu.memory_space<vmem_shared>>) target(%dma_start3A_263 : memref<40x128xf32, #tpu.memory_space<vmem>>) target_semaphore(%run_scoped3A : memref<!tpu.dma_semaphore, #tpu.memory_space<semaphore_mem>>)
      %dma_wait3A_266 = arith.constant 0 : i32
      %dma_wait3A_267 = arith.constant 0 : i32
      %dma_wait3A_268 = tpu.memref_slice %arg10[%dma_wait3A_266, %dma_wait3A_267] : memref<40x128xf32, #tpu.memory_space<vmem>> -> memref<40x128xf32, #tpu.memory_space<vmem>>
      %dma_wait3A_269 = arith.constant 0 : i32
      %dma_wait3A_270 = tpu.memref_slice %arg19[%add3A_204, %dma_wait3A_269] : memref<10000x128xf32, #tpu.memory_space<vmem_shared>> -> memref<40x128xf32, #tpu.memory_space<vmem_shared>>
      %dma_wait3A_271 = arith.constant 0 : i32
      %dma_wait3A_272 = arith.constant 0 : i32
      %dma_wait3A_273 = tpu.memref_slice %arg10[%dma_wait3A_271, %dma_wait3A_272] : memref<40x128xf32, #tpu.memory_space<vmem>> -> memref<40x128xf32, #tpu.memory_space<vmem>>
      %dma_wait3A_274 = arith.constant 0 : i32
      %dma_wait3A_275 = tpu.memref_slice %arg19[%add3A_204, %dma_wait3A_274] : memref<10000x128xf32, #tpu.memory_space<vmem_shared>> -> memref<40x128xf32, #tpu.memory_space<vmem_shared>>
      tpu.wait_dma2 semaphore(%run_scoped3A : memref<!tpu.dma_semaphore, #tpu.memory_space<semaphore_mem>>) src(%dma_wait3A_275 : memref<40x128xf32, #tpu.memory_space<vmem_shared>>) dst(%dma_wait3A_273 : memref<40x128xf32, #tpu.memory_space<vmem>>)
      tpu.yield
    }) : () -> ()
    "tpu.region"() ({
      %run_scoped3A = tpu.sem_alloc : memref<!tpu.dma_semaphore, #tpu.memory_space<semaphore_mem>>
      %dma_start3A_256 = arith.constant 0 : i32
      %dma_start3A_257 = arith.constant 0 : i32
      %dma_start3A_258 = tpu.memref_slice %arg9[%dma_start3A_256, %dma_start3A_257] : memref<40x128xf32, #tpu.memory_space<vmem>> -> memref<40x128xf32, #tpu.memory_space<vmem>>
      %dma_start3A_259 = arith.constant 0 : i32
      %dma_start3A_260 = tpu.memref_slice %arg8[%arg0, %mul3A_0, %dma_start3A_259] : memref<2x10000x128xf32, #tpu.memory_space<hbm>> -> memref<1x40x128xf32, #tpu.memory_space<hbm>>
      %dma_start3A_261 = tpu.memref_squeeze %dma_start3A_260 : memref<1x40x128xf32, #tpu.memory_space<hbm>> -> memref<40x128xf32, #tpu.memory_space<hbm>>
      %dma_start3A_262 = arith.constant 0 : i32
      %dma_start3A_263 = tpu.memref_slice %arg8[%arg0, %mul3A_0, %dma_start3A_262] : memref<2x10000x128xf32, #tpu.memory_space<hbm>> -> memref<1x40x128xf32, #tpu.memory_space<hbm>>
      %dma_start3A_264 = tpu.memref_squeeze %dma_start3A_263 : memref<1x40x128xf32, #tpu.memory_space<hbm>> -> memref<40x128xf32, #tpu.memory_space<hbm>>
      %dma_start3A_265 = arith.constant 0 : i32
      %dma_start3A_266 = arith.constant 0 : i32
      %dma_start3A_267 = tpu.memref_slice %arg9[%dma_start3A_265, %dma_start3A_266] : memref<40x128xf32, #tpu.memory_space<vmem>> -> memref<40x128xf32, #tpu.memory_space<vmem>>
      tpu.enqueue_dma source(%dma_start3A_267 : memref<40x128xf32, #tpu.memory_space<vmem>>) target(%dma_start3A_264 : memref<40x128xf32, #tpu.memory_space<hbm>>) target_semaphore(%run_scoped3A : memref<!tpu.dma_semaphore, #tpu.memory_space<semaphore_mem>>)
      %dma_wait3A_268 = arith.constant 0 : i32
      %dma_wait3A_269 = arith.constant 0 : i32
      %dma_wait3A_270 = tpu.memref_slice %arg9[%dma_wait3A_268, %dma_wait3A_269] : memref<40x128xf32, #tpu.memory_space<vmem>> -> memref<40x128xf32, #tpu.memory_space<vmem>>
      %dma_wait3A_271 = arith.constant 0 : i32
      %dma_wait3A_272 = tpu.memref_slice %arg8[%arg0, %mul3A_0, %dma_wait3A_271] : memref<2x10000x128xf32, #tpu.memory_space<hbm>> -> memref<1x40x128xf32, #tpu.memory_space<hbm>>
      %dma_wait3A_273 = tpu.memref_squeeze %dma_wait3A_272 : memref<1x40x128xf32, #tpu.memory_space<hbm>> -> memref<40x128xf32, #tpu.memory_space<hbm>>
      %dma_wait3A_274 = arith.constant 0 : i32
      %dma_wait3A_275 = tpu.memref_slice %arg8[%arg0, %mul3A_0, %dma_wait3A_274] : memref<2x10000x128xf32, #tpu.memory_space<hbm>> -> memref<1x40x128xf32, #tpu.memory_space<hbm>>
      %dma_wait3A_276 = tpu.memref_squeeze %dma_wait3A_275 : memref<1x40x128xf32, #tpu.memory_space<hbm>> -> memref<40x128xf32, #tpu.memory_space<hbm>>
      %dma_wait3A_277 = arith.constant 0 : i32
      %dma_wait3A_278 = arith.constant 0 : i32
      %dma_wait3A_279 = tpu.memref_slice %arg9[%dma_wait3A_277, %dma_wait3A_278] : memref<40x128xf32, #tpu.memory_space<vmem>> -> memref<40x128xf32, #tpu.memory_space<vmem>>
      tpu.wait_dma2 semaphore(%run_scoped3A : memref<!tpu.dma_semaphore, #tpu.memory_space<semaphore_mem>>) src(%dma_wait3A_279 : memref<40x128xf32, #tpu.memory_space<vmem>>) dst(%dma_wait3A_276 : memref<40x128xf32, #tpu.memory_space<hbm>>)
      tpu.yield
    }) : () -> ()
    %add3A_205 = arith.constant 40 : i32
    %add3A_206 = arith.addi %mul3A_0, %add3A_205 : i32
    "tpu.region"() ({
      %run_scoped3A = tpu.sem_alloc : memref<!tpu.dma_semaphore, #tpu.memory_space<semaphore_mem>>
      %dma_start3A_256 = arith.constant 0 : i32
      %dma_start3A_257 = arith.constant 0 : i32
      %dma_start3A_258 = tpu.memref_slice %arg10[%dma_start3A_256, %dma_start3A_257] : memref<40x128xf32, #tpu.memory_space<vmem>> -> memref<40x128xf32, #tpu.memory_space<vmem>>
      %dma_start3A_259 = arith.constant 0 : i32
      %dma_start3A_260 = tpu.memref_slice %arg8[%arg0, %add3A_206, %dma_start3A_259] : memref<2x10000x128xf32, #tpu.memory_space<hbm>> -> memref<1x40x128xf32, #tpu.memory_space<hbm>>
      %dma_start3A_261 = tpu.memref_squeeze %dma_start3A_260 : memref<1x40x128xf32, #tpu.memory_space<hbm>> -> memref<40x128xf32, #tpu.memory_space<hbm>>
      %dma_start3A_262 = arith.constant 0 : i32
      %dma_start3A_263 = tpu.memref_slice %arg8[%arg0, %add3A_206, %dma_start3A_262] : memref<2x10000x128xf32, #tpu.memory_space<hbm>> -> memref<1x40x128xf32, #tpu.memory_space<hbm>>
      %dma_start3A_264 = tpu.memref_squeeze %dma_start3A_263 : memref<1x40x128xf32, #tpu.memory_space<hbm>> -> memref<40x128xf32, #tpu.memory_space<hbm>>
      %dma_start3A_265 = arith.constant 0 : i32
      %dma_start3A_266 = arith.constant 0 : i32
      %dma_start3A_267 = tpu.memref_slice %arg10[%dma_start3A_265, %dma_start3A_266] : memref<40x128xf32, #tpu.memory_space<vmem>> -> memref<40x128xf32, #tpu.memory_space<vmem>>
      tpu.enqueue_dma source(%dma_start3A_267 : memref<40x128xf32, #tpu.memory_space<vmem>>) target(%dma_start3A_264 : memref<40x128xf32, #tpu.memory_space<hbm>>) target_semaphore(%run_scoped3A : memref<!tpu.dma_semaphore, #tpu.memory_space<semaphore_mem>>)
      %dma_wait3A_268 = arith.constant 0 : i32
      %dma_wait3A_269 = arith.constant 0 : i32
      %dma_wait3A_270 = tpu.memref_slice %arg10[%dma_wait3A_268, %dma_wait3A_269] : memref<40x128xf32, #tpu.memory_space<vmem>> -> memref<40x128xf32, #tpu.memory_space<vmem>>
      %dma_wait3A_271 = arith.constant 0 : i32
      %dma_wait3A_272 = tpu.memref_slice %arg8[%arg0, %add3A_206, %dma_wait3A_271] : memref<2x10000x128xf32, #tpu.memory_space<hbm>> -> memref<1x40x128xf32, #tpu.memory_space<hbm>>
      %dma_wait3A_273 = tpu.memref_squeeze %dma_wait3A_272 : memref<1x40x128xf32, #tpu.memory_space<hbm>> -> memref<40x128xf32, #tpu.memory_space<hbm>>
      %dma_wait3A_274 = arith.constant 0 : i32
      %dma_wait3A_275 = tpu.memref_slice %arg8[%arg0, %add3A_206, %dma_wait3A_274] : memref<2x10000x128xf32, #tpu.memory_space<hbm>> -> memref<1x40x128xf32, #tpu.memory_space<hbm>>
      %dma_wait3A_276 = tpu.memref_squeeze %dma_wait3A_275 : memref<1x40x128xf32, #tpu.memory_space<hbm>> -> memref<40x128xf32, #tpu.memory_space<hbm>>
      %dma_wait3A_277 = arith.constant 0 : i32
      %dma_wait3A_278 = arith.constant 0 : i32
      %dma_wait3A_279 = tpu.memref_slice %arg10[%dma_wait3A_277, %dma_wait3A_278] : memref<40x128xf32, #tpu.memory_space<vmem>> -> memref<40x128xf32, #tpu.memory_space<vmem>>
      tpu.wait_dma2 semaphore(%run_scoped3A : memref<!tpu.dma_semaphore, #tpu.memory_space<semaphore_mem>>) src(%dma_wait3A_279 : memref<40x128xf32, #tpu.memory_space<vmem>>) dst(%dma_wait3A_276 : memref<40x128xf32, #tpu.memory_space<hbm>>)
      tpu.yield
    }) : () -> ()
    %add3A_207 = arith.constant 80 : i32
    %add3A_208 = arith.addi %mul3A_0, %add3A_207 : i32
    "tpu.region"() ({
      %run_scoped3A = tpu.sem_alloc : memref<!tpu.dma_semaphore, #tpu.memory_space<semaphore_mem>>
      %dma_start3A_256 = arith.constant 0 : i32
      %dma_start3A_257 = arith.constant 0 : i32
      %dma_start3A_258 = tpu.memref_slice %arg9[%dma_start3A_256, %dma_start3A_257] : memref<40x128xf32, #tpu.memory_space<vmem>> -> memref<40x128xf32, #tpu.memory_space<vmem>>
      %dma_start3A_259 = arith.constant 0 : i32
      %dma_start3A_260 = tpu.memref_slice %arg19[%add3A_208, %dma_start3A_259] : memref<10000x128xf32, #tpu.memory_space<vmem_shared>> -> memref<40x128xf32, #tpu.memory_space<vmem_shared>>
      %dma_start3A_261 = arith.constant 0 : i32
      %dma_start3A_262 = arith.constant 0 : i32
      %dma_start3A_263 = tpu.memref_slice %arg9[%dma_start3A_261, %dma_start3A_262] : memref<40x128xf32, #tpu.memory_space<vmem>> -> memref<40x128xf32, #tpu.memory_space<vmem>>
      %dma_start3A_264 = arith.constant 0 : i32
      %dma_start3A_265 = tpu.memref_slice %arg19[%add3A_208, %dma_start3A_264] : memref<10000x128xf32, #tpu.memory_space<vmem_shared>> -> memref<40x128xf32, #tpu.memory_space<vmem_shared>>
      tpu.enqueue_dma source(%dma_start3A_265 : memref<40x128xf32, #tpu.memory_space<vmem_shared>>) target(%dma_start3A_263 : memref<40x128xf32, #tpu.memory_space<vmem>>) target_semaphore(%run_scoped3A : memref<!tpu.dma_semaphore, #tpu.memory_space<semaphore_mem>>)
      %dma_wait3A_266 = arith.constant 0 : i32
      %dma_wait3A_267 = arith.constant 0 : i32
      %dma_wait3A_268 = tpu.memref_slice %arg9[%dma_wait3A_266, %dma_wait3A_267] : memref<40x128xf32, #tpu.memory_space<vmem>> -> memref<40x128xf32, #tpu.memory_space<vmem>>
      %dma_wait3A_269 = arith.constant 0 : i32
      %dma_wait3A_270 = tpu.memref_slice %arg19[%add3A_208, %dma_wait3A_269] : memref<10000x128xf32, #tpu.memory_space<vmem_shared>> -> memref<40x128xf32, #tpu.memory_space<vmem_shared>>
      %dma_wait3A_271 = arith.constant 0 : i32
      %dma_wait3A_272 = arith.constant 0 : i32
      %dma_wait3A_273 = tpu.memref_slice %arg9[%dma_wait3A_271, %dma_wait3A_272] : memref<40x128xf32, #tpu.memory_space<vmem>> -> memref<40x128xf32, #tpu.memory_space<vmem>>
      %dma_wait3A_274 = arith.constant 0 : i32
      %dma_wait3A_275 = tpu.memref_slice %arg19[%add3A_208, %dma_wait3A_274] : memref<10000x128xf32, #tpu.memory_space<vmem_shared>> -> memref<40x128xf32, #tpu.memory_space<vmem_shared>>
      tpu.wait_dma2 semaphore(%run_scoped3A : memref<!tpu.dma_semaphore, #tpu.memory_space<semaphore_mem>>) src(%dma_wait3A_275 : memref<40x128xf32, #tpu.memory_space<vmem_shared>>) dst(%dma_wait3A_273 : memref<40x128xf32, #tpu.memory_space<vmem>>)
      tpu.yield
    }) : () -> ()
    %add3A_209 = arith.constant 40 : i32
    %add3A_210 = arith.addi %add3A_208, %add3A_209 : i32
    "tpu.region"() ({
      %run_scoped3A = tpu.sem_alloc : memref<!tpu.dma_semaphore, #tpu.memory_space<semaphore_mem>>
      %dma_start3A_256 = arith.constant 0 : i32
      %dma_start3A_257 = arith.constant 0 : i32
      %dma_start3A_258 = tpu.memref_slice %arg10[%dma_start3A_256, %dma_start3A_257] : memref<40x128xf32, #tpu.memory_space<vmem>> -> memref<40x128xf32, #tpu.memory_space<vmem>>
      %dma_start3A_259 = arith.constant 0 : i32
      %dma_start3A_260 = tpu.memref_slice %arg19[%add3A_210, %dma_start3A_259] : memref<10000x128xf32, #tpu.memory_space<vmem_shared>> -> memref<40x128xf32, #tpu.memory_space<vmem_shared>>
      %dma_start3A_261 = arith.constant 0 : i32
      %dma_start3A_262 = arith.constant 0 : i32
      %dma_start3A_263 = tpu.memref_slice %arg10[%dma_start3A_261, %dma_start3A_262] : memref<40x128xf32, #tpu.memory_space<vmem>> -> memref<40x128xf32, #tpu.memory_space<vmem>>
      %dma_start3A_264 = arith.constant 0 : i32
      %dma_start3A_265 = tpu.memref_slice %arg19[%add3A_210, %dma_start3A_264] : memref<10000x128xf32, #tpu.memory_space<vmem_shared>> -> memref<40x128xf32, #tpu.memory_space<vmem_shared>>
      tpu.enqueue_dma source(%dma_start3A_265 : memref<40x128xf32, #tpu.memory_space<vmem_shared>>) target(%dma_start3A_263 : memref<40x128xf32, #tpu.memory_space<vmem>>) target_semaphore(%run_scoped3A : memref<!tpu.dma_semaphore, #tpu.memory_space<semaphore_mem>>)
      %dma_wait3A_266 = arith.constant 0 : i32
      %dma_wait3A_267 = arith.constant 0 : i32
      %dma_wait3A_268 = tpu.memref_slice %arg10[%dma_wait3A_266, %dma_wait3A_267] : memref<40x128xf32, #tpu.memory_space<vmem>> -> memref<40x128xf32, #tpu.memory_space<vmem>>
      %dma_wait3A_269 = arith.constant 0 : i32
      %dma_wait3A_270 = tpu.memref_slice %arg19[%add3A_210, %dma_wait3A_269] : memref<10000x128xf32, #tpu.memory_space<vmem_shared>> -> memref<40x128xf32, #tpu.memory_space<vmem_shared>>
      %dma_wait3A_271 = arith.constant 0 : i32
      %dma_wait3A_272 = arith.constant 0 : i32
      %dma_wait3A_273 = tpu.memref_slice %arg10[%dma_wait3A_271, %dma_wait3A_272] : memref<40x128xf32, #tpu.memory_space<vmem>> -> memref<40x128xf32, #tpu.memory_space<vmem>>
      %dma_wait3A_274 = arith.constant 0 : i32
      %dma_wait3A_275 = tpu.memref_slice %arg19[%add3A_210, %dma_wait3A_274] : memref<10000x128xf32, #tpu.memory_space<vmem_shared>> -> memref<40x128xf32, #tpu.memory_space<vmem_shared>>
      tpu.wait_dma2 semaphore(%run_scoped3A : memref<!tpu.dma_semaphore, #tpu.memory_space<semaphore_mem>>) src(%dma_wait3A_275 : memref<40x128xf32, #tpu.memory_space<vmem_shared>>) dst(%dma_wait3A_273 : memref<40x128xf32, #tpu.memory_space<vmem>>)
      tpu.yield
    }) : () -> ()
    "tpu.region"() ({
      %run_scoped3A = tpu.sem_alloc : memref<!tpu.dma_semaphore, #tpu.memory_space<semaphore_mem>>
      %dma_start3A_256 = arith.constant 0 : i32
      %dma_start3A_257 = arith.constant 0 : i32
      %dma_start3A_258 = tpu.memref_slice %arg9[%dma_start3A_256, %dma_start3A_257] : memref<40x128xf32, #tpu.memory_space<vmem>> -> memref<40x128xf32, #tpu.memory_space<vmem>>
      %dma_start3A_259 = arith.constant 0 : i32
      %dma_start3A_260 = tpu.memref_slice %arg8[%arg0, %add3A_208, %dma_start3A_259] : memref<2x10000x128xf32, #tpu.memory_space<hbm>> -> memref<1x40x128xf32, #tpu.memory_space<hbm>>
      %dma_start3A_261 = tpu.memref_squeeze %dma_start3A_260 : memref<1x40x128xf32, #tpu.memory_space<hbm>> -> memref<40x128xf32, #tpu.memory_space<hbm>>
      %dma_start3A_262 = arith.constant 0 : i32
      %dma_start3A_263 = tpu.memref_slice %arg8[%arg0, %add3A_208, %dma_start3A_262] : memref<2x10000x128xf32, #tpu.memory_space<hbm>> -> memref<1x40x128xf32, #tpu.memory_space<hbm>>
      %dma_start3A_264 = tpu.memref_squeeze %dma_start3A_263 : memref<1x40x128xf32, #tpu.memory_space<hbm>> -> memref<40x128xf32, #tpu.memory_space<hbm>>
      %dma_start3A_265 = arith.constant 0 : i32
      %dma_start3A_266 = arith.constant 0 : i32
      %dma_start3A_267 = tpu.memref_slice %arg9[%dma_start3A_265, %dma_start3A_266] : memref<40x128xf32, #tpu.memory_space<vmem>> -> memref<40x128xf32, #tpu.memory_space<vmem>>
      tpu.enqueue_dma source(%dma_start3A_267 : memref<40x128xf32, #tpu.memory_space<vmem>>) target(%dma_start3A_264 : memref<40x128xf32, #tpu.memory_space<hbm>>) target_semaphore(%run_scoped3A : memref<!tpu.dma_semaphore, #tpu.memory_space<semaphore_mem>>)
      %dma_wait3A_268 = arith.constant 0 : i32
      %dma_wait3A_269 = arith.constant 0 : i32
      %dma_wait3A_270 = tpu.memref_slice %arg9[%dma_wait3A_268, %dma_wait3A_269] : memref<40x128xf32, #tpu.memory_space<vmem>> -> memref<40x128xf32, #tpu.memory_space<vmem>>
      %dma_wait3A_271 = arith.constant 0 : i32
      %dma_wait3A_272 = tpu.memref_slice %arg8[%arg0, %add3A_208, %dma_wait3A_271] : memref<2x10000x128xf32, #tpu.memory_space<hbm>> -> memref<1x40x128xf32, #tpu.memory_space<hbm>>
      %dma_wait3A_273 = tpu.memref_squeeze %dma_wait3A_272 : memref<1x40x128xf32, #tpu.memory_space<hbm>> -> memref<40x128xf32, #tpu.memory_space<hbm>>
      %dma_wait3A_274 = arith.constant 0 : i32
      %dma_wait3A_275 = tpu.memref_slice %arg8[%arg0, %add3A_208, %dma_wait3A_274] : memref<2x10000x128xf32, #tpu.memory_space<hbm>> -> memref<1x40x128xf32, #tpu.memory_space<hbm>>
      %dma_wait3A_276 = tpu.memref_squeeze %dma_wait3A_275 : memref<1x40x128xf32, #tpu.memory_space<hbm>> -> memref<40x128xf32, #tpu.memory_space<hbm>>
      %dma_wait3A_277 = arith.constant 0 : i32
      %dma_wait3A_278 = arith.constant 0 : i32
      %dma_wait3A_279 = tpu.memref_slice %arg9[%dma_wait3A_277, %dma_wait3A_278] : memref<40x128xf32, #tpu.memory_space<vmem>> -> memref<40x128xf32, #tpu.memory_space<vmem>>
      tpu.wait_dma2 semaphore(%run_scoped3A : memref<!tpu.dma_semaphore, #tpu.memory_space<semaphore_mem>>) src(%dma_wait3A_279 : memref<40x128xf32, #tpu.memory_space<vmem>>) dst(%dma_wait3A_276 : memref<40x128xf32, #tpu.memory_space<hbm>>)
      tpu.yield
    }) : () -> ()
    %add3A_211 = arith.constant 40 : i32
    %add3A_212 = arith.addi %add3A_208, %add3A_211 : i32
    "tpu.region"() ({
      %run_scoped3A = tpu.sem_alloc : memref<!tpu.dma_semaphore, #tpu.memory_space<semaphore_mem>>
      %dma_start3A_256 = arith.constant 0 : i32
      %dma_start3A_257 = arith.constant 0 : i32
      %dma_start3A_258 = tpu.memref_slice %arg10[%dma_start3A_256, %dma_start3A_257] : memref<40x128xf32, #tpu.memory_space<vmem>> -> memref<40x128xf32, #tpu.memory_space<vmem>>
      %dma_start3A_259 = arith.constant 0 : i32
      %dma_start3A_260 = tpu.memref_slice %arg8[%arg0, %add3A_212, %dma_start3A_259] : memref<2x10000x128xf32, #tpu.memory_space<hbm>> -> memref<1x40x128xf32, #tpu.memory_space<hbm>>
      %dma_start3A_261 = tpu.memref_squeeze %dma_start3A_260 : memref<1x40x128xf32, #tpu.memory_space<hbm>> -> memref<40x128xf32, #tpu.memory_space<hbm>>
      %dma_start3A_262 = arith.constant 0 : i32
      %dma_start3A_263 = tpu.memref_slice %arg8[%arg0, %add3A_212, %dma_start3A_262] : memref<2x10000x128xf32, #tpu.memory_space<hbm>> -> memref<1x40x128xf32, #tpu.memory_space<hbm>>
      %dma_start3A_264 = tpu.memref_squeeze %dma_start3A_263 : memref<1x40x128xf32, #tpu.memory_space<hbm>> -> memref<40x128xf32, #tpu.memory_space<hbm>>
      %dma_start3A_265 = arith.constant 0 : i32
      %dma_start3A_266 = arith.constant 0 : i32
      %dma_start3A_267 = tpu.memref_slice %arg10[%dma_start3A_265, %dma_start3A_266] : memref<40x128xf32, #tpu.memory_space<vmem>> -> memref<40x128xf32, #tpu.memory_space<vmem>>
      tpu.enqueue_dma source(%dma_start3A_267 : memref<40x128xf32, #tpu.memory_space<vmem>>) target(%dma_start3A_264 : memref<40x128xf32, #tpu.memory_space<hbm>>) target_semaphore(%run_scoped3A : memref<!tpu.dma_semaphore, #tpu.memory_space<semaphore_mem>>)
      %dma_wait3A_268 = arith.constant 0 : i32
      %dma_wait3A_269 = arith.constant 0 : i32
      %dma_wait3A_270 = tpu.memref_slice %arg10[%dma_wait3A_268, %dma_wait3A_269] : memref<40x128xf32, #tpu.memory_space<vmem>> -> memref<40x128xf32, #tpu.memory_space<vmem>>
      %dma_wait3A_271 = arith.constant 0 : i32
      %dma_wait3A_272 = tpu.memref_slice %arg8[%arg0, %add3A_212, %dma_wait3A_271] : memref<2x10000x128xf32, #tpu.memory_space<hbm>> -> memref<1x40x128xf32, #tpu.memory_space<hbm>>
      %dma_wait3A_273 = tpu.memref_squeeze %dma_wait3A_272 : memref<1x40x128xf32, #tpu.memory_space<hbm>> -> memref<40x128xf32, #tpu.memory_space<hbm>>
      %dma_wait3A_274 = arith.constant 0 : i32
      %dma_wait3A_275 = tpu.memref_slice %arg8[%arg0, %add3A_212, %dma_wait3A_274] : memref<2x10000x128xf32, #tpu.memory_space<hbm>> -> memref<1x40x128xf32, #tpu.memory_space<hbm>>
      %dma_wait3A_276 = tpu.memref_squeeze %dma_wait3A_275 : memref<1x40x128xf32, #tpu.memory_space<hbm>> -> memref<40x128xf32, #tpu.memory_space<hbm>>
      %dma_wait3A_277 = arith.constant 0 : i32
      %dma_wait3A_278 = arith.constant 0 : i32
      %dma_wait3A_279 = tpu.memref_slice %arg10[%dma_wait3A_277, %dma_wait3A_278] : memref<40x128xf32, #tpu.memory_space<vmem>> -> memref<40x128xf32, #tpu.memory_space<vmem>>
      tpu.wait_dma2 semaphore(%run_scoped3A : memref<!tpu.dma_semaphore, #tpu.memory_space<semaphore_mem>>) src(%dma_wait3A_279 : memref<40x128xf32, #tpu.memory_space<vmem>>) dst(%dma_wait3A_276 : memref<40x128xf32, #tpu.memory_space<hbm>>)
      tpu.yield
    }) : () -> ()
    %add3A_213 = arith.constant 80 : i32
    %add3A_214 = arith.addi %add3A_208, %add3A_213 : i32
    "tpu.region"() ({
      %run_scoped3A = tpu.sem_alloc : memref<!tpu.dma_semaphore, #tpu.memory_space<semaphore_mem>>
      %dma_start3A_256 = arith.constant 0 : i32
      %dma_start3A_257 = arith.constant 0 : i32
      %dma_start3A_258 = tpu.memref_slice %arg9[%dma_start3A_256, %dma_start3A_257] : memref<40x128xf32, #tpu.memory_space<vmem>> -> memref<40x128xf32, #tpu.memory_space<vmem>>
      %dma_start3A_259 = arith.constant 0 : i32
      %dma_start3A_260 = tpu.memref_slice %arg19[%add3A_214, %dma_start3A_259] : memref<10000x128xf32, #tpu.memory_space<vmem_shared>> -> memref<40x128xf32, #tpu.memory_space<vmem_shared>>
      %dma_start3A_261 = arith.constant 0 : i32
      %dma_start3A_262 = arith.constant 0 : i32
      %dma_start3A_263 = tpu.memref_slice %arg9[%dma_start3A_261, %dma_start3A_262] : memref<40x128xf32, #tpu.memory_space<vmem>> -> memref<40x128xf32, #tpu.memory_space<vmem>>
      %dma_start3A_264 = arith.constant 0 : i32
      %dma_start3A_265 = tpu.memref_slice %arg19[%add3A_214, %dma_start3A_264] : memref<10000x128xf32, #tpu.memory_space<vmem_shared>> -> memref<40x128xf32, #tpu.memory_space<vmem_shared>>
      tpu.enqueue_dma source(%dma_start3A_265 : memref<40x128xf32, #tpu.memory_space<vmem_shared>>) target(%dma_start3A_263 : memref<40x128xf32, #tpu.memory_space<vmem>>) target_semaphore(%run_scoped3A : memref<!tpu.dma_semaphore, #tpu.memory_space<semaphore_mem>>)
      %dma_wait3A_266 = arith.constant 0 : i32
      %dma_wait3A_267 = arith.constant 0 : i32
      %dma_wait3A_268 = tpu.memref_slice %arg9[%dma_wait3A_266, %dma_wait3A_267] : memref<40x128xf32, #tpu.memory_space<vmem>> -> memref<40x128xf32, #tpu.memory_space<vmem>>
      %dma_wait3A_269 = arith.constant 0 : i32
      %dma_wait3A_270 = tpu.memref_slice %arg19[%add3A_214, %dma_wait3A_269] : memref<10000x128xf32, #tpu.memory_space<vmem_shared>> -> memref<40x128xf32, #tpu.memory_space<vmem_shared>>
      %dma_wait3A_271 = arith.constant 0 : i32
      %dma_wait3A_272 = arith.constant 0 : i32
      %dma_wait3A_273 = tpu.memref_slice %arg9[%dma_wait3A_271, %dma_wait3A_272] : memref<40x128xf32, #tpu.memory_space<vmem>> -> memref<40x128xf32, #tpu.memory_space<vmem>>
      %dma_wait3A_274 = arith.constant 0 : i32
      %dma_wait3A_275 = tpu.memref_slice %arg19[%add3A_214, %dma_wait3A_274] : memref<10000x128xf32, #tpu.memory_space<vmem_shared>> -> memref<40x128xf32, #tpu.memory_space<vmem_shared>>
      tpu.wait_dma2 semaphore(%run_scoped3A : memref<!tpu.dma_semaphore, #tpu.memory_space<semaphore_mem>>) src(%dma_wait3A_275 : memref<40x128xf32, #tpu.memory_space<vmem_shared>>) dst(%dma_wait3A_273 : memref<40x128xf32, #tpu.memory_space<vmem>>)
      tpu.yield
    }) : () -> ()
    %add3A_215 = arith.constant 40 : i32
    %add3A_216 = arith.addi %add3A_214, %add3A_215 : i32
    "tpu.region"() ({
      %run_scoped3A = tpu.sem_alloc : memref<!tpu.dma_semaphore, #tpu.memory_space<semaphore_mem>>
      %dma_start3A_256 = arith.constant 0 : i32
      %dma_start3A_257 = arith.constant 0 : i32
      %dma_start3A_258 = tpu.memref_slice %arg10[%dma_start3A_256, %dma_start3A_257] : memref<40x128xf32, #tpu.memory_space<vmem>> -> memref<40x128xf32, #tpu.memory_space<vmem>>
      %dma_start3A_259 = arith.constant 0 : i32
      %dma_start3A_260 = tpu.memref_slice %arg19[%add3A_216, %dma_start3A_259] : memref<10000x128xf32, #tpu.memory_space<vmem_shared>> -> memref<40x128xf32, #tpu.memory_space<vmem_shared>>
      %dma_start3A_261 = arith.constant 0 : i32
      %dma_start3A_262 = arith.constant 0 : i32
      %dma_start3A_263 = tpu.memref_slice %arg10[%dma_start3A_261, %dma_start3A_262] : memref<40x128xf32, #tpu.memory_space<vmem>> -> memref<40x128xf32, #tpu.memory_space<vmem>>
      %dma_start3A_264 = arith.constant 0 : i32
      %dma_start3A_265 = tpu.memref_slice %arg19[%add3A_216, %dma_start3A_264] : memref<10000x128xf32, #tpu.memory_space<vmem_shared>> -> memref<40x128xf32, #tpu.memory_space<vmem_shared>>
      tpu.enqueue_dma source(%dma_start3A_265 : memref<40x128xf32, #tpu.memory_space<vmem_shared>>) target(%dma_start3A_263 : memref<40x128xf32, #tpu.memory_space<vmem>>) target_semaphore(%run_scoped3A : memref<!tpu.dma_semaphore, #tpu.memory_space<semaphore_mem>>)
      %dma_wait3A_266 = arith.constant 0 : i32
      %dma_wait3A_267 = arith.constant 0 : i32
      %dma_wait3A_268 = tpu.memref_slice %arg10[%dma_wait3A_266, %dma_wait3A_267] : memref<40x128xf32, #tpu.memory_space<vmem>> -> memref<40x128xf32, #tpu.memory_space<vmem>>
      %dma_wait3A_269 = arith.constant 0 : i32
      %dma_wait3A_270 = tpu.memref_slice %arg19[%add3A_216, %dma_wait3A_269] : memref<10000x128xf32, #tpu.memory_space<vmem_shared>> -> memref<40x128xf32, #tpu.memory_space<vmem_shared>>
      %dma_wait3A_271 = arith.constant 0 : i32
      %dma_wait3A_272 = arith.constant 0 : i32
      %dma_wait3A_273 = tpu.memref_slice %arg10[%dma_wait3A_271, %dma_wait3A_272] : memref<40x128xf32, #tpu.memory_space<vmem>> -> memref<40x128xf32, #tpu.memory_space<vmem>>
      %dma_wait3A_274 = arith.constant 0 : i32
      %dma_wait3A_275 = tpu.memref_slice %arg19[%add3A_216, %dma_wait3A_274] : memref<10000x128xf32, #tpu.memory_space<vmem_shared>> -> memref<40x128xf32, #tpu.memory_space<vmem_shared>>
      tpu.wait_dma2 semaphore(%run_scoped3A : memref<!tpu.dma_semaphore, #tpu.memory_space<semaphore_mem>>) src(%dma_wait3A_275 : memref<40x128xf32, #tpu.memory_space<vmem_shared>>) dst(%dma_wait3A_273 : memref<40x128xf32, #tpu.memory_space<vmem>>)
      tpu.yield
    }) : () -> ()
    "tpu.region"() ({
      %run_scoped3A = tpu.sem_alloc : memref<!tpu.dma_semaphore, #tpu.memory_space<semaphore_mem>>
      %dma_start3A_256 = arith.constant 0 : i32
      %dma_start3A_257 = arith.constant 0 : i32
      %dma_start3A_258 = tpu.memref_slice %arg9[%dma_start3A_256, %dma_start3A_257] : memref<40x128xf32, #tpu.memory_space<vmem>> -> memref<40x128xf32, #tpu.memory_space<vmem>>
      %dma_start3A_259 = arith.constant 0 : i32
      %dma_start3A_260 = tpu.memref_slice %arg8[%arg0, %add3A_214, %dma_start3A_259] : memref<2x10000x128xf32, #tpu.memory_space<hbm>> -> memref<1x40x128xf32, #tpu.memory_space<hbm>>
      %dma_start3A_261 = tpu.memref_squeeze %dma_start3A_260 : memref<1x40x128xf32, #tpu.memory_space<hbm>> -> memref<40x128xf32, #tpu.memory_space<hbm>>
      %dma_start3A_262 = arith.constant 0 : i32
      %dma_start3A_263 = tpu.memref_slice %arg8[%arg0, %add3A_214, %dma_start3A_262] : memref<2x10000x128xf32, #tpu.memory_space<hbm>> -> memref<1x40x128xf32, #tpu.memory_space<hbm>>
      %dma_start3A_264 = tpu.memref_squeeze %dma_start3A_263 : memref<1x40x128xf32, #tpu.memory_space<hbm>> -> memref<40x128xf32, #tpu.memory_space<hbm>>
      %dma_start3A_265 = arith.constant 0 : i32
      %dma_start3A_266 = arith.constant 0 : i32
      %dma_start3A_267 = tpu.memref_slice %arg9[%dma_start3A_265, %dma_start3A_266] : memref<40x128xf32, #tpu.memory_space<vmem>> -> memref<40x128xf32, #tpu.memory_space<vmem>>
      tpu.enqueue_dma source(%dma_start3A_267 : memref<40x128xf32, #tpu.memory_space<vmem>>) target(%dma_start3A_264 : memref<40x128xf32, #tpu.memory_space<hbm>>) target_semaphore(%run_scoped3A : memref<!tpu.dma_semaphore, #tpu.memory_space<semaphore_mem>>)
      %dma_wait3A_268 = arith.constant 0 : i32
      %dma_wait3A_269 = arith.constant 0 : i32
      %dma_wait3A_270 = tpu.memref_slice %arg9[%dma_wait3A_268, %dma_wait3A_269] : memref<40x128xf32, #tpu.memory_space<vmem>> -> memref<40x128xf32, #tpu.memory_space<vmem>>
      %dma_wait3A_271 = arith.constant 0 : i32
      %dma_wait3A_272 = tpu.memref_slice %arg8[%arg0, %add3A_214, %dma_wait3A_271] : memref<2x10000x128xf32, #tpu.memory_space<hbm>> -> memref<1x40x128xf32, #tpu.memory_space<hbm>>
      %dma_wait3A_273 = tpu.memref_squeeze %dma_wait3A_272 : memref<1x40x128xf32, #tpu.memory_space<hbm>> -> memref<40x128xf32, #tpu.memory_space<hbm>>
      %dma_wait3A_274 = arith.constant 0 : i32
      %dma_wait3A_275 = tpu.memref_slice %arg8[%arg0, %add3A_214, %dma_wait3A_274] : memref<2x10000x128xf32, #tpu.memory_space<hbm>> -> memref<1x40x128xf32, #tpu.memory_space<hbm>>
      %dma_wait3A_276 = tpu.memref_squeeze %dma_wait3A_275 : memref<1x40x128xf32, #tpu.memory_space<hbm>> -> memref<40x128xf32, #tpu.memory_space<hbm>>
      %dma_wait3A_277 = arith.constant 0 : i32
      %dma_wait3A_278 = arith.constant 0 : i32
      %dma_wait3A_279 = tpu.memref_slice %arg9[%dma_wait3A_277, %dma_wait3A_278] : memref<40x128xf32, #tpu.memory_space<vmem>> -> memref<40x128xf32, #tpu.memory_space<vmem>>
      tpu.wait_dma2 semaphore(%run_scoped3A : memref<!tpu.dma_semaphore, #tpu.memory_space<semaphore_mem>>) src(%dma_wait3A_279 : memref<40x128xf32, #tpu.memory_space<vmem>>) dst(%dma_wait3A_276 : memref<40x128xf32, #tpu.memory_space<hbm>>)
      tpu.yield
    }) : () -> ()
    %add3A_217 = arith.constant 40 : i32
    %add3A_218 = arith.addi %add3A_214, %add3A_217 : i32
    "tpu.region"() ({
      %run_scoped3A = tpu.sem_alloc : memref<!tpu.dma_semaphore, #tpu.memory_space<semaphore_mem>>
      %dma_start3A_256 = arith.constant 0 : i32
      %dma_start3A_257 = arith.constant 0 : i32
      %dma_start3A_258 = tpu.memref_slice %arg10[%dma_start3A_256, %dma_start3A_257] : memref<40x128xf32, #tpu.memory_space<vmem>> -> memref<40x128xf32, #tpu.memory_space<vmem>>
      %dma_start3A_259 = arith.constant 0 : i32
      %dma_start3A_260 = tpu.memref_slice %arg8[%arg0, %add3A_218, %dma_start3A_259] : memref<2x10000x128xf32, #tpu.memory_space<hbm>> -> memref<1x40x128xf32, #tpu.memory_space<hbm>>
      %dma_start3A_261 = tpu.memref_squeeze %dma_start3A_260 : memref<1x40x128xf32, #tpu.memory_space<hbm>> -> memref<40x128xf32, #tpu.memory_space<hbm>>
      %dma_start3A_262 = arith.constant 0 : i32
      %dma_start3A_263 = tpu.memref_slice %arg8[%arg0, %add3A_218, %dma_start3A_262] : memref<2x10000x128xf32, #tpu.memory_space<hbm>> -> memref<1x40x128xf32, #tpu.memory_space<hbm>>
      %dma_start3A_264 = tpu.memref_squeeze %dma_start3A_263 : memref<1x40x128xf32, #tpu.memory_space<hbm>> -> memref<40x128xf32, #tpu.memory_space<hbm>>
      %dma_start3A_265 = arith.constant 0 : i32
      %dma_start3A_266 = arith.constant 0 : i32
      %dma_start3A_267 = tpu.memref_slice %arg10[%dma_start3A_265, %dma_start3A_266] : memref<40x128xf32, #tpu.memory_space<vmem>> -> memref<40x128xf32, #tpu.memory_space<vmem>>
      tpu.enqueue_dma source(%dma_start3A_267 : memref<40x128xf32, #tpu.memory_space<vmem>>) target(%dma_start3A_264 : memref<40x128xf32, #tpu.memory_space<hbm>>) target_semaphore(%run_scoped3A : memref<!tpu.dma_semaphore, #tpu.memory_space<semaphore_mem>>)
      %dma_wait3A_268 = arith.constant 0 : i32
      %dma_wait3A_269 = arith.constant 0 : i32
      %dma_wait3A_270 = tpu.memref_slice %arg10[%dma_wait3A_268, %dma_wait3A_269] : memref<40x128xf32, #tpu.memory_space<vmem>> -> memref<40x128xf32, #tpu.memory_space<vmem>>
      %dma_wait3A_271 = arith.constant 0 : i32
      %dma_wait3A_272 = tpu.memref_slice %arg8[%arg0, %add3A_218, %dma_wait3A_271] : memref<2x10000x128xf32, #tpu.memory_space<hbm>> -> memref<1x40x128xf32, #tpu.memory_space<hbm>>
      %dma_wait3A_273 = tpu.memref_squeeze %dma_wait3A_272 : memref<1x40x128xf32, #tpu.memory_space<hbm>> -> memref<40x128xf32, #tpu.memory_space<hbm>>
      %dma_wait3A_274 = arith.constant 0 : i32
      %dma_wait3A_275 = tpu.memref_slice %arg8[%arg0, %add3A_218, %dma_wait3A_274] : memref<2x10000x128xf32, #tpu.memory_space<hbm>> -> memref<1x40x128xf32, #tpu.memory_space<hbm>>
      %dma_wait3A_276 = tpu.memref_squeeze %dma_wait3A_275 : memref<1x40x128xf32, #tpu.memory_space<hbm>> -> memref<40x128xf32, #tpu.memory_space<hbm>>
      %dma_wait3A_277 = arith.constant 0 : i32
      %dma_wait3A_278 = arith.constant 0 : i32
      %dma_wait3A_279 = tpu.memref_slice %arg10[%dma_wait3A_277, %dma_wait3A_278] : memref<40x128xf32, #tpu.memory_space<vmem>> -> memref<40x128xf32, #tpu.memory_space<vmem>>
      tpu.wait_dma2 semaphore(%run_scoped3A : memref<!tpu.dma_semaphore, #tpu.memory_space<semaphore_mem>>) src(%dma_wait3A_279 : memref<40x128xf32, #tpu.memory_space<vmem>>) dst(%dma_wait3A_276 : memref<40x128xf32, #tpu.memory_space<hbm>>)
      tpu.yield
    }) : () -> ()
    %add3A_219 = arith.constant 80 : i32
    %add3A_220 = arith.addi %add3A_214, %add3A_219 : i32
    "tpu.region"() ({
      %run_scoped3A = tpu.sem_alloc : memref<!tpu.dma_semaphore, #tpu.memory_space<semaphore_mem>>
      %dma_start3A_256 = arith.constant 0 : i32
      %dma_start3A_257 = arith.constant 0 : i32
      %dma_start3A_258 = tpu.memref_slice %arg9[%dma_start3A_256, %dma_start3A_257] : memref<40x128xf32, #tpu.memory_space<vmem>> -> memref<40x128xf32, #tpu.memory_space<vmem>>
      %dma_start3A_259 = arith.constant 0 : i32
      %dma_start3A_260 = tpu.memref_slice %arg19[%add3A_220, %dma_start3A_259] : memref<10000x128xf32, #tpu.memory_space<vmem_shared>> -> memref<40x128xf32, #tpu.memory_space<vmem_shared>>
      %dma_start3A_261 = arith.constant 0 : i32
      %dma_start3A_262 = arith.constant 0 : i32
      %dma_start3A_263 = tpu.memref_slice %arg9[%dma_start3A_261, %dma_start3A_262] : memref<40x128xf32, #tpu.memory_space<vmem>> -> memref<40x128xf32, #tpu.memory_space<vmem>>
      %dma_start3A_264 = arith.constant 0 : i32
      %dma_start3A_265 = tpu.memref_slice %arg19[%add3A_220, %dma_start3A_264] : memref<10000x128xf32, #tpu.memory_space<vmem_shared>> -> memref<40x128xf32, #tpu.memory_space<vmem_shared>>
      tpu.enqueue_dma source(%dma_start3A_265 : memref<40x128xf32, #tpu.memory_space<vmem_shared>>) target(%dma_start3A_263 : memref<40x128xf32, #tpu.memory_space<vmem>>) target_semaphore(%run_scoped3A : memref<!tpu.dma_semaphore, #tpu.memory_space<semaphore_mem>>)
      %dma_wait3A_266 = arith.constant 0 : i32
      %dma_wait3A_267 = arith.constant 0 : i32
      %dma_wait3A_268 = tpu.memref_slice %arg9[%dma_wait3A_266, %dma_wait3A_267] : memref<40x128xf32, #tpu.memory_space<vmem>> -> memref<40x128xf32, #tpu.memory_space<vmem>>
      %dma_wait3A_269 = arith.constant 0 : i32
      %dma_wait3A_270 = tpu.memref_slice %arg19[%add3A_220, %dma_wait3A_269] : memref<10000x128xf32, #tpu.memory_space<vmem_shared>> -> memref<40x128xf32, #tpu.memory_space<vmem_shared>>
      %dma_wait3A_271 = arith.constant 0 : i32
      %dma_wait3A_272 = arith.constant 0 : i32
      %dma_wait3A_273 = tpu.memref_slice %arg9[%dma_wait3A_271, %dma_wait3A_272] : memref<40x128xf32, #tpu.memory_space<vmem>> -> memref<40x128xf32, #tpu.memory_space<vmem>>
      %dma_wait3A_274 = arith.constant 0 : i32
      %dma_wait3A_275 = tpu.memref_slice %arg19[%add3A_220, %dma_wait3A_274] : memref<10000x128xf32, #tpu.memory_space<vmem_shared>> -> memref<40x128xf32, #tpu.memory_space<vmem_shared>>
      tpu.wait_dma2 semaphore(%run_scoped3A : memref<!tpu.dma_semaphore, #tpu.memory_space<semaphore_mem>>) src(%dma_wait3A_275 : memref<40x128xf32, #tpu.memory_space<vmem_shared>>) dst(%dma_wait3A_273 : memref<40x128xf32, #tpu.memory_space<vmem>>)
      tpu.yield
    }) : () -> ()
    %add3A_221 = arith.constant 40 : i32
    %add3A_222 = arith.addi %add3A_220, %add3A_221 : i32
    "tpu.region"() ({
      %run_scoped3A = tpu.sem_alloc : memref<!tpu.dma_semaphore, #tpu.memory_space<semaphore_mem>>
      %dma_start3A_256 = arith.constant 0 : i32
      %dma_start3A_257 = arith.constant 0 : i32
      %dma_start3A_258 = tpu.memref_slice %arg10[%dma_start3A_256, %dma_start3A_257] : memref<40x128xf32, #tpu.memory_space<vmem>> -> memref<40x128xf32, #tpu.memory_space<vmem>>
      %dma_start3A_259 = arith.constant 0 : i32
      %dma_start3A_260 = tpu.memref_slice %arg19[%add3A_222, %dma_start3A_259] : memref<10000x128xf32, #tpu.memory_space<vmem_shared>> -> memref<40x128xf32, #tpu.memory_space<vmem_shared>>
      %dma_start3A_261 = arith.constant 0 : i32
      %dma_start3A_262 = arith.constant 0 : i32
      %dma_start3A_263 = tpu.memref_slice %arg10[%dma_start3A_261, %dma_start3A_262] : memref<40x128xf32, #tpu.memory_space<vmem>> -> memref<40x128xf32, #tpu.memory_space<vmem>>
      %dma_start3A_264 = arith.constant 0 : i32
      %dma_start3A_265 = tpu.memref_slice %arg19[%add3A_222, %dma_start3A_264] : memref<10000x128xf32, #tpu.memory_space<vmem_shared>> -> memref<40x128xf32, #tpu.memory_space<vmem_shared>>
      tpu.enqueue_dma source(%dma_start3A_265 : memref<40x128xf32, #tpu.memory_space<vmem_shared>>) target(%dma_start3A_263 : memref<40x128xf32, #tpu.memory_space<vmem>>) target_semaphore(%run_scoped3A : memref<!tpu.dma_semaphore, #tpu.memory_space<semaphore_mem>>)
      %dma_wait3A_266 = arith.constant 0 : i32
      %dma_wait3A_267 = arith.constant 0 : i32
      %dma_wait3A_268 = tpu.memref_slice %arg10[%dma_wait3A_266, %dma_wait3A_267] : memref<40x128xf32, #tpu.memory_space<vmem>> -> memref<40x128xf32, #tpu.memory_space<vmem>>
      %dma_wait3A_269 = arith.constant 0 : i32
      %dma_wait3A_270 = tpu.memref_slice %arg19[%add3A_222, %dma_wait3A_269] : memref<10000x128xf32, #tpu.memory_space<vmem_shared>> -> memref<40x128xf32, #tpu.memory_space<vmem_shared>>
      %dma_wait3A_271 = arith.constant 0 : i32
      %dma_wait3A_272 = arith.constant 0 : i32
      %dma_wait3A_273 = tpu.memref_slice %arg10[%dma_wait3A_271, %dma_wait3A_272] : memref<40x128xf32, #tpu.memory_space<vmem>> -> memref<40x128xf32, #tpu.memory_space<vmem>>
      %dma_wait3A_274 = arith.constant 0 : i32
      %dma_wait3A_275 = tpu.memref_slice %arg19[%add3A_222, %dma_wait3A_274] : memref<10000x128xf32, #tpu.memory_space<vmem_shared>> -> memref<40x128xf32, #tpu.memory_space<vmem_shared>>
      tpu.wait_dma2 semaphore(%run_scoped3A : memref<!tpu.dma_semaphore, #tpu.memory_space<semaphore_mem>>) src(%dma_wait3A_275 : memref<40x128xf32, #tpu.memory_space<vmem_shared>>) dst(%dma_wait3A_273 : memref<40x128xf32, #tpu.memory_space<vmem>>)
      tpu.yield
    }) : () -> ()
    "tpu.region"() ({
      %run_scoped3A = tpu.sem_alloc : memref<!tpu.dma_semaphore, #tpu.memory_space<semaphore_mem>>
      %dma_start3A_256 = arith.constant 0 : i32
      %dma_start3A_257 = arith.constant 0 : i32
      %dma_start3A_258 = tpu.memref_slice %arg9[%dma_start3A_256, %dma_start3A_257] : memref<40x128xf32, #tpu.memory_space<vmem>> -> memref<40x128xf32, #tpu.memory_space<vmem>>
      %dma_start3A_259 = arith.constant 0 : i32
      %dma_start3A_260 = tpu.memref_slice %arg8[%arg0, %add3A_220, %dma_start3A_259] : memref<2x10000x128xf32, #tpu.memory_space<hbm>> -> memref<1x40x128xf32, #tpu.memory_space<hbm>>
      %dma_start3A_261 = tpu.memref_squeeze %dma_start3A_260 : memref<1x40x128xf32, #tpu.memory_space<hbm>> -> memref<40x128xf32, #tpu.memory_space<hbm>>
      %dma_start3A_262 = arith.constant 0 : i32
      %dma_start3A_263 = tpu.memref_slice %arg8[%arg0, %add3A_220, %dma_start3A_262] : memref<2x10000x128xf32, #tpu.memory_space<hbm>> -> memref<1x40x128xf32, #tpu.memory_space<hbm>>
      %dma_start3A_264 = tpu.memref_squeeze %dma_start3A_263 : memref<1x40x128xf32, #tpu.memory_space<hbm>> -> memref<40x128xf32, #tpu.memory_space<hbm>>
      %dma_start3A_265 = arith.constant 0 : i32
      %dma_start3A_266 = arith.constant 0 : i32
      %dma_start3A_267 = tpu.memref_slice %arg9[%dma_start3A_265, %dma_start3A_266] : memref<40x128xf32, #tpu.memory_space<vmem>> -> memref<40x128xf32, #tpu.memory_space<vmem>>
      tpu.enqueue_dma source(%dma_start3A_267 : memref<40x128xf32, #tpu.memory_space<vmem>>) target(%dma_start3A_264 : memref<40x128xf32, #tpu.memory_space<hbm>>) target_semaphore(%run_scoped3A : memref<!tpu.dma_semaphore, #tpu.memory_space<semaphore_mem>>)
      %dma_wait3A_268 = arith.constant 0 : i32
      %dma_wait3A_269 = arith.constant 0 : i32
      %dma_wait3A_270 = tpu.memref_slice %arg9[%dma_wait3A_268, %dma_wait3A_269] : memref<40x128xf32, #tpu.memory_space<vmem>> -> memref<40x128xf32, #tpu.memory_space<vmem>>
      %dma_wait3A_271 = arith.constant 0 : i32
      %dma_wait3A_272 = tpu.memref_slice %arg8[%arg0, %add3A_220, %dma_wait3A_271] : memref<2x10000x128xf32, #tpu.memory_space<hbm>> -> memref<1x40x128xf32, #tpu.memory_space<hbm>>
      %dma_wait3A_273 = tpu.memref_squeeze %dma_wait3A_272 : memref<1x40x128xf32, #tpu.memory_space<hbm>> -> memref<40x128xf32, #tpu.memory_space<hbm>>
      %dma_wait3A_274 = arith.constant 0 : i32
      %dma_wait3A_275 = tpu.memref_slice %arg8[%arg0, %add3A_220, %dma_wait3A_274] : memref<2x10000x128xf32, #tpu.memory_space<hbm>> -> memref<1x40x128xf32, #tpu.memory_space<hbm>>
      %dma_wait3A_276 = tpu.memref_squeeze %dma_wait3A_275 : memref<1x40x128xf32, #tpu.memory_space<hbm>> -> memref<40x128xf32, #tpu.memory_space<hbm>>
      %dma_wait3A_277 = arith.constant 0 : i32
      %dma_wait3A_278 = arith.constant 0 : i32
      %dma_wait3A_279 = tpu.memref_slice %arg9[%dma_wait3A_277, %dma_wait3A_278] : memref<40x128xf32, #tpu.memory_space<vmem>> -> memref<40x128xf32, #tpu.memory_space<vmem>>
      tpu.wait_dma2 semaphore(%run_scoped3A : memref<!tpu.dma_semaphore, #tpu.memory_space<semaphore_mem>>) src(%dma_wait3A_279 : memref<40x128xf32, #tpu.memory_space<vmem>>) dst(%dma_wait3A_276 : memref<40x128xf32, #tpu.memory_space<hbm>>)
      tpu.yield
    }) : () -> ()
    %add3A_223 = arith.constant 40 : i32
    %add3A_224 = arith.addi %add3A_220, %add3A_223 : i32
    "tpu.region"() ({
      %run_scoped3A = tpu.sem_alloc : memref<!tpu.dma_semaphore, #tpu.memory_space<semaphore_mem>>
      %dma_start3A_256 = arith.constant 0 : i32
      %dma_start3A_257 = arith.constant 0 : i32
      %dma_start3A_258 = tpu.memref_slice %arg10[%dma_start3A_256, %dma_start3A_257] : memref<40x128xf32, #tpu.memory_space<vmem>> -> memref<40x128xf32, #tpu.memory_space<vmem>>
      %dma_start3A_259 = arith.constant 0 : i32
      %dma_start3A_260 = tpu.memref_slice %arg8[%arg0, %add3A_224, %dma_start3A_259] : memref<2x10000x128xf32, #tpu.memory_space<hbm>> -> memref<1x40x128xf32, #tpu.memory_space<hbm>>
      %dma_start3A_261 = tpu.memref_squeeze %dma_start3A_260 : memref<1x40x128xf32, #tpu.memory_space<hbm>> -> memref<40x128xf32, #tpu.memory_space<hbm>>
      %dma_start3A_262 = arith.constant 0 : i32
      %dma_start3A_263 = tpu.memref_slice %arg8[%arg0, %add3A_224, %dma_start3A_262] : memref<2x10000x128xf32, #tpu.memory_space<hbm>> -> memref<1x40x128xf32, #tpu.memory_space<hbm>>
      %dma_start3A_264 = tpu.memref_squeeze %dma_start3A_263 : memref<1x40x128xf32, #tpu.memory_space<hbm>> -> memref<40x128xf32, #tpu.memory_space<hbm>>
      %dma_start3A_265 = arith.constant 0 : i32
      %dma_start3A_266 = arith.constant 0 : i32
      %dma_start3A_267 = tpu.memref_slice %arg10[%dma_start3A_265, %dma_start3A_266] : memref<40x128xf32, #tpu.memory_space<vmem>> -> memref<40x128xf32, #tpu.memory_space<vmem>>
      tpu.enqueue_dma source(%dma_start3A_267 : memref<40x128xf32, #tpu.memory_space<vmem>>) target(%dma_start3A_264 : memref<40x128xf32, #tpu.memory_space<hbm>>) target_semaphore(%run_scoped3A : memref<!tpu.dma_semaphore, #tpu.memory_space<semaphore_mem>>)
      %dma_wait3A_268 = arith.constant 0 : i32
      %dma_wait3A_269 = arith.constant 0 : i32
      %dma_wait3A_270 = tpu.memref_slice %arg10[%dma_wait3A_268, %dma_wait3A_269] : memref<40x128xf32, #tpu.memory_space<vmem>> -> memref<40x128xf32, #tpu.memory_space<vmem>>
      %dma_wait3A_271 = arith.constant 0 : i32
      %dma_wait3A_272 = tpu.memref_slice %arg8[%arg0, %add3A_224, %dma_wait3A_271] : memref<2x10000x128xf32, #tpu.memory_space<hbm>> -> memref<1x40x128xf32, #tpu.memory_space<hbm>>
      %dma_wait3A_273 = tpu.memref_squeeze %dma_wait3A_272 : memref<1x40x128xf32, #tpu.memory_space<hbm>> -> memref<40x128xf32, #tpu.memory_space<hbm>>
      %dma_wait3A_274 = arith.constant 0 : i32
      %dma_wait3A_275 = tpu.memref_slice %arg8[%arg0, %add3A_224, %dma_wait3A_274] : memref<2x10000x128xf32, #tpu.memory_space<hbm>> -> memref<1x40x128xf32, #tpu.memory_space<hbm>>
      %dma_wait3A_276 = tpu.memref_squeeze %dma_wait3A_275 : memref<1x40x128xf32, #tpu.memory_space<hbm>> -> memref<40x128xf32, #tpu.memory_space<hbm>>
      %dma_wait3A_277 = arith.constant 0 : i32
      %dma_wait3A_278 = arith.constant 0 : i32
      %dma_wait3A_279 = tpu.memref_slice %arg10[%dma_wait3A_277, %dma_wait3A_278] : memref<40x128xf32, #tpu.memory_space<vmem>> -> memref<40x128xf32, #tpu.memory_space<vmem>>
      tpu.wait_dma2 semaphore(%run_scoped3A : memref<!tpu.dma_semaphore, #tpu.memory_space<semaphore_mem>>) src(%dma_wait3A_279 : memref<40x128xf32, #tpu.memory_space<vmem>>) dst(%dma_wait3A_276 : memref<40x128xf32, #tpu.memory_space<hbm>>)
      tpu.yield
    }) : () -> ()
    %add3A_225 = arith.constant 80 : i32
    %add3A_226 = arith.addi %add3A_220, %add3A_225 : i32
    "tpu.region"() ({
      %run_scoped3A = tpu.sem_alloc : memref<!tpu.dma_semaphore, #tpu.memory_space<semaphore_mem>>
      %dma_start3A_256 = arith.constant 0 : i32
      %dma_start3A_257 = arith.constant 0 : i32
      %dma_start3A_258 = tpu.memref_slice %arg9[%dma_start3A_256, %dma_start3A_257] : memref<40x128xf32, #tpu.memory_space<vmem>> -> memref<40x128xf32, #tpu.memory_space<vmem>>
      %dma_start3A_259 = arith.constant 0 : i32
      %dma_start3A_260 = tpu.memref_slice %arg19[%add3A_226, %dma_start3A_259] : memref<10000x128xf32, #tpu.memory_space<vmem_shared>> -> memref<40x128xf32, #tpu.memory_space<vmem_shared>>
      %dma_start3A_261 = arith.constant 0 : i32
      %dma_start3A_262 = arith.constant 0 : i32
      %dma_start3A_263 = tpu.memref_slice %arg9[%dma_start3A_261, %dma_start3A_262] : memref<40x128xf32, #tpu.memory_space<vmem>> -> memref<40x128xf32, #tpu.memory_space<vmem>>
      %dma_start3A_264 = arith.constant 0 : i32
      %dma_start3A_265 = tpu.memref_slice %arg19[%add3A_226, %dma_start3A_264] : memref<10000x128xf32, #tpu.memory_space<vmem_shared>> -> memref<40x128xf32, #tpu.memory_space<vmem_shared>>
      tpu.enqueue_dma source(%dma_start3A_265 : memref<40x128xf32, #tpu.memory_space<vmem_shared>>) target(%dma_start3A_263 : memref<40x128xf32, #tpu.memory_space<vmem>>) target_semaphore(%run_scoped3A : memref<!tpu.dma_semaphore, #tpu.memory_space<semaphore_mem>>)
      %dma_wait3A_266 = arith.constant 0 : i32
      %dma_wait3A_267 = arith.constant 0 : i32
      %dma_wait3A_268 = tpu.memref_slice %arg9[%dma_wait3A_266, %dma_wait3A_267] : memref<40x128xf32, #tpu.memory_space<vmem>> -> memref<40x128xf32, #tpu.memory_space<vmem>>
      %dma_wait3A_269 = arith.constant 0 : i32
      %dma_wait3A_270 = tpu.memref_slice %arg19[%add3A_226, %dma_wait3A_269] : memref<10000x128xf32, #tpu.memory_space<vmem_shared>> -> memref<40x128xf32, #tpu.memory_space<vmem_shared>>
      %dma_wait3A_271 = arith.constant 0 : i32
      %dma_wait3A_272 = arith.constant 0 : i32
      %dma_wait3A_273 = tpu.memref_slice %arg9[%dma_wait3A_271, %dma_wait3A_272] : memref<40x128xf32, #tpu.memory_space<vmem>> -> memref<40x128xf32, #tpu.memory_space<vmem>>
      %dma_wait3A_274 = arith.constant 0 : i32
      %dma_wait3A_275 = tpu.memref_slice %arg19[%add3A_226, %dma_wait3A_274] : memref<10000x128xf32, #tpu.memory_space<vmem_shared>> -> memref<40x128xf32, #tpu.memory_space<vmem_shared>>
      tpu.wait_dma2 semaphore(%run_scoped3A : memref<!tpu.dma_semaphore, #tpu.memory_space<semaphore_mem>>) src(%dma_wait3A_275 : memref<40x128xf32, #tpu.memory_space<vmem_shared>>) dst(%dma_wait3A_273 : memref<40x128xf32, #tpu.memory_space<vmem>>)
      tpu.yield
    }) : () -> ()
    %add3A_227 = arith.constant 40 : i32
    %add3A_228 = arith.addi %add3A_226, %add3A_227 : i32
    "tpu.region"() ({
      %run_scoped3A = tpu.sem_alloc : memref<!tpu.dma_semaphore, #tpu.memory_space<semaphore_mem>>
      %dma_start3A_256 = arith.constant 0 : i32
      %dma_start3A_257 = arith.constant 0 : i32
      %dma_start3A_258 = tpu.memref_slice %arg10[%dma_start3A_256, %dma_start3A_257] : memref<40x128xf32, #tpu.memory_space<vmem>> -> memref<40x128xf32, #tpu.memory_space<vmem>>
      %dma_start3A_259 = arith.constant 0 : i32
      %dma_start3A_260 = tpu.memref_slice %arg19[%add3A_228, %dma_start3A_259] : memref<10000x128xf32, #tpu.memory_space<vmem_shared>> -> memref<40x128xf32, #tpu.memory_space<vmem_shared>>
      %dma_start3A_261 = arith.constant 0 : i32
      %dma_start3A_262 = arith.constant 0 : i32
      %dma_start3A_263 = tpu.memref_slice %arg10[%dma_start3A_261, %dma_start3A_262] : memref<40x128xf32, #tpu.memory_space<vmem>> -> memref<40x128xf32, #tpu.memory_space<vmem>>
      %dma_start3A_264 = arith.constant 0 : i32
      %dma_start3A_265 = tpu.memref_slice %arg19[%add3A_228, %dma_start3A_264] : memref<10000x128xf32, #tpu.memory_space<vmem_shared>> -> memref<40x128xf32, #tpu.memory_space<vmem_shared>>
      tpu.enqueue_dma source(%dma_start3A_265 : memref<40x128xf32, #tpu.memory_space<vmem_shared>>) target(%dma_start3A_263 : memref<40x128xf32, #tpu.memory_space<vmem>>) target_semaphore(%run_scoped3A : memref<!tpu.dma_semaphore, #tpu.memory_space<semaphore_mem>>)
      %dma_wait3A_266 = arith.constant 0 : i32
      %dma_wait3A_267 = arith.constant 0 : i32
      %dma_wait3A_268 = tpu.memref_slice %arg10[%dma_wait3A_266, %dma_wait3A_267] : memref<40x128xf32, #tpu.memory_space<vmem>> -> memref<40x128xf32, #tpu.memory_space<vmem>>
      %dma_wait3A_269 = arith.constant 0 : i32
      %dma_wait3A_270 = tpu.memref_slice %arg19[%add3A_228, %dma_wait3A_269] : memref<10000x128xf32, #tpu.memory_space<vmem_shared>> -> memref<40x128xf32, #tpu.memory_space<vmem_shared>>
      %dma_wait3A_271 = arith.constant 0 : i32
      %dma_wait3A_272 = arith.constant 0 : i32
      %dma_wait3A_273 = tpu.memref_slice %arg10[%dma_wait3A_271, %dma_wait3A_272] : memref<40x128xf32, #tpu.memory_space<vmem>> -> memref<40x128xf32, #tpu.memory_space<vmem>>
      %dma_wait3A_274 = arith.constant 0 : i32
      %dma_wait3A_275 = tpu.memref_slice %arg19[%add3A_228, %dma_wait3A_274] : memref<10000x128xf32, #tpu.memory_space<vmem_shared>> -> memref<40x128xf32, #tpu.memory_space<vmem_shared>>
      tpu.wait_dma2 semaphore(%run_scoped3A : memref<!tpu.dma_semaphore, #tpu.memory_space<semaphore_mem>>) src(%dma_wait3A_275 : memref<40x128xf32, #tpu.memory_space<vmem_shared>>) dst(%dma_wait3A_273 : memref<40x128xf32, #tpu.memory_space<vmem>>)
      tpu.yield
    }) : () -> ()
    "tpu.region"() ({
      %run_scoped3A = tpu.sem_alloc : memref<!tpu.dma_semaphore, #tpu.memory_space<semaphore_mem>>
      %dma_start3A_256 = arith.constant 0 : i32
      %dma_start3A_257 = arith.constant 0 : i32
      %dma_start3A_258 = tpu.memref_slice %arg9[%dma_start3A_256, %dma_start3A_257] : memref<40x128xf32, #tpu.memory_space<vmem>> -> memref<40x128xf32, #tpu.memory_space<vmem>>
      %dma_start3A_259 = arith.constant 0 : i32
      %dma_start3A_260 = tpu.memref_slice %arg8[%arg0, %add3A_226, %dma_start3A_259] : memref<2x10000x128xf32, #tpu.memory_space<hbm>> -> memref<1x40x128xf32, #tpu.memory_space<hbm>>
      %dma_start3A_261 = tpu.memref_squeeze %dma_start3A_260 : memref<1x40x128xf32, #tpu.memory_space<hbm>> -> memref<40x128xf32, #tpu.memory_space<hbm>>
      %dma_start3A_262 = arith.constant 0 : i32
      %dma_start3A_263 = tpu.memref_slice %arg8[%arg0, %add3A_226, %dma_start3A_262] : memref<2x10000x128xf32, #tpu.memory_space<hbm>> -> memref<1x40x128xf32, #tpu.memory_space<hbm>>
      %dma_start3A_264 = tpu.memref_squeeze %dma_start3A_263 : memref<1x40x128xf32, #tpu.memory_space<hbm>> -> memref<40x128xf32, #tpu.memory_space<hbm>>
      %dma_start3A_265 = arith.constant 0 : i32
      %dma_start3A_266 = arith.constant 0 : i32
      %dma_start3A_267 = tpu.memref_slice %arg9[%dma_start3A_265, %dma_start3A_266] : memref<40x128xf32, #tpu.memory_space<vmem>> -> memref<40x128xf32, #tpu.memory_space<vmem>>
      tpu.enqueue_dma source(%dma_start3A_267 : memref<40x128xf32, #tpu.memory_space<vmem>>) target(%dma_start3A_264 : memref<40x128xf32, #tpu.memory_space<hbm>>) target_semaphore(%run_scoped3A : memref<!tpu.dma_semaphore, #tpu.memory_space<semaphore_mem>>)
      %dma_wait3A_268 = arith.constant 0 : i32
      %dma_wait3A_269 = arith.constant 0 : i32
      %dma_wait3A_270 = tpu.memref_slice %arg9[%dma_wait3A_268, %dma_wait3A_269] : memref<40x128xf32, #tpu.memory_space<vmem>> -> memref<40x128xf32, #tpu.memory_space<vmem>>
      %dma_wait3A_271 = arith.constant 0 : i32
      %dma_wait3A_272 = tpu.memref_slice %arg8[%arg0, %add3A_226, %dma_wait3A_271] : memref<2x10000x128xf32, #tpu.memory_space<hbm>> -> memref<1x40x128xf32, #tpu.memory_space<hbm>>
      %dma_wait3A_273 = tpu.memref_squeeze %dma_wait3A_272 : memref<1x40x128xf32, #tpu.memory_space<hbm>> -> memref<40x128xf32, #tpu.memory_space<hbm>>
      %dma_wait3A_274 = arith.constant 0 : i32
      %dma_wait3A_275 = tpu.memref_slice %arg8[%arg0, %add3A_226, %dma_wait3A_274] : memref<2x10000x128xf32, #tpu.memory_space<hbm>> -> memref<1x40x128xf32, #tpu.memory_space<hbm>>
      %dma_wait3A_276 = tpu.memref_squeeze %dma_wait3A_275 : memref<1x40x128xf32, #tpu.memory_space<hbm>> -> memref<40x128xf32, #tpu.memory_space<hbm>>
      %dma_wait3A_277 = arith.constant 0 : i32
      %dma_wait3A_278 = arith.constant 0 : i32
      %dma_wait3A_279 = tpu.memref_slice %arg9[%dma_wait3A_277, %dma_wait3A_278] : memref<40x128xf32, #tpu.memory_space<vmem>> -> memref<40x128xf32, #tpu.memory_space<vmem>>
      tpu.wait_dma2 semaphore(%run_scoped3A : memref<!tpu.dma_semaphore, #tpu.memory_space<semaphore_mem>>) src(%dma_wait3A_279 : memref<40x128xf32, #tpu.memory_space<vmem>>) dst(%dma_wait3A_276 : memref<40x128xf32, #tpu.memory_space<hbm>>)
      tpu.yield
    }) : () -> ()
    %add3A_229 = arith.constant 40 : i32
    %add3A_230 = arith.addi %add3A_226, %add3A_229 : i32
    "tpu.region"() ({
      %run_scoped3A = tpu.sem_alloc : memref<!tpu.dma_semaphore, #tpu.memory_space<semaphore_mem>>
      %dma_start3A_256 = arith.constant 0 : i32
      %dma_start3A_257 = arith.constant 0 : i32
      %dma_start3A_258 = tpu.memref_slice %arg10[%dma_start3A_256, %dma_start3A_257] : memref<40x128xf32, #tpu.memory_space<vmem>> -> memref<40x128xf32, #tpu.memory_space<vmem>>
      %dma_start3A_259 = arith.constant 0 : i32
      %dma_start3A_260 = tpu.memref_slice %arg8[%arg0, %add3A_230, %dma_start3A_259] : memref<2x10000x128xf32, #tpu.memory_space<hbm>> -> memref<1x40x128xf32, #tpu.memory_space<hbm>>
      %dma_start3A_261 = tpu.memref_squeeze %dma_start3A_260 : memref<1x40x128xf32, #tpu.memory_space<hbm>> -> memref<40x128xf32, #tpu.memory_space<hbm>>
      %dma_start3A_262 = arith.constant 0 : i32
      %dma_start3A_263 = tpu.memref_slice %arg8[%arg0, %add3A_230, %dma_start3A_262] : memref<2x10000x128xf32, #tpu.memory_space<hbm>> -> memref<1x40x128xf32, #tpu.memory_space<hbm>>
      %dma_start3A_264 = tpu.memref_squeeze %dma_start3A_263 : memref<1x40x128xf32, #tpu.memory_space<hbm>> -> memref<40x128xf32, #tpu.memory_space<hbm>>
      %dma_start3A_265 = arith.constant 0 : i32
      %dma_start3A_266 = arith.constant 0 : i32
      %dma_start3A_267 = tpu.memref_slice %arg10[%dma_start3A_265, %dma_start3A_266] : memref<40x128xf32, #tpu.memory_space<vmem>> -> memref<40x128xf32, #tpu.memory_space<vmem>>
      tpu.enqueue_dma source(%dma_start3A_267 : memref<40x128xf32, #tpu.memory_space<vmem>>) target(%dma_start3A_264 : memref<40x128xf32, #tpu.memory_space<hbm>>) target_semaphore(%run_scoped3A : memref<!tpu.dma_semaphore, #tpu.memory_space<semaphore_mem>>)
      %dma_wait3A_268 = arith.constant 0 : i32
      %dma_wait3A_269 = arith.constant 0 : i32
      %dma_wait3A_270 = tpu.memref_slice %arg10[%dma_wait3A_268, %dma_wait3A_269] : memref<40x128xf32, #tpu.memory_space<vmem>> -> memref<40x128xf32, #tpu.memory_space<vmem>>
      %dma_wait3A_271 = arith.constant 0 : i32
      %dma_wait3A_272 = tpu.memref_slice %arg8[%arg0, %add3A_230, %dma_wait3A_271] : memref<2x10000x128xf32, #tpu.memory_space<hbm>> -> memref<1x40x128xf32, #tpu.memory_space<hbm>>
      %dma_wait3A_273 = tpu.memref_squeeze %dma_wait3A_272 : memref<1x40x128xf32, #tpu.memory_space<hbm>> -> memref<40x128xf32, #tpu.memory_space<hbm>>
      %dma_wait3A_274 = arith.constant 0 : i32
      %dma_wait3A_275 = tpu.memref_slice %arg8[%arg0, %add3A_230, %dma_wait3A_274] : memref<2x10000x128xf32, #tpu.memory_space<hbm>> -> memref<1x40x128xf32, #tpu.memory_space<hbm>>
      %dma_wait3A_276 = tpu.memref_squeeze %dma_wait3A_275 : memref<1x40x128xf32, #tpu.memory_space<hbm>> -> memref<40x128xf32, #tpu.memory_space<hbm>>
      %dma_wait3A_277 = arith.constant 0 : i32
      %dma_wait3A_278 = arith.constant 0 : i32
      %dma_wait3A_279 = tpu.memref_slice %arg10[%dma_wait3A_277, %dma_wait3A_278] : memref<40x128xf32, #tpu.memory_space<vmem>> -> memref<40x128xf32, #tpu.memory_space<vmem>>
      tpu.wait_dma2 semaphore(%run_scoped3A : memref<!tpu.dma_semaphore, #tpu.memory_space<semaphore_mem>>) src(%dma_wait3A_279 : memref<40x128xf32, #tpu.memory_space<vmem>>) dst(%dma_wait3A_276 : memref<40x128xf32, #tpu.memory_space<hbm>>)
      tpu.yield
    }) : () -> ()
    %add3A_231 = arith.constant 80 : i32
    %add3A_232 = arith.addi %add3A_226, %add3A_231 : i32
    "tpu.region"() ({
      %run_scoped3A = tpu.sem_alloc : memref<!tpu.dma_semaphore, #tpu.memory_space<semaphore_mem>>
      %dma_start3A_256 = arith.constant 0 : i32
      %dma_start3A_257 = arith.constant 0 : i32
      %dma_start3A_258 = tpu.memref_slice %arg9[%dma_start3A_256, %dma_start3A_257] : memref<40x128xf32, #tpu.memory_space<vmem>> -> memref<40x128xf32, #tpu.memory_space<vmem>>
      %dma_start3A_259 = arith.constant 0 : i32
      %dma_start3A_260 = tpu.memref_slice %arg19[%add3A_232, %dma_start3A_259] : memref<10000x128xf32, #tpu.memory_space<vmem_shared>> -> memref<40x128xf32, #tpu.memory_space<vmem_shared>>
      %dma_start3A_261 = arith.constant 0 : i32
      %dma_start3A_262 = arith.constant 0 : i32
      %dma_start3A_263 = tpu.memref_slice %arg9[%dma_start3A_261, %dma_start3A_262] : memref<40x128xf32, #tpu.memory_space<vmem>> -> memref<40x128xf32, #tpu.memory_space<vmem>>
      %dma_start3A_264 = arith.constant 0 : i32
      %dma_start3A_265 = tpu.memref_slice %arg19[%add3A_232, %dma_start3A_264] : memref<10000x128xf32, #tpu.memory_space<vmem_shared>> -> memref<40x128xf32, #tpu.memory_space<vmem_shared>>
      tpu.enqueue_dma source(%dma_start3A_265 : memref<40x128xf32, #tpu.memory_space<vmem_shared>>) target(%dma_start3A_263 : memref<40x128xf32, #tpu.memory_space<vmem>>) target_semaphore(%run_scoped3A : memref<!tpu.dma_semaphore, #tpu.memory_space<semaphore_mem>>)
      %dma_wait3A_266 = arith.constant 0 : i32
      %dma_wait3A_267 = arith.constant 0 : i32
      %dma_wait3A_268 = tpu.memref_slice %arg9[%dma_wait3A_266, %dma_wait3A_267] : memref<40x128xf32, #tpu.memory_space<vmem>> -> memref<40x128xf32, #tpu.memory_space<vmem>>
      %dma_wait3A_269 = arith.constant 0 : i32
      %dma_wait3A_270 = tpu.memref_slice %arg19[%add3A_232, %dma_wait3A_269] : memref<10000x128xf32, #tpu.memory_space<vmem_shared>> -> memref<40x128xf32, #tpu.memory_space<vmem_shared>>
      %dma_wait3A_271 = arith.constant 0 : i32
      %dma_wait3A_272 = arith.constant 0 : i32
      %dma_wait3A_273 = tpu.memref_slice %arg9[%dma_wait3A_271, %dma_wait3A_272] : memref<40x128xf32, #tpu.memory_space<vmem>> -> memref<40x128xf32, #tpu.memory_space<vmem>>
      %dma_wait3A_274 = arith.constant 0 : i32
      %dma_wait3A_275 = tpu.memref_slice %arg19[%add3A_232, %dma_wait3A_274] : memref<10000x128xf32, #tpu.memory_space<vmem_shared>> -> memref<40x128xf32, #tpu.memory_space<vmem_shared>>
      tpu.wait_dma2 semaphore(%run_scoped3A : memref<!tpu.dma_semaphore, #tpu.memory_space<semaphore_mem>>) src(%dma_wait3A_275 : memref<40x128xf32, #tpu.memory_space<vmem_shared>>) dst(%dma_wait3A_273 : memref<40x128xf32, #tpu.memory_space<vmem>>)
      tpu.yield
    }) : () -> ()
    %add3A_233 = arith.constant 40 : i32
    %add3A_234 = arith.addi %add3A_232, %add3A_233 : i32
    "tpu.region"() ({
      %run_scoped3A = tpu.sem_alloc : memref<!tpu.dma_semaphore, #tpu.memory_space<semaphore_mem>>
      %dma_start3A_256 = arith.constant 0 : i32
      %dma_start3A_257 = arith.constant 0 : i32
      %dma_start3A_258 = tpu.memref_slice %arg10[%dma_start3A_256, %dma_start3A_257] : memref<40x128xf32, #tpu.memory_space<vmem>> -> memref<40x128xf32, #tpu.memory_space<vmem>>
      %dma_start3A_259 = arith.constant 0 : i32
      %dma_start3A_260 = tpu.memref_slice %arg19[%add3A_234, %dma_start3A_259] : memref<10000x128xf32, #tpu.memory_space<vmem_shared>> -> memref<40x128xf32, #tpu.memory_space<vmem_shared>>
      %dma_start3A_261 = arith.constant 0 : i32
      %dma_start3A_262 = arith.constant 0 : i32
      %dma_start3A_263 = tpu.memref_slice %arg10[%dma_start3A_261, %dma_start3A_262] : memref<40x128xf32, #tpu.memory_space<vmem>> -> memref<40x128xf32, #tpu.memory_space<vmem>>
      %dma_start3A_264 = arith.constant 0 : i32
      %dma_start3A_265 = tpu.memref_slice %arg19[%add3A_234, %dma_start3A_264] : memref<10000x128xf32, #tpu.memory_space<vmem_shared>> -> memref<40x128xf32, #tpu.memory_space<vmem_shared>>
      tpu.enqueue_dma source(%dma_start3A_265 : memref<40x128xf32, #tpu.memory_space<vmem_shared>>) target(%dma_start3A_263 : memref<40x128xf32, #tpu.memory_space<vmem>>) target_semaphore(%run_scoped3A : memref<!tpu.dma_semaphore, #tpu.memory_space<semaphore_mem>>)
      %dma_wait3A_266 = arith.constant 0 : i32
      %dma_wait3A_267 = arith.constant 0 : i32
      %dma_wait3A_268 = tpu.memref_slice %arg10[%dma_wait3A_266, %dma_wait3A_267] : memref<40x128xf32, #tpu.memory_space<vmem>> -> memref<40x128xf32, #tpu.memory_space<vmem>>
      %dma_wait3A_269 = arith.constant 0 : i32
      %dma_wait3A_270 = tpu.memref_slice %arg19[%add3A_234, %dma_wait3A_269] : memref<10000x128xf32, #tpu.memory_space<vmem_shared>> -> memref<40x128xf32, #tpu.memory_space<vmem_shared>>
      %dma_wait3A_271 = arith.constant 0 : i32
      %dma_wait3A_272 = arith.constant 0 : i32
      %dma_wait3A_273 = tpu.memref_slice %arg10[%dma_wait3A_271, %dma_wait3A_272] : memref<40x128xf32, #tpu.memory_space<vmem>> -> memref<40x128xf32, #tpu.memory_space<vmem>>
      %dma_wait3A_274 = arith.constant 0 : i32
      %dma_wait3A_275 = tpu.memref_slice %arg19[%add3A_234, %dma_wait3A_274] : memref<10000x128xf32, #tpu.memory_space<vmem_shared>> -> memref<40x128xf32, #tpu.memory_space<vmem_shared>>
      tpu.wait_dma2 semaphore(%run_scoped3A : memref<!tpu.dma_semaphore, #tpu.memory_space<semaphore_mem>>) src(%dma_wait3A_275 : memref<40x128xf32, #tpu.memory_space<vmem_shared>>) dst(%dma_wait3A_273 : memref<40x128xf32, #tpu.memory_space<vmem>>)
      tpu.yield
    }) : () -> ()
    "tpu.region"() ({
      %run_scoped3A = tpu.sem_alloc : memref<!tpu.dma_semaphore, #tpu.memory_space<semaphore_mem>>
      %dma_start3A_256 = arith.constant 0 : i32
      %dma_start3A_257 = arith.constant 0 : i32
      %dma_start3A_258 = tpu.memref_slice %arg9[%dma_start3A_256, %dma_start3A_257] : memref<40x128xf32, #tpu.memory_space<vmem>> -> memref<40x128xf32, #tpu.memory_space<vmem>>
      %dma_start3A_259 = arith.constant 0 : i32
      %dma_start3A_260 = tpu.memref_slice %arg8[%arg0, %add3A_232, %dma_start3A_259] : memref<2x10000x128xf32, #tpu.memory_space<hbm>> -> memref<1x40x128xf32, #tpu.memory_space<hbm>>
      %dma_start3A_261 = tpu.memref_squeeze %dma_start3A_260 : memref<1x40x128xf32, #tpu.memory_space<hbm>> -> memref<40x128xf32, #tpu.memory_space<hbm>>
      %dma_start3A_262 = arith.constant 0 : i32
      %dma_start3A_263 = tpu.memref_slice %arg8[%arg0, %add3A_232, %dma_start3A_262] : memref<2x10000x128xf32, #tpu.memory_space<hbm>> -> memref<1x40x128xf32, #tpu.memory_space<hbm>>
      %dma_start3A_264 = tpu.memref_squeeze %dma_start3A_263 : memref<1x40x128xf32, #tpu.memory_space<hbm>> -> memref<40x128xf32, #tpu.memory_space<hbm>>
      %dma_start3A_265 = arith.constant 0 : i32
      %dma_start3A_266 = arith.constant 0 : i32
      %dma_start3A_267 = tpu.memref_slice %arg9[%dma_start3A_265, %dma_start3A_266] : memref<40x128xf32, #tpu.memory_space<vmem>> -> memref<40x128xf32, #tpu.memory_space<vmem>>
      tpu.enqueue_dma source(%dma_start3A_267 : memref<40x128xf32, #tpu.memory_space<vmem>>) target(%dma_start3A_264 : memref<40x128xf32, #tpu.memory_space<hbm>>) target_semaphore(%run_scoped3A : memref<!tpu.dma_semaphore, #tpu.memory_space<semaphore_mem>>)
      %dma_wait3A_268 = arith.constant 0 : i32
      %dma_wait3A_269 = arith.constant 0 : i32
      %dma_wait3A_270 = tpu.memref_slice %arg9[%dma_wait3A_268, %dma_wait3A_269] : memref<40x128xf32, #tpu.memory_space<vmem>> -> memref<40x128xf32, #tpu.memory_space<vmem>>
      %dma_wait3A_271 = arith.constant 0 : i32
      %dma_wait3A_272 = tpu.memref_slice %arg8[%arg0, %add3A_232, %dma_wait3A_271] : memref<2x10000x128xf32, #tpu.memory_space<hbm>> -> memref<1x40x128xf32, #tpu.memory_space<hbm>>
      %dma_wait3A_273 = tpu.memref_squeeze %dma_wait3A_272 : memref<1x40x128xf32, #tpu.memory_space<hbm>> -> memref<40x128xf32, #tpu.memory_space<hbm>>
      %dma_wait3A_274 = arith.constant 0 : i32
      %dma_wait3A_275 = tpu.memref_slice %arg8[%arg0, %add3A_232, %dma_wait3A_274] : memref<2x10000x128xf32, #tpu.memory_space<hbm>> -> memref<1x40x128xf32, #tpu.memory_space<hbm>>
      %dma_wait3A_276 = tpu.memref_squeeze %dma_wait3A_275 : memref<1x40x128xf32, #tpu.memory_space<hbm>> -> memref<40x128xf32, #tpu.memory_space<hbm>>
      %dma_wait3A_277 = arith.constant 0 : i32
      %dma_wait3A_278 = arith.constant 0 : i32
      %dma_wait3A_279 = tpu.memref_slice %arg9[%dma_wait3A_277, %dma_wait3A_278] : memref<40x128xf32, #tpu.memory_space<vmem>> -> memref<40x128xf32, #tpu.memory_space<vmem>>
      tpu.wait_dma2 semaphore(%run_scoped3A : memref<!tpu.dma_semaphore, #tpu.memory_space<semaphore_mem>>) src(%dma_wait3A_279 : memref<40x128xf32, #tpu.memory_space<vmem>>) dst(%dma_wait3A_276 : memref<40x128xf32, #tpu.memory_space<hbm>>)
      tpu.yield
    }) : () -> ()
    %add3A_235 = arith.constant 40 : i32
    %add3A_236 = arith.addi %add3A_232, %add3A_235 : i32
    "tpu.region"() ({
      %run_scoped3A = tpu.sem_alloc : memref<!tpu.dma_semaphore, #tpu.memory_space<semaphore_mem>>
      %dma_start3A_256 = arith.constant 0 : i32
      %dma_start3A_257 = arith.constant 0 : i32
      %dma_start3A_258 = tpu.memref_slice %arg10[%dma_start3A_256, %dma_start3A_257] : memref<40x128xf32, #tpu.memory_space<vmem>> -> memref<40x128xf32, #tpu.memory_space<vmem>>
      %dma_start3A_259 = arith.constant 0 : i32
      %dma_start3A_260 = tpu.memref_slice %arg8[%arg0, %add3A_236, %dma_start3A_259] : memref<2x10000x128xf32, #tpu.memory_space<hbm>> -> memref<1x40x128xf32, #tpu.memory_space<hbm>>
      %dma_start3A_261 = tpu.memref_squeeze %dma_start3A_260 : memref<1x40x128xf32, #tpu.memory_space<hbm>> -> memref<40x128xf32, #tpu.memory_space<hbm>>
      %dma_start3A_262 = arith.constant 0 : i32
      %dma_start3A_263 = tpu.memref_slice %arg8[%arg0, %add3A_236, %dma_start3A_262] : memref<2x10000x128xf32, #tpu.memory_space<hbm>> -> memref<1x40x128xf32, #tpu.memory_space<hbm>>
      %dma_start3A_264 = tpu.memref_squeeze %dma_start3A_263 : memref<1x40x128xf32, #tpu.memory_space<hbm>> -> memref<40x128xf32, #tpu.memory_space<hbm>>
      %dma_start3A_265 = arith.constant 0 : i32
      %dma_start3A_266 = arith.constant 0 : i32
      %dma_start3A_267 = tpu.memref_slice %arg10[%dma_start3A_265, %dma_start3A_266] : memref<40x128xf32, #tpu.memory_space<vmem>> -> memref<40x128xf32, #tpu.memory_space<vmem>>
      tpu.enqueue_dma source(%dma_start3A_267 : memref<40x128xf32, #tpu.memory_space<vmem>>) target(%dma_start3A_264 : memref<40x128xf32, #tpu.memory_space<hbm>>) target_semaphore(%run_scoped3A : memref<!tpu.dma_semaphore, #tpu.memory_space<semaphore_mem>>)
      %dma_wait3A_268 = arith.constant 0 : i32
      %dma_wait3A_269 = arith.constant 0 : i32
      %dma_wait3A_270 = tpu.memref_slice %arg10[%dma_wait3A_268, %dma_wait3A_269] : memref<40x128xf32, #tpu.memory_space<vmem>> -> memref<40x128xf32, #tpu.memory_space<vmem>>
      %dma_wait3A_271 = arith.constant 0 : i32
      %dma_wait3A_272 = tpu.memref_slice %arg8[%arg0, %add3A_236, %dma_wait3A_271] : memref<2x10000x128xf32, #tpu.memory_space<hbm>> -> memref<1x40x128xf32, #tpu.memory_space<hbm>>
      %dma_wait3A_273 = tpu.memref_squeeze %dma_wait3A_272 : memref<1x40x128xf32, #tpu.memory_space<hbm>> -> memref<40x128xf32, #tpu.memory_space<hbm>>
      %dma_wait3A_274 = arith.constant 0 : i32
      %dma_wait3A_275 = tpu.memref_slice %arg8[%arg0, %add3A_236, %dma_wait3A_274] : memref<2x10000x128xf32, #tpu.memory_space<hbm>> -> memref<1x40x128xf32, #tpu.memory_space<hbm>>
      %dma_wait3A_276 = tpu.memref_squeeze %dma_wait3A_275 : memref<1x40x128xf32, #tpu.memory_space<hbm>> -> memref<40x128xf32, #tpu.memory_space<hbm>>
      %dma_wait3A_277 = arith.constant 0 : i32
      %dma_wait3A_278 = arith.constant 0 : i32
      %dma_wait3A_279 = tpu.memref_slice %arg10[%dma_wait3A_277, %dma_wait3A_278] : memref<40x128xf32, #tpu.memory_space<vmem>> -> memref<40x128xf32, #tpu.memory_space<vmem>>
      tpu.wait_dma2 semaphore(%run_scoped3A : memref<!tpu.dma_semaphore, #tpu.memory_space<semaphore_mem>>) src(%dma_wait3A_279 : memref<40x128xf32, #tpu.memory_space<vmem>>) dst(%dma_wait3A_276 : memref<40x128xf32, #tpu.memory_space<hbm>>)
      tpu.yield
    }) : () -> ()
    %add3A_237 = arith.constant 80 : i32
    %add3A_238 = arith.addi %add3A_232, %add3A_237 : i32
    "tpu.region"() ({
      %run_scoped3A = tpu.sem_alloc : memref<!tpu.dma_semaphore, #tpu.memory_space<semaphore_mem>>
      %dma_start3A_256 = arith.constant 0 : i32
      %dma_start3A_257 = arith.constant 0 : i32
      %dma_start3A_258 = tpu.memref_slice %arg9[%dma_start3A_256, %dma_start3A_257] : memref<40x128xf32, #tpu.memory_space<vmem>> -> memref<40x128xf32, #tpu.memory_space<vmem>>
      %dma_start3A_259 = arith.constant 0 : i32
      %dma_start3A_260 = tpu.memref_slice %arg19[%add3A_238, %dma_start3A_259] : memref<10000x128xf32, #tpu.memory_space<vmem_shared>> -> memref<40x128xf32, #tpu.memory_space<vmem_shared>>
      %dma_start3A_261 = arith.constant 0 : i32
      %dma_start3A_262 = arith.constant 0 : i32
      %dma_start3A_263 = tpu.memref_slice %arg9[%dma_start3A_261, %dma_start3A_262] : memref<40x128xf32, #tpu.memory_space<vmem>> -> memref<40x128xf32, #tpu.memory_space<vmem>>
      %dma_start3A_264 = arith.constant 0 : i32
      %dma_start3A_265 = tpu.memref_slice %arg19[%add3A_238, %dma_start3A_264] : memref<10000x128xf32, #tpu.memory_space<vmem_shared>> -> memref<40x128xf32, #tpu.memory_space<vmem_shared>>
      tpu.enqueue_dma source(%dma_start3A_265 : memref<40x128xf32, #tpu.memory_space<vmem_shared>>) target(%dma_start3A_263 : memref<40x128xf32, #tpu.memory_space<vmem>>) target_semaphore(%run_scoped3A : memref<!tpu.dma_semaphore, #tpu.memory_space<semaphore_mem>>)
      %dma_wait3A_266 = arith.constant 0 : i32
      %dma_wait3A_267 = arith.constant 0 : i32
      %dma_wait3A_268 = tpu.memref_slice %arg9[%dma_wait3A_266, %dma_wait3A_267] : memref<40x128xf32, #tpu.memory_space<vmem>> -> memref<40x128xf32, #tpu.memory_space<vmem>>
      %dma_wait3A_269 = arith.constant 0 : i32
      %dma_wait3A_270 = tpu.memref_slice %arg19[%add3A_238, %dma_wait3A_269] : memref<10000x128xf32, #tpu.memory_space<vmem_shared>> -> memref<40x128xf32, #tpu.memory_space<vmem_shared>>
      %dma_wait3A_271 = arith.constant 0 : i32
      %dma_wait3A_272 = arith.constant 0 : i32
      %dma_wait3A_273 = tpu.memref_slice %arg9[%dma_wait3A_271, %dma_wait3A_272] : memref<40x128xf32, #tpu.memory_space<vmem>> -> memref<40x128xf32, #tpu.memory_space<vmem>>
      %dma_wait3A_274 = arith.constant 0 : i32
      %dma_wait3A_275 = tpu.memref_slice %arg19[%add3A_238, %dma_wait3A_274] : memref<10000x128xf32, #tpu.memory_space<vmem_shared>> -> memref<40x128xf32, #tpu.memory_space<vmem_shared>>
      tpu.wait_dma2 semaphore(%run_scoped3A : memref<!tpu.dma_semaphore, #tpu.memory_space<semaphore_mem>>) src(%dma_wait3A_275 : memref<40x128xf32, #tpu.memory_space<vmem_shared>>) dst(%dma_wait3A_273 : memref<40x128xf32, #tpu.memory_space<vmem>>)
      tpu.yield
    }) : () -> ()
    %add3A_239 = arith.constant 40 : i32
    %add3A_240 = arith.addi %add3A_238, %add3A_239 : i32
    "tpu.region"() ({
      %run_scoped3A = tpu.sem_alloc : memref<!tpu.dma_semaphore, #tpu.memory_space<semaphore_mem>>
      %dma_start3A_256 = arith.constant 0 : i32
      %dma_start3A_257 = arith.constant 0 : i32
      %dma_start3A_258 = tpu.memref_slice %arg10[%dma_start3A_256, %dma_start3A_257] : memref<40x128xf32, #tpu.memory_space<vmem>> -> memref<40x128xf32, #tpu.memory_space<vmem>>
      %dma_start3A_259 = arith.constant 0 : i32
      %dma_start3A_260 = tpu.memref_slice %arg19[%add3A_240, %dma_start3A_259] : memref<10000x128xf32, #tpu.memory_space<vmem_shared>> -> memref<40x128xf32, #tpu.memory_space<vmem_shared>>
      %dma_start3A_261 = arith.constant 0 : i32
      %dma_start3A_262 = arith.constant 0 : i32
      %dma_start3A_263 = tpu.memref_slice %arg10[%dma_start3A_261, %dma_start3A_262] : memref<40x128xf32, #tpu.memory_space<vmem>> -> memref<40x128xf32, #tpu.memory_space<vmem>>
      %dma_start3A_264 = arith.constant 0 : i32
      %dma_start3A_265 = tpu.memref_slice %arg19[%add3A_240, %dma_start3A_264] : memref<10000x128xf32, #tpu.memory_space<vmem_shared>> -> memref<40x128xf32, #tpu.memory_space<vmem_shared>>
      tpu.enqueue_dma source(%dma_start3A_265 : memref<40x128xf32, #tpu.memory_space<vmem_shared>>) target(%dma_start3A_263 : memref<40x128xf32, #tpu.memory_space<vmem>>) target_semaphore(%run_scoped3A : memref<!tpu.dma_semaphore, #tpu.memory_space<semaphore_mem>>)
      %dma_wait3A_266 = arith.constant 0 : i32
      %dma_wait3A_267 = arith.constant 0 : i32
      %dma_wait3A_268 = tpu.memref_slice %arg10[%dma_wait3A_266, %dma_wait3A_267] : memref<40x128xf32, #tpu.memory_space<vmem>> -> memref<40x128xf32, #tpu.memory_space<vmem>>
      %dma_wait3A_269 = arith.constant 0 : i32
      %dma_wait3A_270 = tpu.memref_slice %arg19[%add3A_240, %dma_wait3A_269] : memref<10000x128xf32, #tpu.memory_space<vmem_shared>> -> memref<40x128xf32, #tpu.memory_space<vmem_shared>>
      %dma_wait3A_271 = arith.constant 0 : i32
      %dma_wait3A_272 = arith.constant 0 : i32
      %dma_wait3A_273 = tpu.memref_slice %arg10[%dma_wait3A_271, %dma_wait3A_272] : memref<40x128xf32, #tpu.memory_space<vmem>> -> memref<40x128xf32, #tpu.memory_space<vmem>>
      %dma_wait3A_274 = arith.constant 0 : i32
      %dma_wait3A_275 = tpu.memref_slice %arg19[%add3A_240, %dma_wait3A_274] : memref<10000x128xf32, #tpu.memory_space<vmem_shared>> -> memref<40x128xf32, #tpu.memory_space<vmem_shared>>
      tpu.wait_dma2 semaphore(%run_scoped3A : memref<!tpu.dma_semaphore, #tpu.memory_space<semaphore_mem>>) src(%dma_wait3A_275 : memref<40x128xf32, #tpu.memory_space<vmem_shared>>) dst(%dma_wait3A_273 : memref<40x128xf32, #tpu.memory_space<vmem>>)
      tpu.yield
    }) : () -> ()
    "tpu.region"() ({
      %run_scoped3A = tpu.sem_alloc : memref<!tpu.dma_semaphore, #tpu.memory_space<semaphore_mem>>
      %dma_start3A_256 = arith.constant 0 : i32
      %dma_start3A_257 = arith.constant 0 : i32
      %dma_start3A_258 = tpu.memref_slice %arg9[%dma_start3A_256, %dma_start3A_257] : memref<40x128xf32, #tpu.memory_space<vmem>> -> memref<40x128xf32, #tpu.memory_space<vmem>>
      %dma_start3A_259 = arith.constant 0 : i32
      %dma_start3A_260 = tpu.memref_slice %arg8[%arg0, %add3A_238, %dma_start3A_259] : memref<2x10000x128xf32, #tpu.memory_space<hbm>> -> memref<1x40x128xf32, #tpu.memory_space<hbm>>
      %dma_start3A_261 = tpu.memref_squeeze %dma_start3A_260 : memref<1x40x128xf32, #tpu.memory_space<hbm>> -> memref<40x128xf32, #tpu.memory_space<hbm>>
      %dma_start3A_262 = arith.constant 0 : i32
      %dma_start3A_263 = tpu.memref_slice %arg8[%arg0, %add3A_238, %dma_start3A_262] : memref<2x10000x128xf32, #tpu.memory_space<hbm>> -> memref<1x40x128xf32, #tpu.memory_space<hbm>>
      %dma_start3A_264 = tpu.memref_squeeze %dma_start3A_263 : memref<1x40x128xf32, #tpu.memory_space<hbm>> -> memref<40x128xf32, #tpu.memory_space<hbm>>
      %dma_start3A_265 = arith.constant 0 : i32
      %dma_start3A_266 = arith.constant 0 : i32
      %dma_start3A_267 = tpu.memref_slice %arg9[%dma_start3A_265, %dma_start3A_266] : memref<40x128xf32, #tpu.memory_space<vmem>> -> memref<40x128xf32, #tpu.memory_space<vmem>>
      tpu.enqueue_dma source(%dma_start3A_267 : memref<40x128xf32, #tpu.memory_space<vmem>>) target(%dma_start3A_264 : memref<40x128xf32, #tpu.memory_space<hbm>>) target_semaphore(%run_scoped3A : memref<!tpu.dma_semaphore, #tpu.memory_space<semaphore_mem>>)
      %dma_wait3A_268 = arith.constant 0 : i32
      %dma_wait3A_269 = arith.constant 0 : i32
      %dma_wait3A_270 = tpu.memref_slice %arg9[%dma_wait3A_268, %dma_wait3A_269] : memref<40x128xf32, #tpu.memory_space<vmem>> -> memref<40x128xf32, #tpu.memory_space<vmem>>
      %dma_wait3A_271 = arith.constant 0 : i32
      %dma_wait3A_272 = tpu.memref_slice %arg8[%arg0, %add3A_238, %dma_wait3A_271] : memref<2x10000x128xf32, #tpu.memory_space<hbm>> -> memref<1x40x128xf32, #tpu.memory_space<hbm>>
      %dma_wait3A_273 = tpu.memref_squeeze %dma_wait3A_272 : memref<1x40x128xf32, #tpu.memory_space<hbm>> -> memref<40x128xf32, #tpu.memory_space<hbm>>
      %dma_wait3A_274 = arith.constant 0 : i32
      %dma_wait3A_275 = tpu.memref_slice %arg8[%arg0, %add3A_238, %dma_wait3A_274] : memref<2x10000x128xf32, #tpu.memory_space<hbm>> -> memref<1x40x128xf32, #tpu.memory_space<hbm>>
      %dma_wait3A_276 = tpu.memref_squeeze %dma_wait3A_275 : memref<1x40x128xf32, #tpu.memory_space<hbm>> -> memref<40x128xf32, #tpu.memory_space<hbm>>
      %dma_wait3A_277 = arith.constant 0 : i32
      %dma_wait3A_278 = arith.constant 0 : i32
      %dma_wait3A_279 = tpu.memref_slice %arg9[%dma_wait3A_277, %dma_wait3A_278] : memref<40x128xf32, #tpu.memory_space<vmem>> -> memref<40x128xf32, #tpu.memory_space<vmem>>
      tpu.wait_dma2 semaphore(%run_scoped3A : memref<!tpu.dma_semaphore, #tpu.memory_space<semaphore_mem>>) src(%dma_wait3A_279 : memref<40x128xf32, #tpu.memory_space<vmem>>) dst(%dma_wait3A_276 : memref<40x128xf32, #tpu.memory_space<hbm>>)
      tpu.yield
    }) : () -> ()
    %add3A_241 = arith.constant 40 : i32
    %add3A_242 = arith.addi %add3A_238, %add3A_241 : i32
    "tpu.region"() ({
      %run_scoped3A = tpu.sem_alloc : memref<!tpu.dma_semaphore, #tpu.memory_space<semaphore_mem>>
      %dma_start3A_256 = arith.constant 0 : i32
      %dma_start3A_257 = arith.constant 0 : i32
      %dma_start3A_258 = tpu.memref_slice %arg10[%dma_start3A_256, %dma_start3A_257] : memref<40x128xf32, #tpu.memory_space<vmem>> -> memref<40x128xf32, #tpu.memory_space<vmem>>
      %dma_start3A_259 = arith.constant 0 : i32
      %dma_start3A_260 = tpu.memref_slice %arg8[%arg0, %add3A_242, %dma_start3A_259] : memref<2x10000x128xf32, #tpu.memory_space<hbm>> -> memref<1x40x128xf32, #tpu.memory_space<hbm>>
      %dma_start3A_261 = tpu.memref_squeeze %dma_start3A_260 : memref<1x40x128xf32, #tpu.memory_space<hbm>> -> memref<40x128xf32, #tpu.memory_space<hbm>>
      %dma_start3A_262 = arith.constant 0 : i32
      %dma_start3A_263 = tpu.memref_slice %arg8[%arg0, %add3A_242, %dma_start3A_262] : memref<2x10000x128xf32, #tpu.memory_space<hbm>> -> memref<1x40x128xf32, #tpu.memory_space<hbm>>
      %dma_start3A_264 = tpu.memref_squeeze %dma_start3A_263 : memref<1x40x128xf32, #tpu.memory_space<hbm>> -> memref<40x128xf32, #tpu.memory_space<hbm>>
      %dma_start3A_265 = arith.constant 0 : i32
      %dma_start3A_266 = arith.constant 0 : i32
      %dma_start3A_267 = tpu.memref_slice %arg10[%dma_start3A_265, %dma_start3A_266] : memref<40x128xf32, #tpu.memory_space<vmem>> -> memref<40x128xf32, #tpu.memory_space<vmem>>
      tpu.enqueue_dma source(%dma_start3A_267 : memref<40x128xf32, #tpu.memory_space<vmem>>) target(%dma_start3A_264 : memref<40x128xf32, #tpu.memory_space<hbm>>) target_semaphore(%run_scoped3A : memref<!tpu.dma_semaphore, #tpu.memory_space<semaphore_mem>>)
      %dma_wait3A_268 = arith.constant 0 : i32
      %dma_wait3A_269 = arith.constant 0 : i32
      %dma_wait3A_270 = tpu.memref_slice %arg10[%dma_wait3A_268, %dma_wait3A_269] : memref<40x128xf32, #tpu.memory_space<vmem>> -> memref<40x128xf32, #tpu.memory_space<vmem>>
      %dma_wait3A_271 = arith.constant 0 : i32
      %dma_wait3A_272 = tpu.memref_slice %arg8[%arg0, %add3A_242, %dma_wait3A_271] : memref<2x10000x128xf32, #tpu.memory_space<hbm>> -> memref<1x40x128xf32, #tpu.memory_space<hbm>>
      %dma_wait3A_273 = tpu.memref_squeeze %dma_wait3A_272 : memref<1x40x128xf32, #tpu.memory_space<hbm>> -> memref<40x128xf32, #tpu.memory_space<hbm>>
      %dma_wait3A_274 = arith.constant 0 : i32
      %dma_wait3A_275 = tpu.memref_slice %arg8[%arg0, %add3A_242, %dma_wait3A_274] : memref<2x10000x128xf32, #tpu.memory_space<hbm>> -> memref<1x40x128xf32, #tpu.memory_space<hbm>>
      %dma_wait3A_276 = tpu.memref_squeeze %dma_wait3A_275 : memref<1x40x128xf32, #tpu.memory_space<hbm>> -> memref<40x128xf32, #tpu.memory_space<hbm>>
      %dma_wait3A_277 = arith.constant 0 : i32
      %dma_wait3A_278 = arith.constant 0 : i32
      %dma_wait3A_279 = tpu.memref_slice %arg10[%dma_wait3A_277, %dma_wait3A_278] : memref<40x128xf32, #tpu.memory_space<vmem>> -> memref<40x128xf32, #tpu.memory_space<vmem>>
      tpu.wait_dma2 semaphore(%run_scoped3A : memref<!tpu.dma_semaphore, #tpu.memory_space<semaphore_mem>>) src(%dma_wait3A_279 : memref<40x128xf32, #tpu.memory_space<vmem>>) dst(%dma_wait3A_276 : memref<40x128xf32, #tpu.memory_space<hbm>>)
      tpu.yield
    }) : () -> ()
    %add3A_243 = arith.constant 80 : i32
    %add3A_244 = arith.addi %add3A_238, %add3A_243 : i32
    "tpu.region"() ({
      %run_scoped3A = tpu.sem_alloc : memref<!tpu.dma_semaphore, #tpu.memory_space<semaphore_mem>>
      %dma_start3A_256 = arith.constant 0 : i32
      %dma_start3A_257 = arith.constant 0 : i32
      %dma_start3A_258 = tpu.memref_slice %arg9[%dma_start3A_256, %dma_start3A_257] : memref<40x128xf32, #tpu.memory_space<vmem>> -> memref<32x128xf32, #tpu.memory_space<vmem>>
      %dma_start3A_259 = arith.constant 0 : i32
      %dma_start3A_260 = tpu.memref_slice %arg19[%add3A_244, %dma_start3A_259] : memref<10000x128xf32, #tpu.memory_space<vmem_shared>> -> memref<32x128xf32, #tpu.memory_space<vmem_shared>>
      %dma_start3A_261 = arith.constant 0 : i32
      %dma_start3A_262 = arith.constant 0 : i32
      %dma_start3A_263 = tpu.memref_slice %arg9[%dma_start3A_261, %dma_start3A_262] : memref<40x128xf32, #tpu.memory_space<vmem>> -> memref<32x128xf32, #tpu.memory_space<vmem>>
      %dma_start3A_264 = arith.constant 0 : i32
      %dma_start3A_265 = tpu.memref_slice %arg19[%add3A_244, %dma_start3A_264] : memref<10000x128xf32, #tpu.memory_space<vmem_shared>> -> memref<32x128xf32, #tpu.memory_space<vmem_shared>>
      tpu.enqueue_dma source(%dma_start3A_265 : memref<32x128xf32, #tpu.memory_space<vmem_shared>>) target(%dma_start3A_263 : memref<32x128xf32, #tpu.memory_space<vmem>>) target_semaphore(%run_scoped3A : memref<!tpu.dma_semaphore, #tpu.memory_space<semaphore_mem>>)
      %dma_wait3A_266 = arith.constant 0 : i32
      %dma_wait3A_267 = arith.constant 0 : i32
      %dma_wait3A_268 = tpu.memref_slice %arg9[%dma_wait3A_266, %dma_wait3A_267] : memref<40x128xf32, #tpu.memory_space<vmem>> -> memref<32x128xf32, #tpu.memory_space<vmem>>
      %dma_wait3A_269 = arith.constant 0 : i32
      %dma_wait3A_270 = tpu.memref_slice %arg19[%add3A_244, %dma_wait3A_269] : memref<10000x128xf32, #tpu.memory_space<vmem_shared>> -> memref<32x128xf32, #tpu.memory_space<vmem_shared>>
      %dma_wait3A_271 = arith.constant 0 : i32
      %dma_wait3A_272 = arith.constant 0 : i32
      %dma_wait3A_273 = tpu.memref_slice %arg9[%dma_wait3A_271, %dma_wait3A_272] : memref<40x128xf32, #tpu.memory_space<vmem>> -> memref<32x128xf32, #tpu.memory_space<vmem>>
      %dma_wait3A_274 = arith.constant 0 : i32
      %dma_wait3A_275 = tpu.memref_slice %arg19[%add3A_244, %dma_wait3A_274] : memref<10000x128xf32, #tpu.memory_space<vmem_shared>> -> memref<32x128xf32, #tpu.memory_space<vmem_shared>>
      tpu.wait_dma2 semaphore(%run_scoped3A : memref<!tpu.dma_semaphore, #tpu.memory_space<semaphore_mem>>) src(%dma_wait3A_275 : memref<32x128xf32, #tpu.memory_space<vmem_shared>>) dst(%dma_wait3A_273 : memref<32x128xf32, #tpu.memory_space<vmem>>)
      tpu.yield
    }) : () -> ()
    %add3A_245 = arith.constant 32 : i32
    %add3A_246 = arith.addi %add3A_244, %add3A_245 : i32
    "tpu.region"() ({
      %run_scoped3A = tpu.sem_alloc : memref<!tpu.dma_semaphore, #tpu.memory_space<semaphore_mem>>
      %dma_start3A_256 = arith.constant 0 : i32
      %dma_start3A_257 = arith.constant 0 : i32
      %dma_start3A_258 = tpu.memref_slice %arg10[%dma_start3A_256, %dma_start3A_257] : memref<40x128xf32, #tpu.memory_space<vmem>> -> memref<32x128xf32, #tpu.memory_space<vmem>>
      %dma_start3A_259 = arith.constant 0 : i32
      %dma_start3A_260 = tpu.memref_slice %arg19[%add3A_246, %dma_start3A_259] : memref<10000x128xf32, #tpu.memory_space<vmem_shared>> -> memref<32x128xf32, #tpu.memory_space<vmem_shared>>
      %dma_start3A_261 = arith.constant 0 : i32
      %dma_start3A_262 = arith.constant 0 : i32
      %dma_start3A_263 = tpu.memref_slice %arg10[%dma_start3A_261, %dma_start3A_262] : memref<40x128xf32, #tpu.memory_space<vmem>> -> memref<32x128xf32, #tpu.memory_space<vmem>>
      %dma_start3A_264 = arith.constant 0 : i32
      %dma_start3A_265 = tpu.memref_slice %arg19[%add3A_246, %dma_start3A_264] : memref<10000x128xf32, #tpu.memory_space<vmem_shared>> -> memref<32x128xf32, #tpu.memory_space<vmem_shared>>
      tpu.enqueue_dma source(%dma_start3A_265 : memref<32x128xf32, #tpu.memory_space<vmem_shared>>) target(%dma_start3A_263 : memref<32x128xf32, #tpu.memory_space<vmem>>) target_semaphore(%run_scoped3A : memref<!tpu.dma_semaphore, #tpu.memory_space<semaphore_mem>>)
      %dma_wait3A_266 = arith.constant 0 : i32
      %dma_wait3A_267 = arith.constant 0 : i32
      %dma_wait3A_268 = tpu.memref_slice %arg10[%dma_wait3A_266, %dma_wait3A_267] : memref<40x128xf32, #tpu.memory_space<vmem>> -> memref<32x128xf32, #tpu.memory_space<vmem>>
      %dma_wait3A_269 = arith.constant 0 : i32
      %dma_wait3A_270 = tpu.memref_slice %arg19[%add3A_246, %dma_wait3A_269] : memref<10000x128xf32, #tpu.memory_space<vmem_shared>> -> memref<32x128xf32, #tpu.memory_space<vmem_shared>>
      %dma_wait3A_271 = arith.constant 0 : i32
      %dma_wait3A_272 = arith.constant 0 : i32
      %dma_wait3A_273 = tpu.memref_slice %arg10[%dma_wait3A_271, %dma_wait3A_272] : memref<40x128xf32, #tpu.memory_space<vmem>> -> memref<32x128xf32, #tpu.memory_space<vmem>>
      %dma_wait3A_274 = arith.constant 0 : i32
      %dma_wait3A_275 = tpu.memref_slice %arg19[%add3A_246, %dma_wait3A_274] : memref<10000x128xf32, #tpu.memory_space<vmem_shared>> -> memref<32x128xf32, #tpu.memory_space<vmem_shared>>
      tpu.wait_dma2 semaphore(%run_scoped3A : memref<!tpu.dma_semaphore, #tpu.memory_space<semaphore_mem>>) src(%dma_wait3A_275 : memref<32x128xf32, #tpu.memory_space<vmem_shared>>) dst(%dma_wait3A_273 : memref<32x128xf32, #tpu.memory_space<vmem>>)
      tpu.yield
    }) : () -> ()
    "tpu.region"() ({
      %run_scoped3A = tpu.sem_alloc : memref<!tpu.dma_semaphore, #tpu.memory_space<semaphore_mem>>
      %dma_start3A_256 = arith.constant 0 : i32
      %dma_start3A_257 = arith.constant 0 : i32
      %dma_start3A_258 = tpu.memref_slice %arg9[%dma_start3A_256, %dma_start3A_257] : memref<40x128xf32, #tpu.memory_space<vmem>> -> memref<32x128xf32, #tpu.memory_space<vmem>>
      %dma_start3A_259 = arith.constant 0 : i32
      %dma_start3A_260 = tpu.memref_slice %arg8[%arg0, %add3A_244, %dma_start3A_259] : memref<2x10000x128xf32, #tpu.memory_space<hbm>> -> memref<1x32x128xf32, #tpu.memory_space<hbm>>
      %dma_start3A_261 = tpu.memref_squeeze %dma_start3A_260 : memref<1x32x128xf32, #tpu.memory_space<hbm>> -> memref<32x128xf32, #tpu.memory_space<hbm>>
      %dma_start3A_262 = arith.constant 0 : i32
      %dma_start3A_263 = tpu.memref_slice %arg8[%arg0, %add3A_244, %dma_start3A_262] : memref<2x10000x128xf32, #tpu.memory_space<hbm>> -> memref<1x32x128xf32, #tpu.memory_space<hbm>>
      %dma_start3A_264 = tpu.memref_squeeze %dma_start3A_263 : memref<1x32x128xf32, #tpu.memory_space<hbm>> -> memref<32x128xf32, #tpu.memory_space<hbm>>
      %dma_start3A_265 = arith.constant 0 : i32
      %dma_start3A_266 = arith.constant 0 : i32
      %dma_start3A_267 = tpu.memref_slice %arg9[%dma_start3A_265, %dma_start3A_266] : memref<40x128xf32, #tpu.memory_space<vmem>> -> memref<32x128xf32, #tpu.memory_space<vmem>>
      tpu.enqueue_dma source(%dma_start3A_267 : memref<32x128xf32, #tpu.memory_space<vmem>>) target(%dma_start3A_264 : memref<32x128xf32, #tpu.memory_space<hbm>>) target_semaphore(%run_scoped3A : memref<!tpu.dma_semaphore, #tpu.memory_space<semaphore_mem>>)
      %dma_wait3A_268 = arith.constant 0 : i32
      %dma_wait3A_269 = arith.constant 0 : i32
      %dma_wait3A_270 = tpu.memref_slice %arg9[%dma_wait3A_268, %dma_wait3A_269] : memref<40x128xf32, #tpu.memory_space<vmem>> -> memref<32x128xf32, #tpu.memory_space<vmem>>
      %dma_wait3A_271 = arith.constant 0 : i32
      %dma_wait3A_272 = tpu.memref_slice %arg8[%arg0, %add3A_244, %dma_wait3A_271] : memref<2x10000x128xf32, #tpu.memory_space<hbm>> -> memref<1x32x128xf32, #tpu.memory_space<hbm>>
      %dma_wait3A_273 = tpu.memref_squeeze %dma_wait3A_272 : memref<1x32x128xf32, #tpu.memory_space<hbm>> -> memref<32x128xf32, #tpu.memory_space<hbm>>
      %dma_wait3A_274 = arith.constant 0 : i32
      %dma_wait3A_275 = tpu.memref_slice %arg8[%arg0, %add3A_244, %dma_wait3A_274] : memref<2x10000x128xf32, #tpu.memory_space<hbm>> -> memref<1x32x128xf32, #tpu.memory_space<hbm>>
      %dma_wait3A_276 = tpu.memref_squeeze %dma_wait3A_275 : memref<1x32x128xf32, #tpu.memory_space<hbm>> -> memref<32x128xf32, #tpu.memory_space<hbm>>
      %dma_wait3A_277 = arith.constant 0 : i32
      %dma_wait3A_278 = arith.constant 0 : i32
      %dma_wait3A_279 = tpu.memref_slice %arg9[%dma_wait3A_277, %dma_wait3A_278] : memref<40x128xf32, #tpu.memory_space<vmem>> -> memref<32x128xf32, #tpu.memory_space<vmem>>
      tpu.wait_dma2 semaphore(%run_scoped3A : memref<!tpu.dma_semaphore, #tpu.memory_space<semaphore_mem>>) src(%dma_wait3A_279 : memref<32x128xf32, #tpu.memory_space<vmem>>) dst(%dma_wait3A_276 : memref<32x128xf32, #tpu.memory_space<hbm>>)
      tpu.yield
    }) : () -> ()
    %add3A_247 = arith.constant 32 : i32
    %add3A_248 = arith.addi %add3A_244, %add3A_247 : i32
    "tpu.region"() ({
      %run_scoped3A = tpu.sem_alloc : memref<!tpu.dma_semaphore, #tpu.memory_space<semaphore_mem>>
      %dma_start3A_256 = arith.constant 0 : i32
      %dma_start3A_257 = arith.constant 0 : i32
      %dma_start3A_258 = tpu.memref_slice %arg10[%dma_start3A_256, %dma_start3A_257] : memref<40x128xf32, #tpu.memory_space<vmem>> -> memref<32x128xf32, #tpu.memory_space<vmem>>
      %dma_start3A_259 = arith.constant 0 : i32
      %dma_start3A_260 = tpu.memref_slice %arg8[%arg0, %add3A_248, %dma_start3A_259] : memref<2x10000x128xf32, #tpu.memory_space<hbm>> -> memref<1x32x128xf32, #tpu.memory_space<hbm>>
      %dma_start3A_261 = tpu.memref_squeeze %dma_start3A_260 : memref<1x32x128xf32, #tpu.memory_space<hbm>> -> memref<32x128xf32, #tpu.memory_space<hbm>>
      %dma_start3A_262 = arith.constant 0 : i32
      %dma_start3A_263 = tpu.memref_slice %arg8[%arg0, %add3A_248, %dma_start3A_262] : memref<2x10000x128xf32, #tpu.memory_space<hbm>> -> memref<1x32x128xf32, #tpu.memory_space<hbm>>
      %dma_start3A_264 = tpu.memref_squeeze %dma_start3A_263 : memref<1x32x128xf32, #tpu.memory_space<hbm>> -> memref<32x128xf32, #tpu.memory_space<hbm>>
      %dma_start3A_265 = arith.constant 0 : i32
      %dma_start3A_266 = arith.constant 0 : i32
      %dma_start3A_267 = tpu.memref_slice %arg10[%dma_start3A_265, %dma_start3A_266] : memref<40x128xf32, #tpu.memory_space<vmem>> -> memref<32x128xf32, #tpu.memory_space<vmem>>
      tpu.enqueue_dma source(%dma_start3A_267 : memref<32x128xf32, #tpu.memory_space<vmem>>) target(%dma_start3A_264 : memref<32x128xf32, #tpu.memory_space<hbm>>) target_semaphore(%run_scoped3A : memref<!tpu.dma_semaphore, #tpu.memory_space<semaphore_mem>>)
      %dma_wait3A_268 = arith.constant 0 : i32
      %dma_wait3A_269 = arith.constant 0 : i32
      %dma_wait3A_270 = tpu.memref_slice %arg10[%dma_wait3A_268, %dma_wait3A_269] : memref<40x128xf32, #tpu.memory_space<vmem>> -> memref<32x128xf32, #tpu.memory_space<vmem>>
      %dma_wait3A_271 = arith.constant 0 : i32
      %dma_wait3A_272 = tpu.memref_slice %arg8[%arg0, %add3A_248, %dma_wait3A_271] : memref<2x10000x128xf32, #tpu.memory_space<hbm>> -> memref<1x32x128xf32, #tpu.memory_space<hbm>>
      %dma_wait3A_273 = tpu.memref_squeeze %dma_wait3A_272 : memref<1x32x128xf32, #tpu.memory_space<hbm>> -> memref<32x128xf32, #tpu.memory_space<hbm>>
      %dma_wait3A_274 = arith.constant 0 : i32
      %dma_wait3A_275 = tpu.memref_slice %arg8[%arg0, %add3A_248, %dma_wait3A_274] : memref<2x10000x128xf32, #tpu.memory_space<hbm>> -> memref<1x32x128xf32, #tpu.memory_space<hbm>>
      %dma_wait3A_276 = tpu.memref_squeeze %dma_wait3A_275 : memref<1x32x128xf32, #tpu.memory_space<hbm>> -> memref<32x128xf32, #tpu.memory_space<hbm>>
      %dma_wait3A_277 = arith.constant 0 : i32
      %dma_wait3A_278 = arith.constant 0 : i32
      %dma_wait3A_279 = tpu.memref_slice %arg10[%dma_wait3A_277, %dma_wait3A_278] : memref<40x128xf32, #tpu.memory_space<vmem>> -> memref<32x128xf32, #tpu.memory_space<vmem>>
      tpu.wait_dma2 semaphore(%run_scoped3A : memref<!tpu.dma_semaphore, #tpu.memory_space<semaphore_mem>>) src(%dma_wait3A_279 : memref<32x128xf32, #tpu.memory_space<vmem>>) dst(%dma_wait3A_276 : memref<32x128xf32, #tpu.memory_space<hbm>>)
      tpu.yield
    }) : () -> ()
    %add3A_249 = arith.constant 64 : i32
    %add3A_250 = arith.addi %add3A_244, %add3A_249 : i32
    %eq3A_251 = arith.constant 15 : i32
    %eq3A_252 = arith.cmpi eq, %arg1, %eq3A_251 : i32
    %convert_element_type3A_253 = arith.extui %eq3A_252 : i1 to i32
    %cond3A_254 = arith.constant 0 : i32
    %cond3A_255 = arith.cmpi ne, %convert_element_type3A_253, %cond3A_254 : i32
    scf.if %cond3A_255 {
      "tpu.region"() ({
        %run_scoped3A = tpu.sem_alloc : memref<!tpu.dma_semaphore, #tpu.memory_space<semaphore_mem>>
        %dma_start3A_256 = arith.constant 0 : i32
        %dma_start3A_257 = arith.constant 0 : i32
        %dma_start3A_258 = tpu.memref_slice %arg9[%dma_start3A_256, %dma_start3A_257] : memref<40x128xf32, #tpu.memory_space<vmem>> -> memref<16x128xf32, #tpu.memory_space<vmem>>
        %dma_start3A_259 = arith.constant 9984 : i32
        %dma_start3A_260 = arith.constant 0 : i32
        %dma_start3A_261 = tpu.memref_slice %arg19[%dma_start3A_259, %dma_start3A_260] : memref<10000x128xf32, #tpu.memory_space<vmem_shared>> -> memref<16x128xf32, #tpu.memory_space<vmem_shared>>
        %dma_start3A_262 = arith.constant 0 : i32
        %dma_start3A_263 = arith.constant 0 : i32
        %dma_start3A_264 = tpu.memref_slice %arg9[%dma_start3A_262, %dma_start3A_263] : memref<40x128xf32, #tpu.memory_space<vmem>> -> memref<16x128xf32, #tpu.memory_space<vmem>>
        %dma_start3A_265 = arith.constant 9984 : i32
        %dma_start3A_266 = arith.constant 0 : i32
        %dma_start3A_267 = tpu.memref_slice %arg19[%dma_start3A_265, %dma_start3A_266] : memref<10000x128xf32, #tpu.memory_space<vmem_shared>> -> memref<16x128xf32, #tpu.memory_space<vmem_shared>>
        tpu.enqueue_dma source(%dma_start3A_267 : memref<16x128xf32, #tpu.memory_space<vmem_shared>>) target(%dma_start3A_264 : memref<16x128xf32, #tpu.memory_space<vmem>>) target_semaphore(%run_scoped3A : memref<!tpu.dma_semaphore, #tpu.memory_space<semaphore_mem>>)
        %dma_wait3A_268 = arith.constant 0 : i32
        %dma_wait3A_269 = arith.constant 0 : i32
        %dma_wait3A_270 = tpu.memref_slice %arg9[%dma_wait3A_268, %dma_wait3A_269] : memref<40x128xf32, #tpu.memory_space<vmem>> -> memref<16x128xf32, #tpu.memory_space<vmem>>
        %dma_wait3A_271 = arith.constant 9984 : i32
        %dma_wait3A_272 = arith.constant 0 : i32
        %dma_wait3A_273 = tpu.memref_slice %arg19[%dma_wait3A_271, %dma_wait3A_272] : memref<10000x128xf32, #tpu.memory_space<vmem_shared>> -> memref<16x128xf32, #tpu.memory_space<vmem_shared>>
        %dma_wait3A_274 = arith.constant 0 : i32
        %dma_wait3A_275 = arith.constant 0 : i32
        %dma_wait3A_276 = tpu.memref_slice %arg9[%dma_wait3A_274, %dma_wait3A_275] : memref<40x128xf32, #tpu.memory_space<vmem>> -> memref<16x128xf32, #tpu.memory_space<vmem>>
        %dma_wait3A_277 = arith.constant 9984 : i32
        %dma_wait3A_278 = arith.constant 0 : i32
        %dma_wait3A_279 = tpu.memref_slice %arg19[%dma_wait3A_277, %dma_wait3A_278] : memref<10000x128xf32, #tpu.memory_space<vmem_shared>> -> memref<16x128xf32, #tpu.memory_space<vmem_shared>>
        tpu.wait_dma2 semaphore(%run_scoped3A : memref<!tpu.dma_semaphore, #tpu.memory_space<semaphore_mem>>) src(%dma_wait3A_279 : memref<16x128xf32, #tpu.memory_space<vmem_shared>>) dst(%dma_wait3A_276 : memref<16x128xf32, #tpu.memory_space<vmem>>)
        tpu.yield
      }) : () -> ()
      "tpu.region"() ({
        %run_scoped3A = tpu.sem_alloc : memref<!tpu.dma_semaphore, #tpu.memory_space<semaphore_mem>>
        %dma_start3A_256 = arith.constant 0 : i32
        %dma_start3A_257 = arith.constant 0 : i32
        %dma_start3A_258 = tpu.memref_slice %arg9[%dma_start3A_256, %dma_start3A_257] : memref<40x128xf32, #tpu.memory_space<vmem>> -> memref<16x128xf32, #tpu.memory_space<vmem>>
        %dma_start3A_259 = arith.constant 9984 : i32
        %dma_start3A_260 = arith.constant 0 : i32
        %dma_start3A_261 = tpu.memref_slice %arg8[%arg0, %dma_start3A_259, %dma_start3A_260] : memref<2x10000x128xf32, #tpu.memory_space<hbm>> -> memref<1x16x128xf32, #tpu.memory_space<hbm>>
        %dma_start3A_262 = tpu.memref_squeeze %dma_start3A_261 : memref<1x16x128xf32, #tpu.memory_space<hbm>> -> memref<16x128xf32, #tpu.memory_space<hbm>>
        %dma_start3A_263 = arith.constant 9984 : i32
        %dma_start3A_264 = arith.constant 0 : i32
        %dma_start3A_265 = tpu.memref_slice %arg8[%arg0, %dma_start3A_263, %dma_start3A_264] : memref<2x10000x128xf32, #tpu.memory_space<hbm>> -> memref<1x16x128xf32, #tpu.memory_space<hbm>>
        %dma_start3A_266 = tpu.memref_squeeze %dma_start3A_265 : memref<1x16x128xf32, #tpu.memory_space<hbm>> -> memref<16x128xf32, #tpu.memory_space<hbm>>
        %dma_start3A_267 = arith.constant 0 : i32
        %dma_start3A_268 = arith.constant 0 : i32
        %dma_start3A_269 = tpu.memref_slice %arg9[%dma_start3A_267, %dma_start3A_268] : memref<40x128xf32, #tpu.memory_space<vmem>> -> memref<16x128xf32, #tpu.memory_space<vmem>>
        tpu.enqueue_dma source(%dma_start3A_269 : memref<16x128xf32, #tpu.memory_space<vmem>>) target(%dma_start3A_266 : memref<16x128xf32, #tpu.memory_space<hbm>>) target_semaphore(%run_scoped3A : memref<!tpu.dma_semaphore, #tpu.memory_space<semaphore_mem>>)
        %dma_wait3A_270 = arith.constant 0 : i32
        %dma_wait3A_271 = arith.constant 0 : i32
        %dma_wait3A_272 = tpu.memref_slice %arg9[%dma_wait3A_270, %dma_wait3A_271] : memref<40x128xf32, #tpu.memory_space<vmem>> -> memref<16x128xf32, #tpu.memory_space<vmem>>
        %dma_wait3A_273 = arith.constant 9984 : i32
        %dma_wait3A_274 = arith.constant 0 : i32
        %dma_wait3A_275 = tpu.memref_slice %arg8[%arg0, %dma_wait3A_273, %dma_wait3A_274] : memref<2x10000x128xf32, #tpu.memory_space<hbm>> -> memref<1x16x128xf32, #tpu.memory_space<hbm>>
        %dma_wait3A_276 = tpu.memref_squeeze %dma_wait3A_275 : memref<1x16x128xf32, #tpu.memory_space<hbm>> -> memref<16x128xf32, #tpu.memory_space<hbm>>
        %dma_wait3A_277 = arith.constant 9984 : i32
        %dma_wait3A_278 = arith.constant 0 : i32
        %dma_wait3A_279 = tpu.memref_slice %arg8[%arg0, %dma_wait3A_277, %dma_wait3A_278] : memref<2x10000x128xf32, #tpu.memory_space<hbm>> -> memref<1x16x128xf32, #tpu.memory_space<hbm>>
        %dma_wait3A_280 = tpu.memref_squeeze %dma_wait3A_279 : memref<1x16x128xf32, #tpu.memory_space<hbm>> -> memref<16x128xf32, #tpu.memory_space<hbm>>
        %dma_wait3A_281 = arith.constant 0 : i32
        %dma_wait3A_282 = arith.constant 0 : i32
        %dma_wait3A_283 = tpu.memref_slice %arg9[%dma_wait3A_281, %dma_wait3A_282] : memref<40x128xf32, #tpu.memory_space<vmem>> -> memref<16x128xf32, #tpu.memory_space<vmem>>
        tpu.wait_dma2 semaphore(%run_scoped3A : memref<!tpu.dma_semaphore, #tpu.memory_space<semaphore_mem>>) src(%dma_wait3A_283 : memref<16x128xf32, #tpu.memory_space<vmem>>) dst(%dma_wait3A_280 : memref<16x128xf32, #tpu.memory_space<hbm>>)
        tpu.yield
      }) : () -> ()
    } else {
    }
    return
  }
}

module attributes {stable_mosaic.version = 14 : i64} {
  func.func @_k3_body(%arg0: i32, %arg1: memref<2x2000x128xf32, #tpu.memory_space<vmem>>, %arg2: memref<2x2000x128xf32, #tpu.memory_space<vmem>>, %arg3: memref<2000x128xf32, #tpu.memory_space<vmem>>) attributes {dimension_semantics = [#tpu.dimension_semantics<arbitrary>], iteration_bounds = array<i64: 5>, scalar_prefetch = 0 : i64, scratch_operands = 0 : i64, tpu.core_type = #tpu.core_type<tc>, window_params = [{transform_indices = @transform_0, window_bounds = array<i64: 2, 2000, 128>}, {transform_indices = @transform_1, window_bounds = array<i64: 2, 2000, 128>}, {transform_indices = @transform_2, window_bounds = array<i64: 2000, 128>}]} {
    %get3A = arith.constant 0 : index
    %get3A_0 = arith.constant 0 : index
    %get3A_1 = arith.constant 0 : index
    %get3A_2 = vector.load %arg1[%get3A, %get3A_0, %get3A_1] : memref<2x2000x128xf32, #tpu.memory_space<vmem>>, vector<1x2000x128xf32>
    %get3A_3 = vector.shape_cast %get3A_2 : vector<1x2000x128xf32> to vector<2000x128xf32>
    %get3A_4 = arith.constant 1 : index
    %get3A_5 = arith.constant 0 : index
    %get3A_6 = arith.constant 0 : index
    %get3A_7 = vector.load %arg1[%get3A_4, %get3A_5, %get3A_6] : memref<2x2000x128xf32, #tpu.memory_space<vmem>>, vector<1x2000x128xf32>
    %get3A_8 = vector.shape_cast %get3A_7 : vector<1x2000x128xf32> to vector<2000x128xf32>
    %add3A = arith.addf %get3A_3, %get3A_8 : vector<2000x128xf32>
    %get3A_9 = arith.constant 0 : index
    %get3A_10 = arith.constant 0 : index
    %get3A_11 = arith.constant 0 : index
    %get3A_12 = vector.load %arg2[%get3A_9, %get3A_10, %get3A_11] : memref<2x2000x128xf32, #tpu.memory_space<vmem>>, vector<1x2000x128xf32>
    %get3A_13 = vector.shape_cast %get3A_12 : vector<1x2000x128xf32> to vector<2000x128xf32>
    %get3A_14 = arith.constant 1 : index
    %get3A_15 = arith.constant 0 : index
    %get3A_16 = arith.constant 0 : index
    %get3A_17 = vector.load %arg2[%get3A_14, %get3A_15, %get3A_16] : memref<2x2000x128xf32, #tpu.memory_space<vmem>>, vector<1x2000x128xf32>
    %get3A_18 = vector.shape_cast %get3A_17 : vector<1x2000x128xf32> to vector<2000x128xf32>
    %add3A_19 = arith.addf %get3A_13, %get3A_18 : vector<2000x128xf32>
    %add3A_20 = arith.constant 1.000000e-16 : f32
    %add3A_21 = vector.broadcast %add3A_20 : f32 to vector<2000x128xf32>
    %add3A_22 = arith.addf %add3A_19, %add3A_21 : vector<2000x128xf32>
    %div3A = arith.divf %add3A, %add3A_22 : vector<2000x128xf32>
    %swap3A = arith.constant 0 : index
    %swap3A_23 = arith.constant 0 : index
    %swap3A_24 = vector.load %arg3[%swap3A, %swap3A_23] : memref<2000x128xf32, #tpu.memory_space<vmem>>, vector<2000x128xf32>
    tpu.vector_store %arg3[%swap3A, %swap3A_23], %div3A {strides = array<i32>} : memref<2000x128xf32, #tpu.memory_space<vmem>>, vector<2000x128xf32>,
    return
  }
  func.func @transform_0(%arg0: i32) -> (i32, i32, i32) {
    %c0_i32 = arith.constant 0 : i32
    %c0_i32_0 = arith.constant 0 : i32
    %c0_i32_1 = arith.constant 0 : i32
    return %c0_i32, %arg0, %c0_i32_0 : i32, i32, i32
  }
  func.func @transform_1(%arg0: i32) -> (i32, i32, i32) {
    %c0_i32 = arith.constant 0 : i32
    %c0_i32_0 = arith.constant 0 : i32
    %c0_i32_1 = arith.constant 0 : i32
    return %c0_i32, %arg0, %c0_i32_0 : i32, i32, i32
  }
  func.func @transform_2(%arg0: i32) -> (i32, i32) {
    %c0_i32 = arith.constant 0 : i32
    %c0_i32_0 = arith.constant 0 : i32
    return %arg0, %c0_i32 : i32, i32
  }
}

module attributes {stable_mosaic.version = 14 : i64} {
  func.func @_k1_body(%arg0: i32, %arg1: memref<2000x128xf32, #tpu.memory_space<vmem>>, %arg2: memref<128x16xf32, #tpu.memory_space<vmem>>, %arg3: memref<2000x16xf32, #tpu.memory_space<vmem>>) attributes {dimension_semantics = [#tpu.dimension_semantics<arbitrary>], iteration_bounds = array<i64: 160>, scalar_prefetch = 0 : i64, scratch_operands = 0 : i64, tpu.core_type = #tpu.core_type<tc>, window_params = [{transform_indices = @transform_0, window_bounds = array<i64: 2000, 128>}, {pipeline_mode = #tpu.pipeline_mode<synchronous>, transform_indices = @transform_1, window_bounds = array<i64: 128, 16>}, {transform_indices = @transform_2, window_bounds = array<i64: 2000, 16>}]} {
    %get3A = arith.constant 0 : index
    %get3A_0 = arith.constant 0 : index
    %get3A_1 = vector.load %arg1[%get3A, %get3A_0] : memref<2000x128xf32, #tpu.memory_space<vmem>>, vector<2000x128xf32>
    %get3A_2 = arith.constant 0 : index
    %get3A_3 = arith.constant 0 : index
    %get3A_4 = vector.load %arg2[%get3A_2, %get3A_3] : memref<128x16xf32, #tpu.memory_space<vmem>>, vector<128x16xf32>
    %dot_general3A = arith.constant dense<0.000000e+00> : vector<2000x16xf32>
    %dot_general3A_5 = tpu.matmul %get3A_1, %get3A_4, %dot_general3A {dimension_numbers = #tpu.dot_dimension_numbers<[1], [0], [0], [1], [0, 0, 1, 1], [], []>, transpose_lhs_hint = false} : vector<2000x128xf32>, vector<128x16xf32>, vector<2000x16xf32> -> vector<2000x16xf32>
    %ge3A = arith.constant 0.000000e+00 : f32
    %ge3A_6 = vector.broadcast %ge3A : f32 to vector<2000x16xf32>
    %ge3A_7 = arith.cmpf oge, %dot_general3A_5, %ge3A_6 : vector<2000x16xf32>
    %mul3A = arith.constant 2.000000e-01 : f32
    %mul3A_8 = vector.broadcast %mul3A : f32 to vector<2000x16xf32>
    %mul3A_9 = arith.mulf %mul3A_8, %dot_general3A_5 : vector<2000x16xf32>
    %select_n3A = arith.select %ge3A_7, %dot_general3A_5, %mul3A_9 : vector<2000x16xi1>, vector<2000x16xf32>
    %exp3A = math.exp %select_n3A : vector<2000x16xf32>
    %swap3A = arith.constant 0 : index
    %swap3A_10 = arith.constant 0 : index
    %swap3A_11 = vector.load %arg3[%swap3A, %swap3A_10] : memref<2000x16xf32, #tpu.memory_space<vmem>>, vector<2000x16xf32>
    tpu.vector_store %arg3[%swap3A, %swap3A_10], %exp3A {strides = array<i32>} : memref<2000x16xf32, #tpu.memory_space<vmem>>, vector<2000x16xf32>,
    return
  }
  func.func @transform_0(%arg0: i32) -> (i32, i32) {
    %c0_i32 = arith.constant 0 : i32
    %c0_i32_0 = arith.constant 0 : i32
    return %arg0, %c0_i32 : i32, i32
  }
  func.func @transform_1(%arg0: i32) -> (i32, i32) {
    %c0_i32 = arith.constant 0 : i32
    %c0_i32_0 = arith.constant 0 : i32
    %c0_i32_1 = arith.constant 0 : i32
    return %c0_i32, %c0_i32_0 : i32, i32
  }
  func.func @transform_2(%arg0: i32) -> (i32, i32) {
    %c0_i32 = arith.constant 0 : i32
    %c0_i32_0 = arith.constant 0 : i32
    return %arg0, %c0_i32 : i32, i32
  }
}

</mosaic_0001>

<sc_bundles>
// kernel: kernel.5.cloned.1.call-start
scs
__scs_entry_jumppad:
0x0: {  	(pc) =	sbr.rel $0x88, $3  }
0x1: {  	(tag) =	ssettag $0x0;
	lr =	simm.s32 $0x1  }
0x2: {  	[smem:$0x3F9D] =	sst lr;
	_ =	strace $0xD0000000  }
0x3: {  	_ = 	snop  }
0x4: {  	_ = 	snop  }
0x5: {  	_ = 	snop  }
0x6: {  	_ = 	snop  }
0x7: {  	_ = 	snop  }
__scs_overlays_trampoline_lowered:
0x8: {  	[smem:$0x3FAC] =	sst s0  }
0x9: {  	[smem:$0x3FAD] =	sst s1  }
0xa: {  	[smem:$0x3FAE] =	sst s2  }
0xb: {  	[smem:$0x3FAF] =	sst s3  }
0xc: {  	[smem:$0x3FB0] =	sst s4  }
0xd: {  	[smem:$0x3FB1] =	sst s5  }
0xe: {  	[smem:$0x3FB2] =	sst s6  }
0xf: {  	[smem:$0x3FB3] =	sst s7  }
0x10: {  	[smem:$0x3FB4] =	sst s8  }
0x11: {  	[smem:$0x3FB5] =	sst s9;
	s0 =	simm.s32 @!p0 $0x0  }
0x12: {  	s1 =	sld [smem:$0x3F9B];
	s0 =	simm.s32 @p0 $0x1  }
0x13: {  	[smem:$0x3FB6] =	sst s0;
	s0 =	simm.s32 @!p1 $0x0  }
0x14: {  	s2 =	sld [smem:$0x3F9A];
	s0 =	simm.s32 @p1 $0x1  }
0x15: {  	[smem:$0x3FB7] =	sst s0;
	s0 =	simm.s32 @!p2 $0x0  }
0x16: {  	s3 =	sld [smem:$0x3FDB];
	s0 =	simm.s32 @p2 $0x1  }
0x17: {  	s4 =	simm.s32 $0x1BF5;
	[smem:$0x3FB9] =	sst s0  }
0x18: {  	s0 =	sld [smem:$0x3F9C];
	_ =	swait.ge [sflag:s4], $0x0  }
0x19: {  	s7 =	sld [smem:$0x3F9D]  }
0x1a: {  	s8 =	sadd.s32 $0xFFFFE003, lr  }
0x1b: {  	s9 =	sadd.s32 $0xFFFFFEF7, lr;
	s5 =	simm.s32 $0xFFFFFFFF;
	p2 =	slt.u32 s8, $0xFFFFF086  }
0x1c: {  	p1 =	slt.u32 s9, $0xF7A;
	s5 =	simm.s32 @!p2 $0x0  }
0x1d: {  	s5 =	simm.s32 @p1 $0x1;
	p0 =	seq.s32 s7, s2  }
0x1e: {  	s7 =	smul.u32 @!p0 $0xF7A, s2;
	p2 =	seq.s32 @!p0 s5, $0x0  }
0x1f: {  	s9 =	smul.u32 $0xF7A, s1;
	s8 =	simm.s32 @!p0 $0x1BF5;
	p2 =	por !p2, p0  }
0x20: {  	[sflag:s8] =	ssyncset.s32 @!p0 $0xFFFFF086;
	s6 =	sadd.s32 @!p0 s3, s7;
	s7 =	simm.s32 @!p0 $0x108  }
0x21: {  	s3 =	sadd.s32 s3, s9;
	s6 =	sadd.s32 @!p0 $0x88, s6;
	s7 =	simm.s32 @p2 $0x1082  }
0x22: {  	[simem:s7], [sflag:s8] =	dma.local @!p0 [hbm:s6], $0xF7A  }
0x23: {  	s9 =	sor.u32 $0xD0000000, s2;
	s6 =	simm.s32 $0x108;
	_ =	swait.ge @!p0 [sflag:s8], $0x0  }
0x24: {  	s3 =	sadd.s32 $0x88, s3;
	s6 =	simm.s32 @!p1 $0x1082;
	[sflag:s4] =	ssyncset.s32 $0xFFFFF086  }
0x25: {  	[simem:s6], [sflag:s4] =	dma.local [hbm:s3], $0xF7A  }
0x26: {  	[smem:$0x3F9D] =	sst s1;
	(tag) =	ssettag s2;
	_ =	strace s9  }
0x27: {  	s1 =	sld [smem:$0x3FAD]  }
0x28: {  	s2 =	sld [smem:$0x3FAE]  }
0x29: {  	s4 =	sld [smem:$0x3FB0]  }
0x2a: {  	p0 =	seq.s32 s5, $0x0;
	s5 =	sld [smem:$0x3FB1]  }
0x2b: {  	s6 =	sld [smem:$0x3FB2]  }
0x2c: {  	s7 =	sld [smem:$0x3FB3]  }
0x2d: {  	s3 =	simm.s32 $0x108;
	s8 =	sld [smem:$0x3FB4]  }
0x2e: {  	s3 =	simm.s32 @!p0 $0x1082;
	s9 =	sld [smem:$0x3FB5]  }
0x2f: {  	lr =	sadd.s32 s0, s3;
	s0 =	sld [smem:$0x3FAC]  }
0x30: {  	s3 =	sld [smem:$0x3FAF]  }
0x31: {  	[smem:$0x3FB8] =	sst s10  }
0x32: {  	s10 =	sld [smem:$0x3FB6];
	_ =	sdelay $0x3  }
0x33: {  	p0 =	seq.s32 s10, $0x1;
	s10 =	sld [smem:$0x3FB8];
	_ =	sdelay $0x3  }
0x34: {  	[smem:$0x3FB8] =	sst s10  }
0x35: {  	s10 =	sld [smem:$0x3FB7];
	_ =	sdelay $0x3  }
0x36: {  	p1 =	seq.s32 s10, $0x1;
	s10 =	sld [smem:$0x3FB8];
	_ =	sdelay $0x3  }
0x37: {  	[smem:$0x3FB8] =	sst s10  }
0x38: {  	s10 =	sld [smem:$0x3FB9]  }
0x39: {  	_ = 	snop;
	(pc) =	sbr.ind lr, $3  }
0x3a: {  	_ = 	snop  }
0x3b: {  	_ = 	snop  }
0x3c: {  	p2 =	seq.s32 s10, $0x1;
	s10 =	sld [smem:$0x3FB8]  }
0x3d: {  	_ =	shalt  }
0x3e: {  	_ =	shalt  }
0x3f: {  	_ =	shalt  }
0x40: {  	_ =	shalt  }
0x41: {  	_ =	shalt  }
0x42: {  	_ =	shalt  }
0x43: {  	_ =	shalt  }
0x44: {  	_ =	shalt  }
0x45: {  	_ =	shalt  }
0x46: {  	_ =	shalt  }
0x47: {  	_ =	shalt  }
0x48: {  	_ =	shalt  }
0x49: {  	_ =	shalt  }
0x4a: {  	_ =	shalt  }
0x4b: {  	_ =	shalt  }
0x4c: {  	_ =	shalt  }
0x4d: {  	_ =	shalt  }
0x4e: {  	_ =	shalt  }
0x4f: {  	_ =	shalt  }
0x50: {  	_ =	shalt  }
0x51: {  	_ =	shalt  }
0x52: {  	_ =	shalt  }
0x53: {  	_ =	shalt  }
0x54: {  	_ =	shalt  }
0x55: {  	_ =	shalt  }
0x56: {  	_ =	shalt  }
0x57: {  	_ =	shalt  }
0x58: {  	_ =	shalt  }
0x59: {  	_ =	shalt  }
0x5a: {  	_ =	shalt  }
0x5b: {  	_ =	shalt  }
0x5c: {  	_ =	shalt  }
0x5d: {  	_ =	shalt  }
0x5e: {  	_ =	shalt  }
0x5f: {  	_ =	shalt  }
0x60: {  	_ =	shalt  }
0x61: {  	_ =	shalt  }
0x62: {  	_ =	shalt  }
0x63: {  	_ =	shalt  }
0x64: {  	_ =	shalt  }
0x65: {  	_ =	shalt  }
0x66: {  	_ =	shalt  }
0x67: {  	_ =	shalt  }
0x68: {  	_ =	shalt  }
0x69: {  	_ =	shalt  }
0x6a: {  	_ =	shalt  }
0x6b: {  	_ =	shalt  }
0x6c: {  	_ =	shalt  }
0x6d: {  	_ =	shalt  }
0x6e: {  	_ =	shalt  }
0x6f: {  	_ =	shalt  }
0x70: {  	_ =	shalt  }
0x71: {  	_ =	shalt  }
0x72: {  	_ =	shalt  }
0x73: {  	_ =	shalt  }
0x74: {  	_ =	shalt  }
0x75: {  	_ =	shalt  }
0x76: {  	_ =	shalt  }
0x77: {  	_ =	shalt  }
0x78: {  	_ =	shalt  }
0x79: {  	_ =	shalt  }
0x7a: {  	_ =	shalt  }
0x7b: {  	_ =	shalt  }
0x7c: {  	_ =	shalt  }
0x7d: {  	_ =	shalt  }
0x7e: {  	_ =	shalt  }
0x7f: {  	_ =	shalt  }
0x80: {  	_ =	shalt  }
0x81: {  	_ =	shalt  }
0x82: {  	_ =	shalt  }
0x83: {  	_ =	shalt  }
0x84: {  	_ =	shalt  }
0x85: {  	_ =	shalt  }
0x86: {  	_ =	shalt  }
0x87: {  	_ =	shalt  }
.Lfunc_end0:
.L_simem_size_0:
called_computation_lowered:
.L_overlay_start_0:
0x88: {  	s2 =	sld [smem:$0x3FD9]  }
0x89: {  	s3 =	sld [smem:$0x3FFE];
	_ =	sdelay $0x1  }
0x8a: {  	s1 =	srdreg.scid  }
0x8b: {  	s0 =	sand.u32 $0x1, s1  }
0x8c: {  	s17 =	sshll.u32 s0, $0xA;
	s2 =	sadd.s32 s3, s2  }
0x8d: {  	s2 =	sadd.s32 s2, s17  }
0x8e: {  	[smem:$0x3FC4] =	sst s2  }
0x8f: {  	_ = 	snop  }
0x90: {  	s2 =	sld [smem:$0x3FC9]  }
0x91: {  	s18 =	sld [smem:$0x3FC8]  }
0x92: {  	s4 =	sld [smem:$0x3FD0];
	(tm) =	ssettm $0x1  }
0x93: {  	s5 =	sld [smem:$0x3FFB];
	_ =	sdelay $0x3  }
0x94: {  	_ =	strace s5  }
0x95: {  	s5 =	sld [smem:$0x3FFC];
	_ =	sdelay $0x3  }
0x96: {  	_ =	strace s5  }
0x97: {  	s5 =	sld [smem:$0x3FFD];
	_ =	sdelay $0x3  }
0x98: {  	_ =	strace s5  }
0x99: {  	_ =	strace $0x8FFFFFFF  }
0x9a: {  	s19 =	sld [smem:$0x3FDB];
	_ =	sdelay $0x1  }
0x9b: {  	s6 =	simm.s32 $_scs_section_size  }
0x9c: {  	s7 =	simm.s32 $_size__tile_overlayer_lowered;
	s8 =	simm.s32 $_tile_overlayer_lowered  }
0x9d: {  	s22 =	simm.s32 $0x1BFF;
	s21 =	sshll.u32 s8, $0x1;
	s5 =	sadd.s32 s6, s19  }
0x9e: {  	s9 =	simm.s32 $0x0;
	s20 =	sshll.u32 s7, $0x1;
	s7 =	sadd.s32 s21, s5  }
0x9f: {  	[timem:s9], [sflag:s22] =	dma.local [hbm:s7], s20  }
0xa0: {  	_ =	swait.ge [sflag:s22], s20  }
0xa1: {  	s6 =	ssub.s32 $0x0, s20;
	[sflag:s22] =	ssyncset.done $0x0  }
0xa2: {  	[sflag:s22] =	ssyncadd.s32 s6;
	_ =	sdelay $0x1  }
0xa3: {  	s23 =	simm.s32 $0x1B8B  }
0xa4: {  	_ =	swait.ge [sflag:s23], $0x1  }
0xa5: {  	[sflag:s23] =	ssyncset.done $0x0  }
0xa6: {  	s25 =	simm.s32 $0x1B8E;
	s24 =	sld [smem:$0x3FFE];
	[sflag:s23] =	ssyncadd.s32 $0xFFFFFFFF  }
0xa7: {  	s26 =	simm.s32 $execute0_lowered;
	[smem:$0x3FD2] =	sst s25  }
0xa8: {  	s7 =	sshll.u32 s26, $0x1;
	_ =	strace $0x80000046;
	[dreg:$0x1] =	wrdreg $0xFFFFFFFF  }
0xa9: {  	s28 =	simm.s32 $_size_execute0_lowered;
	s5 =	sadd.s32 s5, s7;
	[dreg:$0x0] =	wrdreg $0x0  }
0xaa: {  	s7 =	sshll.u32 s28, $0x1;
	[dreg:$0x2] =	wrdreg s5  }
0xab: {  	[dreg:$0x3] =	wrdreg s7  }
0xac: {  	[dreg:$0x4] =	wrdreg $0xC0  }
0xad: {  	_ =	task [dreg:s9], $0x5FFFF  }
0xae: {  	[dreg:$0x1] =	wrdreg $0xFFFFFFFF  }
0xaf: {  	[dreg:$0x0] =	wrdreg $0x60  }
0xb0: {  	[dreg:$0x2] =	wrdreg s2  }
0xb1: {  	[dreg:$0x3] =	wrdreg s18  }
0xb2: {  	[dreg:$0x4] =	wrdreg s24  }
0xb3: {  	[dreg:$0x5] =	wrdreg s4  }
0xb4: {  	[dreg:$0x6] =	wrdreg $0x57000  }
0xb5: {  	[dreg:$0x7] =	wrdreg $0x9  }
0xb6: {  	_ =	task.clear_ibuf [dreg:s9], $0x8FFFF;
	_ =	strace $0x90000046  }
0xb7: {  	s29 =	simm.s32 $0x9;
	_ =	strace $0x80000048  }
0xb8: {  	_ =	swait.ge [sflag:s29], $0x1  }
0xb9: {  	[sflag:s29] =	ssyncadd.s32 $0xFFFFFFFF  }
0xba: {  	_ =	strace $0x90000048  }
0xbb: {  	_ =	sfence  }
0xbc: {  	s30 =	sld [smem:$0x0];
	_ =	sdelay $0x2  }
0xbd: {  	s31 =	sshll.u32 s1, $0xD;
	s1 =	sshrl.u32 s1, $0x2  }
0xbe: {  	s3 =	sand.u32 $0x4000, s31;
	s1 =	sadd.s32 s1, s30  }
0xbf: {  	s0 =	sor.u32 s3, s0;
	s1 =	sshll.u32 s1, $0x11  }
0xc0: {  	s0 =	sor.u32 s1, s0  }
0xc1: {  	s0 =	sadd.s32 $0x8F2B, s0  }
0xc2: {  	[sflag:s0] =	ssyncadd.remote.s32 $0x1  }
0xc3: {  	_ =	sfence.sel $0xFFFF  }
0xc4: {  	[dreg:$0x0] =	wrdreg $0xFFFFFFFF;
	(pc) =	sbr.abs _section_cstart, $3  }
0xc5: {  	[dreg:$0x1] =	wrdreg $0xFFFFFFFF  }
0xc6: {  	_ =	task.clear_ibuf [dreg:s9], $0x2FFFF;
	_ =	strace $0x9FFFFFFF  }
0xc7: {  	(tm) =	ssettm $0x7FFFFFFF  }
tec
execute0_lowered:
.L_overlay_start_1:
0x0: {  	(tag) =	ssettag $0x1  }
0x1: {  	s7 =	stileid.u32  }
0x2: {  	s4 =	smul.u32 $0x2710, s7  }
0x3: {  	s0 =	srdreg.scid;
	s5 =	smul.u32 $0x4E000, s7  }
0x4: {  	s3 =	sand.u32 $0x1, s0;
	s7 =	smul.u32 $0x13800, s7  }
0x5: {  	s1 =	simm.s32 $0x0;
	s2 =	smul.u32 $0x27100, s3  }
0x6: {  	[smem:$0x7FF] =	sst s1;
	s0 =	ssub.s32 $0x2, s3;
	s3 =	smul.u32 $0x138800, s3  }
0x7: {  	s6 =	sshrl.u32 s0, $0x1;
	s22 =	sshrl.u32 s5, $0x2;
	s23 =	sadd.s32 $0x1400, s7  }
0x8: {  	s24 =	sadd.s32 $0x2800, s7;
	s25 =	sadd.s32 $0x3C00, s7;
	[smem:$0x7DF] =	sst s22  }
0x9: {  	s8 =	sadd.s32 $0x5000, s7;
	s9 =	sadd.s32 $0x6400, s7;
	[smem:$0x7E0] =	sst s23  }
0xa: {  	s11 =	sadd.s32 $0x7800, s7;
	s28 =	sadd.s32 $0x8C00, s7;
	[smem:$0x7E1] =	sst s24  }
0xb: {  	s15 =	sadd.s32 $0xA000, s7;
	s16 =	sadd.s32 $0xB400, s7;
	[smem:$0x7E2] =	sst s25  }
0xc: {  	s17 =	sadd.s32 $0xC800, s7;
	s18 =	sadd.s32 $0xDC00, s7;
	[smem:$0x7E3] =	sst s8  }
0xd: {  	s19 =	sadd.s32 $0xF000, s7;
	s21 =	sadd.s32 $0x10400, s7;
	[smem:$0x7E4] =	sst s9  }
0xe: {  	s20 =	sadd.s32 $0x12800, s7;
	s0 =	ssub.s32 s0, s6;
	[smem:$0x7E6] =	sst s11  }
0xf: {  	[smem:$0x7E8] =	sst s28;
	s22 =	sadd.s32 $0x11800, s7;
	s26 =	sadd.s32 s7, s3  }
0x10: {  	s10 =	sadd.s32 s3, s24;
	s24 =	sadd.s32 s3, s8;
	s28 =	sadd.s32 s3, s28  }
0x11: {  	s29 =	sadd.s32 s3, s15;
	s30 =	sadd.s32 s3, s16;
	s31 =	sadd.s32 s3, s17  }
0x12: {  	s8 =	sadd.s32 s3, s18;
	[smem:$0x7F6] =	sst s0;
	s0 =	sadd.s32 s3, s23  }
0x13: {  	s14 =	sshrl.u32 s26, $0x3;
	s13 =	sshrl.u32 s10, $0x3;
	s23 =	sadd.s32 s3, s25  }
0x14: {  	s25 =	sadd.s32 s3, s9;
	s26 =	sadd.s32 s3, s11;
	s7 =	sshrl.u32 s30, $0x3  }
0x15: {  	s10 =	sshrl.u32 s8, $0x3;
	s30 =	sadd.s32 s3, s19;
	s9 =	sadd.s32 s3, s21  }
0x16: {  	s11 =	sadd.s32 s3, s22;
	s12 =	sshrl.u32 s0, $0x3;
	s8 =	sshrl.u32 s30, $0x3  }
0x17: {  	s0 =	sadd.s32 s3, s20;
	s30 =	sshrl.u32 s3, $0x3;
	s3 =	rddreg [dreg:$0x2]  }
0x18: {  	s2 =	sadd.s32 s4, s2;
	s5 =	sshrl.u32 s0, $0x3;
	s4 =	sadd.s32 $0x9E00, s3  }
0x19: {  	s6 =	sadd.s32 $0x27000, s30;
	s30 =	rddreg [dreg:$0x0];
	s0 =	sadd.s32 s4, s14  }
0x1a: {  	[dreg:$0x6] =	wrdreg s0;
	s0 =	sadd.s32 s4, s12  }
0x1b: {  	s23 =	sshrl.u32 s23, $0x3;
	[dreg:$0x7] =	wrdreg s0;
	s0 =	sadd.s32 s4, s13  }
0x1c: {  	s24 =	sshrl.u32 s24, $0x3;
	[dreg:$0x8] =	wrdreg s0;
	s0 =	sadd.s32 s4, s23  }
0x1d: {  	s25 =	sshrl.u32 s25, $0x3;
	[dreg:$0x9] =	wrdreg s0;
	s0 =	sadd.s32 s4, s24  }
0x1e: {  	s26 =	sshrl.u32 s26, $0x3;
	[dreg:$0xa] =	wrdreg s0;
	s0 =	sadd.s32 s4, s25  }
0x1f: {  	s28 =	sshrl.u32 s28, $0x3;
	[dreg:$0xb] =	wrdreg s0;
	s0 =	sadd.s32 s4, s26  }
0x20: {  	s29 =	sshrl.u32 s29, $0x3;
	[dreg:$0xc] =	wrdreg s0;
	s0 =	sadd.s32 s4, s28  }
0x21: {  	[dreg:$0xd] =	wrdreg s0;
	s0 =	sadd.s32 s4, s29  }
0x22: {  	s31 =	sshrl.u32 s31, $0x3;
	[dreg:$0xe] =	wrdreg s0;
	s0 =	sadd.s32 s4, s7  }
0x23: {  	[dreg:$0xf] =	wrdreg s0;
	s0 =	sadd.s32 s4, s31  }
0x24: {  	[dreg:$0x10] =	wrdreg s0;
	s0 =	sadd.s32 s4, s10  }
0x25: {  	s9 =	sshrl.u32 s9, $0x3;
	[dreg:$0x11] =	wrdreg s0;
	s0 =	sadd.s32 s4, s8  }
0x26: {  	s11 =	sshrl.u32 s11, $0x3;
	[dreg:$0x12] =	wrdreg s0;
	s0 =	sadd.s32 s4, s9  }
0x27: {  	[dreg:$0x13] =	wrdreg s0;
	s0 =	sadd.s32 s4, s11  }
0x28: {  	[dreg:$0x14] =	wrdreg s0;
	s0 =	sadd.s32 s4, s5  }
0x29: {  	s4 =	sadd.s32 s4, s6;
	[dreg:$0x15] =	wrdreg s0  }
0x2a: {  	[dreg:$0x16] =	wrdreg s4;
	s0 =	sadd.s32 $0x58000, s3  }
0x2b: {  	s4 =	rddreg [dreg:$0x1];
	s14 =	sadd.s32 s0, s14  }
0x2c: {  	s12 =	sadd.s32 s0, s12;
	[dreg:$0x17] =	wrdreg s14  }
0x2d: {  	s23 =	sadd.s32 s0, s23;
	[dreg:$0x18] =	wrdreg s12  }
0x2e: {  	s24 =	sadd.s32 s0, s24;
	[dreg:$0x1a] =	wrdreg s23  }
0x2f: {  	s25 =	sadd.s32 s0, s25;
	[dreg:$0x1b] =	wrdreg s24  }
0x30: {  	[dreg:$0x1c] =	wrdreg s25  }
0x31: {  	s8 =	sadd.s32 s0, s8;
	s23 =	sadd.s32 s0, s7;
	s7 =	rddreg [dreg:$0x3]  }
0x32: {  	[smem:$0x7DA] =	sst s8  }
0x33: {  	s5 =	sadd.s32 s0, s5;
	s25 =	sadd.s32 s0, s10;
	s10 =	rddreg [dreg:$0x4]  }
0x34: {  	s14 =	sadd.s32 s0, s13;
	[smem:$0x7DD] =	sst s5  }
0x35: {  	s12 =	sadd.s32 s0, s26;
	[dreg:$0x19] =	wrdreg s14  }
0x36: {  	s13 =	sadd.s32 s0, s28;
	[dreg:$0x1d] =	wrdreg s12  }
0x37: {  	[dreg:$0x1e] =	wrdreg s13  }
0x38: {  	s24 =	sadd.s32 s0, s31;
	[smem:$0x7D7] =	sst s23  }
0x39: {  	[smem:$0x7D8] =	sst s24  }
0x3a: {  	s26 =	sadd.s32 s0, s9;
	[smem:$0x7D9] =	sst s25  }
0x3b: {  	s9 =	sadd.s32 s0, s11;
	[smem:$0x7DB] =	sst s26  }
0x3c: {  	s14 =	sadd.s32 s0, s29;
	[smem:$0x7DC] =	sst s9  }
0x3d: {  	s0 =	sadd.s32 s0, s6;
	[dreg:$0x1f] =	wrdreg s14  }
0x3e: {  	s8 =	sadd.s32 s15, s10;
	[smem:$0x7DE] =	sst s0  }
0x3f: {  	s9 =	sadd.s32 s16, s10;
	_ =	strace $0x80000047;
	[smem:$0x7EA] =	sst s8  }
0x40: {  	s15 =	sadd.s32 s22, s10;
	[smem:$0x7EB] =	sst s9  }
0x41: {  	[smem:$0x7F0] =	sst s15  }
0x42: {  	s11 =	sld [smem:$0x7DF]  }
0x43: {  	s12 =	sld [smem:$0x7E0]  }
0x44: {  	s13 =	sld [smem:$0x7E1]  }
0x45: {  	s14 =	sld [smem:$0x7E2]  }
0x46: {  	s23 =	sld [smem:$0x7E3]  }
0x47: {  	s24 =	sld [smem:$0x7E4]  }
0x48: {  	s5 =	sld [smem:$0x7E6]  }
0x49: {  	s16 =	sshrl.u32 s2, $0x3;
	s6 =	sld [smem:$0x7E8]  }
0x4a: {  	s8 =	simm.s32 $0x1400;
	s22 =	sld [smem:$0x7F6];
	s0 =	sadd.s32 s24, s10  }
0x4b: {  	s29 =	sadd.s32 s11, s10;
	s11 =	sadd.s32 s17, s10;
	[smem:$0x7E5] =	sst s0  }
0x4c: {  	s31 =	sadd.s32 s12, s10;
	s12 =	sadd.s32 s18, s10;
	[smem:$0x7EC] =	sst s11  }
0x4d: {  	s25 =	sadd.s32 s13, s10;
	s13 =	sadd.s32 s19, s10;
	[smem:$0x7ED] =	sst s12  }
0x4e: {  	s26 =	sadd.s32 s14, s10;
	s14 =	sadd.s32 s21, s10;
	[smem:$0x7EE] =	sst s13  }
0x4f: {  	s9 =	simm.s32 $0x5000;
	s17 =	sadd.s32 s20, s10;
	[smem:$0x7EF] =	sst s14  }
0x50: {  	s15 =	simm.s32 $0x28;
	s18 =	sadd.s32 s3, s16;
	[smem:$0x7F1] =	sst s17  }
0x51: {  	s28 =	sadd.s32 s23, s10;
	s24 =	sadd.s32 $0x138000, s10;
	[smem:$0x7F2] =	sst s18  }
0x52: {  	s19 =	sshll.u32 s2, $0x4;
	s20 =	sshll.u32 s2, $0x1;
	[smem:$0x7F8] =	sst s24  }
0x53: {  	s23 =	stileid.u32;
	s0 =	sadd.s32 s5, s10;
	[smem:$0x7F9] =	sst s29  }
0x54: {  	p0 =	sne.s32 s23, $0xF;
	s13 =	sadd.s32 $0x28, s2;
	[smem:$0x7FA] =	sst s31  }
0x55: {  	s11 =	simm.s32 $0x5500;
	s5 =	simm.s32 $0x5600;
	[smem:$0x7FB] =	sst s25  }
0x56: {  	s14 =	simm.s32 $0x1;
	s17 =	simm.s32 $0x5580;
	[smem:$0x7FC] =	sst s26  }
0x57: {  	s18 =	simm.s32 $0x5680;
	s23 =	simm.s32 $0x5;
	[smem:$0x7FD] =	sst s28  }
0x58: {  	s24 =	simm.s32 $0x4;
	[smem:$0x7E7] =	sst s0;
	s0 =	sadd.s32 s6, s10  }
0x59: {  	s6 =	sadd.s32 $0x4E2000, s3;
	[smem:$0x7E9] =	sst s0;
	s0 =	sadd.s32 s7, s16  }
0x5a: {  	s21 =	sadd.s32 s6, s20;
	s20 =	simm.s32 $0x3;
	[smem:$0x7F3] =	sst s0  }
0x5b: {  	s0 =	sadd.s32 s4, s19;
	[smem:$0x7F5] =	sst s21;
	s19 =	simm.s32 $0x5280  }
0x5c: {  	s21 =	simm.s32 $0x2;
	[smem:$0x7F4] =	sst s0;
	s0 =	smax.u32 s22, $0x1  }
0x5d: {  	v0 =	vimm.f32 $0.0e+00;
	s22 =	simm.s32 $0x0;
	[smem:$0x7F7] =	sst s0;
	s0 =	simm.s32 $0x7  }
.LBB2_1:
0x5e: {  	s12 =	simm.s32 $0x0;
	s16 =	simm.s32 $0x200  }
.LBB2_2:
0x5f: {  	p1 =	sne.s32 s16, $0x4E00;
	[tilespmem:s12+$0x1470] =	vst v0  }
0x60: {  	[tilespmem:s12+$0x0] =	vst v0  }
0x61: {  	[tilespmem:s12+$0x1400] =	vst v0  }
0x62: {  	[tilespmem:s12+$0x10] =	vst v0  }
0x63: {  	[tilespmem:s12+$0x1410] =	vst v0  }
0x64: {  	[tilespmem:s12+$0x20] =	vst v0  }
0x65: {  	[tilespmem:s12+$0x1420] =	vst v0  }
0x66: {  	[tilespmem:s12+$0x30] =	vst v0  }
0x67: {  	[tilespmem:s12+$0x1430] =	vst v0  }
0x68: {  	[tilespmem:s12+$0x40] =	vst v0  }
0x69: {  	[tilespmem:s12+$0x1440] =	vst v0  }
.Ltmp0:
0x6a: {  	[tilespmem:s12+$0x50] =	vst v0;
	(pc) =	sbr.rel @p1 .LBB2_2-.Ltmp0, $4  }
0x6b: {  	[tilespmem:s12+$0x1450] =	vst v0  }
0x6c: {  	[tilespmem:s12+$0x60] =	vst v0  }
0x6d: {  	[tilespmem:s12+$0x1460] =	vst v0  }
0x6e: {  	[tilespmem:s12+$0x70] =	vst v0;
	s12 =	sshra.s32 s16, $0x2;
	s16 =	sadd.s32 $0x200, s16  }
0x6f: {  	[tilespmem:s12+$0x1470] =	vst v0  }
0x70: {  	[tilespmem:s12+$0x0] =	vst v0  }
0x71: {  	[tilespmem:s12+$0x1400] =	vst v0  }
0x72: {  	[tilespmem:s12+$0x10] =	vst v0  }
0x73: {  	[tilespmem:s12+$0x1410] =	vst v0  }
0x74: {  	[tilespmem:s12+$0x20] =	vst v0  }
0x75: {  	[tilespmem:s12+$0x1420] =	vst v0  }
0x76: {  	[tilespmem:s12+$0x30] =	vst v0  }
0x77: {  	[tilespmem:s12+$0x1430] =	vst v0  }
0x78: {  	[tilespmem:s12+$0x40] =	vst v0  }
0x79: {  	[tilespmem:s12+$0x1440] =	vst v0  }
0x7a: {  	[tilespmem:s12+$0x50] =	vst v0  }
0x7b: {  	[tilespmem:s12+$0x1450] =	vst v0  }
0x7c: {  	[tilespmem:s12+$0x60] =	vst v0  }
0x7d: {  	[tilespmem:s12+$0x1460] =	vst v0  }
0x7e: {  	[smem:$0x7D6] =	sst s22;
	[tilespmem:s12+$0x70] =	vst v0  }
0x7f: {  	[spmem:s29] =	stream.linear.scatter [tilespmem:s1], [sflag:$0x7], $0x1400, $0x38;
	[tilespmem:$0x18F80] =	vst v63  }
0x80: {  	_ =	swait.ge [sflag:s0], $0x1400  }
0x81: {  	[sflag:s0] =	ssyncset.done $0x0  }
0x82: {  	[sflag:s0] =	ssyncadd.s32 $0xFFFFEC00  }
0x83: {  	[spmem:s31] =	stream.linear.scatter [tilespmem:s8], [sflag:$0x7], $0x1400, $0x38;
	[tilespmem:$0x18F80] =	vst v63  }
0x84: {  	_ =	swait.ge [sflag:s0], $0x1400  }
0x85: {  	[sflag:s0] =	ssyncset.done $0x0  }
0x86: {  	[sflag:s0] =	ssyncadd.s32 $0xFFFFEC00  }
0x87: {  	[spmem:s25] =	stream.linear.scatter [tilespmem:s1], [sflag:$0x7], $0x1400, $0x38;
	[tilespmem:$0x18F80] =	vst v63  }
0x88: {  	_ =	swait.ge [sflag:s0], $0x1400  }
0x89: {  	[sflag:s0] =	ssyncset.done $0x0  }
0x8a: {  	[sflag:s0] =	ssyncadd.s32 $0xFFFFEC00  }
0x8b: {  	[spmem:s26] =	stream.linear.scatter [tilespmem:s8], [sflag:$0x7], $0x1400, $0x38;
	[tilespmem:$0x18F80] =	vst v63  }
0x8c: {  	_ =	swait.ge [sflag:s0], $0x1400  }
0x8d: {  	[sflag:s0] =	ssyncset.done $0x0  }
0x8e: {  	[sflag:s0] =	ssyncadd.s32 $0xFFFFEC00  }
0x8f: {  	[spmem:s28] =	stream.linear.scatter [tilespmem:s1], [sflag:$0x7], $0x1400, $0x38;
	[tilespmem:$0x18F80] =	vst v63  }
0x90: {  	_ =	swait.ge [sflag:s0], $0x1400  }
0x91: {  	s25 =	sld [smem:$0x7E5]  }
0x92: {  	[sflag:s0] =	ssyncset.done $0x0  }
0x93: {  	[sflag:s0] =	ssyncadd.s32 $0xFFFFEC00  }
0x94: {  	[spmem:s25] =	stream.linear.scatter [tilespmem:s8], [sflag:$0x7], $0x1400, $0x38;
	[tilespmem:$0x18F80] =	vst v63  }
0x95: {  	_ =	swait.ge [sflag:s0], $0x1400  }
0x96: {  	s26 =	sld [smem:$0x7E7]  }
0x97: {  	[sflag:s0] =	ssyncset.done $0x0  }
0x98: {  	[sflag:s0] =	ssyncadd.s32 $0xFFFFEC00  }
0x99: {  	[spmem:s26] =	stream.linear.scatter [tilespmem:s1], [sflag:$0x7], $0x1400, $0x38;
	[tilespmem:$0x18F80] =	vst v63  }
0x9a: {  	_ =	swait.ge [sflag:s0], $0x1400  }
0x9b: {  	s29 =	sld [smem:$0x7E9]  }
0x9c: {  	[sflag:s0] =	ssyncset.done $0x0  }
0x9d: {  	[sflag:s0] =	ssyncadd.s32 $0xFFFFEC00  }
0x9e: {  	[spmem:s29] =	stream.linear.scatter [tilespmem:s8], [sflag:$0x7], $0x1400, $0x38;
	[tilespmem:$0x18F80] =	vst v63  }
0x9f: {  	_ =	swait.ge [sflag:s0], $0x1400  }
0xa0: {  	s31 =	sld [smem:$0x7EA]  }
0xa1: {  	[sflag:s0] =	ssyncset.done $0x0  }
0xa2: {  	[sflag:s0] =	ssyncadd.s32 $0xFFFFEC00  }
0xa3: {  	[spmem:s31] =	stream.linear.scatter [tilespmem:s1], [sflag:$0x7], $0x1400, $0x38;
	[tilespmem:$0x18F80] =	vst v63  }
0xa4: {  	_ =	swait.ge [sflag:s0], $0x1400  }
0xa5: {  	s16 =	sld [smem:$0x7EB]  }
0xa6: {  	[sflag:s0] =	ssyncset.done $0x0  }
0xa7: {  	[sflag:s0] =	ssyncadd.s32 $0xFFFFEC00  }
0xa8: {  	[spmem:s16] =	stream.linear.scatter [tilespmem:s8], [sflag:$0x7], $0x1400, $0x38;
	[tilespmem:$0x18F80] =	vst v63  }
0xa9: {  	_ =	swait.ge [sflag:s0], $0x1400  }
0xaa: {  	s22 =	sld [smem:$0x7EC]  }
0xab: {  	[sflag:s0] =	ssyncset.done $0x0  }
0xac: {  	[sflag:s0] =	ssyncadd.s32 $0xFFFFEC00  }
0xad: {  	[spmem:s22] =	stream.linear.scatter [tilespmem:s1], [sflag:$0x7], $0x1400, $0x38;
	[tilespmem:$0x18F80] =	vst v63  }
0xae: {  	_ =	swait.ge [sflag:s0], $0x1400  }
0xaf: {  	s25 =	sld [smem:$0x7ED]  }
0xb0: {  	[sflag:s0] =	ssyncset.done $0x0  }
0xb1: {  	[sflag:s0] =	ssyncadd.s32 $0xFFFFEC00  }
0xb2: {  	[spmem:s25] =	stream.linear.scatter [tilespmem:s8], [sflag:$0x7], $0x1400, $0x38;
	[tilespmem:$0x18F80] =	vst v63  }
0xb3: {  	_ =	swait.ge [sflag:s0], $0x1400  }
0xb4: {  	s26 =	sld [smem:$0x7EE]  }
0xb5: {  	[sflag:s0] =	ssyncset.done $0x0  }
0xb6: {  	[sflag:s0] =	ssyncadd.s32 $0xFFFFEC00  }
0xb7: {  	[spmem:s26] =	stream.linear.scatter [tilespmem:s1], [sflag:$0x7], $0x1400, $0x38;
	[tilespmem:$0x18F80] =	vst v63  }
0xb8: {  	_ =	swait.ge [sflag:s0], $0x1400  }
0xb9: {  	s29 =	sld [smem:$0x7EF]  }
0xba: {  	[sflag:s0] =	ssyncset.done $0x0  }
0xbb: {  	[sflag:s0] =	ssyncadd.s32 $0xFFFFEC00  }
0xbc: {  	[spmem:s29] =	stream.linear.scatter [tilespmem:s8], [sflag:$0x7], $0x1400, $0x38;
	[tilespmem:$0x18F80] =	vst v63  }
0xbd: {  	_ =	swait.ge [sflag:s0], $0x1400  }
0xbe: {  	s31 =	sld [smem:$0x7F0]  }
0xbf: {  	[sflag:s0] =	ssyncset.done $0x0  }
0xc0: {  	[sflag:s0] =	ssyncadd.s32 $0xFFFFEC00  }
0xc1: {  	[spmem:s31] =	stream.linear.scatter [tilespmem:s1], [sflag:$0x7], $0x1000, $0x38;
	[tilespmem:$0x18F80] =	vst v63  }
0xc2: {  	_ =	swait.ge [sflag:s0], $0x1000  }
0xc3: {  	s16 =	sld [smem:$0x7F1]  }
0xc4: {  	[sflag:s0] =	ssyncset.done $0x0  }
0xc5: {  	[sflag:s0] =	ssyncadd.s32 $0xFFFFF000  }
0xc6: {  	[spmem:s16] =	stream.linear.scatter [tilespmem:s8], [sflag:$0x7], $0x1000, $0x38;
	[tilespmem:$0x18F80] =	vst v63  }
0xc7: {  	_ =	swait.ge [sflag:s0], $0x1000  }
0xc8: {  	s16 =	sld [smem:$0x7F8]  }
0xc9: {  	[sflag:s0] =	ssyncset.done $0x0  }
0xca: {  	s12 =	simm.s32 @!p0 $0x0;
	[sflag:s0] =	ssyncadd.s32 $0xFFFFF000  }
0xcb: {  	[spmem:s16] =	stream.linear.scatter @!p0 [tilespmem:s12], [sflag:$0x7], $0x800, $0x38;
	[tilespmem:$0x18F80] =	vst v63  }
0xcc: {  	s12 =	simm.s32 @!p0 $0x7  }
0xcd: {  	_ =	swait.ge @!p0 [sflag:s12], $0x800  }
0xce: {  	[sflag:s12] =	ssyncset.done @!p0 $0x0  }
0xcf: {  	[sflag:s12] =	ssyncadd.s32 @!p0 $0xFFFFF800  }
0xd0: {  	[bflag:$0x0] =	sbarrier.arrive $0xFFFF  }
0xd1: {  	s22 =	sld [smem:$0x7F2];
	_ =	sdelay $0x1  }
0xd2: {  	s26 =	simm.s32 $0x0;
	s25 =	sld [smem:$0x7F3]  }
0xd3: {  	[tilespmem:s11], [sflag:$0x1] =	stream.linear.gather [hbm4b:s22+s26], $0x28, $0x38;
	[tilespmem:$0x18F80] =	vst v63  }
0xd4: {  	s29 =	sld [smem:$0x7F4]  }
0xd5: {  	[tilespmem:s5], [sflag:$0x1] =	stream.linear.gather [hbm4b:s25+s26], $0x28, $0x38;
	[tilespmem:$0x18F80] =	vst v63  }
0xd6: {  	s31 =	sld [smem:$0x7F5]  }
0xd7: {  	[tilespmem:s26], [sflag:$0x1] =	stream.linear.gather [hbm4b:s29+s26], $0x1400, $0x38;
	[tilespmem:$0x18F80] =	vst v63  }
0xd8: {  	s28 =	simm.s32 $0x0  }
0xd9: {  	[tilespmem:s9], [sflag:$0x1] =	stream.linear.gather [hbm4b:s31+s26], $0x280, $0x38;
	[tilespmem:$0x18F80] =	vst v63  }
.LBB2_4:
0xda: {  	_ =	swait.ge [sflag:s14], $0x28  }
0xdb: {  	[sflag:s14] =	ssyncset.done $0x0  }
0xdc: {  	[sflag:s14] =	ssyncadd.s32 $0xFFFFFFD8  }
0xdd: {  	_ =	swait.ge [sflag:s14], $0x28  }
0xde: {  	[sflag:s14] =	ssyncset.done $0x0  }
0xdf: {  	[sflag:s14] =	ssyncadd.s32 $0xFFFFFFD8  }
0xe0: {  	_ =	swait.ge [sflag:s14], $0x1400  }
0xe1: {  	[sflag:s14] =	ssyncset.done $0x0  }
0xe2: {  	[sflag:s14] =	ssyncadd.s32 $0xFFFFEC00  }
0xe3: {  	_ =	swait.ge [sflag:s14], $0x280  }
0xe4: {  	s12 =	simm.s32 $0x2800;
	p1 =	seq.s32 s28, $0x0;
	[sflag:s14] =	ssyncset.done $0x0  }
0xe5: {  	s22 =	smul.u32 $0x50, s28;
	s16 =	simm.s32 @!p1 $0x6;
	[sflag:s14] =	ssyncadd.s32 $0xFFFFFD80  }
0xe6: {  	[tilespmem:s12], [sflag:$0x3] =	stream.indirect.gather [hbm4b:s30+s15], $0x80, s11, s15, $0xb8;
	[tilespmem:$0x18F80] =	vst v63  }
0xe7: {  	s12 =	sadd.s32 s22, s13;
	_ =	swait.ge @!p1 [sflag:s16], $0x1400  }
0xe8: {  	s22 =	sshrl.u32 s12, $0x3;
	[sflag:s16] =	ssyncset.done @!p1 $0x0  }
0xe9: {  	s25 =	sadd.s32 s3, s22;
	[sflag:s16] =	ssyncadd.s32 @!p1 $0xFFFFEC00  }
0xea: {  	[tilespmem:s17], [sflag:$0x2] =	stream.linear.gather [hbm4b:s25+s26], $0x28, $0x38;
	[tilespmem:$0x18F80] =	vst v63  }
0xeb: {  	s22 =	sadd.s32 s7, s22;
	s25 =	sshll.u32 s12, $0x4  }
0xec: {  	[tilespmem:s18], [sflag:$0x2] =	stream.linear.gather [hbm4b:s22+s26], $0x28, $0x38;
	[tilespmem:$0x18F80] =	vst v63  }
0xed: {  	s12 =	sshll.u32 s12, $0x1;
	s16 =	sadd.s32 s4, s25  }
0xee: {  	[tilespmem:s8], [sflag:$0x2] =	stream.linear.gather [hbm4b:s16+s26], $0x1400, $0x38;
	[tilespmem:$0x18F80] =	vst v63  }
0xef: {  	s12 =	sadd.s32 s6, s12  }
0xf0: {  	[tilespmem:s19], [sflag:$0x2] =	stream.linear.gather [hbm4b:s12+s26], $0x280, $0x38;
	[tilespmem:$0x18F80] =	vst v63  }
0xf1: {  	_ =	swait.ge [sflag:s20], $0x1400  }
0xf2: {  	[sflag:s20] =	ssyncset.done $0x0  }
0xf3: {  	s31 =	simm.s32 $0x0;
	[sflag:s20] =	ssyncadd.s32 $0xFFFFEC00  }
0xf4: {  	v2 =	vld [tilespmem:s31+$0x2870]  }
0xf5: {  	v4 =	vld [tilespmem:s31+$0x2840]  }
0xf6: {  	v5 =	vld [tilespmem:s31+$0x2810]  }
0xf7: {  	v1 =	vld [tilespmem:s31+$0x2860]  }
0xf8: {  	v3 =	vld [tilespmem:s31+$0x2820]  }
0xf9: {  	v6 =	vld [tilespmem:s31+$0x2830]  }
0xfa: {  	v9 =	vld [tilespmem:s31+$0x2800]  }
0xfb: {  	v11 =	vld [tilespmem:s31+$0x0]  }
0xfc: {  	v8 =	vld [tilespmem:s31+$0x20]  }
0xfd: {  	v10 =	vld [tilespmem:s31+$0x2850]  }
0xfe: {  	v13 =	vld [tilespmem:s31+$0x10]  }
0xff: {  	v12 =	vld [tilespmem:s31+$0x50]  }
0x100: {  	s12 =	simm.s32 $0x5000;
	v15 =	vld [tilespmem:s31+$0x40]  }
0x101: {  	v7 =	vld [tilespmem:s12+$0x0]  }
0x102: {  	s29 =	sshll.u32 s28, $0x1;
	s25 =	simm.s32 $0x200;
	v14 =	vld [tilespmem:s31+$0x30]  }
.LBB2_5:
0x103: {  	s22 =	smov.u32 s25  }
0x104: {  	s16 =	sshra.s32 s25, $0x2;
	v9 =	vmul.f32 v9, v11;
	v11 =	vld [tilespmem:s31+$0x70];
	s12 =	sadd.s32 $0x10, s12;
	s22 =	sadd.s32 $0x200, s25  }
0x105: {  	p1 =	sne.s32 s25, $0x4E00;
	v13 =	vmul.f32 v5, v13;
	v16 =	vld [tilespmem:s16+$0x2870]  }
0x106: {  	v10 =	vmul.f32 v10, v12;
	v15 =	vmul.f32 v4, v15;
	v4 =	vld [tilespmem:s16+$0x2840]  }
0x107: {  	v12 =	vbroadcast v7, $0x0;
	v17 =	vbroadcast v7, $0x2;
	v5 =	vld [tilespmem:s16+$0x2810]  }
0x108: {  	v19 =	vbroadcast v7, $0x6;
	v14 =	vmul.f32 v6, v14;
	v18 =	vld [tilespmem:s31+$0x60]  }
0x109: {  	v6 =	vmul.f32 v3, v8;
	v8 =	vbroadcast v7, $0x7;
	v20 =	vld [tilespmem:s16+$0x2860]  }
0x10a: {  	v9 =	vmul.f32 v9, v12;
	v12 =	vbroadcast v7, $0x1;
	v3 =	vld [tilespmem:s16+$0x2820]  }
0x10b: {  	v21 =	vbroadcast v7, $0x5;
	v17 =	vmul.f32 v6, v17  }
0x10c: {  	v12 =	vmul.f32 v13, v12;
	v13 =	vmul.f32 v2, v11;
	v2 =	vmov v16;
	v6 =	vld [tilespmem:s16+$0x2830];
	[tilespmem:s31+$0x0] =	vst v9  }
0x10d: {  	v10 =	vmul.f32 v10, v21;
	v16 =	vbroadcast v7, $0x4;
	v9 =	vld [tilespmem:s16+$0x2800];
	[tilespmem:s31+$0x20] =	vst v17  }
0x10e: {  	v7 =	vbroadcast v7, $0x3;
	v11 =	vld [tilespmem:s16+$0x0];
	[tilespmem:s31+$0x10] =	vst v12;
	v12 =	vmul.f32 v13, v8  }
0x10f: {  	v15 =	vmul.f32 v15, v16;
	v16 =	vmul.f32 v1, v18;
	v1 =	vmov v20;
	v8 =	vld [tilespmem:s16+$0x20];
	[tilespmem:s31+$0x50] =	vst v10  }
0x110: {  	v7 =	vmul.f32 v14, v7;
	v10 =	vld [tilespmem:s16+$0x2850];
	[tilespmem:s31+$0x70] =	vst v12  }
.Ltmp1:
0x111: {  	v14 =	vmul.f32 v16, v19;
	v13 =	vld [tilespmem:s16+$0x10];
	[tilespmem:s31+$0x40] =	vst v15;
	(pc) =	sbr.rel @p1 .LBB2_5-.Ltmp1, $4  }
0x112: {  	v12 =	vld [tilespmem:s16+$0x50];
	[tilespmem:s31+$0x30] =	vst v7  }
0x113: {  	v15 =	vld [tilespmem:s16+$0x40];
	[tilespmem:s31+$0x60] =	vst v14;
	s31 =	smov.u32 s16  }
0x114: {  	v7 =	vld [tilespmem:s12+$0x0]  }
0x115: {  	s25 =	smov.u32 s22;
	v14 =	vld [tilespmem:s31+$0x30]  }
0x116: {  	_ = 	snop  }
0x117: {  	v9 =	vmul.f32 v9, v11;
	v5 =	vmul.f32 v5, v13  }
0x118: {  	v3 =	vmul.f32 v3, v8;
	v10 =	vmul.f32 v10, v12  }
0x119: {  	v11 =	vld [tilespmem:s31+$0x70];
	v4 =	vmul.f32 v4, v15;
	v12 =	vbroadcast v7, $0x0  }
0x11a: {  	v13 =	vbroadcast v7, $0x2;
	v8 =	vbroadcast v7, $0x7  }
0x11b: {  	v15 =	vld [tilespmem:s31+$0x60];
	v6 =	vmul.f32 v6, v14;
	v14 =	vbroadcast v7, $0x6  }
0x11c: {  	v9 =	vmul.f32 v9, v12;
	v12 =	vbroadcast v7, $0x1  }
0x11d: {  	v3 =	vmul.f32 v3, v13;
	v13 =	vbroadcast v7, $0x5  }
0x11e: {  	v2 =	vmul.f32 v2, v11;
	[tilespmem:s31+$0x0] =	vst v9;
	v5 =	vmul.f32 v5, v12  }
0x11f: {  	[tilespmem:s31+$0x20] =	vst v3;
	v3 =	vbroadcast v7, $0x4;
	v9 =	vmul.f32 v10, v13  }
0x120: {  	v2 =	vmul.f32 v2, v8;
	v1 =	vmul.f32 v1, v15;
	[tilespmem:s31+$0x10] =	vst v5  }
0x121: {  	v5 =	vbroadcast v7, $0x3;
	v3 =	vmul.f32 v4, v3;
	[tilespmem:s31+$0x50] =	vst v9  }
0x122: {  	[tilespmem:s31+$0x70] =	vst v2;
	v1 =	vmul.f32 v1, v14  }
0x123: {  	v4 =	vmul.f32 v6, v5;
	[tilespmem:s31+$0x40] =	vst v3  }
0x124: {  	[tilespmem:s31+$0x60] =	vst v1  }
0x125: {  	s12 =	simm.s32 $0x0;
	[tilespmem:s31+$0x30] =	vst v4  }
0x126: {  	[spmem:s10] =	stream.indirect.scatter.add.f32 [tilespmem:s12], [sflag:$0x5], $0x80, s5, s15, $0xb8;
	[tilespmem:$0x18F80] =	vst v63  }
0x127: {  	_ =	swait.ge [sflag:s21], $0x28  }
0x128: {  	[sflag:s21] =	ssyncset.done $0x0  }
0x129: {  	[sflag:s21] =	ssyncadd.s32 $0xFFFFFFD8  }
0x12a: {  	_ =	swait.ge [sflag:s21], $0x28  }
0x12b: {  	[sflag:s21] =	ssyncset.done $0x0  }
0x12c: {  	[sflag:s21] =	ssyncadd.s32 $0xFFFFFFD8  }
0x12d: {  	_ =	swait.ge [sflag:s21], $0x1400  }
0x12e: {  	[sflag:s21] =	ssyncset.done $0x0  }
0x12f: {  	s25 =	sadd.s32 $0x2, s29;
	[sflag:s21] =	ssyncadd.s32 $0xFFFFEC00  }
0x130: {  	s22 =	smul.u32 $0x28, s25;
	_ =	swait.ge [sflag:s21], $0x280  }
0x131: {  	p1 =	seq.s32 s25, $0xFA;
	[sflag:s21] =	ssyncset.done $0x0  }
0x132: {  	s16 =	simm.s32 $0x3C00;
	s22 =	simm.s32 @p1 $0x0;
	[sflag:s21] =	ssyncadd.s32 $0xFFFFFD80  }
0x133: {  	[tilespmem:s16], [sflag:$0x4] =	stream.indirect.gather [hbm4b:s30+s15], $0x80, s17, s15, $0xb8;
	[tilespmem:$0x18F80] =	vst v63  }
0x134: {  	s16 =	sadd.s32 s2, s22;
	_ =	swait.ge [sflag:s23], $0x1400  }
0x135: {  	s22 =	sshrl.u32 s16, $0x3;
	[sflag:s23] =	ssyncset.done $0x0  }
0x136: {  	s25 =	sadd.s32 s3, s22;
	[sflag:s23] =	ssyncadd.s32 $0xFFFFEC00  }
0x137: {  	[tilespmem:s11], [sflag:$0x1] =	stream.linear.gather [hbm4b:s25+s12], $0x28, $0x38;
	[tilespmem:$0x18F80] =	vst v63  }
0x138: {  	s31 =	sshll.u32 s16, $0x4;
	s22 =	sadd.s32 s7, s22  }
0x139: {  	[tilespmem:s5], [sflag:$0x1] =	stream.linear.gather [hbm4b:s22+s12], $0x28, $0x38;
	[tilespmem:$0x18F80] =	vst v63  }
0x13a: {  	s16 =	sshll.u32 s16, $0x1;
	s22 =	sadd.s32 s4, s31  }
0x13b: {  	[tilespmem:s12], [sflag:$0x1] =	stream.linear.gather [hbm4b:s22+s12], $0x1400, $0x38;
	[tilespmem:$0x18F80] =	vst v63  }
0x13c: {  	s16 =	sadd.s32 s6, s16  }
0x13d: {  	[tilespmem:s9], [sflag:$0x1] =	stream.linear.gather [hbm4b:s16+s12], $0x280, $0x38;
	[tilespmem:$0x18F80] =	vst v63  }
0x13e: {  	_ =	swait.ge [sflag:s24], $0x1400  }
0x13f: {  	[sflag:s24] =	ssyncset.done $0x0  }
0x140: {  	s29 =	simm.s32 $0x0;
	[sflag:s24] =	ssyncadd.s32 $0xFFFFEC00  }
0x141: {  	v2 =	vld [tilespmem:s29+$0x3C70]  }
0x142: {  	v4 =	vld [tilespmem:s29+$0x3C40]  }
0x143: {  	v5 =	vld [tilespmem:s29+$0x3C10]  }
0x144: {  	v1 =	vld [tilespmem:s29+$0x3C60]  }
0x145: {  	v3 =	vld [tilespmem:s29+$0x3C20]  }
0x146: {  	v6 =	vld [tilespmem:s29+$0x3C30]  }
0x147: {  	v9 =	vld [tilespmem:s29+$0x3C00]  }
0x148: {  	v11 =	vld [tilespmem:s29+$0x1400]  }
0x149: {  	v8 =	vld [tilespmem:s29+$0x1420]  }
0x14a: {  	v10 =	vld [tilespmem:s29+$0x3C50]  }
0x14b: {  	v13 =	vld [tilespmem:s29+$0x1410]  }
0x14c: {  	v12 =	vld [tilespmem:s29+$0x1450]  }
0x14d: {  	s12 =	simm.s32 $0x5280;
	v15 =	vld [tilespmem:s29+$0x1440]  }
0x14e: {  	v7 =	vld [tilespmem:s12+$0x0]  }
0x14f: {  	s22 =	simm.s32 $0x200;
	v14 =	vld [tilespmem:s29+$0x1430]  }
.LBB2_7:
0x150: {  	s25 =	smov.u32 s22  }
0x151: {  	s16 =	sshra.s32 s22, $0x2;
	v9 =	vmul.f32 v9, v11;
	v11 =	vld [tilespmem:s29+$0x1470];
	s12 =	sadd.s32 $0x10, s12;
	s25 =	sadd.s32 $0x200, s22  }
0x152: {  	p1 =	sne.s32 s22, $0x4E00;
	v13 =	vmul.f32 v5, v13;
	v16 =	vld [tilespmem:s16+$0x3C70]  }
0x153: {  	v10 =	vmul.f32 v10, v12;
	v15 =	vmul.f32 v4, v15;
	v4 =	vld [tilespmem:s16+$0x3C40]  }
0x154: {  	v12 =	vbroadcast v7, $0x0;
	v17 =	vbroadcast v7, $0x2;
	v5 =	vld [tilespmem:s16+$0x3C10]  }
0x155: {  	v19 =	vbroadcast v7, $0x6;
	v14 =	vmul.f32 v6, v14;
	v18 =	vld [tilespmem:s29+$0x1460]  }
0x156: {  	v6 =	vmul.f32 v3, v8;
	v8 =	vbroadcast v7, $0x7;
	v20 =	vld [tilespmem:s16+$0x3C60]  }
0x157: {  	v9 =	vmul.f32 v9, v12;
	v12 =	vbroadcast v7, $0x1;
	v3 =	vld [tilespmem:s16+$0x3C20]  }
0x158: {  	v21 =	vbroadcast v7, $0x5;
	v17 =	vmul.f32 v6, v17  }
0x159: {  	v12 =	vmul.f32 v13, v12;
	v13 =	vmul.f32 v2, v11;
	v2 =	vmov v16;
	v6 =	vld [tilespmem:s16+$0x3C30];
	[tilespmem:s29+$0x1400] =	vst v9  }
0x15a: {  	v10 =	vmul.f32 v10, v21;
	v16 =	vbroadcast v7, $0x4;
	v9 =	vld [tilespmem:s16+$0x3C00];
	[tilespmem:s29+$0x1420] =	vst v17  }
0x15b: {  	v7 =	vbroadcast v7, $0x3;
	v11 =	vld [tilespmem:s16+$0x1400];
	[tilespmem:s29+$0x1410] =	vst v12;
	v12 =	vmul.f32 v13, v8  }
0x15c: {  	v15 =	vmul.f32 v15, v16;
	v16 =	vmul.f32 v1, v18;
	v1 =	vmov v20;
	v8 =	vld [tilespmem:s16+$0x1420];
	[tilespmem:s29+$0x1450] =	vst v10  }
0x15d: {  	v7 =	vmul.f32 v14, v7;
	v10 =	vld [tilespmem:s16+$0x3C50];
	[tilespmem:s29+$0x1470] =	vst v12  }
.Ltmp2:
0x15e: {  	v14 =	vmul.f32 v16, v19;
	v13 =	vld [tilespmem:s16+$0x1410];
	[tilespmem:s29+$0x1440] =	vst v15;
	(pc) =	sbr.rel @p1 .LBB2_7-.Ltmp2, $4  }
0x15f: {  	v12 =	vld [tilespmem:s16+$0x1450];
	[tilespmem:s29+$0x1430] =	vst v7  }
0x160: {  	v15 =	vld [tilespmem:s16+$0x1440];
	[tilespmem:s29+$0x1460] =	vst v14;
	s29 =	smov.u32 s16  }
0x161: {  	v7 =	vld [tilespmem:s12+$0x0]  }
0x162: {  	s22 =	smov.u32 s25;
	v14 =	vld [tilespmem:s29+$0x1430]  }
0x163: {  	_ = 	snop  }
0x164: {  	v9 =	vmul.f32 v9, v11;
	v5 =	vmul.f32 v5, v13  }
0x165: {  	v3 =	vmul.f32 v3, v8;
	v10 =	vmul.f32 v10, v12  }
0x166: {  	v4 =	vmul.f32 v4, v15;
	v54 =	vbroadcast v7, $0x0  }
0x167: {  	v53 =	vld [tilespmem:s29+$0x1470];
	v55 =	vbroadcast v7, $0x2;
	v56 =	vbroadcast v7, $0x6  }
0x168: {  	v58 =	vld [tilespmem:s29+$0x1460];
	v57 =	vbroadcast v7, $0x7;
	v59 =	vbroadcast v7, $0x1  }
0x169: {  	v60 =	vbroadcast v7, $0x5;
	v9 =	vmul.f32 v9, v54  }
0x16a: {  	v62 =	vbroadcast v7, $0x3;
	v3 =	vmul.f32 v3, v55  }
0x16b: {  	v6 =	vmul.f32 v6, v14;
	v5 =	vmul.f32 v5, v59;
	[tilespmem:s29+$0x1400] =	vst v9  }
0x16c: {  	v2 =	vmul.f32 v2, v53;
	v61 =	vmul.f32 v10, v60;
	[tilespmem:s29+$0x1420] =	vst v3  }
0x16d: {  	s28 =	sadd.s32 $0x1, s28;
	v1 =	vmul.f32 v1, v58;
	v63 =	vmul.f32 v6, v62;
	[tilespmem:s29+$0x1410] =	vst v5  }
0x16e: {  	p1 =	sne.s32 s28, $0x7D;
	v3 =	vbroadcast v7, $0x4;
	v2 =	vmul.f32 v2, v57;
	[tilespmem:s29+$0x1450] =	vst v61  }
.Ltmp3:
0x16f: {  	v1 =	vmul.f32 v1, v56;
	[tilespmem:s29+$0x1430] =	vst v63;
	(pc) =	sbr.rel @p1 .LBB2_4-.Ltmp3, $4  }
0x170: {  	v3 =	vmul.f32 v4, v3;
	[tilespmem:s29+$0x1470] =	vst v2  }
0x171: {  	[tilespmem:s29+$0x1460] =	vst v1  }
0x172: {  	[tilespmem:s29+$0x1440] =	vst v3  }
0x173: {  	[spmem:s10] =	stream.indirect.scatter.add.f32 [tilespmem:s8], [sflag:$0x6], $0x80, s18, s15, $0xb8;
	[tilespmem:$0x18F80] =	vst v63  }
0x174: {  	s12 =	simm.s32 $0x6  }
0x175: {  	_ =	swait.ge [sflag:s12], $0x1400  }
0x176: {  	[sflag:s12] =	ssyncset.done $0x0  }
0x177: {  	[sflag:s12] =	ssyncadd.s32 $0xFFFFEC00  }
0x178: {  	_ =	swait.ge [sflag:s14], $0x28  }
0x179: {  	[sflag:s14] =	ssyncset.done $0x0  }
0x17a: {  	[sflag:s14] =	ssyncadd.s32 $0xFFFFFFD8  }
0x17b: {  	_ =	swait.ge [sflag:s14], $0x28  }
0x17c: {  	[sflag:s14] =	ssyncset.done $0x0  }
0x17d: {  	[sflag:s14] =	ssyncadd.s32 $0xFFFFFFD8  }
0x17e: {  	_ =	swait.ge [sflag:s14], $0x1400  }
0x17f: {  	[sflag:s14] =	ssyncset.done $0x0  }
0x180: {  	[sflag:s14] =	ssyncadd.s32 $0xFFFFEC00  }
0x181: {  	_ =	swait.ge [sflag:s14], $0x280  }
0x182: {  	[sflag:s14] =	ssyncset.done $0x0  }
0x183: {  	[sflag:s14] =	ssyncadd.s32 $0xFFFFFD80  }
0x184: {  	[bflag:$0x0] =	sbarrier.arrive $0xFFFF  }
0x185: {  	s29 =	sld [smem:$0x7F9];
	_ =	sdelay $0x2  }
0x186: {  	[tilespmem:s1], [sflag:$0x7] =	stream.linear.gather [spmem:s29], $0x1400, $0x38;
	[tilespmem:$0x18F80] =	vst v63  }
0x187: {  	_ =	swait.ge [sflag:s0], $0x1400  }
0x188: {  	s31 =	sld [smem:$0x7FA]  }
0x189: {  	[sflag:s0] =	ssyncset.done $0x0  }
0x18a: {  	[sflag:s0] =	ssyncadd.s32 $0xFFFFEC00  }
0x18b: {  	[tilespmem:s8], [sflag:$0x7] =	stream.linear.gather [spmem:s31], $0x1400, $0x38;
	[tilespmem:$0x18F80] =	vst v63  }
0x18c: {  	_ =	swait.ge [sflag:s0], $0x1400  }
0x18d: {  	[sflag:s0] =	ssyncset.done $0x0  }
0x18e: {  	s26 =	rddreg [dreg:$0x6];
	[sflag:s0] =	ssyncadd.s32 $0xFFFFEC00  }
0x18f: {  	[hbm4b:s26+s1] =	stream.linear.scatter [tilespmem:s1], [sflag:$0x7], $0x1400, $0x38;
	[tilespmem:$0x18F80] =	vst v63  }
0x190: {  	_ =	swait.ge [sflag:s0], $0x1400  }
0x191: {  	[sflag:s0] =	ssyncset.done $0x0  }
0x192: {  	s16 =	rddreg [dreg:$0x7];
	[sflag:s0] =	ssyncadd.s32 $0xFFFFEC00  }
0x193: {  	[hbm4b:s16+s1] =	stream.linear.scatter [tilespmem:s8], [sflag:$0x7], $0x1400, $0x38;
	[tilespmem:$0x18F80] =	vst v63  }
0x194: {  	_ =	swait.ge [sflag:s0], $0x1400  }
0x195: {  	s25 =	sld [smem:$0x7FB]  }
0x196: {  	[sflag:s0] =	ssyncset.done $0x0  }
0x197: {  	[sflag:s0] =	ssyncadd.s32 $0xFFFFEC00  }
0x198: {  	[tilespmem:s1], [sflag:$0x7] =	stream.linear.gather [spmem:s25], $0x1400, $0x38;
	[tilespmem:$0x18F80] =	vst v63  }
0x199: {  	_ =	swait.ge [sflag:s0], $0x1400  }
0x19a: {  	s26 =	sld [smem:$0x7FC]  }
0x19b: {  	[sflag:s0] =	ssyncset.done $0x0  }
0x19c: {  	[sflag:s0] =	ssyncadd.s32 $0xFFFFEC00  }
0x19d: {  	[tilespmem:s8], [sflag:$0x7] =	stream.linear.gather [spmem:s26], $0x1400, $0x38;
	[tilespmem:$0x18F80] =	vst v63  }
0x19e: {  	_ =	swait.ge [sflag:s0], $0x1400  }
0x19f: {  	[sflag:s0] =	ssyncset.done $0x0  }
0x1a0: {  	s22 =	rddreg [dreg:$0x8];
	[sflag:s0] =	ssyncadd.s32 $0xFFFFEC00  }
0x1a1: {  	[hbm4b:s22+s1] =	stream.linear.scatter [tilespmem:s1], [sflag:$0x7], $0x1400, $0x38;
	[tilespmem:$0x18F80] =	vst v63  }
0x1a2: {  	_ =	swait.ge [sflag:s0], $0x1400  }
0x1a3: {  	[sflag:s0] =	ssyncset.done $0x0  }
0x1a4: {  	s16 =	rddreg [dreg:$0x9];
	[sflag:s0] =	ssyncadd.s32 $0xFFFFEC00  }
0x1a5: {  	[hbm4b:s16+s1] =	stream.linear.scatter [tilespmem:s8], [sflag:$0x7], $0x1400, $0x38;
	[tilespmem:$0x18F80] =	vst v63  }
0x1a6: {  	_ =	swait.ge [sflag:s0], $0x1400  }
0x1a7: {  	s28 =	sld [smem:$0x7FD]  }
0x1a8: {  	[sflag:s0] =	ssyncset.done $0x0  }
0x1a9: {  	[sflag:s0] =	ssyncadd.s32 $0xFFFFEC00  }
0x1aa: {  	[tilespmem:s1], [sflag:$0x7] =	stream.linear.gather [spmem:s28], $0x1400, $0x38;
	[tilespmem:$0x18F80] =	vst v63  }
0x1ab: {  	_ =	swait.ge [sflag:s0], $0x1400  }
0x1ac: {  	s22 =	sld [smem:$0x7E5]  }
0x1ad: {  	[sflag:s0] =	ssyncset.done $0x0  }
0x1ae: {  	[sflag:s0] =	ssyncadd.s32 $0xFFFFEC00  }
0x1af: {  	[tilespmem:s8], [sflag:$0x7] =	stream.linear.gather [spmem:s22], $0x1400, $0x38;
	[tilespmem:$0x18F80] =	vst v63  }
0x1b0: {  	_ =	swait.ge [sflag:s0], $0x1400  }
0x1b1: {  	[sflag:s0] =	ssyncset.done $0x0  }
0x1b2: {  	s16 =	rddreg [dreg:$0xa];
	[sflag:s0] =	ssyncadd.s32 $0xFFFFEC00  }
0x1b3: {  	[hbm4b:s16+s1] =	stream.linear.scatter [tilespmem:s1], [sflag:$0x7], $0x1400, $0x38;
	[tilespmem:$0x18F80] =	vst v63  }
0x1b4: {  	_ =	swait.ge [sflag:s0], $0x1400  }
0x1b5: {  	[sflag:s0] =	ssyncset.done $0x0  }
0x1b6: {  	s22 =	rddreg [dreg:$0xb];
	[sflag:s0] =	ssyncadd.s32 $0xFFFFEC00  }
0x1b7: {  	[hbm4b:s22+s1] =	stream.linear.scatter [tilespmem:s8], [sflag:$0x7], $0x1400, $0x38;
	[tilespmem:$0x18F80] =	vst v63  }
0x1b8: {  	_ =	swait.ge [sflag:s0], $0x1400  }
0x1b9: {  	s16 =	sld [smem:$0x7E7]  }
0x1ba: {  	[sflag:s0] =	ssyncset.done $0x0  }
0x1bb: {  	[sflag:s0] =	ssyncadd.s32 $0xFFFFEC00  }
0x1bc: {  	[tilespmem:s1], [sflag:$0x7] =	stream.linear.gather [spmem:s16], $0x1400, $0x38;
	[tilespmem:$0x18F80] =	vst v63  }
0x1bd: {  	_ =	swait.ge [sflag:s0], $0x1400  }
0x1be: {  	s22 =	sld [smem:$0x7E9]  }
0x1bf: {  	[sflag:s0] =	ssyncset.done $0x0  }
0x1c0: {  	[sflag:s0] =	ssyncadd.s32 $0xFFFFEC00  }
0x1c1: {  	[tilespmem:s8], [sflag:$0x7] =	stream.linear.gather [spmem:s22], $0x1400, $0x38;
	[tilespmem:$0x18F80] =	vst v63  }
0x1c2: {  	_ =	swait.ge [sflag:s0], $0x1400  }
0x1c3: {  	[sflag:s0] =	ssyncset.done $0x0  }
0x1c4: {  	s16 =	rddreg [dreg:$0xc];
	[sflag:s0] =	ssyncadd.s32 $0xFFFFEC00  }
0x1c5: {  	[hbm4b:s16+s1] =	stream.linear.scatter [tilespmem:s1], [sflag:$0x7], $0x1400, $0x38;
	[tilespmem:$0x18F80] =	vst v63  }
0x1c6: {  	_ =	swait.ge [sflag:s0], $0x1400  }
0x1c7: {  	[sflag:s0] =	ssyncset.done $0x0  }
0x1c8: {  	s22 =	rddreg [dreg:$0xd];
	[sflag:s0] =	ssyncadd.s32 $0xFFFFEC00  }
0x1c9: {  	[hbm4b:s22+s1] =	stream.linear.scatter [tilespmem:s8], [sflag:$0x7], $0x1400, $0x38;
	[tilespmem:$0x18F80] =	vst v63  }
0x1ca: {  	_ =	swait.ge [sflag:s0], $0x1400  }
0x1cb: {  	s16 =	sld [smem:$0x7EA]  }
0x1cc: {  	[sflag:s0] =	ssyncset.done $0x0  }
0x1cd: {  	[sflag:s0] =	ssyncadd.s32 $0xFFFFEC00  }
0x1ce: {  	[tilespmem:s1], [sflag:$0x7] =	stream.linear.gather [spmem:s16], $0x1400, $0x38;
	[tilespmem:$0x18F80] =	vst v63  }
0x1cf: {  	_ =	swait.ge [sflag:s0], $0x1400  }
0x1d0: {  	s22 =	sld [smem:$0x7EB]  }
0x1d1: {  	[sflag:s0] =	ssyncset.done $0x0  }
0x1d2: {  	[sflag:s0] =	ssyncadd.s32 $0xFFFFEC00  }
0x1d3: {  	[tilespmem:s8], [sflag:$0x7] =	stream.linear.gather [spmem:s22], $0x1400, $0x38;
	[tilespmem:$0x18F80] =	vst v63  }
0x1d4: {  	_ =	swait.ge [sflag:s0], $0x1400  }
0x1d5: {  	[sflag:s0] =	ssyncset.done $0x0  }
0x1d6: {  	s16 =	rddreg [dreg:$0xe];
	[sflag:s0] =	ssyncadd.s32 $0xFFFFEC00  }
0x1d7: {  	[hbm4b:s16+s1] =	stream.linear.scatter [tilespmem:s1], [sflag:$0x7], $0x1400, $0x38;
	[tilespmem:$0x18F80] =	vst v63  }
0x1d8: {  	_ =	swait.ge [sflag:s0], $0x1400  }
0x1d9: {  	[sflag:s0] =	ssyncset.done $0x0  }
0x1da: {  	s22 =	rddreg [dreg:$0xf];
	[sflag:s0] =	ssyncadd.s32 $0xFFFFEC00  }
0x1db: {  	[hbm4b:s22+s1] =	stream.linear.scatter [tilespmem:s8], [sflag:$0x7], $0x1400, $0x38;
	[tilespmem:$0x18F80] =	vst v63  }
0x1dc: {  	_ =	swait.ge [sflag:s0], $0x1400  }
0x1dd: {  	s16 =	sld [smem:$0x7EC]  }
0x1de: {  	[sflag:s0] =	ssyncset.done $0x0  }
0x1df: {  	[sflag:s0] =	ssyncadd.s32 $0xFFFFEC00  }
0x1e0: {  	[tilespmem:s1], [sflag:$0x7] =	stream.linear.gather [spmem:s16], $0x1400, $0x38;
	[tilespmem:$0x18F80] =	vst v63  }
0x1e1: {  	_ =	swait.ge [sflag:s0], $0x1400  }
0x1e2: {  	s22 =	sld [smem:$0x7ED]  }
0x1e3: {  	[sflag:s0] =	ssyncset.done $0x0  }
0x1e4: {  	[sflag:s0] =	ssyncadd.s32 $0xFFFFEC00  }
0x1e5: {  	[tilespmem:s8], [sflag:$0x7] =	stream.linear.gather [spmem:s22], $0x1400, $0x38;
	[tilespmem:$0x18F80] =	vst v63  }
0x1e6: {  	_ =	swait.ge [sflag:s0], $0x1400  }
0x1e7: {  	[sflag:s0] =	ssyncset.done $0x0  }
0x1e8: {  	s16 =	rddreg [dreg:$0x10];
	[sflag:s0] =	ssyncadd.s32 $0xFFFFEC00  }
0x1e9: {  	[hbm4b:s16+s1] =	stream.linear.scatter [tilespmem:s1], [sflag:$0x7], $0x1400, $0x38;
	[tilespmem:$0x18F80] =	vst v63  }
0x1ea: {  	_ =	swait.ge [sflag:s0], $0x1400  }
0x1eb: {  	[sflag:s0] =	ssyncset.done $0x0  }
0x1ec: {  	s22 =	rddreg [dreg:$0x11];
	[sflag:s0] =	ssyncadd.s32 $0xFFFFEC00  }
0x1ed: {  	[hbm4b:s22+s1] =	stream.linear.scatter [tilespmem:s8], [sflag:$0x7], $0x1400, $0x38;
	[tilespmem:$0x18F80] =	vst v63  }
0x1ee: {  	_ =	swait.ge [sflag:s0], $0x1400  }
0x1ef: {  	s16 =	sld [smem:$0x7EE]  }
0x1f0: {  	[sflag:s0] =	ssyncset.done $0x0  }
0x1f1: {  	[sflag:s0] =	ssyncadd.s32 $0xFFFFEC00  }
0x1f2: {  	[tilespmem:s1], [sflag:$0x7] =	stream.linear.gather [spmem:s16], $0x1400, $0x38;
	[tilespmem:$0x18F80] =	vst v63  }
0x1f3: {  	_ =	swait.ge [sflag:s0], $0x1400  }
0x1f4: {  	s22 =	sld [smem:$0x7EF]  }
0x1f5: {  	[sflag:s0] =	ssyncset.done $0x0  }
0x1f6: {  	[sflag:s0] =	ssyncadd.s32 $0xFFFFEC00  }
0x1f7: {  	[tilespmem:s8], [sflag:$0x7] =	stream.linear.gather [spmem:s22], $0x1400, $0x38;
	[tilespmem:$0x18F80] =	vst v63  }
0x1f8: {  	_ =	swait.ge [sflag:s0], $0x1400  }
0x1f9: {  	[sflag:s0] =	ssyncset.done $0x0  }
0x1fa: {  	s16 =	rddreg [dreg:$0x12];
	[sflag:s0] =	ssyncadd.s32 $0xFFFFEC00  }
0x1fb: {  	[hbm4b:s16+s1] =	stream.linear.scatter [tilespmem:s1], [sflag:$0x7], $0x1400, $0x38;
	[tilespmem:$0x18F80] =	vst v63  }
0x1fc: {  	_ =	swait.ge [sflag:s0], $0x1400  }
0x1fd: {  	[sflag:s0] =	ssyncset.done $0x0  }
0x1fe: {  	s22 =	rddreg [dreg:$0x13];
	[sflag:s0] =	ssyncadd.s32 $0xFFFFEC00  }
0x1ff: {  	[hbm4b:s22+s1] =	stream.linear.scatter [tilespmem:s8], [sflag:$0x7], $0x1400, $0x38;
	[tilespmem:$0x18F80] =	vst v63  }
0x200: {  	_ =	swait.ge [sflag:s0], $0x1400  }
0x201: {  	s16 =	sld [smem:$0x7F0]  }
0x202: {  	[sflag:s0] =	ssyncset.done $0x0  }
0x203: {  	[sflag:s0] =	ssyncadd.s32 $0xFFFFEC00  }
0x204: {  	[tilespmem:s1], [sflag:$0x7] =	stream.linear.gather [spmem:s16], $0x1000, $0x38;
	[tilespmem:$0x18F80] =	vst v63  }
0x205: {  	_ =	swait.ge [sflag:s0], $0x1000  }
0x206: {  	s22 =	sld [smem:$0x7F1]  }
0x207: {  	[sflag:s0] =	ssyncset.done $0x0  }
0x208: {  	[sflag:s0] =	ssyncadd.s32 $0xFFFFF000  }
0x209: {  	[tilespmem:s8], [sflag:$0x7] =	stream.linear.gather [spmem:s22], $0x1000, $0x38;
	[tilespmem:$0x18F80] =	vst v63  }
0x20a: {  	_ =	swait.ge [sflag:s0], $0x1000  }
0x20b: {  	[sflag:s0] =	ssyncset.done $0x0  }
0x20c: {  	s16 =	rddreg [dreg:$0x14];
	[sflag:s0] =	ssyncadd.s32 $0xFFFFF000  }
0x20d: {  	[hbm4b:s16+s1] =	stream.linear.scatter [tilespmem:s1], [sflag:$0x7], $0x1000, $0x38;
	[tilespmem:$0x18F80] =	vst v63  }
0x20e: {  	_ =	swait.ge [sflag:s0], $0x1000  }
0x20f: {  	[sflag:s0] =	ssyncset.done $0x0  }
0x210: {  	s22 =	rddreg [dreg:$0x15];
	[sflag:s0] =	ssyncadd.s32 $0xFFFFF000  }
0x211: {  	[hbm4b:s22+s1] =	stream.linear.scatter [tilespmem:s8], [sflag:$0x7], $0x1000, $0x38;
	[tilespmem:$0x18F80] =	vst v63  }
0x212: {  	_ =	swait.ge [sflag:s0], $0x1000  }
0x213: {  	s16 =	sld [smem:$0x7F8]  }
0x214: {  	[sflag:s0] =	ssyncset.done $0x0  }
0x215: {  	s12 =	simm.s32 @!p0 $0x0;
	[sflag:s0] =	ssyncadd.s32 $0xFFFFF000  }
0x216: {  	[tilespmem:s12], [sflag:$0x7] =	stream.linear.gather @!p0 [spmem:s16], $0x800, $0x38;
	[tilespmem:$0x18F80] =	vst v63  }
0x217: {  	s16 =	simm.s32 @!p0 $0x7  }
0x218: {  	_ =	swait.ge @!p0 [sflag:s16], $0x800  }
0x219: {  	[sflag:s16] =	ssyncset.done @!p0 $0x0  }
0x21a: {  	s22 =	rddreg [dreg:$0x16];
	[sflag:s16] =	ssyncadd.s32 @!p0 $0xFFFFF800  }
0x21b: {  	[hbm4b:s22+s12] =	stream.linear.scatter @!p0 [tilespmem:s12], [sflag:$0x7], $0x800, $0x38;
	[tilespmem:$0x18F80] =	vst v63  }
0x21c: {  	_ =	swait.ge @!p0 [sflag:s16], $0x800  }
0x21d: {  	[sflag:s16] =	ssyncset.done @!p0 $0x0  }
0x21e: {  	[sflag:s16] =	ssyncadd.s32 @!p0 $0xFFFFF800  }
0x21f: {  	s12 =	simm.s32 $0x0;
	s16 =	simm.s32 $0x200;
	[bflag:$0x0] =	sbarrier.arrive $0xFFFF  }
.LBB2_10:
0x220: {  	p1 =	sne.s32 s16, $0x4E00;
	[tilespmem:s12+$0x1470] =	vst v0  }
0x221: {  	[tilespmem:s12+$0x0] =	vst v0  }
0x222: {  	[tilespmem:s12+$0x1400] =	vst v0  }
0x223: {  	[tilespmem:s12+$0x10] =	vst v0  }
0x224: {  	[tilespmem:s12+$0x1410] =	vst v0  }
0x225: {  	[tilespmem:s12+$0x20] =	vst v0  }
0x226: {  	[tilespmem:s12+$0x1420] =	vst v0  }
0x227: {  	[tilespmem:s12+$0x30] =	vst v0  }
0x228: {  	[tilespmem:s12+$0x1430] =	vst v0  }
0x229: {  	[tilespmem:s12+$0x40] =	vst v0  }
0x22a: {  	[tilespmem:s12+$0x1440] =	vst v0  }
.Ltmp4:
0x22b: {  	[tilespmem:s12+$0x50] =	vst v0;
	(pc) =	sbr.rel @p1 .LBB2_10-.Ltmp4, $4  }
0x22c: {  	[tilespmem:s12+$0x1450] =	vst v0  }
0x22d: {  	[tilespmem:s12+$0x60] =	vst v0  }
0x22e: {  	[tilespmem:s12+$0x1460] =	vst v0  }
0x22f: {  	[tilespmem:s12+$0x70] =	vst v0;
	s12 =	sshra.s32 s16, $0x2;
	s16 =	sadd.s32 $0x200, s16  }
0x230: {  	[tilespmem:s12+$0x1470] =	vst v0  }
0x231: {  	[tilespmem:s12+$0x0] =	vst v0  }
0x232: {  	[tilespmem:s12+$0x1400] =	vst v0  }
0x233: {  	[tilespmem:s12+$0x10] =	vst v0  }
0x234: {  	[tilespmem:s12+$0x1410] =	vst v0  }
0x235: {  	[tilespmem:s12+$0x20] =	vst v0  }
0x236: {  	[tilespmem:s12+$0x1420] =	vst v0  }
0x237: {  	[tilespmem:s12+$0x30] =	vst v0  }
0x238: {  	[tilespmem:s12+$0x1430] =	vst v0  }
0x239: {  	[tilespmem:s12+$0x40] =	vst v0  }
0x23a: {  	[tilespmem:s12+$0x1440] =	vst v0  }
0x23b: {  	[tilespmem:s12+$0x50] =	vst v0  }
0x23c: {  	[tilespmem:s12+$0x1450] =	vst v0  }
0x23d: {  	[tilespmem:s12+$0x60] =	vst v0  }
0x23e: {  	[tilespmem:s12+$0x1460] =	vst v0  }
0x23f: {  	[tilespmem:s12+$0x70] =	vst v0  }
0x240: {  	[spmem:s29] =	stream.linear.scatter [tilespmem:s1], [sflag:$0x7], $0x1400, $0x38;
	[tilespmem:$0x18F80] =	vst v63  }
0x241: {  	_ =	swait.ge [sflag:s0], $0x1400  }
0x242: {  	[sflag:s0] =	ssyncset.done $0x0  }
0x243: {  	[sflag:s0] =	ssyncadd.s32 $0xFFFFEC00  }
0x244: {  	[spmem:s31] =	stream.linear.scatter [tilespmem:s8], [sflag:$0x7], $0x1400, $0x38;
	[tilespmem:$0x18F80] =	vst v63  }
0x245: {  	_ =	swait.ge [sflag:s0], $0x1400  }
0x246: {  	[sflag:s0] =	ssyncset.done $0x0  }
0x247: {  	[sflag:s0] =	ssyncadd.s32 $0xFFFFEC00  }
0x248: {  	[spmem:s25] =	stream.linear.scatter [tilespmem:s1], [sflag:$0x7], $0x1400, $0x38;
	[tilespmem:$0x18F80] =	vst v63  }
0x249: {  	_ =	swait.ge [sflag:s0], $0x1400  }
0x24a: {  	[sflag:s0] =	ssyncset.done $0x0  }
0x24b: {  	[sflag:s0] =	ssyncadd.s32 $0xFFFFEC00  }
0x24c: {  	[spmem:s26] =	stream.linear.scatter [tilespmem:s8], [sflag:$0x7], $0x1400, $0x38;
	[tilespmem:$0x18F80] =	vst v63  }
0x24d: {  	_ =	swait.ge [sflag:s0], $0x1400  }
0x24e: {  	[sflag:s0] =	ssyncset.done $0x0  }
0x24f: {  	[sflag:s0] =	ssyncadd.s32 $0xFFFFEC00  }
0x250: {  	[spmem:s28] =	stream.linear.scatter [tilespmem:s1], [sflag:$0x7], $0x1400, $0x38;
	[tilespmem:$0x18F80] =	vst v63  }
0x251: {  	_ =	swait.ge [sflag:s0], $0x1400  }
0x252: {  	s25 =	sld [smem:$0x7E5]  }
0x253: {  	[sflag:s0] =	ssyncset.done $0x0  }
0x254: {  	[sflag:s0] =	ssyncadd.s32 $0xFFFFEC00  }
0x255: {  	[spmem:s25] =	stream.linear.scatter [tilespmem:s8], [sflag:$0x7], $0x1400, $0x38;
	[tilespmem:$0x18F80] =	vst v63  }
0x256: {  	_ =	swait.ge [sflag:s0], $0x1400  }
0x257: {  	s26 =	sld [smem:$0x7E7]  }
0x258: {  	[sflag:s0] =	ssyncset.done $0x0  }
0x259: {  	[sflag:s0] =	ssyncadd.s32 $0xFFFFEC00  }
0x25a: {  	[spmem:s26] =	stream.linear.scatter [tilespmem:s1], [sflag:$0x7], $0x1400, $0x38;
	[tilespmem:$0x18F80] =	vst v63  }
0x25b: {  	_ =	swait.ge [sflag:s0], $0x1400  }
0x25c: {  	s16 =	sld [smem:$0x7E9]  }
0x25d: {  	[sflag:s0] =	ssyncset.done $0x0  }
0x25e: {  	[sflag:s0] =	ssyncadd.s32 $0xFFFFEC00  }
0x25f: {  	[spmem:s16] =	stream.linear.scatter [tilespmem:s8], [sflag:$0x7], $0x1400, $0x38;
	[tilespmem:$0x18F80] =	vst v63  }
0x260: {  	_ =	swait.ge [sflag:s0], $0x1400  }
0x261: {  	s22 =	sld [smem:$0x7EA]  }
0x262: {  	[sflag:s0] =	ssyncset.done $0x0  }
0x263: {  	[sflag:s0] =	ssyncadd.s32 $0xFFFFEC00  }
0x264: {  	[spmem:s22] =	stream.linear.scatter [tilespmem:s1], [sflag:$0x7], $0x1400, $0x38;
	[tilespmem:$0x18F80] =	vst v63  }
0x265: {  	_ =	swait.ge [sflag:s0], $0x1400  }
0x266: {  	s25 =	sld [smem:$0x7EB]  }
0x267: {  	[sflag:s0] =	ssyncset.done $0x0  }
0x268: {  	[sflag:s0] =	ssyncadd.s32 $0xFFFFEC00  }
0x269: {  	[spmem:s25] =	stream.linear.scatter [tilespmem:s8], [sflag:$0x7], $0x1400, $0x38;
	[tilespmem:$0x18F80] =	vst v63  }
0x26a: {  	_ =	swait.ge [sflag:s0], $0x1400  }
0x26b: {  	s26 =	sld [smem:$0x7EC]  }
0x26c: {  	[sflag:s0] =	ssyncset.done $0x0  }
0x26d: {  	[sflag:s0] =	ssyncadd.s32 $0xFFFFEC00  }
0x26e: {  	[spmem:s26] =	stream.linear.scatter [tilespmem:s1], [sflag:$0x7], $0x1400, $0x38;
	[tilespmem:$0x18F80] =	vst v63  }
0x26f: {  	_ =	swait.ge [sflag:s0], $0x1400  }
0x270: {  	s16 =	sld [smem:$0x7ED]  }
0x271: {  	[sflag:s0] =	ssyncset.done $0x0  }
0x272: {  	[sflag:s0] =	ssyncadd.s32 $0xFFFFEC00  }
0x273: {  	[spmem:s16] =	stream.linear.scatter [tilespmem:s8], [sflag:$0x7], $0x1400, $0x38;
	[tilespmem:$0x18F80] =	vst v63  }
0x274: {  	_ =	swait.ge [sflag:s0], $0x1400  }
0x275: {  	s22 =	sld [smem:$0x7EE]  }
0x276: {  	[sflag:s0] =	ssyncset.done $0x0  }
0x277: {  	[sflag:s0] =	ssyncadd.s32 $0xFFFFEC00  }
0x278: {  	[spmem:s22] =	stream.linear.scatter [tilespmem:s1], [sflag:$0x7], $0x1400, $0x38;
	[tilespmem:$0x18F80] =	vst v63  }
0x279: {  	_ =	swait.ge [sflag:s0], $0x1400  }
0x27a: {  	s25 =	sld [smem:$0x7EF]  }
0x27b: {  	[sflag:s0] =	ssyncset.done $0x0  }
0x27c: {  	[sflag:s0] =	ssyncadd.s32 $0xFFFFEC00  }
0x27d: {  	[spmem:s25] =	stream.linear.scatter [tilespmem:s8], [sflag:$0x7], $0x1400, $0x38;
	[tilespmem:$0x18F80] =	vst v63  }
0x27e: {  	_ =	swait.ge [sflag:s0], $0x1400  }
0x27f: {  	s26 =	sld [smem:$0x7F0]  }
0x280: {  	[sflag:s0] =	ssyncset.done $0x0  }
0x281: {  	[sflag:s0] =	ssyncadd.s32 $0xFFFFEC00  }
0x282: {  	[spmem:s26] =	stream.linear.scatter [tilespmem:s1], [sflag:$0x7], $0x1000, $0x38;
	[tilespmem:$0x18F80] =	vst v63  }
0x283: {  	_ =	swait.ge [sflag:s0], $0x1000  }
0x284: {  	s16 =	sld [smem:$0x7F1]  }
0x285: {  	[sflag:s0] =	ssyncset.done $0x0  }
0x286: {  	[sflag:s0] =	ssyncadd.s32 $0xFFFFF000  }
0x287: {  	[spmem:s16] =	stream.linear.scatter [tilespmem:s8], [sflag:$0x7], $0x1000, $0x38;
	[tilespmem:$0x18F80] =	vst v63  }
0x288: {  	_ =	swait.ge [sflag:s0], $0x1000  }
0x289: {  	s16 =	sld [smem:$0x7F8]  }
0x28a: {  	[sflag:s0] =	ssyncset.done $0x0  }
0x28b: {  	s12 =	simm.s32 @!p0 $0x0;
	[sflag:s0] =	ssyncadd.s32 $0xFFFFF000  }
0x28c: {  	[spmem:s16] =	stream.linear.scatter @!p0 [tilespmem:s12], [sflag:$0x7], $0x800, $0x38;
	[tilespmem:$0x18F80] =	vst v63  }
0x28d: {  	s12 =	simm.s32 @!p0 $0x7  }
0x28e: {  	_ =	swait.ge @!p0 [sflag:s12], $0x800  }
0x28f: {  	[sflag:s12] =	ssyncset.done @!p0 $0x0  }
0x290: {  	[sflag:s12] =	ssyncadd.s32 @!p0 $0xFFFFF800  }
0x291: {  	[bflag:$0x0] =	sbarrier.arrive $0xFFFF  }
0x292: {  	s22 =	sld [smem:$0x7F3];
	_ =	sdelay $0x1  }
0x293: {  	s26 =	simm.s32 $0x0;
	s25 =	sld [smem:$0x7F5]  }
0x294: {  	[tilespmem:s5], [sflag:$0x1] =	stream.linear.gather [hbm4b:s22+s26], $0x28, $0x38;
	[tilespmem:$0x18F80] =	vst v63  }
0x295: {  	s28 =	simm.s32 $0x0  }
0x296: {  	[tilespmem:s9], [sflag:$0x1] =	stream.linear.gather [hbm4b:s25+s26], $0x280, $0x38;
	[tilespmem:$0x18F80] =	vst v63  }
.LBB2_12:
0x297: {  	_ =	swait.ge [sflag:s14], $0x28  }
0x298: {  	[sflag:s14] =	ssyncset.done $0x0  }
0x299: {  	[sflag:s14] =	ssyncadd.s32 $0xFFFFFFD8  }
0x29a: {  	_ =	swait.ge [sflag:s14], $0x280  }
0x29b: {  	p1 =	seq.s32 s28, $0x0;
	s12 =	smul.u32 $0x50, s28;
	[sflag:s14] =	ssyncset.done $0x0  }
0x29c: {  	s16 =	simm.s32 @!p1 $0x6;
	[sflag:s14] =	ssyncadd.s32 $0xFFFFFD80  }
0x29d: {  	s12 =	sadd.s32 s12, s13;
	_ =	swait.ge @!p1 [sflag:s16], $0x1400  }
0x29e: {  	s22 =	sshrl.u32 s12, $0x3;
	[sflag:s16] =	ssyncset.done @!p1 $0x0  }
0x29f: {  	s12 =	sshll.u32 s12, $0x1;
	s22 =	sadd.s32 s7, s22;
	[sflag:s16] =	ssyncadd.s32 @!p1 $0xFFFFEC00  }
0x2a0: {  	[tilespmem:s18], [sflag:$0x2] =	stream.linear.gather [hbm4b:s22+s26], $0x28, $0x38;
	[tilespmem:$0x18F80] =	vst v63  }
0x2a1: {  	s25 =	simm.s32 $0x0;
	s12 =	sadd.s32 s6, s12  }
0x2a2: {  	[tilespmem:s19], [sflag:$0x2] =	stream.linear.gather [hbm4b:s12+s26], $0x280, $0x38;
	[tilespmem:$0x18F80] =	vst v63  }
0x2a3: {  	v1 =	vld [tilespmem:s25+$0x5000];
	_ =	sdelay $0x4  }
0x2a4: {  	v2 =	vbroadcast v1, $0x0  }
0x2a5: {  	s16 =	simm.s32 $0x40;
	v3 =	vbroadcast v1, $0x1  }
0x2a6: {  	v4 =	vbroadcast v1, $0x2;
	[tilespmem:s16+$0xFFFFFFC0] =	vst v2  }
0x2a7: {  	v63 =	vbroadcast v1, $0x5;
	[tilespmem:s16+$0xFFFFFFD0] =	vst v3  }
0x2a8: {  	v2 =	vbroadcast v1, $0x3;
	[tilespmem:s16+$0xFFFFFFE0] =	vst v4  }
0x2a9: {  	v3 =	vbroadcast v1, $0x4;
	[tilespmem:s16+$0x10] =	vst v63  }
0x2aa: {  	[tilespmem:s16+$0xFFFFFFF0] =	vst v2;
	v2 =	vbroadcast v1, $0x6  }
0x2ab: {  	[tilespmem:s16+$0x0] =	vst v3;
	v1 =	vbroadcast v1, $0x7  }
0x2ac: {  	[tilespmem:s16+$0x20] =	vst v2  }
0x2ad: {  	s22 =	simm.s32 $0x10;
	s12 =	sshll.u32 s28, $0x1;
	s25 =	simm.s32 $0x80;
	[tilespmem:s16+$0x30] =	vst v1  }
.LBB2_13:
0x2ae: {  	p1 =	sne.s32 s25, $0x9C0;
	v1 =	vld [tilespmem:s22+$0x5000];
	_ =	sdelay $0x4  }
0x2af: {  	v2 =	vbroadcast v1, $0x0;
	v3 =	vbroadcast v1, $0x1  }
0x2b0: {  	s16 =	sadd.s32 $0x80, s16;
	v4 =	vbroadcast v1, $0x2;
	v5 =	vbroadcast v1, $0x3  }
0x2b1: {  	v6 =	vbroadcast v1, $0x5;
	[tilespmem:s16+$0xFFFFFFC0] =	vst v2;
	v2 =	vbroadcast v1, $0x4  }
0x2b2: {  	[tilespmem:s16+$0xFFFFFFD0] =	vst v3;
	v3 =	vbroadcast v1, $0x6;
	v1 =	vbroadcast v1, $0x7  }
0x2b3: {  	[tilespmem:s16+$0xFFFFFFE0] =	vst v4  }
.Ltmp5:
0x2b4: {  	[tilespmem:s16+$0xFFFFFFF0] =	vst v5;
	(pc) =	sbr.rel @p1 .LBB2_13-.Ltmp5, $4  }
0x2b5: {  	[tilespmem:s16+$0x0] =	vst v2  }
0x2b6: {  	[tilespmem:s16+$0x10] =	vst v6  }
0x2b7: {  	[tilespmem:s16+$0x20] =	vst v3  }
0x2b8: {  	s22 =	sshra.s32 s25, $0x2;
	s25 =	sadd.s32 $0x40, s25;
	[tilespmem:s16+$0x30] =	vst v1  }
0x2b9: {  	v1 =	vld [tilespmem:s22+$0x5000];
	_ =	sdelay $0x4  }
0x2ba: {  	v2 =	vbroadcast v1, $0x0  }
0x2bb: {  	s16 =	sadd.s32 $0x80, s16;
	v3 =	vbroadcast v1, $0x1  }
0x2bc: {  	v4 =	vbroadcast v1, $0x2;
	[tilespmem:s16+$0xFFFFFFC0] =	vst v2  }
0x2bd: {  	v61 =	vbroadcast v1, $0x5;
	[tilespmem:s16+$0xFFFFFFD0] =	vst v3  }
0x2be: {  	v2 =	vbroadcast v1, $0x3;
	[tilespmem:s16+$0xFFFFFFE0] =	vst v4  }
0x2bf: {  	v3 =	vbroadcast v1, $0x4;
	[tilespmem:s16+$0x10] =	vst v61  }
0x2c0: {  	[tilespmem:s16+$0xFFFFFFF0] =	vst v2;
	v2 =	vbroadcast v1, $0x6  }
0x2c1: {  	[tilespmem:s16+$0x0] =	vst v3;
	v1 =	vbroadcast v1, $0x7  }
0x2c2: {  	[tilespmem:s16+$0x20] =	vst v2  }
0x2c3: {  	[tilespmem:s16+$0x30] =	vst v1;
	s16 =	simm.s32 $0x0  }
0x2c4: {  	[spmem:s10] =	stream.indirect.scatter.add.f32 [tilespmem:s16], [sflag:$0x5], $0x80, s5, s15, $0xb8;
	[tilespmem:$0x18F80] =	vst v63  }
0x2c5: {  	_ =	swait.ge [sflag:s21], $0x28  }
0x2c6: {  	[sflag:s21] =	ssyncset.done $0x0  }
0x2c7: {  	s12 =	sadd.s32 $0x2, s12;
	[sflag:s21] =	ssyncadd.s32 $0xFFFFFFD8  }
0x2c8: {  	s22 =	smul.u32 $0x28, s12;
	_ =	swait.ge [sflag:s21], $0x280  }
0x2c9: {  	p1 =	seq.s32 s12, $0xFA;
	[sflag:s21] =	ssyncset.done $0x0  }
0x2ca: {  	s22 =	simm.s32 @p1 $0x0;
	[sflag:s21] =	ssyncadd.s32 $0xFFFFFD80  }
0x2cb: {  	s25 =	sadd.s32 s2, s22;
	_ =	swait.ge [sflag:s23], $0x1400  }
0x2cc: {  	s22 =	sshrl.u32 s25, $0x3;
	[sflag:s23] =	ssyncset.done $0x0  }
0x2cd: {  	s12 =	sshll.u32 s25, $0x1;
	s22 =	sadd.s32 s7, s22;
	[sflag:s23] =	ssyncadd.s32 $0xFFFFEC00  }
0x2ce: {  	[tilespmem:s5], [sflag:$0x1] =	stream.linear.gather [hbm4b:s22+s16], $0x28, $0x38;
	[tilespmem:$0x18F80] =	vst v63  }
0x2cf: {  	s25 =	simm.s32 $0x0;
	s12 =	sadd.s32 s6, s12  }
0x2d0: {  	[tilespmem:s9], [sflag:$0x1] =	stream.linear.gather [hbm4b:s12+s16], $0x280, $0x38;
	[tilespmem:$0x18F80] =	vst v63  }
0x2d1: {  	v1 =	vld [tilespmem:s25+$0x5280];
	_ =	sdelay $0x4  }
0x2d2: {  	v2 =	vbroadcast v1, $0x0  }
0x2d3: {  	s12 =	simm.s32 $0x1440;
	v3 =	vbroadcast v1, $0x1  }
0x2d4: {  	v62 =	vbroadcast v1, $0x2;
	[tilespmem:s12+$0xFFFFFFC0] =	vst v2  }
0x2d5: {  	v63 =	vbroadcast v1, $0x5;
	[tilespmem:s12+$0xFFFFFFD0] =	vst v3  }
0x2d6: {  	v2 =	vbroadcast v1, $0x3;
	[tilespmem:s12+$0xFFFFFFE0] =	vst v62  }
0x2d7: {  	v3 =	vbroadcast v1, $0x4;
	[tilespmem:s12+$0x10] =	vst v63  }
0x2d8: {  	[tilespmem:s12+$0xFFFFFFF0] =	vst v2;
	v2 =	vbroadcast v1, $0x6  }
0x2d9: {  	[tilespmem:s12+$0x0] =	vst v3;
	v1 =	vbroadcast v1, $0x7  }
0x2da: {  	[tilespmem:s12+$0x20] =	vst v2  }
0x2db: {  	s22 =	simm.s32 $0x10;
	s16 =	simm.s32 $0x80;
	[tilespmem:s12+$0x30] =	vst v1  }
.LBB2_15:
0x2dc: {  	p1 =	sne.s32 s16, $0x9C0;
	v1 =	vld [tilespmem:s22+$0x5280];
	_ =	sdelay $0x4  }
0x2dd: {  	v2 =	vbroadcast v1, $0x0;
	v3 =	vbroadcast v1, $0x1  }
0x2de: {  	s12 =	sadd.s32 $0x80, s12;
	v4 =	vbroadcast v1, $0x2;
	v5 =	vbroadcast v1, $0x3  }
0x2df: {  	v6 =	vbroadcast v1, $0x5;
	[tilespmem:s12+$0xFFFFFFC0] =	vst v2;
	v2 =	vbroadcast v1, $0x4  }
0x2e0: {  	[tilespmem:s12+$0xFFFFFFD0] =	vst v3;
	v3 =	vbroadcast v1, $0x6;
	v1 =	vbroadcast v1, $0x7  }
0x2e1: {  	[tilespmem:s12+$0xFFFFFFE0] =	vst v4  }
.Ltmp6:
0x2e2: {  	[tilespmem:s12+$0xFFFFFFF0] =	vst v5;
	(pc) =	sbr.rel @p1 .LBB2_15-.Ltmp6, $4  }
0x2e3: {  	[tilespmem:s12+$0x0] =	vst v2  }
0x2e4: {  	[tilespmem:s12+$0x10] =	vst v6  }
0x2e5: {  	[tilespmem:s12+$0x20] =	vst v3  }
0x2e6: {  	s22 =	sshra.s32 s16, $0x2;
	s16 =	sadd.s32 $0x40, s16;
	[tilespmem:s12+$0x30] =	vst v1  }
0x2e7: {  	v1 =	vld [tilespmem:s22+$0x5280];
	_ =	sdelay $0x4  }
0x2e8: {  	v2 =	vbroadcast v1, $0x0  }
0x2e9: {  	s12 =	sadd.s32 $0x80, s12;
	v3 =	vbroadcast v1, $0x1  }
0x2ea: {  	v4 =	vbroadcast v1, $0x2;
	[tilespmem:s12+$0xFFFFFFC0] =	vst v2  }
0x2eb: {  	v63 =	vbroadcast v1, $0x5;
	[tilespmem:s12+$0xFFFFFFD0] =	vst v3  }
0x2ec: {  	s28 =	sadd.s32 $0x1, s28;
	v2 =	vbroadcast v1, $0x3;
	[tilespmem:s12+$0xFFFFFFE0] =	vst v4  }
0x2ed: {  	p1 =	sne.s32 s28, $0x7D;
	v3 =	vbroadcast v1, $0x4;
	[tilespmem:s12+$0x10] =	vst v63  }
.Ltmp7:
0x2ee: {  	[tilespmem:s12+$0xFFFFFFF0] =	vst v2;
	v2 =	vbroadcast v1, $0x6;
	(pc) =	sbr.rel @p1 .LBB2_12-.Ltmp7, $4  }
0x2ef: {  	[tilespmem:s12+$0x0] =	vst v3;
	v1 =	vbroadcast v1, $0x7  }
0x2f0: {  	[tilespmem:s12+$0x20] =	vst v2  }
0x2f1: {  	[tilespmem:s12+$0x30] =	vst v1  }
0x2f2: {  	[spmem:s10] =	stream.indirect.scatter.add.f32 [tilespmem:s8], [sflag:$0x6], $0x80, s18, s15, $0xb8;
	[tilespmem:$0x18F80] =	vst v63  }
0x2f3: {  	s12 =	simm.s32 $0x6  }
0x2f4: {  	_ =	swait.ge [sflag:s12], $0x1400  }
0x2f5: {  	[sflag:s12] =	ssyncset.done $0x0  }
0x2f6: {  	[sflag:s12] =	ssyncadd.s32 $0xFFFFEC00  }
0x2f7: {  	_ =	swait.ge [sflag:s14], $0x28  }
0x2f8: {  	[sflag:s14] =	ssyncset.done $0x0  }
0x2f9: {  	[sflag:s14] =	ssyncadd.s32 $0xFFFFFFD8  }
0x2fa: {  	_ =	swait.ge [sflag:s14], $0x280  }
0x2fb: {  	[sflag:s14] =	ssyncset.done $0x0  }
0x2fc: {  	[sflag:s14] =	ssyncadd.s32 $0xFFFFFD80  }
0x2fd: {  	[bflag:$0x0] =	sbarrier.arrive $0xFFFF  }
0x2fe: {  	[tilespmem:s1], [sflag:$0x7] =	stream.linear.gather [spmem:s29], $0x1400, $0x38;
	[tilespmem:$0x18F80] =	vst v63  }
0x2ff: {  	_ =	swait.ge [sflag:s0], $0x1400  }
0x300: {  	[sflag:s0] =	ssyncset.done $0x0  }
0x301: {  	[sflag:s0] =	ssyncadd.s32 $0xFFFFEC00  }
0x302: {  	[tilespmem:s8], [sflag:$0x7] =	stream.linear.gather [spmem:s31], $0x1400, $0x38;
	[tilespmem:$0x18F80] =	vst v63  }
0x303: {  	_ =	swait.ge [sflag:s0], $0x1400  }
0x304: {  	[sflag:s0] =	ssyncset.done $0x0  }
0x305: {  	s26 =	rddreg [dreg:$0x17];
	[sflag:s0] =	ssyncadd.s32 $0xFFFFEC00  }
0x306: {  	[hbm4b:s26+s1] =	stream.linear.scatter [tilespmem:s1], [sflag:$0x7], $0x1400, $0x38;
	[tilespmem:$0x18F80] =	vst v63  }
0x307: {  	_ =	swait.ge [sflag:s0], $0x1400  }
0x308: {  	[sflag:s0] =	ssyncset.done $0x0  }
0x309: {  	s16 =	rddreg [dreg:$0x18];
	[sflag:s0] =	ssyncadd.s32 $0xFFFFEC00  }
0x30a: {  	[hbm4b:s16+s1] =	stream.linear.scatter [tilespmem:s8], [sflag:$0x7], $0x1400, $0x38;
	[tilespmem:$0x18F80] =	vst v63  }
0x30b: {  	_ =	swait.ge [sflag:s0], $0x1400  }
0x30c: {  	s25 =	sld [smem:$0x7FB]  }
0x30d: {  	[sflag:s0] =	ssyncset.done $0x0  }
0x30e: {  	[sflag:s0] =	ssyncadd.s32 $0xFFFFEC00  }
0x30f: {  	[tilespmem:s1], [sflag:$0x7] =	stream.linear.gather [spmem:s25], $0x1400, $0x38;
	[tilespmem:$0x18F80] =	vst v63  }
0x310: {  	_ =	swait.ge [sflag:s0], $0x1400  }
0x311: {  	s26 =	sld [smem:$0x7FC]  }
0x312: {  	[sflag:s0] =	ssyncset.done $0x0  }
0x313: {  	[sflag:s0] =	ssyncadd.s32 $0xFFFFEC00  }
0x314: {  	[tilespmem:s8], [sflag:$0x7] =	stream.linear.gather [spmem:s26], $0x1400, $0x38;
	[tilespmem:$0x18F80] =	vst v63  }
0x315: {  	_ =	swait.ge [sflag:s0], $0x1400  }
0x316: {  	[sflag:s0] =	ssyncset.done $0x0  }
0x317: {  	s22 =	rddreg [dreg:$0x19];
	[sflag:s0] =	ssyncadd.s32 $0xFFFFEC00  }
0x318: {  	[hbm4b:s22+s1] =	stream.linear.scatter [tilespmem:s1], [sflag:$0x7], $0x1400, $0x38;
	[tilespmem:$0x18F80] =	vst v63  }
0x319: {  	_ =	swait.ge [sflag:s0], $0x1400  }
0x31a: {  	[sflag:s0] =	ssyncset.done $0x0  }
0x31b: {  	s16 =	rddreg [dreg:$0x1a];
	[sflag:s0] =	ssyncadd.s32 $0xFFFFEC00  }
0x31c: {  	[hbm4b:s16+s1] =	stream.linear.scatter [tilespmem:s8], [sflag:$0x7], $0x1400, $0x38;
	[tilespmem:$0x18F80] =	vst v63  }
0x31d: {  	_ =	swait.ge [sflag:s0], $0x1400  }
0x31e: {  	s28 =	sld [smem:$0x7FD]  }
0x31f: {  	[sflag:s0] =	ssyncset.done $0x0  }
0x320: {  	[sflag:s0] =	ssyncadd.s32 $0xFFFFEC00  }
0x321: {  	[tilespmem:s1], [sflag:$0x7] =	stream.linear.gather [spmem:s28], $0x1400, $0x38;
	[tilespmem:$0x18F80] =	vst v63  }
0x322: {  	_ =	swait.ge [sflag:s0], $0x1400  }
0x323: {  	s22 =	sld [smem:$0x7E5]  }
0x324: {  	[sflag:s0] =	ssyncset.done $0x0  }
0x325: {  	[sflag:s0] =	ssyncadd.s32 $0xFFFFEC00  }
0x326: {  	[tilespmem:s8], [sflag:$0x7] =	stream.linear.gather [spmem:s22], $0x1400, $0x38;
	[tilespmem:$0x18F80] =	vst v63  }
0x327: {  	_ =	swait.ge [sflag:s0], $0x1400  }
0x328: {  	[sflag:s0] =	ssyncset.done $0x0  }
0x329: {  	s16 =	rddreg [dreg:$0x1b];
	[sflag:s0] =	ssyncadd.s32 $0xFFFFEC00  }
0x32a: {  	[hbm4b:s16+s1] =	stream.linear.scatter [tilespmem:s1], [sflag:$0x7], $0x1400, $0x38;
	[tilespmem:$0x18F80] =	vst v63  }
0x32b: {  	_ =	swait.ge [sflag:s0], $0x1400  }
0x32c: {  	[sflag:s0] =	ssyncset.done $0x0  }
0x32d: {  	s22 =	rddreg [dreg:$0x1c];
	[sflag:s0] =	ssyncadd.s32 $0xFFFFEC00  }
0x32e: {  	[hbm4b:s22+s1] =	stream.linear.scatter [tilespmem:s8], [sflag:$0x7], $0x1400, $0x38;
	[tilespmem:$0x18F80] =	vst v63  }
0x32f: {  	_ =	swait.ge [sflag:s0], $0x1400  }
0x330: {  	s16 =	sld [smem:$0x7E7]  }
0x331: {  	[sflag:s0] =	ssyncset.done $0x0  }
0x332: {  	[sflag:s0] =	ssyncadd.s32 $0xFFFFEC00  }
0x333: {  	[tilespmem:s1], [sflag:$0x7] =	stream.linear.gather [spmem:s16], $0x1400, $0x38;
	[tilespmem:$0x18F80] =	vst v63  }
0x334: {  	_ =	swait.ge [sflag:s0], $0x1400  }
0x335: {  	s22 =	sld [smem:$0x7E9]  }
0x336: {  	[sflag:s0] =	ssyncset.done $0x0  }
0x337: {  	[sflag:s0] =	ssyncadd.s32 $0xFFFFEC00  }
0x338: {  	[tilespmem:s8], [sflag:$0x7] =	stream.linear.gather [spmem:s22], $0x1400, $0x38;
	[tilespmem:$0x18F80] =	vst v63  }
0x339: {  	_ =	swait.ge [sflag:s0], $0x1400  }
0x33a: {  	[sflag:s0] =	ssyncset.done $0x0  }
0x33b: {  	s16 =	rddreg [dreg:$0x1d];
	[sflag:s0] =	ssyncadd.s32 $0xFFFFEC00  }
0x33c: {  	[hbm4b:s16+s1] =	stream.linear.scatter [tilespmem:s1], [sflag:$0x7], $0x1400, $0x38;
	[tilespmem:$0x18F80] =	vst v63  }
0x33d: {  	_ =	swait.ge [sflag:s0], $0x1400  }
0x33e: {  	[sflag:s0] =	ssyncset.done $0x0  }
0x33f: {  	s22 =	rddreg [dreg:$0x1e];
	[sflag:s0] =	ssyncadd.s32 $0xFFFFEC00  }
0x340: {  	[hbm4b:s22+s1] =	stream.linear.scatter [tilespmem:s8], [sflag:$0x7], $0x1400, $0x38;
	[tilespmem:$0x18F80] =	vst v63  }
0x341: {  	_ =	swait.ge [sflag:s0], $0x1400  }
0x342: {  	s16 =	sld [smem:$0x7EA]  }
0x343: {  	[sflag:s0] =	ssyncset.done $0x0  }
0x344: {  	[sflag:s0] =	ssyncadd.s32 $0xFFFFEC00  }
0x345: {  	[tilespmem:s1], [sflag:$0x7] =	stream.linear.gather [spmem:s16], $0x1400, $0x38;
	[tilespmem:$0x18F80] =	vst v63  }
0x346: {  	_ =	swait.ge [sflag:s0], $0x1400  }
0x347: {  	s22 =	sld [smem:$0x7EB]  }
0x348: {  	[sflag:s0] =	ssyncset.done $0x0  }
0x349: {  	[sflag:s0] =	ssyncadd.s32 $0xFFFFEC00  }
0x34a: {  	[tilespmem:s8], [sflag:$0x7] =	stream.linear.gather [spmem:s22], $0x1400, $0x38;
	[tilespmem:$0x18F80] =	vst v63  }
0x34b: {  	_ =	swait.ge [sflag:s0], $0x1400  }
0x34c: {  	[sflag:s0] =	ssyncset.done $0x0  }
0x34d: {  	s16 =	rddreg [dreg:$0x1f];
	[sflag:s0] =	ssyncadd.s32 $0xFFFFEC00  }
0x34e: {  	[hbm4b:s16+s1] =	stream.linear.scatter [tilespmem:s1], [sflag:$0x7], $0x1400, $0x38;
	[tilespmem:$0x18F80] =	vst v63  }
0x34f: {  	_ =	swait.ge [sflag:s0], $0x1400  }
0x350: {  	s22 =	sld [smem:$0x7D7]  }
0x351: {  	[sflag:s0] =	ssyncset.done $0x0  }
0x352: {  	[sflag:s0] =	ssyncadd.s32 $0xFFFFEC00  }
0x353: {  	[hbm4b:s22+s1] =	stream.linear.scatter [tilespmem:s8], [sflag:$0x7], $0x1400, $0x38;
	[tilespmem:$0x18F80] =	vst v63  }
0x354: {  	_ =	swait.ge [sflag:s0], $0x1400  }
0x355: {  	s16 =	sld [smem:$0x7EC]  }
0x356: {  	[sflag:s0] =	ssyncset.done $0x0  }
0x357: {  	[sflag:s0] =	ssyncadd.s32 $0xFFFFEC00  }
0x358: {  	[tilespmem:s1], [sflag:$0x7] =	stream.linear.gather [spmem:s16], $0x1400, $0x38;
	[tilespmem:$0x18F80] =	vst v63  }
0x359: {  	_ =	swait.ge [sflag:s0], $0x1400  }
0x35a: {  	s22 =	sld [smem:$0x7ED]  }
0x35b: {  	[sflag:s0] =	ssyncset.done $0x0  }
0x35c: {  	[sflag:s0] =	ssyncadd.s32 $0xFFFFEC00  }
0x35d: {  	[tilespmem:s8], [sflag:$0x7] =	stream.linear.gather [spmem:s22], $0x1400, $0x38;
	[tilespmem:$0x18F80] =	vst v63  }
0x35e: {  	_ =	swait.ge [sflag:s0], $0x1400  }
0x35f: {  	s16 =	sld [smem:$0x7D8]  }
0x360: {  	[sflag:s0] =	ssyncset.done $0x0  }
0x361: {  	[sflag:s0] =	ssyncadd.s32 $0xFFFFEC00  }
0x362: {  	[hbm4b:s16+s1] =	stream.linear.scatter [tilespmem:s1], [sflag:$0x7], $0x1400, $0x38;
	[tilespmem:$0x18F80] =	vst v63  }
0x363: {  	_ =	swait.ge [sflag:s0], $0x1400  }
0x364: {  	s22 =	sld [smem:$0x7D9]  }
0x365: {  	[sflag:s0] =	ssyncset.done $0x0  }
0x366: {  	[sflag:s0] =	ssyncadd.s32 $0xFFFFEC00  }
0x367: {  	[hbm4b:s22+s1] =	stream.linear.scatter [tilespmem:s8], [sflag:$0x7], $0x1400, $0x38;
	[tilespmem:$0x18F80] =	vst v63  }
0x368: {  	_ =	swait.ge [sflag:s0], $0x1400  }
0x369: {  	s16 =	sld [smem:$0x7EE]  }
0x36a: {  	[sflag:s0] =	ssyncset.done $0x0  }
0x36b: {  	[sflag:s0] =	ssyncadd.s32 $0xFFFFEC00  }
0x36c: {  	[tilespmem:s1], [sflag:$0x7] =	stream.linear.gather [spmem:s16], $0x1400, $0x38;
	[tilespmem:$0x18F80] =	vst v63  }
0x36d: {  	_ =	swait.ge [sflag:s0], $0x1400  }
0x36e: {  	s22 =	sld [smem:$0x7EF]  }
0x36f: {  	[sflag:s0] =	ssyncset.done $0x0  }
0x370: {  	[sflag:s0] =	ssyncadd.s32 $0xFFFFEC00  }
0x371: {  	[tilespmem:s8], [sflag:$0x7] =	stream.linear.gather [spmem:s22], $0x1400, $0x38;
	[tilespmem:$0x18F80] =	vst v63  }
0x372: {  	_ =	swait.ge [sflag:s0], $0x1400  }
0x373: {  	s16 =	sld [smem:$0x7DA]  }
0x374: {  	[sflag:s0] =	ssyncset.done $0x0  }
0x375: {  	[sflag:s0] =	ssyncadd.s32 $0xFFFFEC00  }
0x376: {  	[hbm4b:s16+s1] =	stream.linear.scatter [tilespmem:s1], [sflag:$0x7], $0x1400, $0x38;
	[tilespmem:$0x18F80] =	vst v63  }
0x377: {  	_ =	swait.ge [sflag:s0], $0x1400  }
0x378: {  	s22 =	sld [smem:$0x7DB]  }
0x379: {  	[sflag:s0] =	ssyncset.done $0x0  }
0x37a: {  	[sflag:s0] =	ssyncadd.s32 $0xFFFFEC00  }
0x37b: {  	[hbm4b:s22+s1] =	stream.linear.scatter [tilespmem:s8], [sflag:$0x7], $0x1400, $0x38;
	[tilespmem:$0x18F80] =	vst v63  }
0x37c: {  	_ =	swait.ge [sflag:s0], $0x1400  }
0x37d: {  	s16 =	sld [smem:$0x7F0]  }
0x37e: {  	[sflag:s0] =	ssyncset.done $0x0  }
0x37f: {  	[sflag:s0] =	ssyncadd.s32 $0xFFFFEC00  }
0x380: {  	[tilespmem:s1], [sflag:$0x7] =	stream.linear.gather [spmem:s16], $0x1000, $0x38;
	[tilespmem:$0x18F80] =	vst v63  }
0x381: {  	_ =	swait.ge [sflag:s0], $0x1000  }
0x382: {  	s22 =	sld [smem:$0x7F1]  }
0x383: {  	[sflag:s0] =	ssyncset.done $0x0  }
0x384: {  	[sflag:s0] =	ssyncadd.s32 $0xFFFFF000  }
0x385: {  	[tilespmem:s8], [sflag:$0x7] =	stream.linear.gather [spmem:s22], $0x1000, $0x38;
	[tilespmem:$0x18F80] =	vst v63  }
0x386: {  	_ =	swait.ge [sflag:s0], $0x1000  }
0x387: {  	s16 =	sld [smem:$0x7DC]  }
0x388: {  	[sflag:s0] =	ssyncset.done $0x0  }
0x389: {  	[sflag:s0] =	ssyncadd.s32 $0xFFFFF000  }
0x38a: {  	[hbm4b:s16+s1] =	stream.linear.scatter [tilespmem:s1], [sflag:$0x7], $0x1000, $0x38;
	[tilespmem:$0x18F80] =	vst v63  }
0x38b: {  	_ =	swait.ge [sflag:s0], $0x1000  }
0x38c: {  	s22 =	sld [smem:$0x7DD]  }
0x38d: {  	[sflag:s0] =	ssyncset.done $0x0  }
0x38e: {  	[sflag:s0] =	ssyncadd.s32 $0xFFFFF000  }
0x38f: {  	[hbm4b:s22+s1] =	stream.linear.scatter [tilespmem:s8], [sflag:$0x7], $0x1000, $0x38;
	[tilespmem:$0x18F80] =	vst v63  }
0x390: {  	_ =	swait.ge [sflag:s0], $0x1000  }
0x391: {  	s16 =	sld [smem:$0x7F8]  }
0x392: {  	[sflag:s0] =	ssyncset.done $0x0  }
0x393: {  	s12 =	simm.s32 @!p0 $0x0;
	[sflag:s0] =	ssyncadd.s32 $0xFFFFF000  }
0x394: {  	[tilespmem:s12], [sflag:$0x7] =	stream.linear.gather @!p0 [spmem:s16], $0x800, $0x38;
	[tilespmem:$0x18F80] =	vst v63  }
0x395: {  	s16 =	simm.s32 @!p0 $0x7  }
0x396: {  	_ =	swait.ge @!p0 [sflag:s16], $0x800  }
0x397: {  	s22 =	sld [smem:$0x7DE]  }
0x398: {  	[sflag:s16] =	ssyncset.done @!p0 $0x0  }
0x399: {  	[sflag:s16] =	ssyncadd.s32 @!p0 $0xFFFFF800  }
0x39a: {  	[hbm4b:s22+s12] =	stream.linear.scatter @!p0 [tilespmem:s12], [sflag:$0x7], $0x800, $0x38;
	[tilespmem:$0x18F80] =	vst v63  }
0x39b: {  	_ =	swait.ge @!p0 [sflag:s16], $0x800  }
0x39c: {  	s12 =	sld [smem:$0x7D6];
	_ =	sdelay $0x2  }
0x39d: {  	s22 =	sadd.s32 $0x1, s12;
	s12 =	sld [smem:$0x7F7];
	_ =	sdelay $0x2  }
0x39e: {  	p1 =	sne.s32 s22, s12  }
.Ltmp8:
0x39f: {  	_ = 	snop;
	(pc) =	sbr.rel @p1 .LBB2_1-.Ltmp8, $3  }
0x3a0: {  	_ =	sdelay $0x1  }
0x3a1: {  	[sflag:s16] =	ssyncset.done @!p0 $0x0  }
0x3a2: {  	[sflag:s16] =	ssyncadd.s32 @!p0 $0xFFFFF800  }
0x3a3: {  	_ =	sfence.sel $0x180000  }
0x3a4: {  	[bflag:$0x0] =	sbarrier.arrive $0xFFFF  }
0x3a5: {  	_ =	strace $0x90000047  }
0x3a6: {  	s0 =	stileid.u32;
	[bflag:$0x2] =	sbarrier.arrive $0xFFFF  }
0x3a7: {  	p0 =	sne.s32 s0, $0x0;
	s0 =	rddreg [dreg:$0x5]  }
0x3a8: {  	s0 =	sadd.s32 @!p0 $0x100000, s0  }
0x3a9: {  	[sflag:s0] =	ssyncadd.tile.s32 @!p0 $0x1;
	_ =	shalt  }
.Lfunc_end2:
_tile_overlayer_lowered:
.L_overlay_start_2:
0x3aa: {  	(tag) =	ssettag $0x2  }
0x3ab: {  	s0 =	rddreg [dreg:$0x0];
	s2 =	stileid.u32  }
0x3ac: {  	s1 =	rddreg [dreg:$0x1];
	p0 =	sne.s32 s2, $0x0  }
0x3ad: {  	s3 =	rddreg [dreg:$0x2];
	[bflag:$0x3] =	sbarrier.arrive $0xFFFF;
	s2 =	simm.s32 @!p0 $0x1C07  }
0x3ae: {  	[timem:s3], [sflag:s2] =	dma.local @!p0 [hbm:s0], s1  }
0x3af: {  	s0 =	simm.s32 @!p0 $0x7  }
0x3b0: {  	_ =	swait.ge @!p0 [sflag:s0], s1  }
0x3b1: {  	s1 =	ssub.s32 @!p0 $0x0, s1;
	[sflag:s0] =	ssyncset.done @!p0 $0x0  }
0x3b2: {  	[sflag:s0] =	ssyncadd.s32 @!p0 s1  }
0x3b3: {  	[bflag:$0x3] =	sbarrier.arrive $0xFFFF  }
0x3b4: {  	_ =	shalt  }

</sc_bundles>
